<compile_context>
chip_gen: v7x
topology: tpu7x:2x2x1
jax: 0.10.2.dev20260603
libtpu: 0.0.44.dev20260713+nightly
codegen_flags: <defaults>
</compile_context>

<pallas_src>
import jax
import jax.numpy as jnp
from jax import lax
from jax.experimental import pallas as pl
from jax.experimental.pallas import tpu as pltpu
from jax.experimental.pallas import tpu_sc as plsc

_TAU = 0.6
_EPS = 1e-06

_NC = 2
_NS = 16
_NW = _NC * _NS
_NBINS = 32
_C = 19


def _dense_body(logits_ref, yhat_ref, conf_ref, idxm_ref):
    C, ROWS, W = logits_ref.shape[1], logits_ref.shape[2], logits_ref.shape[3]
    m = logits_ref[0, 0]
    yv = jnp.zeros((ROWS, W), jnp.int32)
    for c in range(1, C):
        xc = logits_ref[0, c]
        gt = xc > m
        m = jnp.where(gt, xc, m)
        yv = jnp.where(gt, c, yv)
    s = jnp.exp(logits_ref[0, 0] - m)
    for c in range(1, C):
        s = s + jnp.exp(logits_ref[0, c] - m)
    conf = 1.0 / s
    yhat_ref[0] = yv
    conf_ref[0] = conf
    im = jnp.where(conf > _TAU, yv, C)
    q = ROWS // 4
    idxm_ref[0] = (
        im[0:q]
        | (im[q : 2 * q] << 8)
        | (im[2 * q : 3 * q] << 16)
        | (im[3 * q : 4 * q] << 24)
    )


def _sc_hist_body(idxm_hbm, out_hbm, chunk_a, chunk_b, lane_hist_v, hist_v, sem_a, sem_b):
    core = lax.axis_index("c")
    sub = lax.axis_index("s")
    wid = sub * _NC + core
    EWORDS = idxm_hbm.shape[0]
    EW = EWORDS // _NW
    CH = 2048
    z16 = jnp.zeros((16,), jnp.float32)
    for r in range(16):
        lane_hist_v[r, pl.ds(0, 16)] = z16
        lane_hist_v[r, pl.ds(16, 16)] = z16
    ones16 = jnp.ones((16,), jnp.float32)
    lanes16 = lax.iota(jnp.int32, 16)

    base = wid * EW
    NCK = EW // CH
    bufs = [chunk_a, chunk_b]
    sems = [sem_a, sem_b]
    handles = [None, None]
    handles[0] = pltpu.async_copy(idxm_hbm.at[pl.ds(base, CH)], chunk_a, sem_a)
    for ck in range(NCK):
        cur = bufs[ck % 2]
        if ck + 1 < NCK:
            handles[(ck + 1) % 2] = pltpu.async_copy(
                idxm_hbm.at[pl.ds(base + (ck + 1) * CH, CH)],
                bufs[(ck + 1) % 2],
                sems[(ck + 1) % 2],
            )
        handles[ck % 2].wait()

        def inner(j, carry):
            pairs = []
            for p in range(4):
                w0 = cur[pl.ds(j * 128 + p * 32, 16)]
                w1 = cur[pl.ds(j * 128 + p * 32 + 16, 16)]
                d0 = (w0 - 0x13131313) & (~w0) & jnp.int32(-2139062144)
                d1 = (w1 - 0x13131313) & (~w1) & jnp.int32(-2139062144)
                nz = jnp.sum(jnp.where((d0 | d1) != 0, 1, 0).astype(jnp.int32))
                pairs.append((nz, w0, w1))

            for nz, w0, w1 in pairs:

                @pl.when(nz > 0)
                def _count(w0=w0, w1=w1):
                    for w in (w0, w1):
                        for k in range(4):
                            idx = lax.shift_right_logical(w, 8 * k) & 0xFF
                            plsc.addupdate_scatter(
                                lane_hist_v, [lanes16, idx], ones16, mask=idx < _C
                            )

            return carry

        lax.fori_loop(0, CH // 128, inner, 0)

    lo = lane_hist_v[0, pl.ds(0, 16)]
    hi = lane_hist_v[0, pl.ds(16, 16)]
    for r in range(1, 16):
        lo = lo + lane_hist_v[r, pl.ds(0, 16)]
        hi = hi + lane_hist_v[r, pl.ds(16, 16)]
    hist_v[pl.ds(0, 16)] = lo
    hist_v[pl.ds(16, 16)] = hi
    pltpu.sync_copy(hist_v, out_hbm.at[wid])


def _final_body(sigma_ref, conf_ref, yhat_ref, delta_ref, tc_ref):
    i = pl.program_id(0)
    C = tc_ref.shape[1]
    ROWS, W = conf_ref.shape[1], conf_ref.shape[2]
    sigma = jnp.sum(sigma_ref[...], axis=0, keepdims=True)
    sig19 = sigma[:, :C]
    mx = jnp.maximum(jnp.max(sig19), _EPS)
    sh = sig19 / mx
    tc = sh / (2.0 - jnp.minimum(sh, 1.0)) * _TAU

    @pl.when(i == 0)
    def _write_tc():
        tc_ref[...] = tc

    yv = yhat_ref[0]
    conf = conf_ref[0]
    tmap = jnp.broadcast_to(tc[0:1, 0:1], (ROWS, W))
    for c in range(1, C):
        tmap = jnp.where(yv == c, jnp.broadcast_to(tc[0:1, c : c + 1], (ROWS, W)), tmap)
    delta_ref[0] = conf > tmap


def kernel(logits):
    B, C, H, W = logits.shape
    ROWS = 256
    NB = H // ROWS
    N = B * NB

    yhat, conf, idxm = pl.pallas_call(
        _dense_body,
        grid=(N,),
        in_specs=[pl.BlockSpec((1, C, ROWS, W), lambda i: (i // NB, 0, i % NB, 0))],
        out_specs=[
            pl.BlockSpec((1, ROWS, W), lambda i: (i // NB, i % NB, 0)),
            pl.BlockSpec((1, ROWS, W), lambda i: (i // NB, i % NB, 0)),
            pl.BlockSpec((1, ROWS // 4, W), lambda i: (i // NB, i % NB, 0)),
        ],
        out_shape=[
            jax.ShapeDtypeStruct((B, H, W), jnp.int32),
            jax.ShapeDtypeStruct((B, H, W), jnp.float32),
            jax.ShapeDtypeStruct((B, H // 4, W), jnp.int32),
        ],
    )(logits)

    mesh = plsc.VectorSubcoreMesh(core_axis_name="c", subcore_axis_name="s")
    sigma = pl.kernel(
        _sc_hist_body,
        out_type=jax.ShapeDtypeStruct((_NW, _NBINS), jnp.float32),
        mesh=mesh,
        compiler_params=pltpu.CompilerParams(needs_layout_passes=False),
        scratch_types=[
            pltpu.VMEM((2048,), jnp.int32),
            pltpu.VMEM((2048,), jnp.int32),
            pltpu.VMEM((_NS, _NBINS), jnp.float32),
            pltpu.VMEM((_NBINS,), jnp.float32),
            pltpu.SemaphoreType.DMA,
            pltpu.SemaphoreType.DMA,
        ],
    )(idxm.reshape(-1))

    delta, tc = pl.pallas_call(
        _final_body,
        grid=(N,),
        in_specs=[
            pl.BlockSpec((_NW, _NBINS), lambda i: (0, 0)),
            pl.BlockSpec((1, ROWS, W), lambda i: (i // NB, i % NB, 0)),
            pl.BlockSpec((1, ROWS, W), lambda i: (i // NB, i % NB, 0)),
        ],
        out_specs=[
            pl.BlockSpec((1, ROWS, W), lambda i: (i // NB, i % NB, 0)),
            pl.BlockSpec((1, C), lambda i: (0, 0)),
        ],
        out_shape=[
            jax.ShapeDtypeStruct((B, H, W), jnp.bool_),
            jax.ShapeDtypeStruct((1, C), jnp.float32),
        ],
    )(sigma, conf, yhat)
    return (delta, tc.reshape(C), yhat)

# --- scband reference (transcript-rebuilt; emitter-appended) ---
"""Pipeline reference for scband-curriculum-dynamic-thresholding-nd-68264210202892 (READ-ONLY COPY).

The authoritative reference and input builder live on the scoring server;
editing this copy changes nothing except your own understanding.
"""

import jax, jax.numpy as jnp
import numpy as np

TAU = 0.6
EPS = 1e-06
IGNORE_INDEX = 255


def setup_inputs(seed: int = 0) -> dict:
    key = jax.random.key(seed)
    logits = jax.random.normal(key, (8, 19, 512, 512), dtype=jnp.float32)
    return {"logits": logits}


def reference(logits):
    C = logits.shape[1]
    probs = jax.nn.softmax(logits, axis=1)
    # _class_status (torch.no_grad in original -> plain value computation here)
    conf = jnp.max(probs, axis=1)            # [B, H, W]
    y_hat = jnp.argmax(probs, axis=1)        # [B, H, W] int
    high = conf > TAU
    # torch: bincount over y_hat[high]; emulate masking by routing low-conf
    # pixels to an overflow bin C, then dropping it.
    idx = jnp.where(high, y_hat, C).reshape(-1)
    sigma = jnp.bincount(idx, length=C + 1)[:C].astype(jnp.float32)
    sigma_hat = sigma / jnp.maximum(jnp.max(sigma), EPS)
    T_c = sigma_hat / (2.0 - jnp.minimum(sigma_hat, 1.0)) * TAU   # [C]
    T_map = T_c[y_hat]                        # gather per-pixel threshold
    delta = conf > T_map                      # [B, H, W] bool
    return (delta, T_c, y_hat)

if __name__ == "__main__":
    import jax
    _d = setup_inputs()
    print(jax.jit(kernel)(*tuple(_d.values())))

</pallas_src>

<mosaic_0001>
#map = affine_map<(d0, d1) -> (0)>
#map1 = affine_map<(d0, d1) -> (0, 0)>
module attributes {stable_mosaic.version = 14 : i64} {
  func.func @_sc_hist_body(%arg0: i32, %arg1: i32, %arg2: memref<524288xi32, #tpu.memory_space<hbm>>, %arg3: memref<32x32xf32, #tpu.memory_space<hbm>>, %arg4: memref<2048xi32, #tpu.memory_space<vmem>>, %arg5: memref<2048xi32, #tpu.memory_space<vmem>>, %arg6: memref<16x32xf32, #tpu.memory_space<vmem>>, %arg7: memref<32xf32, #tpu.memory_space<vmem>>, %arg8: memref<!tpu.dma_semaphore, #tpu.memory_space<semaphore_mem>>, %arg9: memref<!tpu.dma_semaphore, #tpu.memory_space<semaphore_mem>>) attributes {dimension_semantics = [#tpu.dimension_semantics<core_parallel>, #tpu.dimension_semantics<subcore_parallel>], iteration_bounds = array<i64: 2, 16>, scalar_prefetch = 0 : i64, scratch_operands = 6 : i64, tpu.core_type = #tpu.core_type<sc_vector_subcore>, window_params = [{transform_indices = #map}, {transform_indices = #map1}]} {
    %mul3A = arith.constant 2 : i32
    %mul3A_0 = arith.muli %arg1, %mul3A : i32
    %add3A = arith.addi %mul3A_0, %arg0 : i32
    %broadcast_in_dim3A = arith.constant 0.000000e+00 : f32
    %broadcast_in_dim3A_1 = vector.broadcast %broadcast_in_dim3A : f32 to vector<16xf32>
    %swap3A = arith.constant 0 : i32
    %swap3A_2 = arith.index_cast %swap3A : i32 to index
    %swap3A_3 = arith.constant 0 : index
    %swap3A_4 = tpu.vector_load %arg6[%swap3A_2, %swap3A_3] {strides = array<i32>} : memref<16x32xf32, #tpu.memory_space<vmem>>, vector<16xf32>,
    tpu.vector_store %arg6[%swap3A_2, %swap3A_3], %broadcast_in_dim3A_1 {strides = array<i32>} : memref<16x32xf32, #tpu.memory_space<vmem>>, vector<16xf32>,
    %swap3A_5 = arith.constant 0 : i32
    %swap3A_6 = arith.index_cast %swap3A_5 : i32 to index
    %swap3A_7 = arith.constant 16 : index
    %swap3A_8 = tpu.vector_load %arg6[%swap3A_6, %swap3A_7] {strides = array<i32>} : memref<16x32xf32, #tpu.memory_space<vmem>>, vector<16xf32>,
    tpu.vector_store %arg6[%swap3A_6, %swap3A_7], %broadcast_in_dim3A_1 {strides = array<i32>} : memref<16x32xf32, #tpu.memory_space<vmem>>, vector<16xf32>,
    %swap3A_9 = arith.constant 1 : i32
    %swap3A_10 = arith.index_cast %swap3A_9 : i32 to index
    %swap3A_11 = arith.constant 0 : index
    %swap3A_12 = tpu.vector_load %arg6[%swap3A_10, %swap3A_11] {strides = array<i32>} : memref<16x32xf32, #tpu.memory_space<vmem>>, vector<16xf32>,
    tpu.vector_store %arg6[%swap3A_10, %swap3A_11], %broadcast_in_dim3A_1 {strides = array<i32>} : memref<16x32xf32, #tpu.memory_space<vmem>>, vector<16xf32>,
    %swap3A_13 = arith.constant 1 : i32
    %swap3A_14 = arith.index_cast %swap3A_13 : i32 to index
    %swap3A_15 = arith.constant 16 : index
    %swap3A_16 = tpu.vector_load %arg6[%swap3A_14, %swap3A_15] {strides = array<i32>} : memref<16x32xf32, #tpu.memory_space<vmem>>, vector<16xf32>,
    tpu.vector_store %arg6[%swap3A_14, %swap3A_15], %broadcast_in_dim3A_1 {strides = array<i32>} : memref<16x32xf32, #tpu.memory_space<vmem>>, vector<16xf32>,
    %swap3A_17 = arith.constant 2 : i32
    %swap3A_18 = arith.index_cast %swap3A_17 : i32 to index
    %swap3A_19 = arith.constant 0 : index
    %swap3A_20 = tpu.vector_load %arg6[%swap3A_18, %swap3A_19] {strides = array<i32>} : memref<16x32xf32, #tpu.memory_space<vmem>>, vector<16xf32>,
    tpu.vector_store %arg6[%swap3A_18, %swap3A_19], %broadcast_in_dim3A_1 {strides = array<i32>} : memref<16x32xf32, #tpu.memory_space<vmem>>, vector<16xf32>,
    %swap3A_21 = arith.constant 2 : i32
    %swap3A_22 = arith.index_cast %swap3A_21 : i32 to index
    %swap3A_23 = arith.constant 16 : index
    %swap3A_24 = tpu.vector_load %arg6[%swap3A_22, %swap3A_23] {strides = array<i32>} : memref<16x32xf32, #tpu.memory_space<vmem>>, vector<16xf32>,
    tpu.vector_store %arg6[%swap3A_22, %swap3A_23], %broadcast_in_dim3A_1 {strides = array<i32>} : memref<16x32xf32, #tpu.memory_space<vmem>>, vector<16xf32>,
    %swap3A_25 = arith.constant 3 : i32
    %swap3A_26 = arith.index_cast %swap3A_25 : i32 to index
    %swap3A_27 = arith.constant 0 : index
    %swap3A_28 = tpu.vector_load %arg6[%swap3A_26, %swap3A_27] {strides = array<i32>} : memref<16x32xf32, #tpu.memory_space<vmem>>, vector<16xf32>,
    tpu.vector_store %arg6[%swap3A_26, %swap3A_27], %broadcast_in_dim3A_1 {strides = array<i32>} : memref<16x32xf32, #tpu.memory_space<vmem>>, vector<16xf32>,
    %swap3A_29 = arith.constant 3 : i32
    %swap3A_30 = arith.index_cast %swap3A_29 : i32 to index
    %swap3A_31 = arith.constant 16 : index
    %swap3A_32 = tpu.vector_load %arg6[%swap3A_30, %swap3A_31] {strides = array<i32>} : memref<16x32xf32, #tpu.memory_space<vmem>>, vector<16xf32>,
    tpu.vector_store %arg6[%swap3A_30, %swap3A_31], %broadcast_in_dim3A_1 {strides = array<i32>} : memref<16x32xf32, #tpu.memory_space<vmem>>, vector<16xf32>,
    %swap3A_33 = arith.constant 4 : i32
    %swap3A_34 = arith.index_cast %swap3A_33 : i32 to index
    %swap3A_35 = arith.constant 0 : index
    %swap3A_36 = tpu.vector_load %arg6[%swap3A_34, %swap3A_35] {strides = array<i32>} : memref<16x32xf32, #tpu.memory_space<vmem>>, vector<16xf32>,
    tpu.vector_store %arg6[%swap3A_34, %swap3A_35], %broadcast_in_dim3A_1 {strides = array<i32>} : memref<16x32xf32, #tpu.memory_space<vmem>>, vector<16xf32>,
    %swap3A_37 = arith.constant 4 : i32
    %swap3A_38 = arith.index_cast %swap3A_37 : i32 to index
    %swap3A_39 = arith.constant 16 : index
    %swap3A_40 = tpu.vector_load %arg6[%swap3A_38, %swap3A_39] {strides = array<i32>} : memref<16x32xf32, #tpu.memory_space<vmem>>, vector<16xf32>,
    tpu.vector_store %arg6[%swap3A_38, %swap3A_39], %broadcast_in_dim3A_1 {strides = array<i32>} : memref<16x32xf32, #tpu.memory_space<vmem>>, vector<16xf32>,
    %swap3A_41 = arith.constant 5 : i32
    %swap3A_42 = arith.index_cast %swap3A_41 : i32 to index
    %swap3A_43 = arith.constant 0 : index
    %swap3A_44 = tpu.vector_load %arg6[%swap3A_42, %swap3A_43] {strides = array<i32>} : memref<16x32xf32, #tpu.memory_space<vmem>>, vector<16xf32>,
    tpu.vector_store %arg6[%swap3A_42, %swap3A_43], %broadcast_in_dim3A_1 {strides = array<i32>} : memref<16x32xf32, #tpu.memory_space<vmem>>, vector<16xf32>,
    %swap3A_45 = arith.constant 5 : i32
    %swap3A_46 = arith.index_cast %swap3A_45 : i32 to index
    %swap3A_47 = arith.constant 16 : index
    %swap3A_48 = tpu.vector_load %arg6[%swap3A_46, %swap3A_47] {strides = array<i32>} : memref<16x32xf32, #tpu.memory_space<vmem>>, vector<16xf32>,
    tpu.vector_store %arg6[%swap3A_46, %swap3A_47], %broadcast_in_dim3A_1 {strides = array<i32>} : memref<16x32xf32, #tpu.memory_space<vmem>>, vector<16xf32>,
    %swap3A_49 = arith.constant 6 : i32
    %swap3A_50 = arith.index_cast %swap3A_49 : i32 to index
    %swap3A_51 = arith.constant 0 : index
    %swap3A_52 = tpu.vector_load %arg6[%swap3A_50, %swap3A_51] {strides = array<i32>} : memref<16x32xf32, #tpu.memory_space<vmem>>, vector<16xf32>,
    tpu.vector_store %arg6[%swap3A_50, %swap3A_51], %broadcast_in_dim3A_1 {strides = array<i32>} : memref<16x32xf32, #tpu.memory_space<vmem>>, vector<16xf32>,
    %swap3A_53 = arith.constant 6 : i32
    %swap3A_54 = arith.index_cast %swap3A_53 : i32 to index
    %swap3A_55 = arith.constant 16 : index
    %swap3A_56 = tpu.vector_load %arg6[%swap3A_54, %swap3A_55] {strides = array<i32>} : memref<16x32xf32, #tpu.memory_space<vmem>>, vector<16xf32>,
    tpu.vector_store %arg6[%swap3A_54, %swap3A_55], %broadcast_in_dim3A_1 {strides = array<i32>} : memref<16x32xf32, #tpu.memory_space<vmem>>, vector<16xf32>,
    %swap3A_57 = arith.constant 7 : i32
    %swap3A_58 = arith.index_cast %swap3A_57 : i32 to index
    %swap3A_59 = arith.constant 0 : index
    %swap3A_60 = tpu.vector_load %arg6[%swap3A_58, %swap3A_59] {strides = array<i32>} : memref<16x32xf32, #tpu.memory_space<vmem>>, vector<16xf32>,
    tpu.vector_store %arg6[%swap3A_58, %swap3A_59], %broadcast_in_dim3A_1 {strides = array<i32>} : memref<16x32xf32, #tpu.memory_space<vmem>>, vector<16xf32>,
    %swap3A_61 = arith.constant 7 : i32
    %swap3A_62 = arith.index_cast %swap3A_61 : i32 to index
    %swap3A_63 = arith.constant 16 : index
    %swap3A_64 = tpu.vector_load %arg6[%swap3A_62, %swap3A_63] {strides = array<i32>} : memref<16x32xf32, #tpu.memory_space<vmem>>, vector<16xf32>,
    tpu.vector_store %arg6[%swap3A_62, %swap3A_63], %broadcast_in_dim3A_1 {strides = array<i32>} : memref<16x32xf32, #tpu.memory_space<vmem>>, vector<16xf32>,
    %swap3A_65 = arith.constant 8 : i32
    %swap3A_66 = arith.index_cast %swap3A_65 : i32 to index
    %swap3A_67 = arith.constant 0 : index
    %swap3A_68 = tpu.vector_load %arg6[%swap3A_66, %swap3A_67] {strides = array<i32>} : memref<16x32xf32, #tpu.memory_space<vmem>>, vector<16xf32>,
    tpu.vector_store %arg6[%swap3A_66, %swap3A_67], %broadcast_in_dim3A_1 {strides = array<i32>} : memref<16x32xf32, #tpu.memory_space<vmem>>, vector<16xf32>,
    %swap3A_69 = arith.constant 8 : i32
    %swap3A_70 = arith.index_cast %swap3A_69 : i32 to index
    %swap3A_71 = arith.constant 16 : index
    %swap3A_72 = tpu.vector_load %arg6[%swap3A_70, %swap3A_71] {strides = array<i32>} : memref<16x32xf32, #tpu.memory_space<vmem>>, vector<16xf32>,
    tpu.vector_store %arg6[%swap3A_70, %swap3A_71], %broadcast_in_dim3A_1 {strides = array<i32>} : memref<16x32xf32, #tpu.memory_space<vmem>>, vector<16xf32>,
    %swap3A_73 = arith.constant 9 : i32
    %swap3A_74 = arith.index_cast %swap3A_73 : i32 to index
    %swap3A_75 = arith.constant 0 : index
    %swap3A_76 = tpu.vector_load %arg6[%swap3A_74, %swap3A_75] {strides = array<i32>} : memref<16x32xf32, #tpu.memory_space<vmem>>, vector<16xf32>,
    tpu.vector_store %arg6[%swap3A_74, %swap3A_75], %broadcast_in_dim3A_1 {strides = array<i32>} : memref<16x32xf32, #tpu.memory_space<vmem>>, vector<16xf32>,
    %swap3A_77 = arith.constant 9 : i32
    %swap3A_78 = arith.index_cast %swap3A_77 : i32 to index
    %swap3A_79 = arith.constant 16 : index
    %swap3A_80 = tpu.vector_load %arg6[%swap3A_78, %swap3A_79] {strides = array<i32>} : memref<16x32xf32, #tpu.memory_space<vmem>>, vector<16xf32>,
    tpu.vector_store %arg6[%swap3A_78, %swap3A_79], %broadcast_in_dim3A_1 {strides = array<i32>} : memref<16x32xf32, #tpu.memory_space<vmem>>, vector<16xf32>,
    %swap3A_81 = arith.constant 10 : i32
    %swap3A_82 = arith.index_cast %swap3A_81 : i32 to index
    %swap3A_83 = arith.constant 0 : index
    %swap3A_84 = tpu.vector_load %arg6[%swap3A_82, %swap3A_83] {strides = array<i32>} : memref<16x32xf32, #tpu.memory_space<vmem>>, vector<16xf32>,
    tpu.vector_store %arg6[%swap3A_82, %swap3A_83], %broadcast_in_dim3A_1 {strides = array<i32>} : memref<16x32xf32, #tpu.memory_space<vmem>>, vector<16xf32>,
    %swap3A_85 = arith.constant 10 : i32
    %swap3A_86 = arith.index_cast %swap3A_85 : i32 to index
    %swap3A_87 = arith.constant 16 : index
    %swap3A_88 = tpu.vector_load %arg6[%swap3A_86, %swap3A_87] {strides = array<i32>} : memref<16x32xf32, #tpu.memory_space<vmem>>, vector<16xf32>,
    tpu.vector_store %arg6[%swap3A_86, %swap3A_87], %broadcast_in_dim3A_1 {strides = array<i32>} : memref<16x32xf32, #tpu.memory_space<vmem>>, vector<16xf32>,
    %swap3A_89 = arith.constant 11 : i32
    %swap3A_90 = arith.index_cast %swap3A_89 : i32 to index
    %swap3A_91 = arith.constant 0 : index
    %swap3A_92 = tpu.vector_load %arg6[%swap3A_90, %swap3A_91] {strides = array<i32>} : memref<16x32xf32, #tpu.memory_space<vmem>>, vector<16xf32>,
    tpu.vector_store %arg6[%swap3A_90, %swap3A_91], %broadcast_in_dim3A_1 {strides = array<i32>} : memref<16x32xf32, #tpu.memory_space<vmem>>, vector<16xf32>,
    %swap3A_93 = arith.constant 11 : i32
    %swap3A_94 = arith.index_cast %swap3A_93 : i32 to index
    %swap3A_95 = arith.constant 16 : index
    %swap3A_96 = tpu.vector_load %arg6[%swap3A_94, %swap3A_95] {strides = array<i32>} : memref<16x32xf32, #tpu.memory_space<vmem>>, vector<16xf32>,
    tpu.vector_store %arg6[%swap3A_94, %swap3A_95], %broadcast_in_dim3A_1 {strides = array<i32>} : memref<16x32xf32, #tpu.memory_space<vmem>>, vector<16xf32>,
    %swap3A_97 = arith.constant 12 : i32
    %swap3A_98 = arith.index_cast %swap3A_97 : i32 to index
    %swap3A_99 = arith.constant 0 : index
    %swap3A_100 = tpu.vector_load %arg6[%swap3A_98, %swap3A_99] {strides = array<i32>} : memref<16x32xf32, #tpu.memory_space<vmem>>, vector<16xf32>,
    tpu.vector_store %arg6[%swap3A_98, %swap3A_99], %broadcast_in_dim3A_1 {strides = array<i32>} : memref<16x32xf32, #tpu.memory_space<vmem>>, vector<16xf32>,
    %swap3A_101 = arith.constant 12 : i32
    %swap3A_102 = arith.index_cast %swap3A_101 : i32 to index
    %swap3A_103 = arith.constant 16 : index
    %swap3A_104 = tpu.vector_load %arg6[%swap3A_102, %swap3A_103] {strides = array<i32>} : memref<16x32xf32, #tpu.memory_space<vmem>>, vector<16xf32>,
    tpu.vector_store %arg6[%swap3A_102, %swap3A_103], %broadcast_in_dim3A_1 {strides = array<i32>} : memref<16x32xf32, #tpu.memory_space<vmem>>, vector<16xf32>,
    %swap3A_105 = arith.constant 13 : i32
    %swap3A_106 = arith.index_cast %swap3A_105 : i32 to index
    %swap3A_107 = arith.constant 0 : index
    %swap3A_108 = tpu.vector_load %arg6[%swap3A_106, %swap3A_107] {strides = array<i32>} : memref<16x32xf32, #tpu.memory_space<vmem>>, vector<16xf32>,
    tpu.vector_store %arg6[%swap3A_106, %swap3A_107], %broadcast_in_dim3A_1 {strides = array<i32>} : memref<16x32xf32, #tpu.memory_space<vmem>>, vector<16xf32>,
    %swap3A_109 = arith.constant 13 : i32
    %swap3A_110 = arith.index_cast %swap3A_109 : i32 to index
    %swap3A_111 = arith.constant 16 : index
    %swap3A_112 = tpu.vector_load %arg6[%swap3A_110, %swap3A_111] {strides = array<i32>} : memref<16x32xf32, #tpu.memory_space<vmem>>, vector<16xf32>,
    tpu.vector_store %arg6[%swap3A_110, %swap3A_111], %broadcast_in_dim3A_1 {strides = array<i32>} : memref<16x32xf32, #tpu.memory_space<vmem>>, vector<16xf32>,
    %swap3A_113 = arith.constant 14 : i32
    %swap3A_114 = arith.index_cast %swap3A_113 : i32 to index
    %swap3A_115 = arith.constant 0 : index
    %swap3A_116 = tpu.vector_load %arg6[%swap3A_114, %swap3A_115] {strides = array<i32>} : memref<16x32xf32, #tpu.memory_space<vmem>>, vector<16xf32>,
    tpu.vector_store %arg6[%swap3A_114, %swap3A_115], %broadcast_in_dim3A_1 {strides = array<i32>} : memref<16x32xf32, #tpu.memory_space<vmem>>, vector<16xf32>,
    %swap3A_117 = arith.constant 14 : i32
    %swap3A_118 = arith.index_cast %swap3A_117 : i32 to index
    %swap3A_119 = arith.constant 16 : index
    %swap3A_120 = tpu.vector_load %arg6[%swap3A_118, %swap3A_119] {strides = array<i32>} : memref<16x32xf32, #tpu.memory_space<vmem>>, vector<16xf32>,
    tpu.vector_store %arg6[%swap3A_118, %swap3A_119], %broadcast_in_dim3A_1 {strides = array<i32>} : memref<16x32xf32, #tpu.memory_space<vmem>>, vector<16xf32>,
    %swap3A_121 = arith.constant 15 : i32
    %swap3A_122 = arith.index_cast %swap3A_121 : i32 to index
    %swap3A_123 = arith.constant 0 : index
    %swap3A_124 = tpu.vector_load %arg6[%swap3A_122, %swap3A_123] {strides = array<i32>} : memref<16x32xf32, #tpu.memory_space<vmem>>, vector<16xf32>,
    tpu.vector_store %arg6[%swap3A_122, %swap3A_123], %broadcast_in_dim3A_1 {strides = array<i32>} : memref<16x32xf32, #tpu.memory_space<vmem>>, vector<16xf32>,
    %swap3A_125 = arith.constant 15 : i32
    %swap3A_126 = arith.index_cast %swap3A_125 : i32 to index
    %swap3A_127 = arith.constant 16 : index
    %swap3A_128 = tpu.vector_load %arg6[%swap3A_126, %swap3A_127] {strides = array<i32>} : memref<16x32xf32, #tpu.memory_space<vmem>>, vector<16xf32>,
    tpu.vector_store %arg6[%swap3A_126, %swap3A_127], %broadcast_in_dim3A_1 {strides = array<i32>} : memref<16x32xf32, #tpu.memory_space<vmem>>, vector<16xf32>,
    %broadcast_in_dim3A_129 = arith.constant 1.000000e+00 : f32
    %broadcast_in_dim3A_130 = vector.broadcast %broadcast_in_dim3A_129 : f32 to vector<16xf32>
    %iota3A = tpu.iota {dimensions = array<i32: 0>} : vector<16xi32>
    %mul3A_131 = arith.constant 16384 : i32
    %mul3A_132 = arith.muli %add3A, %mul3A_131 : i32
    %dma_start3A = tpu.memref_slice %arg2[%mul3A_132] : memref<524288xi32, #tpu.memory_space<hbm>> -> memref<2048xi32, #tpu.memory_space<hbm>>
    %dma_start3A_133 = tpu.memref_slice %arg2[%mul3A_132] : memref<524288xi32, #tpu.memory_space<hbm>> -> memref<2048xi32, #tpu.memory_space<hbm>>
    tpu.enqueue_dma source(%dma_start3A_133 : memref<2048xi32, #tpu.memory_space<hbm>>) target(%arg4 : memref<2048xi32, #tpu.memory_space<vmem>>) target_semaphore(%arg8 : memref<!tpu.dma_semaphore, #tpu.memory_space<semaphore_mem>>)
    %add3A_134 = arith.constant 2048 : i32
    %add3A_135 = arith.addi %mul3A_132, %add3A_134 : i32
    %dma_start3A_136 = tpu.memref_slice %arg2[%add3A_135] : memref<524288xi32, #tpu.memory_space<hbm>> -> memref<2048xi32, #tpu.memory_space<hbm>>
    %dma_start3A_137 = tpu.memref_slice %arg2[%add3A_135] : memref<524288xi32, #tpu.memory_space<hbm>> -> memref<2048xi32, #tpu.memory_space<hbm>>
    tpu.enqueue_dma source(%dma_start3A_137 : memref<2048xi32, #tpu.memory_space<hbm>>) target(%arg5 : memref<2048xi32, #tpu.memory_space<vmem>>) target_semaphore(%arg9 : memref<!tpu.dma_semaphore, #tpu.memory_space<semaphore_mem>>)
    %dma_wait3A = tpu.memref_slice %arg2[%mul3A_132] : memref<524288xi32, #tpu.memory_space<hbm>> -> memref<2048xi32, #tpu.memory_space<hbm>>
    %dma_wait3A_138 = tpu.memref_slice %arg2[%mul3A_132] : memref<524288xi32, #tpu.memory_space<hbm>> -> memref<2048xi32, #tpu.memory_space<hbm>>
    tpu.wait_dma2 semaphore(%arg8 : memref<!tpu.dma_semaphore, #tpu.memory_space<semaphore_mem>>) src(%dma_wait3A_138 : memref<2048xi32, #tpu.memory_space<hbm>>) dst(%arg4 : memref<2048xi32, #tpu.memory_space<vmem>>)
    %scan3A = arith.constant 0 : i32
    %scan3A_139 = arith.constant 0 : i32
    %scan3A_140 = arith.constant 16 : i32
    %scan3A_141 = arith.addi %scan3A_139, %scan3A_140 : i32
    %scan3A_142 = arith.constant 1 : i32
    scf.for %scan3A_385 = %scan3A_139 to %scan3A_141 step %scan3A_142  : i32 {
      %mul3A_386 = arith.constant 128 : i32
      %mul3A_387 = arith.muli %scan3A_385, %mul3A_386 : i32
      %add3A_388 = arith.constant 0 : i32
      %add3A_389 = arith.addi %mul3A_387, %add3A_388 : i32
      %get3A_390 = arith.index_cast %add3A_389 : i32 to index
      %get3A_391 = tpu.vector_load %arg4[%get3A_390] {strides = array<i32>} : memref<2048xi32, #tpu.memory_space<vmem>>, vector<16xi32>,
      %mul3A_392 = arith.constant 128 : i32
      %mul3A_393 = arith.muli %scan3A_385, %mul3A_392 : i32
      %add3A_394 = arith.constant 0 : i32
      %add3A_395 = arith.addi %mul3A_393, %add3A_394 : i32
      %add3A_396 = arith.constant 16 : i32
      %add3A_397 = arith.addi %add3A_395, %add3A_396 : i32
      %get3A_398 = arith.index_cast %add3A_397 : i32 to index
      %get3A_399 = tpu.vector_load %arg4[%get3A_398] {strides = array<i32>} : memref<2048xi32, #tpu.memory_space<vmem>>, vector<16xi32>,
      %sub3A = arith.constant 320017171 : i32
      %sub3A_400 = vector.broadcast %sub3A : i32 to vector<16xi32>
      %sub3A_401 = arith.subi %get3A_391, %sub3A_400 : vector<16xi32>
      %not3A = arith.constant dense<-1> : vector<16xi32>
      %not3A_402 = arith.xori %get3A_391, %not3A : vector<16xi32>
      %and3A = arith.andi %sub3A_401, %not3A_402 : vector<16xi32>
      %and3A_403 = arith.constant -2139062144 : i32
      %and3A_404 = vector.broadcast %and3A_403 : i32 to vector<16xi32>
      %and3A_405 = arith.andi %and3A, %and3A_404 : vector<16xi32>
      %sub3A_406 = arith.constant 320017171 : i32
      %sub3A_407 = vector.broadcast %sub3A_406 : i32 to vector<16xi32>
      %sub3A_408 = arith.subi %get3A_399, %sub3A_407 : vector<16xi32>
      %not3A_409 = arith.constant dense<-1> : vector<16xi32>
      %not3A_410 = arith.xori %get3A_399, %not3A_409 : vector<16xi32>
      %and3A_411 = arith.andi %sub3A_408, %not3A_410 : vector<16xi32>
      %and3A_412 = arith.constant -2139062144 : i32
      %and3A_413 = vector.broadcast %and3A_412 : i32 to vector<16xi32>
      %and3A_414 = arith.andi %and3A_411, %and3A_413 : vector<16xi32>
      %or3A = arith.ori %and3A_405, %and3A_414 : vector<16xi32>
      %ne3A = arith.constant 0 : i32
      %ne3A_415 = vector.broadcast %ne3A : i32 to vector<16xi32>
      %ne3A_416 = arith.cmpi ne, %or3A, %ne3A_415 : vector<16xi32>
      %jit3A = arith.constant 1 : i32
      %jit3A_417 = arith.constant 0 : i32
      %broadcast_in_dim3A_418 = vector.broadcast %jit3A : i32 to vector<16xi32>
      %broadcast_in_dim3A_419 = vector.broadcast %jit3A_417 : i32 to vector<16xi32>
      %select_n3A = arith.select %ne3A_416, %broadcast_in_dim3A_418, %broadcast_in_dim3A_419 : vector<16xi1>, vector<16xi32>
      %reduce_sum3A = arith.constant true
      %reduce_sum3A_420 = vector.broadcast %reduce_sum3A : i1 to vector<16xi1>
      %reduce_sum3A_421 = tpu.scan <sum>, %select_n3A masked %reduce_sum3A_420 : vector<16xi32>, vector<16xi1> -> vector<16xi32>
      %reduce_sum3A_422 = vector.extract %reduce_sum3A_421[15] : i32 from vector<16xi32>
      %mul3A_423 = arith.constant 128 : i32
      %mul3A_424 = arith.muli %scan3A_385, %mul3A_423 : i32
      %add3A_425 = arith.constant 32 : i32
      %add3A_426 = arith.addi %mul3A_424, %add3A_425 : i32
      %get3A_427 = arith.index_cast %add3A_426 : i32 to index
      %get3A_428 = tpu.vector_load %arg4[%get3A_427] {strides = array<i32>} : memref<2048xi32, #tpu.memory_space<vmem>>, vector<16xi32>,
      %mul3A_429 = arith.constant 128 : i32
      %mul3A_430 = arith.muli %scan3A_385, %mul3A_429 : i32
      %add3A_431 = arith.constant 32 : i32
      %add3A_432 = arith.addi %mul3A_430, %add3A_431 : i32
      %add3A_433 = arith.constant 16 : i32
      %add3A_434 = arith.addi %add3A_432, %add3A_433 : i32
      %get3A_435 = arith.index_cast %add3A_434 : i32 to index
      %get3A_436 = tpu.vector_load %arg4[%get3A_435] {strides = array<i32>} : memref<2048xi32, #tpu.memory_space<vmem>>, vector<16xi32>,
      %sub3A_437 = arith.constant 320017171 : i32
      %sub3A_438 = vector.broadcast %sub3A_437 : i32 to vector<16xi32>
      %sub3A_439 = arith.subi %get3A_428, %sub3A_438 : vector<16xi32>
      %not3A_440 = arith.constant dense<-1> : vector<16xi32>
      %not3A_441 = arith.xori %get3A_428, %not3A_440 : vector<16xi32>
      %and3A_442 = arith.andi %sub3A_439, %not3A_441 : vector<16xi32>
      %and3A_443 = arith.constant -2139062144 : i32
      %and3A_444 = vector.broadcast %and3A_443 : i32 to vector<16xi32>
      %and3A_445 = arith.andi %and3A_442, %and3A_444 : vector<16xi32>
      %sub3A_446 = arith.constant 320017171 : i32
      %sub3A_447 = vector.broadcast %sub3A_446 : i32 to vector<16xi32>
      %sub3A_448 = arith.subi %get3A_436, %sub3A_447 : vector<16xi32>
      %not3A_449 = arith.constant dense<-1> : vector<16xi32>
      %not3A_450 = arith.xori %get3A_436, %not3A_449 : vector<16xi32>
      %and3A_451 = arith.andi %sub3A_448, %not3A_450 : vector<16xi32>
      %and3A_452 = arith.constant -2139062144 : i32
      %and3A_453 = vector.broadcast %and3A_452 : i32 to vector<16xi32>
      %and3A_454 = arith.andi %and3A_451, %and3A_453 : vector<16xi32>
      %or3A_455 = arith.ori %and3A_445, %and3A_454 : vector<16xi32>
      %ne3A_456 = arith.constant 0 : i32
      %ne3A_457 = vector.broadcast %ne3A_456 : i32 to vector<16xi32>
      %ne3A_458 = arith.cmpi ne, %or3A_455, %ne3A_457 : vector<16xi32>
      %jit3A_459 = arith.constant 1 : i32
      %jit3A_460 = arith.constant 0 : i32
      %broadcast_in_dim3A_461 = vector.broadcast %jit3A_459 : i32 to vector<16xi32>
      %broadcast_in_dim3A_462 = vector.broadcast %jit3A_460 : i32 to vector<16xi32>
      %select_n3A_463 = arith.select %ne3A_458, %broadcast_in_dim3A_461, %broadcast_in_dim3A_462 : vector<16xi1>, vector<16xi32>
      %reduce_sum3A_464 = arith.constant true
      %reduce_sum3A_465 = vector.broadcast %reduce_sum3A_464 : i1 to vector<16xi1>
      %reduce_sum3A_466 = tpu.scan <sum>, %select_n3A_463 masked %reduce_sum3A_465 : vector<16xi32>, vector<16xi1> -> vector<16xi32>
      %reduce_sum3A_467 = vector.extract %reduce_sum3A_466[15] : i32 from vector<16xi32>
      %mul3A_468 = arith.constant 128 : i32
      %mul3A_469 = arith.muli %scan3A_385, %mul3A_468 : i32
      %add3A_470 = arith.constant 64 : i32
      %add3A_471 = arith.addi %mul3A_469, %add3A_470 : i32
      %get3A_472 = arith.index_cast %add3A_471 : i32 to index
      %get3A_473 = tpu.vector_load %arg4[%get3A_472] {strides = array<i32>} : memref<2048xi32, #tpu.memory_space<vmem>>, vector<16xi32>,
      %mul3A_474 = arith.constant 128 : i32
      %mul3A_475 = arith.muli %scan3A_385, %mul3A_474 : i32
      %add3A_476 = arith.constant 64 : i32
      %add3A_477 = arith.addi %mul3A_475, %add3A_476 : i32
      %add3A_478 = arith.constant 16 : i32
      %add3A_479 = arith.addi %add3A_477, %add3A_478 : i32
      %get3A_480 = arith.index_cast %add3A_479 : i32 to index
      %get3A_481 = tpu.vector_load %arg4[%get3A_480] {strides = array<i32>} : memref<2048xi32, #tpu.memory_space<vmem>>, vector<16xi32>,
      %sub3A_482 = arith.constant 320017171 : i32
      %sub3A_483 = vector.broadcast %sub3A_482 : i32 to vector<16xi32>
      %sub3A_484 = arith.subi %get3A_473, %sub3A_483 : vector<16xi32>
      %not3A_485 = arith.constant dense<-1> : vector<16xi32>
      %not3A_486 = arith.xori %get3A_473, %not3A_485 : vector<16xi32>
      %and3A_487 = arith.andi %sub3A_484, %not3A_486 : vector<16xi32>
      %and3A_488 = arith.constant -2139062144 : i32
      %and3A_489 = vector.broadcast %and3A_488 : i32 to vector<16xi32>
      %and3A_490 = arith.andi %and3A_487, %and3A_489 : vector<16xi32>
      %sub3A_491 = arith.constant 320017171 : i32
      %sub3A_492 = vector.broadcast %sub3A_491 : i32 to vector<16xi32>
      %sub3A_493 = arith.subi %get3A_481, %sub3A_492 : vector<16xi32>
      %not3A_494 = arith.constant dense<-1> : vector<16xi32>
      %not3A_495 = arith.xori %get3A_481, %not3A_494 : vector<16xi32>
      %and3A_496 = arith.andi %sub3A_493, %not3A_495 : vector<16xi32>
      %and3A_497 = arith.constant -2139062144 : i32
      %and3A_498 = vector.broadcast %and3A_497 : i32 to vector<16xi32>
      %and3A_499 = arith.andi %and3A_496, %and3A_498 : vector<16xi32>
      %or3A_500 = arith.ori %and3A_490, %and3A_499 : vector<16xi32>
      %ne3A_501 = arith.constant 0 : i32
      %ne3A_502 = vector.broadcast %ne3A_501 : i32 to vector<16xi32>
      %ne3A_503 = arith.cmpi ne, %or3A_500, %ne3A_502 : vector<16xi32>
      %jit3A_504 = arith.constant 1 : i32
      %jit3A_505 = arith.constant 0 : i32
      %broadcast_in_dim3A_506 = vector.broadcast %jit3A_504 : i32 to vector<16xi32>
      %broadcast_in_dim3A_507 = vector.broadcast %jit3A_505 : i32 to vector<16xi32>
      %select_n3A_508 = arith.select %ne3A_503, %broadcast_in_dim3A_506, %broadcast_in_dim3A_507 : vector<16xi1>, vector<16xi32>
      %reduce_sum3A_509 = arith.constant true
      %reduce_sum3A_510 = vector.broadcast %reduce_sum3A_509 : i1 to vector<16xi1>
      %reduce_sum3A_511 = tpu.scan <sum>, %select_n3A_508 masked %reduce_sum3A_510 : vector<16xi32>, vector<16xi1> -> vector<16xi32>
      %reduce_sum3A_512 = vector.extract %reduce_sum3A_511[15] : i32 from vector<16xi32>
      %mul3A_513 = arith.constant 128 : i32
      %mul3A_514 = arith.muli %scan3A_385, %mul3A_513 : i32
      %add3A_515 = arith.constant 96 : i32
      %add3A_516 = arith.addi %mul3A_514, %add3A_515 : i32
      %get3A_517 = arith.index_cast %add3A_516 : i32 to index
      %get3A_518 = tpu.vector_load %arg4[%get3A_517] {strides = array<i32>} : memref<2048xi32, #tpu.memory_space<vmem>>, vector<16xi32>,
      %mul3A_519 = arith.constant 128 : i32
      %mul3A_520 = arith.muli %scan3A_385, %mul3A_519 : i32
      %add3A_521 = arith.constant 96 : i32
      %add3A_522 = arith.addi %mul3A_520, %add3A_521 : i32
      %add3A_523 = arith.constant 16 : i32
      %add3A_524 = arith.addi %add3A_522, %add3A_523 : i32
      %get3A_525 = arith.index_cast %add3A_524 : i32 to index
      %get3A_526 = tpu.vector_load %arg4[%get3A_525] {strides = array<i32>} : memref<2048xi32, #tpu.memory_space<vmem>>, vector<16xi32>,
      %sub3A_527 = arith.constant 320017171 : i32
      %sub3A_528 = vector.broadcast %sub3A_527 : i32 to vector<16xi32>
      %sub3A_529 = arith.subi %get3A_518, %sub3A_528 : vector<16xi32>
      %not3A_530 = arith.constant dense<-1> : vector<16xi32>
      %not3A_531 = arith.xori %get3A_518, %not3A_530 : vector<16xi32>
      %and3A_532 = arith.andi %sub3A_529, %not3A_531 : vector<16xi32>
      %and3A_533 = arith.constant -2139062144 : i32
      %and3A_534 = vector.broadcast %and3A_533 : i32 to vector<16xi32>
      %and3A_535 = arith.andi %and3A_532, %and3A_534 : vector<16xi32>
      %sub3A_536 = arith.constant 320017171 : i32
      %sub3A_537 = vector.broadcast %sub3A_536 : i32 to vector<16xi32>
      %sub3A_538 = arith.subi %get3A_526, %sub3A_537 : vector<16xi32>
      %not3A_539 = arith.constant dense<-1> : vector<16xi32>
      %not3A_540 = arith.xori %get3A_526, %not3A_539 : vector<16xi32>
      %and3A_541 = arith.andi %sub3A_538, %not3A_540 : vector<16xi32>
      %and3A_542 = arith.constant -2139062144 : i32
      %and3A_543 = vector.broadcast %and3A_542 : i32 to vector<16xi32>
      %and3A_544 = arith.andi %and3A_541, %and3A_543 : vector<16xi32>
      %or3A_545 = arith.ori %and3A_535, %and3A_544 : vector<16xi32>
      %ne3A_546 = arith.constant 0 : i32
      %ne3A_547 = vector.broadcast %ne3A_546 : i32 to vector<16xi32>
      %ne3A_548 = arith.cmpi ne, %or3A_545, %ne3A_547 : vector<16xi32>
      %jit3A_549 = arith.constant 1 : i32
      %jit3A_550 = arith.constant 0 : i32
      %broadcast_in_dim3A_551 = vector.broadcast %jit3A_549 : i32 to vector<16xi32>
      %broadcast_in_dim3A_552 = vector.broadcast %jit3A_550 : i32 to vector<16xi32>
      %select_n3A_553 = arith.select %ne3A_548, %broadcast_in_dim3A_551, %broadcast_in_dim3A_552 : vector<16xi1>, vector<16xi32>
      %reduce_sum3A_554 = arith.constant true
      %reduce_sum3A_555 = vector.broadcast %reduce_sum3A_554 : i1 to vector<16xi1>
      %reduce_sum3A_556 = tpu.scan <sum>, %select_n3A_553 masked %reduce_sum3A_555 : vector<16xi32>, vector<16xi1> -> vector<16xi32>
      %reduce_sum3A_557 = vector.extract %reduce_sum3A_556[15] : i32 from vector<16xi32>
      %gt3A = arith.constant 0 : i32
      %gt3A_558 = arith.cmpi sgt, %reduce_sum3A_422, %gt3A : i32
      %convert_element_type3A = arith.extui %gt3A_558 : i1 to i32
      %cond3A = arith.constant 0 : i32
      %cond3A_559 = arith.cmpi ne, %convert_element_type3A, %cond3A : i32
      scf.if %cond3A_559 {
        %shift_right_logical3A = arith.constant 0 : i32
        %shift_right_logical3A_575 = vector.broadcast %shift_right_logical3A : i32 to vector<16xi32>
        %shift_right_logical3A_576 = arith.shrui %get3A_391, %shift_right_logical3A_575 : vector<16xi32>
        %and3A_577 = arith.constant 255 : i32
        %and3A_578 = vector.broadcast %and3A_577 : i32 to vector<16xi32>
        %and3A_579 = arith.andi %shift_right_logical3A_576, %and3A_578 : vector<16xi32>
        %lt3A = arith.constant 19 : i32
        %lt3A_580 = vector.broadcast %lt3A : i32 to vector<16xi32>
        %lt3A_581 = arith.cmpi slt, %and3A_579, %lt3A_580 : vector<16xi32>
        tpu.vector_store_idx %arg6[%iota3A, %and3A_579], %broadcast_in_dim3A_130 masked %lt3A_581 {add = true} : memref<16x32xf32, #tpu.memory_space<vmem>>[vector<16xi32>, vector<16xi32>], vector<16xf32>, vector<16xi1>
        %shift_right_logical3A_582 = arith.constant 8 : i32
        %shift_right_logical3A_583 = vector.broadcast %shift_right_logical3A_582 : i32 to vector<16xi32>
        %shift_right_logical3A_584 = arith.shrui %get3A_391, %shift_right_logical3A_583 : vector<16xi32>
        %and3A_585 = arith.constant 255 : i32
        %and3A_586 = vector.broadcast %and3A_585 : i32 to vector<16xi32>
        %and3A_587 = arith.andi %shift_right_logical3A_584, %and3A_586 : vector<16xi32>
        %lt3A_588 = arith.constant 19 : i32
        %lt3A_589 = vector.broadcast %lt3A_588 : i32 to vector<16xi32>
        %lt3A_590 = arith.cmpi slt, %and3A_587, %lt3A_589 : vector<16xi32>
        tpu.vector_store_idx %arg6[%iota3A, %and3A_587], %broadcast_in_dim3A_130 masked %lt3A_590 {add = true} : memref<16x32xf32, #tpu.memory_space<vmem>>[vector<16xi32>, vector<16xi32>], vector<16xf32>, vector<16xi1>
        %shift_right_logical3A_591 = arith.constant 16 : i32
        %shift_right_logical3A_592 = vector.broadcast %shift_right_logical3A_591 : i32 to vector<16xi32>
        %shift_right_logical3A_593 = arith.shrui %get3A_391, %shift_right_logical3A_592 : vector<16xi32>
        %and3A_594 = arith.constant 255 : i32
        %and3A_595 = vector.broadcast %and3A_594 : i32 to vector<16xi32>
        %and3A_596 = arith.andi %shift_right_logical3A_593, %and3A_595 : vector<16xi32>
        %lt3A_597 = arith.constant 19 : i32
        %lt3A_598 = vector.broadcast %lt3A_597 : i32 to vector<16xi32>
        %lt3A_599 = arith.cmpi slt, %and3A_596, %lt3A_598 : vector<16xi32>
        tpu.vector_store_idx %arg6[%iota3A, %and3A_596], %broadcast_in_dim3A_130 masked %lt3A_599 {add = true} : memref<16x32xf32, #tpu.memory_space<vmem>>[vector<16xi32>, vector<16xi32>], vector<16xf32>, vector<16xi1>
        %shift_right_logical3A_600 = arith.constant 24 : i32
        %shift_right_logical3A_601 = vector.broadcast %shift_right_logical3A_600 : i32 to vector<16xi32>
        %shift_right_logical3A_602 = arith.shrui %get3A_391, %shift_right_logical3A_601 : vector<16xi32>
        %and3A_603 = arith.constant 255 : i32
        %and3A_604 = vector.broadcast %and3A_603 : i32 to vector<16xi32>
        %and3A_605 = arith.andi %shift_right_logical3A_602, %and3A_604 : vector<16xi32>
        %lt3A_606 = arith.constant 19 : i32
        %lt3A_607 = vector.broadcast %lt3A_606 : i32 to vector<16xi32>
        %lt3A_608 = arith.cmpi slt, %and3A_605, %lt3A_607 : vector<16xi32>
        tpu.vector_store_idx %arg6[%iota3A, %and3A_605], %broadcast_in_dim3A_130 masked %lt3A_608 {add = true} : memref<16x32xf32, #tpu.memory_space<vmem>>[vector<16xi32>, vector<16xi32>], vector<16xf32>, vector<16xi1>
        %shift_right_logical3A_609 = arith.constant 0 : i32
        %shift_right_logical3A_610 = vector.broadcast %shift_right_logical3A_609 : i32 to vector<16xi32>
        %shift_right_logical3A_611 = arith.shrui %get3A_399, %shift_right_logical3A_610 : vector<16xi32>
        %and3A_612 = arith.constant 255 : i32
        %and3A_613 = vector.broadcast %and3A_612 : i32 to vector<16xi32>
        %and3A_614 = arith.andi %shift_right_logical3A_611, %and3A_613 : vector<16xi32>
        %lt3A_615 = arith.constant 19 : i32
        %lt3A_616 = vector.broadcast %lt3A_615 : i32 to vector<16xi32>
        %lt3A_617 = arith.cmpi slt, %and3A_614, %lt3A_616 : vector<16xi32>
        tpu.vector_store_idx %arg6[%iota3A, %and3A_614], %broadcast_in_dim3A_130 masked %lt3A_617 {add = true} : memref<16x32xf32, #tpu.memory_space<vmem>>[vector<16xi32>, vector<16xi32>], vector<16xf32>, vector<16xi1>
        %shift_right_logical3A_618 = arith.constant 8 : i32
        %shift_right_logical3A_619 = vector.broadcast %shift_right_logical3A_618 : i32 to vector<16xi32>
        %shift_right_logical3A_620 = arith.shrui %get3A_399, %shift_right_logical3A_619 : vector<16xi32>
        %and3A_621 = arith.constant 255 : i32
        %and3A_622 = vector.broadcast %and3A_621 : i32 to vector<16xi32>
        %and3A_623 = arith.andi %shift_right_logical3A_620, %and3A_622 : vector<16xi32>
        %lt3A_624 = arith.constant 19 : i32
        %lt3A_625 = vector.broadcast %lt3A_624 : i32 to vector<16xi32>
        %lt3A_626 = arith.cmpi slt, %and3A_623, %lt3A_625 : vector<16xi32>
        tpu.vector_store_idx %arg6[%iota3A, %and3A_623], %broadcast_in_dim3A_130 masked %lt3A_626 {add = true} : memref<16x32xf32, #tpu.memory_space<vmem>>[vector<16xi32>, vector<16xi32>], vector<16xf32>, vector<16xi1>
        %shift_right_logical3A_627 = arith.constant 16 : i32
        %shift_right_logical3A_628 = vector.broadcast %shift_right_logical3A_627 : i32 to vector<16xi32>
        %shift_right_logical3A_629 = arith.shrui %get3A_399, %shift_right_logical3A_628 : vector<16xi32>
        %and3A_630 = arith.constant 255 : i32
        %and3A_631 = vector.broadcast %and3A_630 : i32 to vector<16xi32>
        %and3A_632 = arith.andi %shift_right_logical3A_629, %and3A_631 : vector<16xi32>
        %lt3A_633 = arith.constant 19 : i32
        %lt3A_634 = vector.broadcast %lt3A_633 : i32 to vector<16xi32>
        %lt3A_635 = arith.cmpi slt, %and3A_632, %lt3A_634 : vector<16xi32>
        tpu.vector_store_idx %arg6[%iota3A, %and3A_632], %broadcast_in_dim3A_130 masked %lt3A_635 {add = true} : memref<16x32xf32, #tpu.memory_space<vmem>>[vector<16xi32>, vector<16xi32>], vector<16xf32>, vector<16xi1>
        %shift_right_logical3A_636 = arith.constant 24 : i32
        %shift_right_logical3A_637 = vector.broadcast %shift_right_logical3A_636 : i32 to vector<16xi32>
        %shift_right_logical3A_638 = arith.shrui %get3A_399, %shift_right_logical3A_637 : vector<16xi32>
        %and3A_639 = arith.constant 255 : i32
        %and3A_640 = vector.broadcast %and3A_639 : i32 to vector<16xi32>
        %and3A_641 = arith.andi %shift_right_logical3A_638, %and3A_640 : vector<16xi32>
        %lt3A_642 = arith.constant 19 : i32
        %lt3A_643 = vector.broadcast %lt3A_642 : i32 to vector<16xi32>
        %lt3A_644 = arith.cmpi slt, %and3A_641, %lt3A_643 : vector<16xi32>
        tpu.vector_store_idx %arg6[%iota3A, %and3A_641], %broadcast_in_dim3A_130 masked %lt3A_644 {add = true} : memref<16x32xf32, #tpu.memory_space<vmem>>[vector<16xi32>, vector<16xi32>], vector<16xf32>, vector<16xi1>
      } else {
      }
      %gt3A_560 = arith.constant 0 : i32
      %gt3A_561 = arith.cmpi sgt, %reduce_sum3A_467, %gt3A_560 : i32
      %convert_element_type3A_562 = arith.extui %gt3A_561 : i1 to i32
      %cond3A_563 = arith.constant 0 : i32
      %cond3A_564 = arith.cmpi ne, %convert_element_type3A_562, %cond3A_563 : i32
      scf.if %cond3A_564 {
        %shift_right_logical3A = arith.constant 0 : i32
        %shift_right_logical3A_575 = vector.broadcast %shift_right_logical3A : i32 to vector<16xi32>
        %shift_right_logical3A_576 = arith.shrui %get3A_428, %shift_right_logical3A_575 : vector<16xi32>
        %and3A_577 = arith.constant 255 : i32
        %and3A_578 = vector.broadcast %and3A_577 : i32 to vector<16xi32>
        %and3A_579 = arith.andi %shift_right_logical3A_576, %and3A_578 : vector<16xi32>
        %lt3A = arith.constant 19 : i32
        %lt3A_580 = vector.broadcast %lt3A : i32 to vector<16xi32>
        %lt3A_581 = arith.cmpi slt, %and3A_579, %lt3A_580 : vector<16xi32>
        tpu.vector_store_idx %arg6[%iota3A, %and3A_579], %broadcast_in_dim3A_130 masked %lt3A_581 {add = true} : memref<16x32xf32, #tpu.memory_space<vmem>>[vector<16xi32>, vector<16xi32>], vector<16xf32>, vector<16xi1>
        %shift_right_logical3A_582 = arith.constant 8 : i32
        %shift_right_logical3A_583 = vector.broadcast %shift_right_logical3A_582 : i32 to vector<16xi32>
        %shift_right_logical3A_584 = arith.shrui %get3A_428, %shift_right_logical3A_583 : vector<16xi32>
        %and3A_585 = arith.constant 255 : i32
        %and3A_586 = vector.broadcast %and3A_585 : i32 to vector<16xi32>
        %and3A_587 = arith.andi %shift_right_logical3A_584, %and3A_586 : vector<16xi32>
        %lt3A_588 = arith.constant 19 : i32
        %lt3A_589 = vector.broadcast %lt3A_588 : i32 to vector<16xi32>
        %lt3A_590 = arith.cmpi slt, %and3A_587, %lt3A_589 : vector<16xi32>
        tpu.vector_store_idx %arg6[%iota3A, %and3A_587], %broadcast_in_dim3A_130 masked %lt3A_590 {add = true} : memref<16x32xf32, #tpu.memory_space<vmem>>[vector<16xi32>, vector<16xi32>], vector<16xf32>, vector<16xi1>
        %shift_right_logical3A_591 = arith.constant 16 : i32
        %shift_right_logical3A_592 = vector.broadcast %shift_right_logical3A_591 : i32 to vector<16xi32>
        %shift_right_logical3A_593 = arith.shrui %get3A_428, %shift_right_logical3A_592 : vector<16xi32>
        %and3A_594 = arith.constant 255 : i32
        %and3A_595 = vector.broadcast %and3A_594 : i32 to vector<16xi32>
        %and3A_596 = arith.andi %shift_right_logical3A_593, %and3A_595 : vector<16xi32>
        %lt3A_597 = arith.constant 19 : i32
        %lt3A_598 = vector.broadcast %lt3A_597 : i32 to vector<16xi32>
        %lt3A_599 = arith.cmpi slt, %and3A_596, %lt3A_598 : vector<16xi32>
        tpu.vector_store_idx %arg6[%iota3A, %and3A_596], %broadcast_in_dim3A_130 masked %lt3A_599 {add = true} : memref<16x32xf32, #tpu.memory_space<vmem>>[vector<16xi32>, vector<16xi32>], vector<16xf32>, vector<16xi1>
        %shift_right_logical3A_600 = arith.constant 24 : i32
        %shift_right_logical3A_601 = vector.broadcast %shift_right_logical3A_600 : i32 to vector<16xi32>
        %shift_right_logical3A_602 = arith.shrui %get3A_428, %shift_right_logical3A_601 : vector<16xi32>
        %and3A_603 = arith.constant 255 : i32
        %and3A_604 = vector.broadcast %and3A_603 : i32 to vector<16xi32>
        %and3A_605 = arith.andi %shift_right_logical3A_602, %and3A_604 : vector<16xi32>
        %lt3A_606 = arith.constant 19 : i32
        %lt3A_607 = vector.broadcast %lt3A_606 : i32 to vector<16xi32>
        %lt3A_608 = arith.cmpi slt, %and3A_605, %lt3A_607 : vector<16xi32>
        tpu.vector_store_idx %arg6[%iota3A, %and3A_605], %broadcast_in_dim3A_130 masked %lt3A_608 {add = true} : memref<16x32xf32, #tpu.memory_space<vmem>>[vector<16xi32>, vector<16xi32>], vector<16xf32>, vector<16xi1>
        %shift_right_logical3A_609 = arith.constant 0 : i32
        %shift_right_logical3A_610 = vector.broadcast %shift_right_logical3A_609 : i32 to vector<16xi32>
        %shift_right_logical3A_611 = arith.shrui %get3A_436, %shift_right_logical3A_610 : vector<16xi32>
        %and3A_612 = arith.constant 255 : i32
        %and3A_613 = vector.broadcast %and3A_612 : i32 to vector<16xi32>
        %and3A_614 = arith.andi %shift_right_logical3A_611, %and3A_613 : vector<16xi32>
        %lt3A_615 = arith.constant 19 : i32
        %lt3A_616 = vector.broadcast %lt3A_615 : i32 to vector<16xi32>
        %lt3A_617 = arith.cmpi slt, %and3A_614, %lt3A_616 : vector<16xi32>
        tpu.vector_store_idx %arg6[%iota3A, %and3A_614], %broadcast_in_dim3A_130 masked %lt3A_617 {add = true} : memref<16x32xf32, #tpu.memory_space<vmem>>[vector<16xi32>, vector<16xi32>], vector<16xf32>, vector<16xi1>
        %shift_right_logical3A_618 = arith.constant 8 : i32
        %shift_right_logical3A_619 = vector.broadcast %shift_right_logical3A_618 : i32 to vector<16xi32>
        %shift_right_logical3A_620 = arith.shrui %get3A_436, %shift_right_logical3A_619 : vector<16xi32>
        %and3A_621 = arith.constant 255 : i32
        %and3A_622 = vector.broadcast %and3A_621 : i32 to vector<16xi32>
        %and3A_623 = arith.andi %shift_right_logical3A_620, %and3A_622 : vector<16xi32>
        %lt3A_624 = arith.constant 19 : i32
        %lt3A_625 = vector.broadcast %lt3A_624 : i32 to vector<16xi32>
        %lt3A_626 = arith.cmpi slt, %and3A_623, %lt3A_625 : vector<16xi32>
        tpu.vector_store_idx %arg6[%iota3A, %and3A_623], %broadcast_in_dim3A_130 masked %lt3A_626 {add = true} : memref<16x32xf32, #tpu.memory_space<vmem>>[vector<16xi32>, vector<16xi32>], vector<16xf32>, vector<16xi1>
        %shift_right_logical3A_627 = arith.constant 16 : i32
        %shift_right_logical3A_628 = vector.broadcast %shift_right_logical3A_627 : i32 to vector<16xi32>
        %shift_right_logical3A_629 = arith.shrui %get3A_436, %shift_right_logical3A_628 : vector<16xi32>
        %and3A_630 = arith.constant 255 : i32
        %and3A_631 = vector.broadcast %and3A_630 : i32 to vector<16xi32>
        %and3A_632 = arith.andi %shift_right_logical3A_629, %and3A_631 : vector<16xi32>
        %lt3A_633 = arith.constant 19 : i32
        %lt3A_634 = vector.broadcast %lt3A_633 : i32 to vector<16xi32>
        %lt3A_635 = arith.cmpi slt, %and3A_632, %lt3A_634 : vector<16xi32>
        tpu.vector_store_idx %arg6[%iota3A, %and3A_632], %broadcast_in_dim3A_130 masked %lt3A_635 {add = true} : memref<16x32xf32, #tpu.memory_space<vmem>>[vector<16xi32>, vector<16xi32>], vector<16xf32>, vector<16xi1>
        %shift_right_logical3A_636 = arith.constant 24 : i32
        %shift_right_logical3A_637 = vector.broadcast %shift_right_logical3A_636 : i32 to vector<16xi32>
        %shift_right_logical3A_638 = arith.shrui %get3A_436, %shift_right_logical3A_637 : vector<16xi32>
        %and3A_639 = arith.constant 255 : i32
        %and3A_640 = vector.broadcast %and3A_639 : i32 to vector<16xi32>
        %and3A_641 = arith.andi %shift_right_logical3A_638, %and3A_640 : vector<16xi32>
        %lt3A_642 = arith.constant 19 : i32
        %lt3A_643 = vector.broadcast %lt3A_642 : i32 to vector<16xi32>
        %lt3A_644 = arith.cmpi slt, %and3A_641, %lt3A_643 : vector<16xi32>
        tpu.vector_store_idx %arg6[%iota3A, %and3A_641], %broadcast_in_dim3A_130 masked %lt3A_644 {add = true} : memref<16x32xf32, #tpu.memory_space<vmem>>[vector<16xi32>, vector<16xi32>], vector<16xf32>, vector<16xi1>
      } else {
      }
      %gt3A_565 = arith.constant 0 : i32
      %gt3A_566 = arith.cmpi sgt, %reduce_sum3A_512, %gt3A_565 : i32
      %convert_element_type3A_567 = arith.extui %gt3A_566 : i1 to i32
      %cond3A_568 = arith.constant 0 : i32
      %cond3A_569 = arith.cmpi ne, %convert_element_type3A_567, %cond3A_568 : i32
      scf.if %cond3A_569 {
        %shift_right_logical3A = arith.constant 0 : i32
        %shift_right_logical3A_575 = vector.broadcast %shift_right_logical3A : i32 to vector<16xi32>
        %shift_right_logical3A_576 = arith.shrui %get3A_473, %shift_right_logical3A_575 : vector<16xi32>
        %and3A_577 = arith.constant 255 : i32
        %and3A_578 = vector.broadcast %and3A_577 : i32 to vector<16xi32>
        %and3A_579 = arith.andi %shift_right_logical3A_576, %and3A_578 : vector<16xi32>
        %lt3A = arith.constant 19 : i32
        %lt3A_580 = vector.broadcast %lt3A : i32 to vector<16xi32>
        %lt3A_581 = arith.cmpi slt, %and3A_579, %lt3A_580 : vector<16xi32>
        tpu.vector_store_idx %arg6[%iota3A, %and3A_579], %broadcast_in_dim3A_130 masked %lt3A_581 {add = true} : memref<16x32xf32, #tpu.memory_space<vmem>>[vector<16xi32>, vector<16xi32>], vector<16xf32>, vector<16xi1>
        %shift_right_logical3A_582 = arith.constant 8 : i32
        %shift_right_logical3A_583 = vector.broadcast %shift_right_logical3A_582 : i32 to vector<16xi32>
        %shift_right_logical3A_584 = arith.shrui %get3A_473, %shift_right_logical3A_583 : vector<16xi32>
        %and3A_585 = arith.constant 255 : i32
        %and3A_586 = vector.broadcast %and3A_585 : i32 to vector<16xi32>
        %and3A_587 = arith.andi %shift_right_logical3A_584, %and3A_586 : vector<16xi32>
        %lt3A_588 = arith.constant 19 : i32
        %lt3A_589 = vector.broadcast %lt3A_588 : i32 to vector<16xi32>
        %lt3A_590 = arith.cmpi slt, %and3A_587, %lt3A_589 : vector<16xi32>
        tpu.vector_store_idx %arg6[%iota3A, %and3A_587], %broadcast_in_dim3A_130 masked %lt3A_590 {add = true} : memref<16x32xf32, #tpu.memory_space<vmem>>[vector<16xi32>, vector<16xi32>], vector<16xf32>, vector<16xi1>
        %shift_right_logical3A_591 = arith.constant 16 : i32
        %shift_right_logical3A_592 = vector.broadcast %shift_right_logical3A_591 : i32 to vector<16xi32>
        %shift_right_logical3A_593 = arith.shrui %get3A_473, %shift_right_logical3A_592 : vector<16xi32>
        %and3A_594 = arith.constant 255 : i32
        %and3A_595 = vector.broadcast %and3A_594 : i32 to vector<16xi32>
        %and3A_596 = arith.andi %shift_right_logical3A_593, %and3A_595 : vector<16xi32>
        %lt3A_597 = arith.constant 19 : i32
        %lt3A_598 = vector.broadcast %lt3A_597 : i32 to vector<16xi32>
        %lt3A_599 = arith.cmpi slt, %and3A_596, %lt3A_598 : vector<16xi32>
        tpu.vector_store_idx %arg6[%iota3A, %and3A_596], %broadcast_in_dim3A_130 masked %lt3A_599 {add = true} : memref<16x32xf32, #tpu.memory_space<vmem>>[vector<16xi32>, vector<16xi32>], vector<16xf32>, vector<16xi1>
        %shift_right_logical3A_600 = arith.constant 24 : i32
        %shift_right_logical3A_601 = vector.broadcast %shift_right_logical3A_600 : i32 to vector<16xi32>
        %shift_right_logical3A_602 = arith.shrui %get3A_473, %shift_right_logical3A_601 : vector<16xi32>
        %and3A_603 = arith.constant 255 : i32
        %and3A_604 = vector.broadcast %and3A_603 : i32 to vector<16xi32>
        %and3A_605 = arith.andi %shift_right_logical3A_602, %and3A_604 : vector<16xi32>
        %lt3A_606 = arith.constant 19 : i32
        %lt3A_607 = vector.broadcast %lt3A_606 : i32 to vector<16xi32>
        %lt3A_608 = arith.cmpi slt, %and3A_605, %lt3A_607 : vector<16xi32>
        tpu.vector_store_idx %arg6[%iota3A, %and3A_605], %broadcast_in_dim3A_130 masked %lt3A_608 {add = true} : memref<16x32xf32, #tpu.memory_space<vmem>>[vector<16xi32>, vector<16xi32>], vector<16xf32>, vector<16xi1>
        %shift_right_logical3A_609 = arith.constant 0 : i32
        %shift_right_logical3A_610 = vector.broadcast %shift_right_logical3A_609 : i32 to vector<16xi32>
        %shift_right_logical3A_611 = arith.shrui %get3A_481, %shift_right_logical3A_610 : vector<16xi32>
        %and3A_612 = arith.constant 255 : i32
        %and3A_613 = vector.broadcast %and3A_612 : i32 to vector<16xi32>
        %and3A_614 = arith.andi %shift_right_logical3A_611, %and3A_613 : vector<16xi32>
        %lt3A_615 = arith.constant 19 : i32
        %lt3A_616 = vector.broadcast %lt3A_615 : i32 to vector<16xi32>
        %lt3A_617 = arith.cmpi slt, %and3A_614, %lt3A_616 : vector<16xi32>
        tpu.vector_store_idx %arg6[%iota3A, %and3A_614], %broadcast_in_dim3A_130 masked %lt3A_617 {add = true} : memref<16x32xf32, #tpu.memory_space<vmem>>[vector<16xi32>, vector<16xi32>], vector<16xf32>, vector<16xi1>
        %shift_right_logical3A_618 = arith.constant 8 : i32
        %shift_right_logical3A_619 = vector.broadcast %shift_right_logical3A_618 : i32 to vector<16xi32>
        %shift_right_logical3A_620 = arith.shrui %get3A_481, %shift_right_logical3A_619 : vector<16xi32>
        %and3A_621 = arith.constant 255 : i32
        %and3A_622 = vector.broadcast %and3A_621 : i32 to vector<16xi32>
        %and3A_623 = arith.andi %shift_right_logical3A_620, %and3A_622 : vector<16xi32>
        %lt3A_624 = arith.constant 19 : i32
        %lt3A_625 = vector.broadcast %lt3A_624 : i32 to vector<16xi32>
        %lt3A_626 = arith.cmpi slt, %and3A_623, %lt3A_625 : vector<16xi32>
        tpu.vector_store_idx %arg6[%iota3A, %and3A_623], %broadcast_in_dim3A_130 masked %lt3A_626 {add = true} : memref<16x32xf32, #tpu.memory_space<vmem>>[vector<16xi32>, vector<16xi32>], vector<16xf32>, vector<16xi1>
        %shift_right_logical3A_627 = arith.constant 16 : i32
        %shift_right_logical3A_628 = vector.broadcast %shift_right_logical3A_627 : i32 to vector<16xi32>
        %shift_right_logical3A_629 = arith.shrui %get3A_481, %shift_right_logical3A_628 : vector<16xi32>
        %and3A_630 = arith.constant 255 : i32
        %and3A_631 = vector.broadcast %and3A_630 : i32 to vector<16xi32>
        %and3A_632 = arith.andi %shift_right_logical3A_629, %and3A_631 : vector<16xi32>
        %lt3A_633 = arith.constant 19 : i32
        %lt3A_634 = vector.broadcast %lt3A_633 : i32 to vector<16xi32>
        %lt3A_635 = arith.cmpi slt, %and3A_632, %lt3A_634 : vector<16xi32>
        tpu.vector_store_idx %arg6[%iota3A, %and3A_632], %broadcast_in_dim3A_130 masked %lt3A_635 {add = true} : memref<16x32xf32, #tpu.memory_space<vmem>>[vector<16xi32>, vector<16xi32>], vector<16xf32>, vector<16xi1>
        %shift_right_logical3A_636 = arith.constant 24 : i32
        %shift_right_logical3A_637 = vector.broadcast %shift_right_logical3A_636 : i32 to vector<16xi32>
        %shift_right_logical3A_638 = arith.shrui %get3A_481, %shift_right_logical3A_637 : vector<16xi32>
        %and3A_639 = arith.constant 255 : i32
        %and3A_640 = vector.broadcast %and3A_639 : i32 to vector<16xi32>
        %and3A_641 = arith.andi %shift_right_logical3A_638, %and3A_640 : vector<16xi32>
        %lt3A_642 = arith.constant 19 : i32
        %lt3A_643 = vector.broadcast %lt3A_642 : i32 to vector<16xi32>
        %lt3A_644 = arith.cmpi slt, %and3A_641, %lt3A_643 : vector<16xi32>
        tpu.vector_store_idx %arg6[%iota3A, %and3A_641], %broadcast_in_dim3A_130 masked %lt3A_644 {add = true} : memref<16x32xf32, #tpu.memory_space<vmem>>[vector<16xi32>, vector<16xi32>], vector<16xf32>, vector<16xi1>
      } else {
      }
      %gt3A_570 = arith.constant 0 : i32
      %gt3A_571 = arith.cmpi sgt, %reduce_sum3A_557, %gt3A_570 : i32
      %convert_element_type3A_572 = arith.extui %gt3A_571 : i1 to i32
      %cond3A_573 = arith.constant 0 : i32
      %cond3A_574 = arith.cmpi ne, %convert_element_type3A_572, %cond3A_573 : i32
      scf.if %cond3A_574 {
        %shift_right_logical3A = arith.constant 0 : i32
        %shift_right_logical3A_575 = vector.broadcast %shift_right_logical3A : i32 to vector<16xi32>
        %shift_right_logical3A_576 = arith.shrui %get3A_518, %shift_right_logical3A_575 : vector<16xi32>
        %and3A_577 = arith.constant 255 : i32
        %and3A_578 = vector.broadcast %and3A_577 : i32 to vector<16xi32>
        %and3A_579 = arith.andi %shift_right_logical3A_576, %and3A_578 : vector<16xi32>
        %lt3A = arith.constant 19 : i32
        %lt3A_580 = vector.broadcast %lt3A : i32 to vector<16xi32>
        %lt3A_581 = arith.cmpi slt, %and3A_579, %lt3A_580 : vector<16xi32>
        tpu.vector_store_idx %arg6[%iota3A, %and3A_579], %broadcast_in_dim3A_130 masked %lt3A_581 {add = true} : memref<16x32xf32, #tpu.memory_space<vmem>>[vector<16xi32>, vector<16xi32>], vector<16xf32>, vector<16xi1>
        %shift_right_logical3A_582 = arith.constant 8 : i32
        %shift_right_logical3A_583 = vector.broadcast %shift_right_logical3A_582 : i32 to vector<16xi32>
        %shift_right_logical3A_584 = arith.shrui %get3A_518, %shift_right_logical3A_583 : vector<16xi32>
        %and3A_585 = arith.constant 255 : i32
        %and3A_586 = vector.broadcast %and3A_585 : i32 to vector<16xi32>
        %and3A_587 = arith.andi %shift_right_logical3A_584, %and3A_586 : vector<16xi32>
        %lt3A_588 = arith.constant 19 : i32
        %lt3A_589 = vector.broadcast %lt3A_588 : i32 to vector<16xi32>
        %lt3A_590 = arith.cmpi slt, %and3A_587, %lt3A_589 : vector<16xi32>
        tpu.vector_store_idx %arg6[%iota3A, %and3A_587], %broadcast_in_dim3A_130 masked %lt3A_590 {add = true} : memref<16x32xf32, #tpu.memory_space<vmem>>[vector<16xi32>, vector<16xi32>], vector<16xf32>, vector<16xi1>
        %shift_right_logical3A_591 = arith.constant 16 : i32
        %shift_right_logical3A_592 = vector.broadcast %shift_right_logical3A_591 : i32 to vector<16xi32>
        %shift_right_logical3A_593 = arith.shrui %get3A_518, %shift_right_logical3A_592 : vector<16xi32>
        %and3A_594 = arith.constant 255 : i32
        %and3A_595 = vector.broadcast %and3A_594 : i32 to vector<16xi32>
        %and3A_596 = arith.andi %shift_right_logical3A_593, %and3A_595 : vector<16xi32>
        %lt3A_597 = arith.constant 19 : i32
        %lt3A_598 = vector.broadcast %lt3A_597 : i32 to vector<16xi32>
        %lt3A_599 = arith.cmpi slt, %and3A_596, %lt3A_598 : vector<16xi32>
        tpu.vector_store_idx %arg6[%iota3A, %and3A_596], %broadcast_in_dim3A_130 masked %lt3A_599 {add = true} : memref<16x32xf32, #tpu.memory_space<vmem>>[vector<16xi32>, vector<16xi32>], vector<16xf32>, vector<16xi1>
        %shift_right_logical3A_600 = arith.constant 24 : i32
        %shift_right_logical3A_601 = vector.broadcast %shift_right_logical3A_600 : i32 to vector<16xi32>
        %shift_right_logical3A_602 = arith.shrui %get3A_518, %shift_right_logical3A_601 : vector<16xi32>
        %and3A_603 = arith.constant 255 : i32
        %and3A_604 = vector.broadcast %and3A_603 : i32 to vector<16xi32>
        %and3A_605 = arith.andi %shift_right_logical3A_602, %and3A_604 : vector<16xi32>
        %lt3A_606 = arith.constant 19 : i32
        %lt3A_607 = vector.broadcast %lt3A_606 : i32 to vector<16xi32>
        %lt3A_608 = arith.cmpi slt, %and3A_605, %lt3A_607 : vector<16xi32>
        tpu.vector_store_idx %arg6[%iota3A, %and3A_605], %broadcast_in_dim3A_130 masked %lt3A_608 {add = true} : memref<16x32xf32, #tpu.memory_space<vmem>>[vector<16xi32>, vector<16xi32>], vector<16xf32>, vector<16xi1>
        %shift_right_logical3A_609 = arith.constant 0 : i32
        %shift_right_logical3A_610 = vector.broadcast %shift_right_logical3A_609 : i32 to vector<16xi32>
        %shift_right_logical3A_611 = arith.shrui %get3A_526, %shift_right_logical3A_610 : vector<16xi32>
        %and3A_612 = arith.constant 255 : i32
        %and3A_613 = vector.broadcast %and3A_612 : i32 to vector<16xi32>
        %and3A_614 = arith.andi %shift_right_logical3A_611, %and3A_613 : vector<16xi32>
        %lt3A_615 = arith.constant 19 : i32
        %lt3A_616 = vector.broadcast %lt3A_615 : i32 to vector<16xi32>
        %lt3A_617 = arith.cmpi slt, %and3A_614, %lt3A_616 : vector<16xi32>
        tpu.vector_store_idx %arg6[%iota3A, %and3A_614], %broadcast_in_dim3A_130 masked %lt3A_617 {add = true} : memref<16x32xf32, #tpu.memory_space<vmem>>[vector<16xi32>, vector<16xi32>], vector<16xf32>, vector<16xi1>
        %shift_right_logical3A_618 = arith.constant 8 : i32
        %shift_right_logical3A_619 = vector.broadcast %shift_right_logical3A_618 : i32 to vector<16xi32>
        %shift_right_logical3A_620 = arith.shrui %get3A_526, %shift_right_logical3A_619 : vector<16xi32>
        %and3A_621 = arith.constant 255 : i32
        %and3A_622 = vector.broadcast %and3A_621 : i32 to vector<16xi32>
        %and3A_623 = arith.andi %shift_right_logical3A_620, %and3A_622 : vector<16xi32>
        %lt3A_624 = arith.constant 19 : i32
        %lt3A_625 = vector.broadcast %lt3A_624 : i32 to vector<16xi32>
        %lt3A_626 = arith.cmpi slt, %and3A_623, %lt3A_625 : vector<16xi32>
        tpu.vector_store_idx %arg6[%iota3A, %and3A_623], %broadcast_in_dim3A_130 masked %lt3A_626 {add = true} : memref<16x32xf32, #tpu.memory_space<vmem>>[vector<16xi32>, vector<16xi32>], vector<16xf32>, vector<16xi1>
        %shift_right_logical3A_627 = arith.constant 16 : i32
        %shift_right_logical3A_628 = vector.broadcast %shift_right_logical3A_627 : i32 to vector<16xi32>
        %shift_right_logical3A_629 = arith.shrui %get3A_526, %shift_right_logical3A_628 : vector<16xi32>
        %and3A_630 = arith.constant 255 : i32
        %and3A_631 = vector.broadcast %and3A_630 : i32 to vector<16xi32>
        %and3A_632 = arith.andi %shift_right_logical3A_629, %and3A_631 : vector<16xi32>
        %lt3A_633 = arith.constant 19 : i32
        %lt3A_634 = vector.broadcast %lt3A_633 : i32 to vector<16xi32>
        %lt3A_635 = arith.cmpi slt, %and3A_632, %lt3A_634 : vector<16xi32>
        tpu.vector_store_idx %arg6[%iota3A, %and3A_632], %broadcast_in_dim3A_130 masked %lt3A_635 {add = true} : memref<16x32xf32, #tpu.memory_space<vmem>>[vector<16xi32>, vector<16xi32>], vector<16xf32>, vector<16xi1>
        %shift_right_logical3A_636 = arith.constant 24 : i32
        %shift_right_logical3A_637 = vector.broadcast %shift_right_logical3A_636 : i32 to vector<16xi32>
        %shift_right_logical3A_638 = arith.shrui %get3A_526, %shift_right_logical3A_637 : vector<16xi32>
        %and3A_639 = arith.constant 255 : i32
        %and3A_640 = vector.broadcast %and3A_639 : i32 to vector<16xi32>
        %and3A_641 = arith.andi %shift_right_logical3A_638, %and3A_640 : vector<16xi32>
        %lt3A_642 = arith.constant 19 : i32
        %lt3A_643 = vector.broadcast %lt3A_642 : i32 to vector<16xi32>
        %lt3A_644 = arith.cmpi slt, %and3A_641, %lt3A_643 : vector<16xi32>
        tpu.vector_store_idx %arg6[%iota3A, %and3A_641], %broadcast_in_dim3A_130 masked %lt3A_644 {add = true} : memref<16x32xf32, #tpu.memory_space<vmem>>[vector<16xi32>, vector<16xi32>], vector<16xf32>, vector<16xi1>
      } else {
      }
    }
    %scan3A_143 = arith.constant 16 : i32
    %add3A_144 = arith.constant 4096 : i32
    %add3A_145 = arith.addi %mul3A_132, %add3A_144 : i32
    %dma_start3A_146 = tpu.memref_slice %arg2[%add3A_145] : memref<524288xi32, #tpu.memory_space<hbm>> -> memref<2048xi32, #tpu.memory_space<hbm>>
    %dma_start3A_147 = tpu.memref_slice %arg2[%add3A_145] : memref<524288xi32, #tpu.memory_space<hbm>> -> memref<2048xi32, #tpu.memory_space<hbm>>
    tpu.enqueue_dma source(%dma_start3A_147 : memref<2048xi32, #tpu.memory_space<hbm>>) target(%arg4 : memref<2048xi32, #tpu.memory_space<vmem>>) target_semaphore(%arg8 : memref<!tpu.dma_semaphore, #tpu.memory_space<semaphore_mem>>)
    %dma_wait3A_148 = tpu.memref_slice %arg2[%add3A_135] : memref<524288xi32, #tpu.memory_space<hbm>> -> memref<2048xi32, #tpu.memory_space<hbm>>
    %dma_wait3A_149 = tpu.memref_slice %arg2[%add3A_135] : memref<524288xi32, #tpu.memory_space<hbm>> -> memref<2048xi32, #tpu.memory_space<hbm>>
    tpu.wait_dma2 semaphore(%arg9 : memref<!tpu.dma_semaphore, #tpu.memory_space<semaphore_mem>>) src(%dma_wait3A_149 : memref<2048xi32, #tpu.memory_space<hbm>>) dst(%arg5 : memref<2048xi32, #tpu.memory_space<vmem>>)
    %scan3A_150 = arith.constant 0 : i32
    %scan3A_151 = arith.constant 0 : i32
    %scan3A_152 = arith.constant 16 : i32
    %scan3A_153 = arith.addi %scan3A_151, %scan3A_152 : i32
    %scan3A_154 = arith.constant 1 : i32
    scf.for %scan3A_385 = %scan3A_151 to %scan3A_153 step %scan3A_154  : i32 {
      %mul3A_386 = arith.constant 128 : i32
      %mul3A_387 = arith.muli %scan3A_385, %mul3A_386 : i32
      %add3A_388 = arith.constant 0 : i32
      %add3A_389 = arith.addi %mul3A_387, %add3A_388 : i32
      %get3A_390 = arith.index_cast %add3A_389 : i32 to index
      %get3A_391 = tpu.vector_load %arg5[%get3A_390] {strides = array<i32>} : memref<2048xi32, #tpu.memory_space<vmem>>, vector<16xi32>,
      %mul3A_392 = arith.constant 128 : i32
      %mul3A_393 = arith.muli %scan3A_385, %mul3A_392 : i32
      %add3A_394 = arith.constant 0 : i32
      %add3A_395 = arith.addi %mul3A_393, %add3A_394 : i32
      %add3A_396 = arith.constant 16 : i32
      %add3A_397 = arith.addi %add3A_395, %add3A_396 : i32
      %get3A_398 = arith.index_cast %add3A_397 : i32 to index
      %get3A_399 = tpu.vector_load %arg5[%get3A_398] {strides = array<i32>} : memref<2048xi32, #tpu.memory_space<vmem>>, vector<16xi32>,
      %sub3A = arith.constant 320017171 : i32
      %sub3A_400 = vector.broadcast %sub3A : i32 to vector<16xi32>
      %sub3A_401 = arith.subi %get3A_391, %sub3A_400 : vector<16xi32>
      %not3A = arith.constant dense<-1> : vector<16xi32>
      %not3A_402 = arith.xori %get3A_391, %not3A : vector<16xi32>
      %and3A = arith.andi %sub3A_401, %not3A_402 : vector<16xi32>
      %and3A_403 = arith.constant -2139062144 : i32
      %and3A_404 = vector.broadcast %and3A_403 : i32 to vector<16xi32>
      %and3A_405 = arith.andi %and3A, %and3A_404 : vector<16xi32>
      %sub3A_406 = arith.constant 320017171 : i32
      %sub3A_407 = vector.broadcast %sub3A_406 : i32 to vector<16xi32>
      %sub3A_408 = arith.subi %get3A_399, %sub3A_407 : vector<16xi32>
      %not3A_409 = arith.constant dense<-1> : vector<16xi32>
      %not3A_410 = arith.xori %get3A_399, %not3A_409 : vector<16xi32>
      %and3A_411 = arith.andi %sub3A_408, %not3A_410 : vector<16xi32>
      %and3A_412 = arith.constant -2139062144 : i32
      %and3A_413 = vector.broadcast %and3A_412 : i32 to vector<16xi32>
      %and3A_414 = arith.andi %and3A_411, %and3A_413 : vector<16xi32>
      %or3A = arith.ori %and3A_405, %and3A_414 : vector<16xi32>
      %ne3A = arith.constant 0 : i32
      %ne3A_415 = vector.broadcast %ne3A : i32 to vector<16xi32>
      %ne3A_416 = arith.cmpi ne, %or3A, %ne3A_415 : vector<16xi32>
      %jit3A = arith.constant 1 : i32
      %jit3A_417 = arith.constant 0 : i32
      %broadcast_in_dim3A_418 = vector.broadcast %jit3A : i32 to vector<16xi32>
      %broadcast_in_dim3A_419 = vector.broadcast %jit3A_417 : i32 to vector<16xi32>
      %select_n3A = arith.select %ne3A_416, %broadcast_in_dim3A_418, %broadcast_in_dim3A_419 : vector<16xi1>, vector<16xi32>
      %reduce_sum3A = arith.constant true
      %reduce_sum3A_420 = vector.broadcast %reduce_sum3A : i1 to vector<16xi1>
      %reduce_sum3A_421 = tpu.scan <sum>, %select_n3A masked %reduce_sum3A_420 : vector<16xi32>, vector<16xi1> -> vector<16xi32>
      %reduce_sum3A_422 = vector.extract %reduce_sum3A_421[15] : i32 from vector<16xi32>
      %mul3A_423 = arith.constant 128 : i32
      %mul3A_424 = arith.muli %scan3A_385, %mul3A_423 : i32
      %add3A_425 = arith.constant 32 : i32
      %add3A_426 = arith.addi %mul3A_424, %add3A_425 : i32
      %get3A_427 = arith.index_cast %add3A_426 : i32 to index
      %get3A_428 = tpu.vector_load %arg5[%get3A_427] {strides = array<i32>} : memref<2048xi32, #tpu.memory_space<vmem>>, vector<16xi32>,
      %mul3A_429 = arith.constant 128 : i32
      %mul3A_430 = arith.muli %scan3A_385, %mul3A_429 : i32
      %add3A_431 = arith.constant 32 : i32
      %add3A_432 = arith.addi %mul3A_430, %add3A_431 : i32
      %add3A_433 = arith.constant 16 : i32
      %add3A_434 = arith.addi %add3A_432, %add3A_433 : i32
      %get3A_435 = arith.index_cast %add3A_434 : i32 to index
      %get3A_436 = tpu.vector_load %arg5[%get3A_435] {strides = array<i32>} : memref<2048xi32, #tpu.memory_space<vmem>>, vector<16xi32>,
      %sub3A_437 = arith.constant 320017171 : i32
      %sub3A_438 = vector.broadcast %sub3A_437 : i32 to vector<16xi32>
      %sub3A_439 = arith.subi %get3A_428, %sub3A_438 : vector<16xi32>
      %not3A_440 = arith.constant dense<-1> : vector<16xi32>
      %not3A_441 = arith.xori %get3A_428, %not3A_440 : vector<16xi32>
      %and3A_442 = arith.andi %sub3A_439, %not3A_441 : vector<16xi32>
      %and3A_443 = arith.constant -2139062144 : i32
      %and3A_444 = vector.broadcast %and3A_443 : i32 to vector<16xi32>
      %and3A_445 = arith.andi %and3A_442, %and3A_444 : vector<16xi32>
      %sub3A_446 = arith.constant 320017171 : i32
      %sub3A_447 = vector.broadcast %sub3A_446 : i32 to vector<16xi32>
      %sub3A_448 = arith.subi %get3A_436, %sub3A_447 : vector<16xi32>
      %not3A_449 = arith.constant dense<-1> : vector<16xi32>
      %not3A_450 = arith.xori %get3A_436, %not3A_449 : vector<16xi32>
      %and3A_451 = arith.andi %sub3A_448, %not3A_450 : vector<16xi32>
      %and3A_452 = arith.constant -2139062144 : i32
      %and3A_453 = vector.broadcast %and3A_452 : i32 to vector<16xi32>
      %and3A_454 = arith.andi %and3A_451, %and3A_453 : vector<16xi32>
      %or3A_455 = arith.ori %and3A_445, %and3A_454 : vector<16xi32>
      %ne3A_456 = arith.constant 0 : i32
      %ne3A_457 = vector.broadcast %ne3A_456 : i32 to vector<16xi32>
      %ne3A_458 = arith.cmpi ne, %or3A_455, %ne3A_457 : vector<16xi32>
      %jit3A_459 = arith.constant 1 : i32
      %jit3A_460 = arith.constant 0 : i32
      %broadcast_in_dim3A_461 = vector.broadcast %jit3A_459 : i32 to vector<16xi32>
      %broadcast_in_dim3A_462 = vector.broadcast %jit3A_460 : i32 to vector<16xi32>
      %select_n3A_463 = arith.select %ne3A_458, %broadcast_in_dim3A_461, %broadcast_in_dim3A_462 : vector<16xi1>, vector<16xi32>
      %reduce_sum3A_464 = arith.constant true
      %reduce_sum3A_465 = vector.broadcast %reduce_sum3A_464 : i1 to vector<16xi1>
      %reduce_sum3A_466 = tpu.scan <sum>, %select_n3A_463 masked %reduce_sum3A_465 : vector<16xi32>, vector<16xi1> -> vector<16xi32>
      %reduce_sum3A_467 = vector.extract %reduce_sum3A_466[15] : i32 from vector<16xi32>
      %mul3A_468 = arith.constant 128 : i32
      %mul3A_469 = arith.muli %scan3A_385, %mul3A_468 : i32
      %add3A_470 = arith.constant 64 : i32
      %add3A_471 = arith.addi %mul3A_469, %add3A_470 : i32
      %get3A_472 = arith.index_cast %add3A_471 : i32 to index
      %get3A_473 = tpu.vector_load %arg5[%get3A_472] {strides = array<i32>} : memref<2048xi32, #tpu.memory_space<vmem>>, vector<16xi32>,
      %mul3A_474 = arith.constant 128 : i32
      %mul3A_475 = arith.muli %scan3A_385, %mul3A_474 : i32
      %add3A_476 = arith.constant 64 : i32
      %add3A_477 = arith.addi %mul3A_475, %add3A_476 : i32
      %add3A_478 = arith.constant 16 : i32
      %add3A_479 = arith.addi %add3A_477, %add3A_478 : i32
      %get3A_480 = arith.index_cast %add3A_479 : i32 to index
      %get3A_481 = tpu.vector_load %arg5[%get3A_480] {strides = array<i32>} : memref<2048xi32, #tpu.memory_space<vmem>>, vector<16xi32>,
      %sub3A_482 = arith.constant 320017171 : i32
      %sub3A_483 = vector.broadcast %sub3A_482 : i32 to vector<16xi32>
      %sub3A_484 = arith.subi %get3A_473, %sub3A_483 : vector<16xi32>
      %not3A_485 = arith.constant dense<-1> : vector<16xi32>
      %not3A_486 = arith.xori %get3A_473, %not3A_485 : vector<16xi32>
      %and3A_487 = arith.andi %sub3A_484, %not3A_486 : vector<16xi32>
      %and3A_488 = arith.constant -2139062144 : i32
      %and3A_489 = vector.broadcast %and3A_488 : i32 to vector<16xi32>
      %and3A_490 = arith.andi %and3A_487, %and3A_489 : vector<16xi32>
      %sub3A_491 = arith.constant 320017171 : i32
      %sub3A_492 = vector.broadcast %sub3A_491 : i32 to vector<16xi32>
      %sub3A_493 = arith.subi %get3A_481, %sub3A_492 : vector<16xi32>
      %not3A_494 = arith.constant dense<-1> : vector<16xi32>
      %not3A_495 = arith.xori %get3A_481, %not3A_494 : vector<16xi32>
      %and3A_496 = arith.andi %sub3A_493, %not3A_495 : vector<16xi32>
      %and3A_497 = arith.constant -2139062144 : i32
      %and3A_498 = vector.broadcast %and3A_497 : i32 to vector<16xi32>
      %and3A_499 = arith.andi %and3A_496, %and3A_498 : vector<16xi32>
      %or3A_500 = arith.ori %and3A_490, %and3A_499 : vector<16xi32>
      %ne3A_501 = arith.constant 0 : i32
      %ne3A_502 = vector.broadcast %ne3A_501 : i32 to vector<16xi32>
      %ne3A_503 = arith.cmpi ne, %or3A_500, %ne3A_502 : vector<16xi32>
      %jit3A_504 = arith.constant 1 : i32
      %jit3A_505 = arith.constant 0 : i32
      %broadcast_in_dim3A_506 = vector.broadcast %jit3A_504 : i32 to vector<16xi32>
      %broadcast_in_dim3A_507 = vector.broadcast %jit3A_505 : i32 to vector<16xi32>
      %select_n3A_508 = arith.select %ne3A_503, %broadcast_in_dim3A_506, %broadcast_in_dim3A_507 : vector<16xi1>, vector<16xi32>
      %reduce_sum3A_509 = arith.constant true
      %reduce_sum3A_510 = vector.broadcast %reduce_sum3A_509 : i1 to vector<16xi1>
      %reduce_sum3A_511 = tpu.scan <sum>, %select_n3A_508 masked %reduce_sum3A_510 : vector<16xi32>, vector<16xi1> -> vector<16xi32>
      %reduce_sum3A_512 = vector.extract %reduce_sum3A_511[15] : i32 from vector<16xi32>
      %mul3A_513 = arith.constant 128 : i32
      %mul3A_514 = arith.muli %scan3A_385, %mul3A_513 : i32
      %add3A_515 = arith.constant 96 : i32
      %add3A_516 = arith.addi %mul3A_514, %add3A_515 : i32
      %get3A_517 = arith.index_cast %add3A_516 : i32 to index
      %get3A_518 = tpu.vector_load %arg5[%get3A_517] {strides = array<i32>} : memref<2048xi32, #tpu.memory_space<vmem>>, vector<16xi32>,
      %mul3A_519 = arith.constant 128 : i32
      %mul3A_520 = arith.muli %scan3A_385, %mul3A_519 : i32
      %add3A_521 = arith.constant 96 : i32
      %add3A_522 = arith.addi %mul3A_520, %add3A_521 : i32
      %add3A_523 = arith.constant 16 : i32
      %add3A_524 = arith.addi %add3A_522, %add3A_523 : i32
      %get3A_525 = arith.index_cast %add3A_524 : i32 to index
      %get3A_526 = tpu.vector_load %arg5[%get3A_525] {strides = array<i32>} : memref<2048xi32, #tpu.memory_space<vmem>>, vector<16xi32>,
      %sub3A_527 = arith.constant 320017171 : i32
      %sub3A_528 = vector.broadcast %sub3A_527 : i32 to vector<16xi32>
      %sub3A_529 = arith.subi %get3A_518, %sub3A_528 : vector<16xi32>
      %not3A_530 = arith.constant dense<-1> : vector<16xi32>
      %not3A_531 = arith.xori %get3A_518, %not3A_530 : vector<16xi32>
      %and3A_532 = arith.andi %sub3A_529, %not3A_531 : vector<16xi32>
      %and3A_533 = arith.constant -2139062144 : i32
      %and3A_534 = vector.broadcast %and3A_533 : i32 to vector<16xi32>
      %and3A_535 = arith.andi %and3A_532, %and3A_534 : vector<16xi32>
      %sub3A_536 = arith.constant 320017171 : i32
      %sub3A_537 = vector.broadcast %sub3A_536 : i32 to vector<16xi32>
      %sub3A_538 = arith.subi %get3A_526, %sub3A_537 : vector<16xi32>
      %not3A_539 = arith.constant dense<-1> : vector<16xi32>
      %not3A_540 = arith.xori %get3A_526, %not3A_539 : vector<16xi32>
      %and3A_541 = arith.andi %sub3A_538, %not3A_540 : vector<16xi32>
      %and3A_542 = arith.constant -2139062144 : i32
      %and3A_543 = vector.broadcast %and3A_542 : i32 to vector<16xi32>
      %and3A_544 = arith.andi %and3A_541, %and3A_543 : vector<16xi32>
      %or3A_545 = arith.ori %and3A_535, %and3A_544 : vector<16xi32>
      %ne3A_546 = arith.constant 0 : i32
      %ne3A_547 = vector.broadcast %ne3A_546 : i32 to vector<16xi32>
      %ne3A_548 = arith.cmpi ne, %or3A_545, %ne3A_547 : vector<16xi32>
      %jit3A_549 = arith.constant 1 : i32
      %jit3A_550 = arith.constant 0 : i32
      %broadcast_in_dim3A_551 = vector.broadcast %jit3A_549 : i32 to vector<16xi32>
      %broadcast_in_dim3A_552 = vector.broadcast %jit3A_550 : i32 to vector<16xi32>
      %select_n3A_553 = arith.select %ne3A_548, %broadcast_in_dim3A_551, %broadcast_in_dim3A_552 : vector<16xi1>, vector<16xi32>
      %reduce_sum3A_554 = arith.constant true
      %reduce_sum3A_555 = vector.broadcast %reduce_sum3A_554 : i1 to vector<16xi1>
      %reduce_sum3A_556 = tpu.scan <sum>, %select_n3A_553 masked %reduce_sum3A_555 : vector<16xi32>, vector<16xi1> -> vector<16xi32>
      %reduce_sum3A_557 = vector.extract %reduce_sum3A_556[15] : i32 from vector<16xi32>
      %gt3A = arith.constant 0 : i32
      %gt3A_558 = arith.cmpi sgt, %reduce_sum3A_422, %gt3A : i32
      %convert_element_type3A = arith.extui %gt3A_558 : i1 to i32
      %cond3A = arith.constant 0 : i32
      %cond3A_559 = arith.cmpi ne, %convert_element_type3A, %cond3A : i32
      scf.if %cond3A_559 {
        %shift_right_logical3A = arith.constant 0 : i32
        %shift_right_logical3A_575 = vector.broadcast %shift_right_logical3A : i32 to vector<16xi32>
        %shift_right_logical3A_576 = arith.shrui %get3A_391, %shift_right_logical3A_575 : vector<16xi32>
        %and3A_577 = arith.constant 255 : i32
        %and3A_578 = vector.broadcast %and3A_577 : i32 to vector<16xi32>
        %and3A_579 = arith.andi %shift_right_logical3A_576, %and3A_578 : vector<16xi32>
        %lt3A = arith.constant 19 : i32
        %lt3A_580 = vector.broadcast %lt3A : i32 to vector<16xi32>
        %lt3A_581 = arith.cmpi slt, %and3A_579, %lt3A_580 : vector<16xi32>
        tpu.vector_store_idx %arg6[%iota3A, %and3A_579], %broadcast_in_dim3A_130 masked %lt3A_581 {add = true} : memref<16x32xf32, #tpu.memory_space<vmem>>[vector<16xi32>, vector<16xi32>], vector<16xf32>, vector<16xi1>
        %shift_right_logical3A_582 = arith.constant 8 : i32
        %shift_right_logical3A_583 = vector.broadcast %shift_right_logical3A_582 : i32 to vector<16xi32>
        %shift_right_logical3A_584 = arith.shrui %get3A_391, %shift_right_logical3A_583 : vector<16xi32>
        %and3A_585 = arith.constant 255 : i32
        %and3A_586 = vector.broadcast %and3A_585 : i32 to vector<16xi32>
        %and3A_587 = arith.andi %shift_right_logical3A_584, %and3A_586 : vector<16xi32>
        %lt3A_588 = arith.constant 19 : i32
        %lt3A_589 = vector.broadcast %lt3A_588 : i32 to vector<16xi32>
        %lt3A_590 = arith.cmpi slt, %and3A_587, %lt3A_589 : vector<16xi32>
        tpu.vector_store_idx %arg6[%iota3A, %and3A_587], %broadcast_in_dim3A_130 masked %lt3A_590 {add = true} : memref<16x32xf32, #tpu.memory_space<vmem>>[vector<16xi32>, vector<16xi32>], vector<16xf32>, vector<16xi1>
        %shift_right_logical3A_591 = arith.constant 16 : i32
        %shift_right_logical3A_592 = vector.broadcast %shift_right_logical3A_591 : i32 to vector<16xi32>
        %shift_right_logical3A_593 = arith.shrui %get3A_391, %shift_right_logical3A_592 : vector<16xi32>
        %and3A_594 = arith.constant 255 : i32
        %and3A_595 = vector.broadcast %and3A_594 : i32 to vector<16xi32>
        %and3A_596 = arith.andi %shift_right_logical3A_593, %and3A_595 : vector<16xi32>
        %lt3A_597 = arith.constant 19 : i32
        %lt3A_598 = vector.broadcast %lt3A_597 : i32 to vector<16xi32>
        %lt3A_599 = arith.cmpi slt, %and3A_596, %lt3A_598 : vector<16xi32>
        tpu.vector_store_idx %arg6[%iota3A, %and3A_596], %broadcast_in_dim3A_130 masked %lt3A_599 {add = true} : memref<16x32xf32, #tpu.memory_space<vmem>>[vector<16xi32>, vector<16xi32>], vector<16xf32>, vector<16xi1>
        %shift_right_logical3A_600 = arith.constant 24 : i32
        %shift_right_logical3A_601 = vector.broadcast %shift_right_logical3A_600 : i32 to vector<16xi32>
        %shift_right_logical3A_602 = arith.shrui %get3A_391, %shift_right_logical3A_601 : vector<16xi32>
        %and3A_603 = arith.constant 255 : i32
        %and3A_604 = vector.broadcast %and3A_603 : i32 to vector<16xi32>
        %and3A_605 = arith.andi %shift_right_logical3A_602, %and3A_604 : vector<16xi32>
        %lt3A_606 = arith.constant 19 : i32
        %lt3A_607 = vector.broadcast %lt3A_606 : i32 to vector<16xi32>
        %lt3A_608 = arith.cmpi slt, %and3A_605, %lt3A_607 : vector<16xi32>
        tpu.vector_store_idx %arg6[%iota3A, %and3A_605], %broadcast_in_dim3A_130 masked %lt3A_608 {add = true} : memref<16x32xf32, #tpu.memory_space<vmem>>[vector<16xi32>, vector<16xi32>], vector<16xf32>, vector<16xi1>
        %shift_right_logical3A_609 = arith.constant 0 : i32
        %shift_right_logical3A_610 = vector.broadcast %shift_right_logical3A_609 : i32 to vector<16xi32>
        %shift_right_logical3A_611 = arith.shrui %get3A_399, %shift_right_logical3A_610 : vector<16xi32>
        %and3A_612 = arith.constant 255 : i32
        %and3A_613 = vector.broadcast %and3A_612 : i32 to vector<16xi32>
        %and3A_614 = arith.andi %shift_right_logical3A_611, %and3A_613 : vector<16xi32>
        %lt3A_615 = arith.constant 19 : i32
        %lt3A_616 = vector.broadcast %lt3A_615 : i32 to vector<16xi32>
        %lt3A_617 = arith.cmpi slt, %and3A_614, %lt3A_616 : vector<16xi32>
        tpu.vector_store_idx %arg6[%iota3A, %and3A_614], %broadcast_in_dim3A_130 masked %lt3A_617 {add = true} : memref<16x32xf32, #tpu.memory_space<vmem>>[vector<16xi32>, vector<16xi32>], vector<16xf32>, vector<16xi1>
        %shift_right_logical3A_618 = arith.constant 8 : i32
        %shift_right_logical3A_619 = vector.broadcast %shift_right_logical3A_618 : i32 to vector<16xi32>
        %shift_right_logical3A_620 = arith.shrui %get3A_399, %shift_right_logical3A_619 : vector<16xi32>
        %and3A_621 = arith.constant 255 : i32
        %and3A_622 = vector.broadcast %and3A_621 : i32 to vector<16xi32>
        %and3A_623 = arith.andi %shift_right_logical3A_620, %and3A_622 : vector<16xi32>
        %lt3A_624 = arith.constant 19 : i32
        %lt3A_625 = vector.broadcast %lt3A_624 : i32 to vector<16xi32>
        %lt3A_626 = arith.cmpi slt, %and3A_623, %lt3A_625 : vector<16xi32>
        tpu.vector_store_idx %arg6[%iota3A, %and3A_623], %broadcast_in_dim3A_130 masked %lt3A_626 {add = true} : memref<16x32xf32, #tpu.memory_space<vmem>>[vector<16xi32>, vector<16xi32>], vector<16xf32>, vector<16xi1>
        %shift_right_logical3A_627 = arith.constant 16 : i32
        %shift_right_logical3A_628 = vector.broadcast %shift_right_logical3A_627 : i32 to vector<16xi32>
        %shift_right_logical3A_629 = arith.shrui %get3A_399, %shift_right_logical3A_628 : vector<16xi32>
        %and3A_630 = arith.constant 255 : i32
        %and3A_631 = vector.broadcast %and3A_630 : i32 to vector<16xi32>
        %and3A_632 = arith.andi %shift_right_logical3A_629, %and3A_631 : vector<16xi32>
        %lt3A_633 = arith.constant 19 : i32
        %lt3A_634 = vector.broadcast %lt3A_633 : i32 to vector<16xi32>
        %lt3A_635 = arith.cmpi slt, %and3A_632, %lt3A_634 : vector<16xi32>
        tpu.vector_store_idx %arg6[%iota3A, %and3A_632], %broadcast_in_dim3A_130 masked %lt3A_635 {add = true} : memref<16x32xf32, #tpu.memory_space<vmem>>[vector<16xi32>, vector<16xi32>], vector<16xf32>, vector<16xi1>
        %shift_right_logical3A_636 = arith.constant 24 : i32
        %shift_right_logical3A_637 = vector.broadcast %shift_right_logical3A_636 : i32 to vector<16xi32>
        %shift_right_logical3A_638 = arith.shrui %get3A_399, %shift_right_logical3A_637 : vector<16xi32>
        %and3A_639 = arith.constant 255 : i32
        %and3A_640 = vector.broadcast %and3A_639 : i32 to vector<16xi32>
        %and3A_641 = arith.andi %shift_right_logical3A_638, %and3A_640 : vector<16xi32>
        %lt3A_642 = arith.constant 19 : i32
        %lt3A_643 = vector.broadcast %lt3A_642 : i32 to vector<16xi32>
        %lt3A_644 = arith.cmpi slt, %and3A_641, %lt3A_643 : vector<16xi32>
        tpu.vector_store_idx %arg6[%iota3A, %and3A_641], %broadcast_in_dim3A_130 masked %lt3A_644 {add = true} : memref<16x32xf32, #tpu.memory_space<vmem>>[vector<16xi32>, vector<16xi32>], vector<16xf32>, vector<16xi1>
      } else {
      }
      %gt3A_560 = arith.constant 0 : i32
      %gt3A_561 = arith.cmpi sgt, %reduce_sum3A_467, %gt3A_560 : i32
      %convert_element_type3A_562 = arith.extui %gt3A_561 : i1 to i32
      %cond3A_563 = arith.constant 0 : i32
      %cond3A_564 = arith.cmpi ne, %convert_element_type3A_562, %cond3A_563 : i32
      scf.if %cond3A_564 {
        %shift_right_logical3A = arith.constant 0 : i32
        %shift_right_logical3A_575 = vector.broadcast %shift_right_logical3A : i32 to vector<16xi32>
        %shift_right_logical3A_576 = arith.shrui %get3A_428, %shift_right_logical3A_575 : vector<16xi32>
        %and3A_577 = arith.constant 255 : i32
        %and3A_578 = vector.broadcast %and3A_577 : i32 to vector<16xi32>
        %and3A_579 = arith.andi %shift_right_logical3A_576, %and3A_578 : vector<16xi32>
        %lt3A = arith.constant 19 : i32
        %lt3A_580 = vector.broadcast %lt3A : i32 to vector<16xi32>
        %lt3A_581 = arith.cmpi slt, %and3A_579, %lt3A_580 : vector<16xi32>
        tpu.vector_store_idx %arg6[%iota3A, %and3A_579], %broadcast_in_dim3A_130 masked %lt3A_581 {add = true} : memref<16x32xf32, #tpu.memory_space<vmem>>[vector<16xi32>, vector<16xi32>], vector<16xf32>, vector<16xi1>
        %shift_right_logical3A_582 = arith.constant 8 : i32
        %shift_right_logical3A_583 = vector.broadcast %shift_right_logical3A_582 : i32 to vector<16xi32>
        %shift_right_logical3A_584 = arith.shrui %get3A_428, %shift_right_logical3A_583 : vector<16xi32>
        %and3A_585 = arith.constant 255 : i32
        %and3A_586 = vector.broadcast %and3A_585 : i32 to vector<16xi32>
        %and3A_587 = arith.andi %shift_right_logical3A_584, %and3A_586 : vector<16xi32>
        %lt3A_588 = arith.constant 19 : i32
        %lt3A_589 = vector.broadcast %lt3A_588 : i32 to vector<16xi32>
        %lt3A_590 = arith.cmpi slt, %and3A_587, %lt3A_589 : vector<16xi32>
        tpu.vector_store_idx %arg6[%iota3A, %and3A_587], %broadcast_in_dim3A_130 masked %lt3A_590 {add = true} : memref<16x32xf32, #tpu.memory_space<vmem>>[vector<16xi32>, vector<16xi32>], vector<16xf32>, vector<16xi1>
        %shift_right_logical3A_591 = arith.constant 16 : i32
        %shift_right_logical3A_592 = vector.broadcast %shift_right_logical3A_591 : i32 to vector<16xi32>
        %shift_right_logical3A_593 = arith.shrui %get3A_428, %shift_right_logical3A_592 : vector<16xi32>
        %and3A_594 = arith.constant 255 : i32
        %and3A_595 = vector.broadcast %and3A_594 : i32 to vector<16xi32>
        %and3A_596 = arith.andi %shift_right_logical3A_593, %and3A_595 : vector<16xi32>
        %lt3A_597 = arith.constant 19 : i32
        %lt3A_598 = vector.broadcast %lt3A_597 : i32 to vector<16xi32>
        %lt3A_599 = arith.cmpi slt, %and3A_596, %lt3A_598 : vector<16xi32>
        tpu.vector_store_idx %arg6[%iota3A, %and3A_596], %broadcast_in_dim3A_130 masked %lt3A_599 {add = true} : memref<16x32xf32, #tpu.memory_space<vmem>>[vector<16xi32>, vector<16xi32>], vector<16xf32>, vector<16xi1>
        %shift_right_logical3A_600 = arith.constant 24 : i32
        %shift_right_logical3A_601 = vector.broadcast %shift_right_logical3A_600 : i32 to vector<16xi32>
        %shift_right_logical3A_602 = arith.shrui %get3A_428, %shift_right_logical3A_601 : vector<16xi32>
        %and3A_603 = arith.constant 255 : i32
        %and3A_604 = vector.broadcast %and3A_603 : i32 to vector<16xi32>
        %and3A_605 = arith.andi %shift_right_logical3A_602, %and3A_604 : vector<16xi32>
        %lt3A_606 = arith.constant 19 : i32
        %lt3A_607 = vector.broadcast %lt3A_606 : i32 to vector<16xi32>
        %lt3A_608 = arith.cmpi slt, %and3A_605, %lt3A_607 : vector<16xi32>
        tpu.vector_store_idx %arg6[%iota3A, %and3A_605], %broadcast_in_dim3A_130 masked %lt3A_608 {add = true} : memref<16x32xf32, #tpu.memory_space<vmem>>[vector<16xi32>, vector<16xi32>], vector<16xf32>, vector<16xi1>
        %shift_right_logical3A_609 = arith.constant 0 : i32
        %shift_right_logical3A_610 = vector.broadcast %shift_right_logical3A_609 : i32 to vector<16xi32>
        %shift_right_logical3A_611 = arith.shrui %get3A_436, %shift_right_logical3A_610 : vector<16xi32>
        %and3A_612 = arith.constant 255 : i32
        %and3A_613 = vector.broadcast %and3A_612 : i32 to vector<16xi32>
        %and3A_614 = arith.andi %shift_right_logical3A_611, %and3A_613 : vector<16xi32>
        %lt3A_615 = arith.constant 19 : i32
        %lt3A_616 = vector.broadcast %lt3A_615 : i32 to vector<16xi32>
        %lt3A_617 = arith.cmpi slt, %and3A_614, %lt3A_616 : vector<16xi32>
        tpu.vector_store_idx %arg6[%iota3A, %and3A_614], %broadcast_in_dim3A_130 masked %lt3A_617 {add = true} : memref<16x32xf32, #tpu.memory_space<vmem>>[vector<16xi32>, vector<16xi32>], vector<16xf32>, vector<16xi1>
        %shift_right_logical3A_618 = arith.constant 8 : i32
        %shift_right_logical3A_619 = vector.broadcast %shift_right_logical3A_618 : i32 to vector<16xi32>
        %shift_right_logical3A_620 = arith.shrui %get3A_436, %shift_right_logical3A_619 : vector<16xi32>
        %and3A_621 = arith.constant 255 : i32
        %and3A_622 = vector.broadcast %and3A_621 : i32 to vector<16xi32>
        %and3A_623 = arith.andi %shift_right_logical3A_620, %and3A_622 : vector<16xi32>
        %lt3A_624 = arith.constant 19 : i32
        %lt3A_625 = vector.broadcast %lt3A_624 : i32 to vector<16xi32>
        %lt3A_626 = arith.cmpi slt, %and3A_623, %lt3A_625 : vector<16xi32>
        tpu.vector_store_idx %arg6[%iota3A, %and3A_623], %broadcast_in_dim3A_130 masked %lt3A_626 {add = true} : memref<16x32xf32, #tpu.memory_space<vmem>>[vector<16xi32>, vector<16xi32>], vector<16xf32>, vector<16xi1>
        %shift_right_logical3A_627 = arith.constant 16 : i32
        %shift_right_logical3A_628 = vector.broadcast %shift_right_logical3A_627 : i32 to vector<16xi32>
        %shift_right_logical3A_629 = arith.shrui %get3A_436, %shift_right_logical3A_628 : vector<16xi32>
        %and3A_630 = arith.constant 255 : i32
        %and3A_631 = vector.broadcast %and3A_630 : i32 to vector<16xi32>
        %and3A_632 = arith.andi %shift_right_logical3A_629, %and3A_631 : vector<16xi32>
        %lt3A_633 = arith.constant 19 : i32
        %lt3A_634 = vector.broadcast %lt3A_633 : i32 to vector<16xi32>
        %lt3A_635 = arith.cmpi slt, %and3A_632, %lt3A_634 : vector<16xi32>
        tpu.vector_store_idx %arg6[%iota3A, %and3A_632], %broadcast_in_dim3A_130 masked %lt3A_635 {add = true} : memref<16x32xf32, #tpu.memory_space<vmem>>[vector<16xi32>, vector<16xi32>], vector<16xf32>, vector<16xi1>
        %shift_right_logical3A_636 = arith.constant 24 : i32
        %shift_right_logical3A_637 = vector.broadcast %shift_right_logical3A_636 : i32 to vector<16xi32>
        %shift_right_logical3A_638 = arith.shrui %get3A_436, %shift_right_logical3A_637 : vector<16xi32>
        %and3A_639 = arith.constant 255 : i32
        %and3A_640 = vector.broadcast %and3A_639 : i32 to vector<16xi32>
        %and3A_641 = arith.andi %shift_right_logical3A_638, %and3A_640 : vector<16xi32>
        %lt3A_642 = arith.constant 19 : i32
        %lt3A_643 = vector.broadcast %lt3A_642 : i32 to vector<16xi32>
        %lt3A_644 = arith.cmpi slt, %and3A_641, %lt3A_643 : vector<16xi32>
        tpu.vector_store_idx %arg6[%iota3A, %and3A_641], %broadcast_in_dim3A_130 masked %lt3A_644 {add = true} : memref<16x32xf32, #tpu.memory_space<vmem>>[vector<16xi32>, vector<16xi32>], vector<16xf32>, vector<16xi1>
      } else {
      }
      %gt3A_565 = arith.constant 0 : i32
      %gt3A_566 = arith.cmpi sgt, %reduce_sum3A_512, %gt3A_565 : i32
      %convert_element_type3A_567 = arith.extui %gt3A_566 : i1 to i32
      %cond3A_568 = arith.constant 0 : i32
      %cond3A_569 = arith.cmpi ne, %convert_element_type3A_567, %cond3A_568 : i32
      scf.if %cond3A_569 {
        %shift_right_logical3A = arith.constant 0 : i32
        %shift_right_logical3A_575 = vector.broadcast %shift_right_logical3A : i32 to vector<16xi32>
        %shift_right_logical3A_576 = arith.shrui %get3A_473, %shift_right_logical3A_575 : vector<16xi32>
        %and3A_577 = arith.constant 255 : i32
        %and3A_578 = vector.broadcast %and3A_577 : i32 to vector<16xi32>
        %and3A_579 = arith.andi %shift_right_logical3A_576, %and3A_578 : vector<16xi32>
        %lt3A = arith.constant 19 : i32
        %lt3A_580 = vector.broadcast %lt3A : i32 to vector<16xi32>
        %lt3A_581 = arith.cmpi slt, %and3A_579, %lt3A_580 : vector<16xi32>
        tpu.vector_store_idx %arg6[%iota3A, %and3A_579], %broadcast_in_dim3A_130 masked %lt3A_581 {add = true} : memref<16x32xf32, #tpu.memory_space<vmem>>[vector<16xi32>, vector<16xi32>], vector<16xf32>, vector<16xi1>
        %shift_right_logical3A_582 = arith.constant 8 : i32
        %shift_right_logical3A_583 = vector.broadcast %shift_right_logical3A_582 : i32 to vector<16xi32>
        %shift_right_logical3A_584 = arith.shrui %get3A_473, %shift_right_logical3A_583 : vector<16xi32>
        %and3A_585 = arith.constant 255 : i32
        %and3A_586 = vector.broadcast %and3A_585 : i32 to vector<16xi32>
        %and3A_587 = arith.andi %shift_right_logical3A_584, %and3A_586 : vector<16xi32>
        %lt3A_588 = arith.constant 19 : i32
        %lt3A_589 = vector.broadcast %lt3A_588 : i32 to vector<16xi32>
        %lt3A_590 = arith.cmpi slt, %and3A_587, %lt3A_589 : vector<16xi32>
        tpu.vector_store_idx %arg6[%iota3A, %and3A_587], %broadcast_in_dim3A_130 masked %lt3A_590 {add = true} : memref<16x32xf32, #tpu.memory_space<vmem>>[vector<16xi32>, vector<16xi32>], vector<16xf32>, vector<16xi1>
        %shift_right_logical3A_591 = arith.constant 16 : i32
        %shift_right_logical3A_592 = vector.broadcast %shift_right_logical3A_591 : i32 to vector<16xi32>
        %shift_right_logical3A_593 = arith.shrui %get3A_473, %shift_right_logical3A_592 : vector<16xi32>
        %and3A_594 = arith.constant 255 : i32
        %and3A_595 = vector.broadcast %and3A_594 : i32 to vector<16xi32>
        %and3A_596 = arith.andi %shift_right_logical3A_593, %and3A_595 : vector<16xi32>
        %lt3A_597 = arith.constant 19 : i32
        %lt3A_598 = vector.broadcast %lt3A_597 : i32 to vector<16xi32>
        %lt3A_599 = arith.cmpi slt, %and3A_596, %lt3A_598 : vector<16xi32>
        tpu.vector_store_idx %arg6[%iota3A, %and3A_596], %broadcast_in_dim3A_130 masked %lt3A_599 {add = true} : memref<16x32xf32, #tpu.memory_space<vmem>>[vector<16xi32>, vector<16xi32>], vector<16xf32>, vector<16xi1>
        %shift_right_logical3A_600 = arith.constant 24 : i32
        %shift_right_logical3A_601 = vector.broadcast %shift_right_logical3A_600 : i32 to vector<16xi32>
        %shift_right_logical3A_602 = arith.shrui %get3A_473, %shift_right_logical3A_601 : vector<16xi32>
        %and3A_603 = arith.constant 255 : i32
        %and3A_604 = vector.broadcast %and3A_603 : i32 to vector<16xi32>
        %and3A_605 = arith.andi %shift_right_logical3A_602, %and3A_604 : vector<16xi32>
        %lt3A_606 = arith.constant 19 : i32
        %lt3A_607 = vector.broadcast %lt3A_606 : i32 to vector<16xi32>
        %lt3A_608 = arith.cmpi slt, %and3A_605, %lt3A_607 : vector<16xi32>
        tpu.vector_store_idx %arg6[%iota3A, %and3A_605], %broadcast_in_dim3A_130 masked %lt3A_608 {add = true} : memref<16x32xf32, #tpu.memory_space<vmem>>[vector<16xi32>, vector<16xi32>], vector<16xf32>, vector<16xi1>
        %shift_right_logical3A_609 = arith.constant 0 : i32
        %shift_right_logical3A_610 = vector.broadcast %shift_right_logical3A_609 : i32 to vector<16xi32>
        %shift_right_logical3A_611 = arith.shrui %get3A_481, %shift_right_logical3A_610 : vector<16xi32>
        %and3A_612 = arith.constant 255 : i32
        %and3A_613 = vector.broadcast %and3A_612 : i32 to vector<16xi32>
        %and3A_614 = arith.andi %shift_right_logical3A_611, %and3A_613 : vector<16xi32>
        %lt3A_615 = arith.constant 19 : i32
        %lt3A_616 = vector.broadcast %lt3A_615 : i32 to vector<16xi32>
        %lt3A_617 = arith.cmpi slt, %and3A_614, %lt3A_616 : vector<16xi32>
        tpu.vector_store_idx %arg6[%iota3A, %and3A_614], %broadcast_in_dim3A_130 masked %lt3A_617 {add = true} : memref<16x32xf32, #tpu.memory_space<vmem>>[vector<16xi32>, vector<16xi32>], vector<16xf32>, vector<16xi1>
        %shift_right_logical3A_618 = arith.constant 8 : i32
        %shift_right_logical3A_619 = vector.broadcast %shift_right_logical3A_618 : i32 to vector<16xi32>
        %shift_right_logical3A_620 = arith.shrui %get3A_481, %shift_right_logical3A_619 : vector<16xi32>
        %and3A_621 = arith.constant 255 : i32
        %and3A_622 = vector.broadcast %and3A_621 : i32 to vector<16xi32>
        %and3A_623 = arith.andi %shift_right_logical3A_620, %and3A_622 : vector<16xi32>
        %lt3A_624 = arith.constant 19 : i32
        %lt3A_625 = vector.broadcast %lt3A_624 : i32 to vector<16xi32>
        %lt3A_626 = arith.cmpi slt, %and3A_623, %lt3A_625 : vector<16xi32>
        tpu.vector_store_idx %arg6[%iota3A, %and3A_623], %broadcast_in_dim3A_130 masked %lt3A_626 {add = true} : memref<16x32xf32, #tpu.memory_space<vmem>>[vector<16xi32>, vector<16xi32>], vector<16xf32>, vector<16xi1>
        %shift_right_logical3A_627 = arith.constant 16 : i32
        %shift_right_logical3A_628 = vector.broadcast %shift_right_logical3A_627 : i32 to vector<16xi32>
        %shift_right_logical3A_629 = arith.shrui %get3A_481, %shift_right_logical3A_628 : vector<16xi32>
        %and3A_630 = arith.constant 255 : i32
        %and3A_631 = vector.broadcast %and3A_630 : i32 to vector<16xi32>
        %and3A_632 = arith.andi %shift_right_logical3A_629, %and3A_631 : vector<16xi32>
        %lt3A_633 = arith.constant 19 : i32
        %lt3A_634 = vector.broadcast %lt3A_633 : i32 to vector<16xi32>
        %lt3A_635 = arith.cmpi slt, %and3A_632, %lt3A_634 : vector<16xi32>
        tpu.vector_store_idx %arg6[%iota3A, %and3A_632], %broadcast_in_dim3A_130 masked %lt3A_635 {add = true} : memref<16x32xf32, #tpu.memory_space<vmem>>[vector<16xi32>, vector<16xi32>], vector<16xf32>, vector<16xi1>
        %shift_right_logical3A_636 = arith.constant 24 : i32
        %shift_right_logical3A_637 = vector.broadcast %shift_right_logical3A_636 : i32 to vector<16xi32>
        %shift_right_logical3A_638 = arith.shrui %get3A_481, %shift_right_logical3A_637 : vector<16xi32>
        %and3A_639 = arith.constant 255 : i32
        %and3A_640 = vector.broadcast %and3A_639 : i32 to vector<16xi32>
        %and3A_641 = arith.andi %shift_right_logical3A_638, %and3A_640 : vector<16xi32>
        %lt3A_642 = arith.constant 19 : i32
        %lt3A_643 = vector.broadcast %lt3A_642 : i32 to vector<16xi32>
        %lt3A_644 = arith.cmpi slt, %and3A_641, %lt3A_643 : vector<16xi32>
        tpu.vector_store_idx %arg6[%iota3A, %and3A_641], %broadcast_in_dim3A_130 masked %lt3A_644 {add = true} : memref<16x32xf32, #tpu.memory_space<vmem>>[vector<16xi32>, vector<16xi32>], vector<16xf32>, vector<16xi1>
      } else {
      }
      %gt3A_570 = arith.constant 0 : i32
      %gt3A_571 = arith.cmpi sgt, %reduce_sum3A_557, %gt3A_570 : i32
      %convert_element_type3A_572 = arith.extui %gt3A_571 : i1 to i32
      %cond3A_573 = arith.constant 0 : i32
      %cond3A_574 = arith.cmpi ne, %convert_element_type3A_572, %cond3A_573 : i32
      scf.if %cond3A_574 {
        %shift_right_logical3A = arith.constant 0 : i32
        %shift_right_logical3A_575 = vector.broadcast %shift_right_logical3A : i32 to vector<16xi32>
        %shift_right_logical3A_576 = arith.shrui %get3A_518, %shift_right_logical3A_575 : vector<16xi32>
        %and3A_577 = arith.constant 255 : i32
        %and3A_578 = vector.broadcast %and3A_577 : i32 to vector<16xi32>
        %and3A_579 = arith.andi %shift_right_logical3A_576, %and3A_578 : vector<16xi32>
        %lt3A = arith.constant 19 : i32
        %lt3A_580 = vector.broadcast %lt3A : i32 to vector<16xi32>
        %lt3A_581 = arith.cmpi slt, %and3A_579, %lt3A_580 : vector<16xi32>
        tpu.vector_store_idx %arg6[%iota3A, %and3A_579], %broadcast_in_dim3A_130 masked %lt3A_581 {add = true} : memref<16x32xf32, #tpu.memory_space<vmem>>[vector<16xi32>, vector<16xi32>], vector<16xf32>, vector<16xi1>
        %shift_right_logical3A_582 = arith.constant 8 : i32
        %shift_right_logical3A_583 = vector.broadcast %shift_right_logical3A_582 : i32 to vector<16xi32>
        %shift_right_logical3A_584 = arith.shrui %get3A_518, %shift_right_logical3A_583 : vector<16xi32>
        %and3A_585 = arith.constant 255 : i32
        %and3A_586 = vector.broadcast %and3A_585 : i32 to vector<16xi32>
        %and3A_587 = arith.andi %shift_right_logical3A_584, %and3A_586 : vector<16xi32>
        %lt3A_588 = arith.constant 19 : i32
        %lt3A_589 = vector.broadcast %lt3A_588 : i32 to vector<16xi32>
        %lt3A_590 = arith.cmpi slt, %and3A_587, %lt3A_589 : vector<16xi32>
        tpu.vector_store_idx %arg6[%iota3A, %and3A_587], %broadcast_in_dim3A_130 masked %lt3A_590 {add = true} : memref<16x32xf32, #tpu.memory_space<vmem>>[vector<16xi32>, vector<16xi32>], vector<16xf32>, vector<16xi1>
        %shift_right_logical3A_591 = arith.constant 16 : i32
        %shift_right_logical3A_592 = vector.broadcast %shift_right_logical3A_591 : i32 to vector<16xi32>
        %shift_right_logical3A_593 = arith.shrui %get3A_518, %shift_right_logical3A_592 : vector<16xi32>
        %and3A_594 = arith.constant 255 : i32
        %and3A_595 = vector.broadcast %and3A_594 : i32 to vector<16xi32>
        %and3A_596 = arith.andi %shift_right_logical3A_593, %and3A_595 : vector<16xi32>
        %lt3A_597 = arith.constant 19 : i32
        %lt3A_598 = vector.broadcast %lt3A_597 : i32 to vector<16xi32>
        %lt3A_599 = arith.cmpi slt, %and3A_596, %lt3A_598 : vector<16xi32>
        tpu.vector_store_idx %arg6[%iota3A, %and3A_596], %broadcast_in_dim3A_130 masked %lt3A_599 {add = true} : memref<16x32xf32, #tpu.memory_space<vmem>>[vector<16xi32>, vector<16xi32>], vector<16xf32>, vector<16xi1>
        %shift_right_logical3A_600 = arith.constant 24 : i32
        %shift_right_logical3A_601 = vector.broadcast %shift_right_logical3A_600 : i32 to vector<16xi32>
        %shift_right_logical3A_602 = arith.shrui %get3A_518, %shift_right_logical3A_601 : vector<16xi32>
        %and3A_603 = arith.constant 255 : i32
        %and3A_604 = vector.broadcast %and3A_603 : i32 to vector<16xi32>
        %and3A_605 = arith.andi %shift_right_logical3A_602, %and3A_604 : vector<16xi32>
        %lt3A_606 = arith.constant 19 : i32
        %lt3A_607 = vector.broadcast %lt3A_606 : i32 to vector<16xi32>
        %lt3A_608 = arith.cmpi slt, %and3A_605, %lt3A_607 : vector<16xi32>
        tpu.vector_store_idx %arg6[%iota3A, %and3A_605], %broadcast_in_dim3A_130 masked %lt3A_608 {add = true} : memref<16x32xf32, #tpu.memory_space<vmem>>[vector<16xi32>, vector<16xi32>], vector<16xf32>, vector<16xi1>
        %shift_right_logical3A_609 = arith.constant 0 : i32
        %shift_right_logical3A_610 = vector.broadcast %shift_right_logical3A_609 : i32 to vector<16xi32>
        %shift_right_logical3A_611 = arith.shrui %get3A_526, %shift_right_logical3A_610 : vector<16xi32>
        %and3A_612 = arith.constant 255 : i32
        %and3A_613 = vector.broadcast %and3A_612 : i32 to vector<16xi32>
        %and3A_614 = arith.andi %shift_right_logical3A_611, %and3A_613 : vector<16xi32>
        %lt3A_615 = arith.constant 19 : i32
        %lt3A_616 = vector.broadcast %lt3A_615 : i32 to vector<16xi32>
        %lt3A_617 = arith.cmpi slt, %and3A_614, %lt3A_616 : vector<16xi32>
        tpu.vector_store_idx %arg6[%iota3A, %and3A_614], %broadcast_in_dim3A_130 masked %lt3A_617 {add = true} : memref<16x32xf32, #tpu.memory_space<vmem>>[vector<16xi32>, vector<16xi32>], vector<16xf32>, vector<16xi1>
        %shift_right_logical3A_618 = arith.constant 8 : i32
        %shift_right_logical3A_619 = vector.broadcast %shift_right_logical3A_618 : i32 to vector<16xi32>
        %shift_right_logical3A_620 = arith.shrui %get3A_526, %shift_right_logical3A_619 : vector<16xi32>
        %and3A_621 = arith.constant 255 : i32
        %and3A_622 = vector.broadcast %and3A_621 : i32 to vector<16xi32>
        %and3A_623 = arith.andi %shift_right_logical3A_620, %and3A_622 : vector<16xi32>
        %lt3A_624 = arith.constant 19 : i32
        %lt3A_625 = vector.broadcast %lt3A_624 : i32 to vector<16xi32>
        %lt3A_626 = arith.cmpi slt, %and3A_623, %lt3A_625 : vector<16xi32>
        tpu.vector_store_idx %arg6[%iota3A, %and3A_623], %broadcast_in_dim3A_130 masked %lt3A_626 {add = true} : memref<16x32xf32, #tpu.memory_space<vmem>>[vector<16xi32>, vector<16xi32>], vector<16xf32>, vector<16xi1>
        %shift_right_logical3A_627 = arith.constant 16 : i32
        %shift_right_logical3A_628 = vector.broadcast %shift_right_logical3A_627 : i32 to vector<16xi32>
        %shift_right_logical3A_629 = arith.shrui %get3A_526, %shift_right_logical3A_628 : vector<16xi32>
        %and3A_630 = arith.constant 255 : i32
        %and3A_631 = vector.broadcast %and3A_630 : i32 to vector<16xi32>
        %and3A_632 = arith.andi %shift_right_logical3A_629, %and3A_631 : vector<16xi32>
        %lt3A_633 = arith.constant 19 : i32
        %lt3A_634 = vector.broadcast %lt3A_633 : i32 to vector<16xi32>
        %lt3A_635 = arith.cmpi slt, %and3A_632, %lt3A_634 : vector<16xi32>
        tpu.vector_store_idx %arg6[%iota3A, %and3A_632], %broadcast_in_dim3A_130 masked %lt3A_635 {add = true} : memref<16x32xf32, #tpu.memory_space<vmem>>[vector<16xi32>, vector<16xi32>], vector<16xf32>, vector<16xi1>
        %shift_right_logical3A_636 = arith.constant 24 : i32
        %shift_right_logical3A_637 = vector.broadcast %shift_right_logical3A_636 : i32 to vector<16xi32>
        %shift_right_logical3A_638 = arith.shrui %get3A_526, %shift_right_logical3A_637 : vector<16xi32>
        %and3A_639 = arith.constant 255 : i32
        %and3A_640 = vector.broadcast %and3A_639 : i32 to vector<16xi32>
        %and3A_641 = arith.andi %shift_right_logical3A_638, %and3A_640 : vector<16xi32>
        %lt3A_642 = arith.constant 19 : i32
        %lt3A_643 = vector.broadcast %lt3A_642 : i32 to vector<16xi32>
        %lt3A_644 = arith.cmpi slt, %and3A_641, %lt3A_643 : vector<16xi32>
        tpu.vector_store_idx %arg6[%iota3A, %and3A_641], %broadcast_in_dim3A_130 masked %lt3A_644 {add = true} : memref<16x32xf32, #tpu.memory_space<vmem>>[vector<16xi32>, vector<16xi32>], vector<16xf32>, vector<16xi1>
      } else {
      }
    }
    %scan3A_155 = arith.constant 16 : i32
    %add3A_156 = arith.constant 6144 : i32
    %add3A_157 = arith.addi %mul3A_132, %add3A_156 : i32
    %dma_start3A_158 = tpu.memref_slice %arg2[%add3A_157] : memref<524288xi32, #tpu.memory_space<hbm>> -> memref<2048xi32, #tpu.memory_space<hbm>>
    %dma_start3A_159 = tpu.memref_slice %arg2[%add3A_157] : memref<524288xi32, #tpu.memory_space<hbm>> -> memref<2048xi32, #tpu.memory_space<hbm>>
    tpu.enqueue_dma source(%dma_start3A_159 : memref<2048xi32, #tpu.memory_space<hbm>>) target(%arg5 : memref<2048xi32, #tpu.memory_space<vmem>>) target_semaphore(%arg9 : memref<!tpu.dma_semaphore, #tpu.memory_space<semaphore_mem>>)
    %dma_wait3A_160 = tpu.memref_slice %arg2[%add3A_145] : memref<524288xi32, #tpu.memory_space<hbm>> -> memref<2048xi32, #tpu.memory_space<hbm>>
    %dma_wait3A_161 = tpu.memref_slice %arg2[%add3A_145] : memref<524288xi32, #tpu.memory_space<hbm>> -> memref<2048xi32, #tpu.memory_space<hbm>>
    tpu.wait_dma2 semaphore(%arg8 : memref<!tpu.dma_semaphore, #tpu.memory_space<semaphore_mem>>) src(%dma_wait3A_161 : memref<2048xi32, #tpu.memory_space<hbm>>) dst(%arg4 : memref<2048xi32, #tpu.memory_space<vmem>>)
    %scan3A_162 = arith.constant 0 : i32
    %scan3A_163 = arith.constant 0 : i32
    %scan3A_164 = arith.constant 16 : i32
    %scan3A_165 = arith.addi %scan3A_163, %scan3A_164 : i32
    %scan3A_166 = arith.constant 1 : i32
    scf.for %scan3A_385 = %scan3A_163 to %scan3A_165 step %scan3A_166  : i32 {
      %mul3A_386 = arith.constant 128 : i32
      %mul3A_387 = arith.muli %scan3A_385, %mul3A_386 : i32
      %add3A_388 = arith.constant 0 : i32
      %add3A_389 = arith.addi %mul3A_387, %add3A_388 : i32
      %get3A_390 = arith.index_cast %add3A_389 : i32 to index
      %get3A_391 = tpu.vector_load %arg4[%get3A_390] {strides = array<i32>} : memref<2048xi32, #tpu.memory_space<vmem>>, vector<16xi32>,
      %mul3A_392 = arith.constant 128 : i32
      %mul3A_393 = arith.muli %scan3A_385, %mul3A_392 : i32
      %add3A_394 = arith.constant 0 : i32
      %add3A_395 = arith.addi %mul3A_393, %add3A_394 : i32
      %add3A_396 = arith.constant 16 : i32
      %add3A_397 = arith.addi %add3A_395, %add3A_396 : i32
      %get3A_398 = arith.index_cast %add3A_397 : i32 to index
      %get3A_399 = tpu.vector_load %arg4[%get3A_398] {strides = array<i32>} : memref<2048xi32, #tpu.memory_space<vmem>>, vector<16xi32>,
      %sub3A = arith.constant 320017171 : i32
      %sub3A_400 = vector.broadcast %sub3A : i32 to vector<16xi32>
      %sub3A_401 = arith.subi %get3A_391, %sub3A_400 : vector<16xi32>
      %not3A = arith.constant dense<-1> : vector<16xi32>
      %not3A_402 = arith.xori %get3A_391, %not3A : vector<16xi32>
      %and3A = arith.andi %sub3A_401, %not3A_402 : vector<16xi32>
      %and3A_403 = arith.constant -2139062144 : i32
      %and3A_404 = vector.broadcast %and3A_403 : i32 to vector<16xi32>
      %and3A_405 = arith.andi %and3A, %and3A_404 : vector<16xi32>
      %sub3A_406 = arith.constant 320017171 : i32
      %sub3A_407 = vector.broadcast %sub3A_406 : i32 to vector<16xi32>
      %sub3A_408 = arith.subi %get3A_399, %sub3A_407 : vector<16xi32>
      %not3A_409 = arith.constant dense<-1> : vector<16xi32>
      %not3A_410 = arith.xori %get3A_399, %not3A_409 : vector<16xi32>
      %and3A_411 = arith.andi %sub3A_408, %not3A_410 : vector<16xi32>
      %and3A_412 = arith.constant -2139062144 : i32
      %and3A_413 = vector.broadcast %and3A_412 : i32 to vector<16xi32>
      %and3A_414 = arith.andi %and3A_411, %and3A_413 : vector<16xi32>
      %or3A = arith.ori %and3A_405, %and3A_414 : vector<16xi32>
      %ne3A = arith.constant 0 : i32
      %ne3A_415 = vector.broadcast %ne3A : i32 to vector<16xi32>
      %ne3A_416 = arith.cmpi ne, %or3A, %ne3A_415 : vector<16xi32>
      %jit3A = arith.constant 1 : i32
      %jit3A_417 = arith.constant 0 : i32
      %broadcast_in_dim3A_418 = vector.broadcast %jit3A : i32 to vector<16xi32>
      %broadcast_in_dim3A_419 = vector.broadcast %jit3A_417 : i32 to vector<16xi32>
      %select_n3A = arith.select %ne3A_416, %broadcast_in_dim3A_418, %broadcast_in_dim3A_419 : vector<16xi1>, vector<16xi32>
      %reduce_sum3A = arith.constant true
      %reduce_sum3A_420 = vector.broadcast %reduce_sum3A : i1 to vector<16xi1>
      %reduce_sum3A_421 = tpu.scan <sum>, %select_n3A masked %reduce_sum3A_420 : vector<16xi32>, vector<16xi1> -> vector<16xi32>
      %reduce_sum3A_422 = vector.extract %reduce_sum3A_421[15] : i32 from vector<16xi32>
      %mul3A_423 = arith.constant 128 : i32
      %mul3A_424 = arith.muli %scan3A_385, %mul3A_423 : i32
      %add3A_425 = arith.constant 32 : i32
      %add3A_426 = arith.addi %mul3A_424, %add3A_425 : i32
      %get3A_427 = arith.index_cast %add3A_426 : i32 to index
      %get3A_428 = tpu.vector_load %arg4[%get3A_427] {strides = array<i32>} : memref<2048xi32, #tpu.memory_space<vmem>>, vector<16xi32>,
      %mul3A_429 = arith.constant 128 : i32
      %mul3A_430 = arith.muli %scan3A_385, %mul3A_429 : i32
      %add3A_431 = arith.constant 32 : i32
      %add3A_432 = arith.addi %mul3A_430, %add3A_431 : i32
      %add3A_433 = arith.constant 16 : i32
      %add3A_434 = arith.addi %add3A_432, %add3A_433 : i32
      %get3A_435 = arith.index_cast %add3A_434 : i32 to index
      %get3A_436 = tpu.vector_load %arg4[%get3A_435] {strides = array<i32>} : memref<2048xi32, #tpu.memory_space<vmem>>, vector<16xi32>,
      %sub3A_437 = arith.constant 320017171 : i32
      %sub3A_438 = vector.broadcast %sub3A_437 : i32 to vector<16xi32>
      %sub3A_439 = arith.subi %get3A_428, %sub3A_438 : vector<16xi32>
      %not3A_440 = arith.constant dense<-1> : vector<16xi32>
      %not3A_441 = arith.xori %get3A_428, %not3A_440 : vector<16xi32>
      %and3A_442 = arith.andi %sub3A_439, %not3A_441 : vector<16xi32>
      %and3A_443 = arith.constant -2139062144 : i32
      %and3A_444 = vector.broadcast %and3A_443 : i32 to vector<16xi32>
      %and3A_445 = arith.andi %and3A_442, %and3A_444 : vector<16xi32>
      %sub3A_446 = arith.constant 320017171 : i32
      %sub3A_447 = vector.broadcast %sub3A_446 : i32 to vector<16xi32>
      %sub3A_448 = arith.subi %get3A_436, %sub3A_447 : vector<16xi32>
      %not3A_449 = arith.constant dense<-1> : vector<16xi32>
      %not3A_450 = arith.xori %get3A_436, %not3A_449 : vector<16xi32>
      %and3A_451 = arith.andi %sub3A_448, %not3A_450 : vector<16xi32>
      %and3A_452 = arith.constant -2139062144 : i32
      %and3A_453 = vector.broadcast %and3A_452 : i32 to vector<16xi32>
      %and3A_454 = arith.andi %and3A_451, %and3A_453 : vector<16xi32>
      %or3A_455 = arith.ori %and3A_445, %and3A_454 : vector<16xi32>
      %ne3A_456 = arith.constant 0 : i32
      %ne3A_457 = vector.broadcast %ne3A_456 : i32 to vector<16xi32>
      %ne3A_458 = arith.cmpi ne, %or3A_455, %ne3A_457 : vector<16xi32>
      %jit3A_459 = arith.constant 1 : i32
      %jit3A_460 = arith.constant 0 : i32
      %broadcast_in_dim3A_461 = vector.broadcast %jit3A_459 : i32 to vector<16xi32>
      %broadcast_in_dim3A_462 = vector.broadcast %jit3A_460 : i32 to vector<16xi32>
      %select_n3A_463 = arith.select %ne3A_458, %broadcast_in_dim3A_461, %broadcast_in_dim3A_462 : vector<16xi1>, vector<16xi32>
      %reduce_sum3A_464 = arith.constant true
      %reduce_sum3A_465 = vector.broadcast %reduce_sum3A_464 : i1 to vector<16xi1>
      %reduce_sum3A_466 = tpu.scan <sum>, %select_n3A_463 masked %reduce_sum3A_465 : vector<16xi32>, vector<16xi1> -> vector<16xi32>
      %reduce_sum3A_467 = vector.extract %reduce_sum3A_466[15] : i32 from vector<16xi32>
      %mul3A_468 = arith.constant 128 : i32
      %mul3A_469 = arith.muli %scan3A_385, %mul3A_468 : i32
      %add3A_470 = arith.constant 64 : i32
      %add3A_471 = arith.addi %mul3A_469, %add3A_470 : i32
      %get3A_472 = arith.index_cast %add3A_471 : i32 to index
      %get3A_473 = tpu.vector_load %arg4[%get3A_472] {strides = array<i32>} : memref<2048xi32, #tpu.memory_space<vmem>>, vector<16xi32>,
      %mul3A_474 = arith.constant 128 : i32
      %mul3A_475 = arith.muli %scan3A_385, %mul3A_474 : i32
      %add3A_476 = arith.constant 64 : i32
      %add3A_477 = arith.addi %mul3A_475, %add3A_476 : i32
      %add3A_478 = arith.constant 16 : i32
      %add3A_479 = arith.addi %add3A_477, %add3A_478 : i32
      %get3A_480 = arith.index_cast %add3A_479 : i32 to index
      %get3A_481 = tpu.vector_load %arg4[%get3A_480] {strides = array<i32>} : memref<2048xi32, #tpu.memory_space<vmem>>, vector<16xi32>,
      %sub3A_482 = arith.constant 320017171 : i32
      %sub3A_483 = vector.broadcast %sub3A_482 : i32 to vector<16xi32>
      %sub3A_484 = arith.subi %get3A_473, %sub3A_483 : vector<16xi32>
      %not3A_485 = arith.constant dense<-1> : vector<16xi32>
      %not3A_486 = arith.xori %get3A_473, %not3A_485 : vector<16xi32>
      %and3A_487 = arith.andi %sub3A_484, %not3A_486 : vector<16xi32>
      %and3A_488 = arith.constant -2139062144 : i32
      %and3A_489 = vector.broadcast %and3A_488 : i32 to vector<16xi32>
      %and3A_490 = arith.andi %and3A_487, %and3A_489 : vector<16xi32>
      %sub3A_491 = arith.constant 320017171 : i32
      %sub3A_492 = vector.broadcast %sub3A_491 : i32 to vector<16xi32>
      %sub3A_493 = arith.subi %get3A_481, %sub3A_492 : vector<16xi32>
      %not3A_494 = arith.constant dense<-1> : vector<16xi32>
      %not3A_495 = arith.xori %get3A_481, %not3A_494 : vector<16xi32>
      %and3A_496 = arith.andi %sub3A_493, %not3A_495 : vector<16xi32>
      %and3A_497 = arith.constant -2139062144 : i32
      %and3A_498 = vector.broadcast %and3A_497 : i32 to vector<16xi32>
      %and3A_499 = arith.andi %and3A_496, %and3A_498 : vector<16xi32>
      %or3A_500 = arith.ori %and3A_490, %and3A_499 : vector<16xi32>
      %ne3A_501 = arith.constant 0 : i32
      %ne3A_502 = vector.broadcast %ne3A_501 : i32 to vector<16xi32>
      %ne3A_503 = arith.cmpi ne, %or3A_500, %ne3A_502 : vector<16xi32>
      %jit3A_504 = arith.constant 1 : i32
      %jit3A_505 = arith.constant 0 : i32
      %broadcast_in_dim3A_506 = vector.broadcast %jit3A_504 : i32 to vector<16xi32>
      %broadcast_in_dim3A_507 = vector.broadcast %jit3A_505 : i32 to vector<16xi32>
      %select_n3A_508 = arith.select %ne3A_503, %broadcast_in_dim3A_506, %broadcast_in_dim3A_507 : vector<16xi1>, vector<16xi32>
      %reduce_sum3A_509 = arith.constant true
      %reduce_sum3A_510 = vector.broadcast %reduce_sum3A_509 : i1 to vector<16xi1>
      %reduce_sum3A_511 = tpu.scan <sum>, %select_n3A_508 masked %reduce_sum3A_510 : vector<16xi32>, vector<16xi1> -> vector<16xi32>
      %reduce_sum3A_512 = vector.extract %reduce_sum3A_511[15] : i32 from vector<16xi32>
      %mul3A_513 = arith.constant 128 : i32
      %mul3A_514 = arith.muli %scan3A_385, %mul3A_513 : i32
      %add3A_515 = arith.constant 96 : i32
      %add3A_516 = arith.addi %mul3A_514, %add3A_515 : i32
      %get3A_517 = arith.index_cast %add3A_516 : i32 to index
      %get3A_518 = tpu.vector_load %arg4[%get3A_517] {strides = array<i32>} : memref<2048xi32, #tpu.memory_space<vmem>>, vector<16xi32>,
      %mul3A_519 = arith.constant 128 : i32
      %mul3A_520 = arith.muli %scan3A_385, %mul3A_519 : i32
      %add3A_521 = arith.constant 96 : i32
      %add3A_522 = arith.addi %mul3A_520, %add3A_521 : i32
      %add3A_523 = arith.constant 16 : i32
      %add3A_524 = arith.addi %add3A_522, %add3A_523 : i32
      %get3A_525 = arith.index_cast %add3A_524 : i32 to index
      %get3A_526 = tpu.vector_load %arg4[%get3A_525] {strides = array<i32>} : memref<2048xi32, #tpu.memory_space<vmem>>, vector<16xi32>,
      %sub3A_527 = arith.constant 320017171 : i32
      %sub3A_528 = vector.broadcast %sub3A_527 : i32 to vector<16xi32>
      %sub3A_529 = arith.subi %get3A_518, %sub3A_528 : vector<16xi32>
      %not3A_530 = arith.constant dense<-1> : vector<16xi32>
      %not3A_531 = arith.xori %get3A_518, %not3A_530 : vector<16xi32>
      %and3A_532 = arith.andi %sub3A_529, %not3A_531 : vector<16xi32>
      %and3A_533 = arith.constant -2139062144 : i32
      %and3A_534 = vector.broadcast %and3A_533 : i32 to vector<16xi32>
      %and3A_535 = arith.andi %and3A_532, %and3A_534 : vector<16xi32>
      %sub3A_536 = arith.constant 320017171 : i32
      %sub3A_537 = vector.broadcast %sub3A_536 : i32 to vector<16xi32>
      %sub3A_538 = arith.subi %get3A_526, %sub3A_537 : vector<16xi32>
      %not3A_539 = arith.constant dense<-1> : vector<16xi32>
      %not3A_540 = arith.xori %get3A_526, %not3A_539 : vector<16xi32>
      %and3A_541 = arith.andi %sub3A_538, %not3A_540 : vector<16xi32>
      %and3A_542 = arith.constant -2139062144 : i32
      %and3A_543 = vector.broadcast %and3A_542 : i32 to vector<16xi32>
      %and3A_544 = arith.andi %and3A_541, %and3A_543 : vector<16xi32>
      %or3A_545 = arith.ori %and3A_535, %and3A_544 : vector<16xi32>
      %ne3A_546 = arith.constant 0 : i32
      %ne3A_547 = vector.broadcast %ne3A_546 : i32 to vector<16xi32>
      %ne3A_548 = arith.cmpi ne, %or3A_545, %ne3A_547 : vector<16xi32>
      %jit3A_549 = arith.constant 1 : i32
      %jit3A_550 = arith.constant 0 : i32
      %broadcast_in_dim3A_551 = vector.broadcast %jit3A_549 : i32 to vector<16xi32>
      %broadcast_in_dim3A_552 = vector.broadcast %jit3A_550 : i32 to vector<16xi32>
      %select_n3A_553 = arith.select %ne3A_548, %broadcast_in_dim3A_551, %broadcast_in_dim3A_552 : vector<16xi1>, vector<16xi32>
      %reduce_sum3A_554 = arith.constant true
      %reduce_sum3A_555 = vector.broadcast %reduce_sum3A_554 : i1 to vector<16xi1>
      %reduce_sum3A_556 = tpu.scan <sum>, %select_n3A_553 masked %reduce_sum3A_555 : vector<16xi32>, vector<16xi1> -> vector<16xi32>
      %reduce_sum3A_557 = vector.extract %reduce_sum3A_556[15] : i32 from vector<16xi32>
      %gt3A = arith.constant 0 : i32
      %gt3A_558 = arith.cmpi sgt, %reduce_sum3A_422, %gt3A : i32
      %convert_element_type3A = arith.extui %gt3A_558 : i1 to i32
      %cond3A = arith.constant 0 : i32
      %cond3A_559 = arith.cmpi ne, %convert_element_type3A, %cond3A : i32
      scf.if %cond3A_559 {
        %shift_right_logical3A = arith.constant 0 : i32
        %shift_right_logical3A_575 = vector.broadcast %shift_right_logical3A : i32 to vector<16xi32>
        %shift_right_logical3A_576 = arith.shrui %get3A_391, %shift_right_logical3A_575 : vector<16xi32>
        %and3A_577 = arith.constant 255 : i32
        %and3A_578 = vector.broadcast %and3A_577 : i32 to vector<16xi32>
        %and3A_579 = arith.andi %shift_right_logical3A_576, %and3A_578 : vector<16xi32>
        %lt3A = arith.constant 19 : i32
        %lt3A_580 = vector.broadcast %lt3A : i32 to vector<16xi32>
        %lt3A_581 = arith.cmpi slt, %and3A_579, %lt3A_580 : vector<16xi32>
        tpu.vector_store_idx %arg6[%iota3A, %and3A_579], %broadcast_in_dim3A_130 masked %lt3A_581 {add = true} : memref<16x32xf32, #tpu.memory_space<vmem>>[vector<16xi32>, vector<16xi32>], vector<16xf32>, vector<16xi1>
        %shift_right_logical3A_582 = arith.constant 8 : i32
        %shift_right_logical3A_583 = vector.broadcast %shift_right_logical3A_582 : i32 to vector<16xi32>
        %shift_right_logical3A_584 = arith.shrui %get3A_391, %shift_right_logical3A_583 : vector<16xi32>
        %and3A_585 = arith.constant 255 : i32
        %and3A_586 = vector.broadcast %and3A_585 : i32 to vector<16xi32>
        %and3A_587 = arith.andi %shift_right_logical3A_584, %and3A_586 : vector<16xi32>
        %lt3A_588 = arith.constant 19 : i32
        %lt3A_589 = vector.broadcast %lt3A_588 : i32 to vector<16xi32>
        %lt3A_590 = arith.cmpi slt, %and3A_587, %lt3A_589 : vector<16xi32>
        tpu.vector_store_idx %arg6[%iota3A, %and3A_587], %broadcast_in_dim3A_130 masked %lt3A_590 {add = true} : memref<16x32xf32, #tpu.memory_space<vmem>>[vector<16xi32>, vector<16xi32>], vector<16xf32>, vector<16xi1>
        %shift_right_logical3A_591 = arith.constant 16 : i32
        %shift_right_logical3A_592 = vector.broadcast %shift_right_logical3A_591 : i32 to vector<16xi32>
        %shift_right_logical3A_593 = arith.shrui %get3A_391, %shift_right_logical3A_592 : vector<16xi32>
        %and3A_594 = arith.constant 255 : i32
        %and3A_595 = vector.broadcast %and3A_594 : i32 to vector<16xi32>
        %and3A_596 = arith.andi %shift_right_logical3A_593, %and3A_595 : vector<16xi32>
        %lt3A_597 = arith.constant 19 : i32
        %lt3A_598 = vector.broadcast %lt3A_597 : i32 to vector<16xi32>
        %lt3A_599 = arith.cmpi slt, %and3A_596, %lt3A_598 : vector<16xi32>
        tpu.vector_store_idx %arg6[%iota3A, %and3A_596], %broadcast_in_dim3A_130 masked %lt3A_599 {add = true} : memref<16x32xf32, #tpu.memory_space<vmem>>[vector<16xi32>, vector<16xi32>], vector<16xf32>, vector<16xi1>
        %shift_right_logical3A_600 = arith.constant 24 : i32
        %shift_right_logical3A_601 = vector.broadcast %shift_right_logical3A_600 : i32 to vector<16xi32>
        %shift_right_logical3A_602 = arith.shrui %get3A_391, %shift_right_logical3A_601 : vector<16xi32>
        %and3A_603 = arith.constant 255 : i32
        %and3A_604 = vector.broadcast %and3A_603 : i32 to vector<16xi32>
        %and3A_605 = arith.andi %shift_right_logical3A_602, %and3A_604 : vector<16xi32>
        %lt3A_606 = arith.constant 19 : i32
        %lt3A_607 = vector.broadcast %lt3A_606 : i32 to vector<16xi32>
        %lt3A_608 = arith.cmpi slt, %and3A_605, %lt3A_607 : vector<16xi32>
        tpu.vector_store_idx %arg6[%iota3A, %and3A_605], %broadcast_in_dim3A_130 masked %lt3A_608 {add = true} : memref<16x32xf32, #tpu.memory_space<vmem>>[vector<16xi32>, vector<16xi32>], vector<16xf32>, vector<16xi1>
        %shift_right_logical3A_609 = arith.constant 0 : i32
        %shift_right_logical3A_610 = vector.broadcast %shift_right_logical3A_609 : i32 to vector<16xi32>
        %shift_right_logical3A_611 = arith.shrui %get3A_399, %shift_right_logical3A_610 : vector<16xi32>
        %and3A_612 = arith.constant 255 : i32
        %and3A_613 = vector.broadcast %and3A_612 : i32 to vector<16xi32>
        %and3A_614 = arith.andi %shift_right_logical3A_611, %and3A_613 : vector<16xi32>
        %lt3A_615 = arith.constant 19 : i32
        %lt3A_616 = vector.broadcast %lt3A_615 : i32 to vector<16xi32>
        %lt3A_617 = arith.cmpi slt, %and3A_614, %lt3A_616 : vector<16xi32>
        tpu.vector_store_idx %arg6[%iota3A, %and3A_614], %broadcast_in_dim3A_130 masked %lt3A_617 {add = true} : memref<16x32xf32, #tpu.memory_space<vmem>>[vector<16xi32>, vector<16xi32>], vector<16xf32>, vector<16xi1>
        %shift_right_logical3A_618 = arith.constant 8 : i32
        %shift_right_logical3A_619 = vector.broadcast %shift_right_logical3A_618 : i32 to vector<16xi32>
        %shift_right_logical3A_620 = arith.shrui %get3A_399, %shift_right_logical3A_619 : vector<16xi32>
        %and3A_621 = arith.constant 255 : i32
        %and3A_622 = vector.broadcast %and3A_621 : i32 to vector<16xi32>
        %and3A_623 = arith.andi %shift_right_logical3A_620, %and3A_622 : vector<16xi32>
        %lt3A_624 = arith.constant 19 : i32
        %lt3A_625 = vector.broadcast %lt3A_624 : i32 to vector<16xi32>
        %lt3A_626 = arith.cmpi slt, %and3A_623, %lt3A_625 : vector<16xi32>
        tpu.vector_store_idx %arg6[%iota3A, %and3A_623], %broadcast_in_dim3A_130 masked %lt3A_626 {add = true} : memref<16x32xf32, #tpu.memory_space<vmem>>[vector<16xi32>, vector<16xi32>], vector<16xf32>, vector<16xi1>
        %shift_right_logical3A_627 = arith.constant 16 : i32
        %shift_right_logical3A_628 = vector.broadcast %shift_right_logical3A_627 : i32 to vector<16xi32>
        %shift_right_logical3A_629 = arith.shrui %get3A_399, %shift_right_logical3A_628 : vector<16xi32>
        %and3A_630 = arith.constant 255 : i32
        %and3A_631 = vector.broadcast %and3A_630 : i32 to vector<16xi32>
        %and3A_632 = arith.andi %shift_right_logical3A_629, %and3A_631 : vector<16xi32>
        %lt3A_633 = arith.constant 19 : i32
        %lt3A_634 = vector.broadcast %lt3A_633 : i32 to vector<16xi32>
        %lt3A_635 = arith.cmpi slt, %and3A_632, %lt3A_634 : vector<16xi32>
        tpu.vector_store_idx %arg6[%iota3A, %and3A_632], %broadcast_in_dim3A_130 masked %lt3A_635 {add = true} : memref<16x32xf32, #tpu.memory_space<vmem>>[vector<16xi32>, vector<16xi32>], vector<16xf32>, vector<16xi1>
        %shift_right_logical3A_636 = arith.constant 24 : i32
        %shift_right_logical3A_637 = vector.broadcast %shift_right_logical3A_636 : i32 to vector<16xi32>
        %shift_right_logical3A_638 = arith.shrui %get3A_399, %shift_right_logical3A_637 : vector<16xi32>
        %and3A_639 = arith.constant 255 : i32
        %and3A_640 = vector.broadcast %and3A_639 : i32 to vector<16xi32>
        %and3A_641 = arith.andi %shift_right_logical3A_638, %and3A_640 : vector<16xi32>
        %lt3A_642 = arith.constant 19 : i32
        %lt3A_643 = vector.broadcast %lt3A_642 : i32 to vector<16xi32>
        %lt3A_644 = arith.cmpi slt, %and3A_641, %lt3A_643 : vector<16xi32>
        tpu.vector_store_idx %arg6[%iota3A, %and3A_641], %broadcast_in_dim3A_130 masked %lt3A_644 {add = true} : memref<16x32xf32, #tpu.memory_space<vmem>>[vector<16xi32>, vector<16xi32>], vector<16xf32>, vector<16xi1>
      } else {
      }
      %gt3A_560 = arith.constant 0 : i32
      %gt3A_561 = arith.cmpi sgt, %reduce_sum3A_467, %gt3A_560 : i32
      %convert_element_type3A_562 = arith.extui %gt3A_561 : i1 to i32
      %cond3A_563 = arith.constant 0 : i32
      %cond3A_564 = arith.cmpi ne, %convert_element_type3A_562, %cond3A_563 : i32
      scf.if %cond3A_564 {
        %shift_right_logical3A = arith.constant 0 : i32
        %shift_right_logical3A_575 = vector.broadcast %shift_right_logical3A : i32 to vector<16xi32>
        %shift_right_logical3A_576 = arith.shrui %get3A_428, %shift_right_logical3A_575 : vector<16xi32>
        %and3A_577 = arith.constant 255 : i32
        %and3A_578 = vector.broadcast %and3A_577 : i32 to vector<16xi32>
        %and3A_579 = arith.andi %shift_right_logical3A_576, %and3A_578 : vector<16xi32>
        %lt3A = arith.constant 19 : i32
        %lt3A_580 = vector.broadcast %lt3A : i32 to vector<16xi32>
        %lt3A_581 = arith.cmpi slt, %and3A_579, %lt3A_580 : vector<16xi32>
        tpu.vector_store_idx %arg6[%iota3A, %and3A_579], %broadcast_in_dim3A_130 masked %lt3A_581 {add = true} : memref<16x32xf32, #tpu.memory_space<vmem>>[vector<16xi32>, vector<16xi32>], vector<16xf32>, vector<16xi1>
        %shift_right_logical3A_582 = arith.constant 8 : i32
        %shift_right_logical3A_583 = vector.broadcast %shift_right_logical3A_582 : i32 to vector<16xi32>
        %shift_right_logical3A_584 = arith.shrui %get3A_428, %shift_right_logical3A_583 : vector<16xi32>
        %and3A_585 = arith.constant 255 : i32
        %and3A_586 = vector.broadcast %and3A_585 : i32 to vector<16xi32>
        %and3A_587 = arith.andi %shift_right_logical3A_584, %and3A_586 : vector<16xi32>
        %lt3A_588 = arith.constant 19 : i32
        %lt3A_589 = vector.broadcast %lt3A_588 : i32 to vector<16xi32>
        %lt3A_590 = arith.cmpi slt, %and3A_587, %lt3A_589 : vector<16xi32>
        tpu.vector_store_idx %arg6[%iota3A, %and3A_587], %broadcast_in_dim3A_130 masked %lt3A_590 {add = true} : memref<16x32xf32, #tpu.memory_space<vmem>>[vector<16xi32>, vector<16xi32>], vector<16xf32>, vector<16xi1>
        %shift_right_logical3A_591 = arith.constant 16 : i32
        %shift_right_logical3A_592 = vector.broadcast %shift_right_logical3A_591 : i32 to vector<16xi32>
        %shift_right_logical3A_593 = arith.shrui %get3A_428, %shift_right_logical3A_592 : vector<16xi32>
        %and3A_594 = arith.constant 255 : i32
        %and3A_595 = vector.broadcast %and3A_594 : i32 to vector<16xi32>
        %and3A_596 = arith.andi %shift_right_logical3A_593, %and3A_595 : vector<16xi32>
        %lt3A_597 = arith.constant 19 : i32
        %lt3A_598 = vector.broadcast %lt3A_597 : i32 to vector<16xi32>
        %lt3A_599 = arith.cmpi slt, %and3A_596, %lt3A_598 : vector<16xi32>
        tpu.vector_store_idx %arg6[%iota3A, %and3A_596], %broadcast_in_dim3A_130 masked %lt3A_599 {add = true} : memref<16x32xf32, #tpu.memory_space<vmem>>[vector<16xi32>, vector<16xi32>], vector<16xf32>, vector<16xi1>
        %shift_right_logical3A_600 = arith.constant 24 : i32
        %shift_right_logical3A_601 = vector.broadcast %shift_right_logical3A_600 : i32 to vector<16xi32>
        %shift_right_logical3A_602 = arith.shrui %get3A_428, %shift_right_logical3A_601 : vector<16xi32>
        %and3A_603 = arith.constant 255 : i32
        %and3A_604 = vector.broadcast %and3A_603 : i32 to vector<16xi32>
        %and3A_605 = arith.andi %shift_right_logical3A_602, %and3A_604 : vector<16xi32>
        %lt3A_606 = arith.constant 19 : i32
        %lt3A_607 = vector.broadcast %lt3A_606 : i32 to vector<16xi32>
        %lt3A_608 = arith.cmpi slt, %and3A_605, %lt3A_607 : vector<16xi32>
        tpu.vector_store_idx %arg6[%iota3A, %and3A_605], %broadcast_in_dim3A_130 masked %lt3A_608 {add = true} : memref<16x32xf32, #tpu.memory_space<vmem>>[vector<16xi32>, vector<16xi32>], vector<16xf32>, vector<16xi1>
        %shift_right_logical3A_609 = arith.constant 0 : i32
        %shift_right_logical3A_610 = vector.broadcast %shift_right_logical3A_609 : i32 to vector<16xi32>
        %shift_right_logical3A_611 = arith.shrui %get3A_436, %shift_right_logical3A_610 : vector<16xi32>
        %and3A_612 = arith.constant 255 : i32
        %and3A_613 = vector.broadcast %and3A_612 : i32 to vector<16xi32>
        %and3A_614 = arith.andi %shift_right_logical3A_611, %and3A_613 : vector<16xi32>
        %lt3A_615 = arith.constant 19 : i32
        %lt3A_616 = vector.broadcast %lt3A_615 : i32 to vector<16xi32>
        %lt3A_617 = arith.cmpi slt, %and3A_614, %lt3A_616 : vector<16xi32>
        tpu.vector_store_idx %arg6[%iota3A, %and3A_614], %broadcast_in_dim3A_130 masked %lt3A_617 {add = true} : memref<16x32xf32, #tpu.memory_space<vmem>>[vector<16xi32>, vector<16xi32>], vector<16xf32>, vector<16xi1>
        %shift_right_logical3A_618 = arith.constant 8 : i32
        %shift_right_logical3A_619 = vector.broadcast %shift_right_logical3A_618 : i32 to vector<16xi32>
        %shift_right_logical3A_620 = arith.shrui %get3A_436, %shift_right_logical3A_619 : vector<16xi32>
        %and3A_621 = arith.constant 255 : i32
        %and3A_622 = vector.broadcast %and3A_621 : i32 to vector<16xi32>
        %and3A_623 = arith.andi %shift_right_logical3A_620, %and3A_622 : vector<16xi32>
        %lt3A_624 = arith.constant 19 : i32
        %lt3A_625 = vector.broadcast %lt3A_624 : i32 to vector<16xi32>
        %lt3A_626 = arith.cmpi slt, %and3A_623, %lt3A_625 : vector<16xi32>
        tpu.vector_store_idx %arg6[%iota3A, %and3A_623], %broadcast_in_dim3A_130 masked %lt3A_626 {add = true} : memref<16x32xf32, #tpu.memory_space<vmem>>[vector<16xi32>, vector<16xi32>], vector<16xf32>, vector<16xi1>
        %shift_right_logical3A_627 = arith.constant 16 : i32
        %shift_right_logical3A_628 = vector.broadcast %shift_right_logical3A_627 : i32 to vector<16xi32>
        %shift_right_logical3A_629 = arith.shrui %get3A_436, %shift_right_logical3A_628 : vector<16xi32>
        %and3A_630 = arith.constant 255 : i32
        %and3A_631 = vector.broadcast %and3A_630 : i32 to vector<16xi32>
        %and3A_632 = arith.andi %shift_right_logical3A_629, %and3A_631 : vector<16xi32>
        %lt3A_633 = arith.constant 19 : i32
        %lt3A_634 = vector.broadcast %lt3A_633 : i32 to vector<16xi32>
        %lt3A_635 = arith.cmpi slt, %and3A_632, %lt3A_634 : vector<16xi32>
        tpu.vector_store_idx %arg6[%iota3A, %and3A_632], %broadcast_in_dim3A_130 masked %lt3A_635 {add = true} : memref<16x32xf32, #tpu.memory_space<vmem>>[vector<16xi32>, vector<16xi32>], vector<16xf32>, vector<16xi1>
        %shift_right_logical3A_636 = arith.constant 24 : i32
        %shift_right_logical3A_637 = vector.broadcast %shift_right_logical3A_636 : i32 to vector<16xi32>
        %shift_right_logical3A_638 = arith.shrui %get3A_436, %shift_right_logical3A_637 : vector<16xi32>
        %and3A_639 = arith.constant 255 : i32
        %and3A_640 = vector.broadcast %and3A_639 : i32 to vector<16xi32>
        %and3A_641 = arith.andi %shift_right_logical3A_638, %and3A_640 : vector<16xi32>
        %lt3A_642 = arith.constant 19 : i32
        %lt3A_643 = vector.broadcast %lt3A_642 : i32 to vector<16xi32>
        %lt3A_644 = arith.cmpi slt, %and3A_641, %lt3A_643 : vector<16xi32>
        tpu.vector_store_idx %arg6[%iota3A, %and3A_641], %broadcast_in_dim3A_130 masked %lt3A_644 {add = true} : memref<16x32xf32, #tpu.memory_space<vmem>>[vector<16xi32>, vector<16xi32>], vector<16xf32>, vector<16xi1>
      } else {
      }
      %gt3A_565 = arith.constant 0 : i32
      %gt3A_566 = arith.cmpi sgt, %reduce_sum3A_512, %gt3A_565 : i32
      %convert_element_type3A_567 = arith.extui %gt3A_566 : i1 to i32
      %cond3A_568 = arith.constant 0 : i32
      %cond3A_569 = arith.cmpi ne, %convert_element_type3A_567, %cond3A_568 : i32
      scf.if %cond3A_569 {
        %shift_right_logical3A = arith.constant 0 : i32
        %shift_right_logical3A_575 = vector.broadcast %shift_right_logical3A : i32 to vector<16xi32>
        %shift_right_logical3A_576 = arith.shrui %get3A_473, %shift_right_logical3A_575 : vector<16xi32>
        %and3A_577 = arith.constant 255 : i32
        %and3A_578 = vector.broadcast %and3A_577 : i32 to vector<16xi32>
        %and3A_579 = arith.andi %shift_right_logical3A_576, %and3A_578 : vector<16xi32>
        %lt3A = arith.constant 19 : i32
        %lt3A_580 = vector.broadcast %lt3A : i32 to vector<16xi32>
        %lt3A_581 = arith.cmpi slt, %and3A_579, %lt3A_580 : vector<16xi32>
        tpu.vector_store_idx %arg6[%iota3A, %and3A_579], %broadcast_in_dim3A_130 masked %lt3A_581 {add = true} : memref<16x32xf32, #tpu.memory_space<vmem>>[vector<16xi32>, vector<16xi32>], vector<16xf32>, vector<16xi1>
        %shift_right_logical3A_582 = arith.constant 8 : i32
        %shift_right_logical3A_583 = vector.broadcast %shift_right_logical3A_582 : i32 to vector<16xi32>
        %shift_right_logical3A_584 = arith.shrui %get3A_473, %shift_right_logical3A_583 : vector<16xi32>
        %and3A_585 = arith.constant 255 : i32
        %and3A_586 = vector.broadcast %and3A_585 : i32 to vector<16xi32>
        %and3A_587 = arith.andi %shift_right_logical3A_584, %and3A_586 : vector<16xi32>
        %lt3A_588 = arith.constant 19 : i32
        %lt3A_589 = vector.broadcast %lt3A_588 : i32 to vector<16xi32>
        %lt3A_590 = arith.cmpi slt, %and3A_587, %lt3A_589 : vector<16xi32>
        tpu.vector_store_idx %arg6[%iota3A, %and3A_587], %broadcast_in_dim3A_130 masked %lt3A_590 {add = true} : memref<16x32xf32, #tpu.memory_space<vmem>>[vector<16xi32>, vector<16xi32>], vector<16xf32>, vector<16xi1>
        %shift_right_logical3A_591 = arith.constant 16 : i32
        %shift_right_logical3A_592 = vector.broadcast %shift_right_logical3A_591 : i32 to vector<16xi32>
        %shift_right_logical3A_593 = arith.shrui %get3A_473, %shift_right_logical3A_592 : vector<16xi32>
        %and3A_594 = arith.constant 255 : i32
        %and3A_595 = vector.broadcast %and3A_594 : i32 to vector<16xi32>
        %and3A_596 = arith.andi %shift_right_logical3A_593, %and3A_595 : vector<16xi32>
        %lt3A_597 = arith.constant 19 : i32
        %lt3A_598 = vector.broadcast %lt3A_597 : i32 to vector<16xi32>
        %lt3A_599 = arith.cmpi slt, %and3A_596, %lt3A_598 : vector<16xi32>
        tpu.vector_store_idx %arg6[%iota3A, %and3A_596], %broadcast_in_dim3A_130 masked %lt3A_599 {add = true} : memref<16x32xf32, #tpu.memory_space<vmem>>[vector<16xi32>, vector<16xi32>], vector<16xf32>, vector<16xi1>
        %shift_right_logical3A_600 = arith.constant 24 : i32
        %shift_right_logical3A_601 = vector.broadcast %shift_right_logical3A_600 : i32 to vector<16xi32>
        %shift_right_logical3A_602 = arith.shrui %get3A_473, %shift_right_logical3A_601 : vector<16xi32>
        %and3A_603 = arith.constant 255 : i32
        %and3A_604 = vector.broadcast %and3A_603 : i32 to vector<16xi32>
        %and3A_605 = arith.andi %shift_right_logical3A_602, %and3A_604 : vector<16xi32>
        %lt3A_606 = arith.constant 19 : i32
        %lt3A_607 = vector.broadcast %lt3A_606 : i32 to vector<16xi32>
        %lt3A_608 = arith.cmpi slt, %and3A_605, %lt3A_607 : vector<16xi32>
        tpu.vector_store_idx %arg6[%iota3A, %and3A_605], %broadcast_in_dim3A_130 masked %lt3A_608 {add = true} : memref<16x32xf32, #tpu.memory_space<vmem>>[vector<16xi32>, vector<16xi32>], vector<16xf32>, vector<16xi1>
        %shift_right_logical3A_609 = arith.constant 0 : i32
        %shift_right_logical3A_610 = vector.broadcast %shift_right_logical3A_609 : i32 to vector<16xi32>
        %shift_right_logical3A_611 = arith.shrui %get3A_481, %shift_right_logical3A_610 : vector<16xi32>
        %and3A_612 = arith.constant 255 : i32
        %and3A_613 = vector.broadcast %and3A_612 : i32 to vector<16xi32>
        %and3A_614 = arith.andi %shift_right_logical3A_611, %and3A_613 : vector<16xi32>
        %lt3A_615 = arith.constant 19 : i32
        %lt3A_616 = vector.broadcast %lt3A_615 : i32 to vector<16xi32>
        %lt3A_617 = arith.cmpi slt, %and3A_614, %lt3A_616 : vector<16xi32>
        tpu.vector_store_idx %arg6[%iota3A, %and3A_614], %broadcast_in_dim3A_130 masked %lt3A_617 {add = true} : memref<16x32xf32, #tpu.memory_space<vmem>>[vector<16xi32>, vector<16xi32>], vector<16xf32>, vector<16xi1>
        %shift_right_logical3A_618 = arith.constant 8 : i32
        %shift_right_logical3A_619 = vector.broadcast %shift_right_logical3A_618 : i32 to vector<16xi32>
        %shift_right_logical3A_620 = arith.shrui %get3A_481, %shift_right_logical3A_619 : vector<16xi32>
        %and3A_621 = arith.constant 255 : i32
        %and3A_622 = vector.broadcast %and3A_621 : i32 to vector<16xi32>
        %and3A_623 = arith.andi %shift_right_logical3A_620, %and3A_622 : vector<16xi32>
        %lt3A_624 = arith.constant 19 : i32
        %lt3A_625 = vector.broadcast %lt3A_624 : i32 to vector<16xi32>
        %lt3A_626 = arith.cmpi slt, %and3A_623, %lt3A_625 : vector<16xi32>
        tpu.vector_store_idx %arg6[%iota3A, %and3A_623], %broadcast_in_dim3A_130 masked %lt3A_626 {add = true} : memref<16x32xf32, #tpu.memory_space<vmem>>[vector<16xi32>, vector<16xi32>], vector<16xf32>, vector<16xi1>
        %shift_right_logical3A_627 = arith.constant 16 : i32
        %shift_right_logical3A_628 = vector.broadcast %shift_right_logical3A_627 : i32 to vector<16xi32>
        %shift_right_logical3A_629 = arith.shrui %get3A_481, %shift_right_logical3A_628 : vector<16xi32>
        %and3A_630 = arith.constant 255 : i32
        %and3A_631 = vector.broadcast %and3A_630 : i32 to vector<16xi32>
        %and3A_632 = arith.andi %shift_right_logical3A_629, %and3A_631 : vector<16xi32>
        %lt3A_633 = arith.constant 19 : i32
        %lt3A_634 = vector.broadcast %lt3A_633 : i32 to vector<16xi32>
        %lt3A_635 = arith.cmpi slt, %and3A_632, %lt3A_634 : vector<16xi32>
        tpu.vector_store_idx %arg6[%iota3A, %and3A_632], %broadcast_in_dim3A_130 masked %lt3A_635 {add = true} : memref<16x32xf32, #tpu.memory_space<vmem>>[vector<16xi32>, vector<16xi32>], vector<16xf32>, vector<16xi1>
        %shift_right_logical3A_636 = arith.constant 24 : i32
        %shift_right_logical3A_637 = vector.broadcast %shift_right_logical3A_636 : i32 to vector<16xi32>
        %shift_right_logical3A_638 = arith.shrui %get3A_481, %shift_right_logical3A_637 : vector<16xi32>
        %and3A_639 = arith.constant 255 : i32
        %and3A_640 = vector.broadcast %and3A_639 : i32 to vector<16xi32>
        %and3A_641 = arith.andi %shift_right_logical3A_638, %and3A_640 : vector<16xi32>
        %lt3A_642 = arith.constant 19 : i32
        %lt3A_643 = vector.broadcast %lt3A_642 : i32 to vector<16xi32>
        %lt3A_644 = arith.cmpi slt, %and3A_641, %lt3A_643 : vector<16xi32>
        tpu.vector_store_idx %arg6[%iota3A, %and3A_641], %broadcast_in_dim3A_130 masked %lt3A_644 {add = true} : memref<16x32xf32, #tpu.memory_space<vmem>>[vector<16xi32>, vector<16xi32>], vector<16xf32>, vector<16xi1>
      } else {
      }
      %gt3A_570 = arith.constant 0 : i32
      %gt3A_571 = arith.cmpi sgt, %reduce_sum3A_557, %gt3A_570 : i32
      %convert_element_type3A_572 = arith.extui %gt3A_571 : i1 to i32
      %cond3A_573 = arith.constant 0 : i32
      %cond3A_574 = arith.cmpi ne, %convert_element_type3A_572, %cond3A_573 : i32
      scf.if %cond3A_574 {
        %shift_right_logical3A = arith.constant 0 : i32
        %shift_right_logical3A_575 = vector.broadcast %shift_right_logical3A : i32 to vector<16xi32>
        %shift_right_logical3A_576 = arith.shrui %get3A_518, %shift_right_logical3A_575 : vector<16xi32>
        %and3A_577 = arith.constant 255 : i32
        %and3A_578 = vector.broadcast %and3A_577 : i32 to vector<16xi32>
        %and3A_579 = arith.andi %shift_right_logical3A_576, %and3A_578 : vector<16xi32>
        %lt3A = arith.constant 19 : i32
        %lt3A_580 = vector.broadcast %lt3A : i32 to vector<16xi32>
        %lt3A_581 = arith.cmpi slt, %and3A_579, %lt3A_580 : vector<16xi32>
        tpu.vector_store_idx %arg6[%iota3A, %and3A_579], %broadcast_in_dim3A_130 masked %lt3A_581 {add = true} : memref<16x32xf32, #tpu.memory_space<vmem>>[vector<16xi32>, vector<16xi32>], vector<16xf32>, vector<16xi1>
        %shift_right_logical3A_582 = arith.constant 8 : i32
        %shift_right_logical3A_583 = vector.broadcast %shift_right_logical3A_582 : i32 to vector<16xi32>
        %shift_right_logical3A_584 = arith.shrui %get3A_518, %shift_right_logical3A_583 : vector<16xi32>
        %and3A_585 = arith.constant 255 : i32
        %and3A_586 = vector.broadcast %and3A_585 : i32 to vector<16xi32>
        %and3A_587 = arith.andi %shift_right_logical3A_584, %and3A_586 : vector<16xi32>
        %lt3A_588 = arith.constant 19 : i32
        %lt3A_589 = vector.broadcast %lt3A_588 : i32 to vector<16xi32>
        %lt3A_590 = arith.cmpi slt, %and3A_587, %lt3A_589 : vector<16xi32>
        tpu.vector_store_idx %arg6[%iota3A, %and3A_587], %broadcast_in_dim3A_130 masked %lt3A_590 {add = true} : memref<16x32xf32, #tpu.memory_space<vmem>>[vector<16xi32>, vector<16xi32>], vector<16xf32>, vector<16xi1>
        %shift_right_logical3A_591 = arith.constant 16 : i32
        %shift_right_logical3A_592 = vector.broadcast %shift_right_logical3A_591 : i32 to vector<16xi32>
        %shift_right_logical3A_593 = arith.shrui %get3A_518, %shift_right_logical3A_592 : vector<16xi32>
        %and3A_594 = arith.constant 255 : i32
        %and3A_595 = vector.broadcast %and3A_594 : i32 to vector<16xi32>
        %and3A_596 = arith.andi %shift_right_logical3A_593, %and3A_595 : vector<16xi32>
        %lt3A_597 = arith.constant 19 : i32
        %lt3A_598 = vector.broadcast %lt3A_597 : i32 to vector<16xi32>
        %lt3A_599 = arith.cmpi slt, %and3A_596, %lt3A_598 : vector<16xi32>
        tpu.vector_store_idx %arg6[%iota3A, %and3A_596], %broadcast_in_dim3A_130 masked %lt3A_599 {add = true} : memref<16x32xf32, #tpu.memory_space<vmem>>[vector<16xi32>, vector<16xi32>], vector<16xf32>, vector<16xi1>
        %shift_right_logical3A_600 = arith.constant 24 : i32
        %shift_right_logical3A_601 = vector.broadcast %shift_right_logical3A_600 : i32 to vector<16xi32>
        %shift_right_logical3A_602 = arith.shrui %get3A_518, %shift_right_logical3A_601 : vector<16xi32>
        %and3A_603 = arith.constant 255 : i32
        %and3A_604 = vector.broadcast %and3A_603 : i32 to vector<16xi32>
        %and3A_605 = arith.andi %shift_right_logical3A_602, %and3A_604 : vector<16xi32>
        %lt3A_606 = arith.constant 19 : i32
        %lt3A_607 = vector.broadcast %lt3A_606 : i32 to vector<16xi32>
        %lt3A_608 = arith.cmpi slt, %and3A_605, %lt3A_607 : vector<16xi32>
        tpu.vector_store_idx %arg6[%iota3A, %and3A_605], %broadcast_in_dim3A_130 masked %lt3A_608 {add = true} : memref<16x32xf32, #tpu.memory_space<vmem>>[vector<16xi32>, vector<16xi32>], vector<16xf32>, vector<16xi1>
        %shift_right_logical3A_609 = arith.constant 0 : i32
        %shift_right_logical3A_610 = vector.broadcast %shift_right_logical3A_609 : i32 to vector<16xi32>
        %shift_right_logical3A_611 = arith.shrui %get3A_526, %shift_right_logical3A_610 : vector<16xi32>
        %and3A_612 = arith.constant 255 : i32
        %and3A_613 = vector.broadcast %and3A_612 : i32 to vector<16xi32>
        %and3A_614 = arith.andi %shift_right_logical3A_611, %and3A_613 : vector<16xi32>
        %lt3A_615 = arith.constant 19 : i32
        %lt3A_616 = vector.broadcast %lt3A_615 : i32 to vector<16xi32>
        %lt3A_617 = arith.cmpi slt, %and3A_614, %lt3A_616 : vector<16xi32>
        tpu.vector_store_idx %arg6[%iota3A, %and3A_614], %broadcast_in_dim3A_130 masked %lt3A_617 {add = true} : memref<16x32xf32, #tpu.memory_space<vmem>>[vector<16xi32>, vector<16xi32>], vector<16xf32>, vector<16xi1>
        %shift_right_logical3A_618 = arith.constant 8 : i32
        %shift_right_logical3A_619 = vector.broadcast %shift_right_logical3A_618 : i32 to vector<16xi32>
        %shift_right_logical3A_620 = arith.shrui %get3A_526, %shift_right_logical3A_619 : vector<16xi32>
        %and3A_621 = arith.constant 255 : i32
        %and3A_622 = vector.broadcast %and3A_621 : i32 to vector<16xi32>
        %and3A_623 = arith.andi %shift_right_logical3A_620, %and3A_622 : vector<16xi32>
        %lt3A_624 = arith.constant 19 : i32
        %lt3A_625 = vector.broadcast %lt3A_624 : i32 to vector<16xi32>
        %lt3A_626 = arith.cmpi slt, %and3A_623, %lt3A_625 : vector<16xi32>
        tpu.vector_store_idx %arg6[%iota3A, %and3A_623], %broadcast_in_dim3A_130 masked %lt3A_626 {add = true} : memref<16x32xf32, #tpu.memory_space<vmem>>[vector<16xi32>, vector<16xi32>], vector<16xf32>, vector<16xi1>
        %shift_right_logical3A_627 = arith.constant 16 : i32
        %shift_right_logical3A_628 = vector.broadcast %shift_right_logical3A_627 : i32 to vector<16xi32>
        %shift_right_logical3A_629 = arith.shrui %get3A_526, %shift_right_logical3A_628 : vector<16xi32>
        %and3A_630 = arith.constant 255 : i32
        %and3A_631 = vector.broadcast %and3A_630 : i32 to vector<16xi32>
        %and3A_632 = arith.andi %shift_right_logical3A_629, %and3A_631 : vector<16xi32>
        %lt3A_633 = arith.constant 19 : i32
        %lt3A_634 = vector.broadcast %lt3A_633 : i32 to vector<16xi32>
        %lt3A_635 = arith.cmpi slt, %and3A_632, %lt3A_634 : vector<16xi32>
        tpu.vector_store_idx %arg6[%iota3A, %and3A_632], %broadcast_in_dim3A_130 masked %lt3A_635 {add = true} : memref<16x32xf32, #tpu.memory_space<vmem>>[vector<16xi32>, vector<16xi32>], vector<16xf32>, vector<16xi1>
        %shift_right_logical3A_636 = arith.constant 24 : i32
        %shift_right_logical3A_637 = vector.broadcast %shift_right_logical3A_636 : i32 to vector<16xi32>
        %shift_right_logical3A_638 = arith.shrui %get3A_526, %shift_right_logical3A_637 : vector<16xi32>
        %and3A_639 = arith.constant 255 : i32
        %and3A_640 = vector.broadcast %and3A_639 : i32 to vector<16xi32>
        %and3A_641 = arith.andi %shift_right_logical3A_638, %and3A_640 : vector<16xi32>
        %lt3A_642 = arith.constant 19 : i32
        %lt3A_643 = vector.broadcast %lt3A_642 : i32 to vector<16xi32>
        %lt3A_644 = arith.cmpi slt, %and3A_641, %lt3A_643 : vector<16xi32>
        tpu.vector_store_idx %arg6[%iota3A, %and3A_641], %broadcast_in_dim3A_130 masked %lt3A_644 {add = true} : memref<16x32xf32, #tpu.memory_space<vmem>>[vector<16xi32>, vector<16xi32>], vector<16xf32>, vector<16xi1>
      } else {
      }
    }
    %scan3A_167 = arith.constant 16 : i32
    %add3A_168 = arith.constant 8192 : i32
    %add3A_169 = arith.addi %mul3A_132, %add3A_168 : i32
    %dma_start3A_170 = tpu.memref_slice %arg2[%add3A_169] : memref<524288xi32, #tpu.memory_space<hbm>> -> memref<2048xi32, #tpu.memory_space<hbm>>
    %dma_start3A_171 = tpu.memref_slice %arg2[%add3A_169] : memref<524288xi32, #tpu.memory_space<hbm>> -> memref<2048xi32, #tpu.memory_space<hbm>>
    tpu.enqueue_dma source(%dma_start3A_171 : memref<2048xi32, #tpu.memory_space<hbm>>) target(%arg4 : memref<2048xi32, #tpu.memory_space<vmem>>) target_semaphore(%arg8 : memref<!tpu.dma_semaphore, #tpu.memory_space<semaphore_mem>>)
    %dma_wait3A_172 = tpu.memref_slice %arg2[%add3A_157] : memref<524288xi32, #tpu.memory_space<hbm>> -> memref<2048xi32, #tpu.memory_space<hbm>>
    %dma_wait3A_173 = tpu.memref_slice %arg2[%add3A_157] : memref<524288xi32, #tpu.memory_space<hbm>> -> memref<2048xi32, #tpu.memory_space<hbm>>
    tpu.wait_dma2 semaphore(%arg9 : memref<!tpu.dma_semaphore, #tpu.memory_space<semaphore_mem>>) src(%dma_wait3A_173 : memref<2048xi32, #tpu.memory_space<hbm>>) dst(%arg5 : memref<2048xi32, #tpu.memory_space<vmem>>)
    %scan3A_174 = arith.constant 0 : i32
    %scan3A_175 = arith.constant 0 : i32
    %scan3A_176 = arith.constant 16 : i32
    %scan3A_177 = arith.addi %scan3A_175, %scan3A_176 : i32
    %scan3A_178 = arith.constant 1 : i32
    scf.for %scan3A_385 = %scan3A_175 to %scan3A_177 step %scan3A_178  : i32 {
      %mul3A_386 = arith.constant 128 : i32
      %mul3A_387 = arith.muli %scan3A_385, %mul3A_386 : i32
      %add3A_388 = arith.constant 0 : i32
      %add3A_389 = arith.addi %mul3A_387, %add3A_388 : i32
      %get3A_390 = arith.index_cast %add3A_389 : i32 to index
      %get3A_391 = tpu.vector_load %arg5[%get3A_390] {strides = array<i32>} : memref<2048xi32, #tpu.memory_space<vmem>>, vector<16xi32>,
      %mul3A_392 = arith.constant 128 : i32
      %mul3A_393 = arith.muli %scan3A_385, %mul3A_392 : i32
      %add3A_394 = arith.constant 0 : i32
      %add3A_395 = arith.addi %mul3A_393, %add3A_394 : i32
      %add3A_396 = arith.constant 16 : i32
      %add3A_397 = arith.addi %add3A_395, %add3A_396 : i32
      %get3A_398 = arith.index_cast %add3A_397 : i32 to index
      %get3A_399 = tpu.vector_load %arg5[%get3A_398] {strides = array<i32>} : memref<2048xi32, #tpu.memory_space<vmem>>, vector<16xi32>,
      %sub3A = arith.constant 320017171 : i32
      %sub3A_400 = vector.broadcast %sub3A : i32 to vector<16xi32>
      %sub3A_401 = arith.subi %get3A_391, %sub3A_400 : vector<16xi32>
      %not3A = arith.constant dense<-1> : vector<16xi32>
      %not3A_402 = arith.xori %get3A_391, %not3A : vector<16xi32>
      %and3A = arith.andi %sub3A_401, %not3A_402 : vector<16xi32>
      %and3A_403 = arith.constant -2139062144 : i32
      %and3A_404 = vector.broadcast %and3A_403 : i32 to vector<16xi32>
      %and3A_405 = arith.andi %and3A, %and3A_404 : vector<16xi32>
      %sub3A_406 = arith.constant 320017171 : i32
      %sub3A_407 = vector.broadcast %sub3A_406 : i32 to vector<16xi32>
      %sub3A_408 = arith.subi %get3A_399, %sub3A_407 : vector<16xi32>
      %not3A_409 = arith.constant dense<-1> : vector<16xi32>
      %not3A_410 = arith.xori %get3A_399, %not3A_409 : vector<16xi32>
      %and3A_411 = arith.andi %sub3A_408, %not3A_410 : vector<16xi32>
      %and3A_412 = arith.constant -2139062144 : i32
      %and3A_413 = vector.broadcast %and3A_412 : i32 to vector<16xi32>
      %and3A_414 = arith.andi %and3A_411, %and3A_413 : vector<16xi32>
      %or3A = arith.ori %and3A_405, %and3A_414 : vector<16xi32>
      %ne3A = arith.constant 0 : i32
      %ne3A_415 = vector.broadcast %ne3A : i32 to vector<16xi32>
      %ne3A_416 = arith.cmpi ne, %or3A, %ne3A_415 : vector<16xi32>
      %jit3A = arith.constant 1 : i32
      %jit3A_417 = arith.constant 0 : i32
      %broadcast_in_dim3A_418 = vector.broadcast %jit3A : i32 to vector<16xi32>
      %broadcast_in_dim3A_419 = vector.broadcast %jit3A_417 : i32 to vector<16xi32>
      %select_n3A = arith.select %ne3A_416, %broadcast_in_dim3A_418, %broadcast_in_dim3A_419 : vector<16xi1>, vector<16xi32>
      %reduce_sum3A = arith.constant true
      %reduce_sum3A_420 = vector.broadcast %reduce_sum3A : i1 to vector<16xi1>
      %reduce_sum3A_421 = tpu.scan <sum>, %select_n3A masked %reduce_sum3A_420 : vector<16xi32>, vector<16xi1> -> vector<16xi32>
      %reduce_sum3A_422 = vector.extract %reduce_sum3A_421[15] : i32 from vector<16xi32>
      %mul3A_423 = arith.constant 128 : i32
      %mul3A_424 = arith.muli %scan3A_385, %mul3A_423 : i32
      %add3A_425 = arith.constant 32 : i32
      %add3A_426 = arith.addi %mul3A_424, %add3A_425 : i32
      %get3A_427 = arith.index_cast %add3A_426 : i32 to index
      %get3A_428 = tpu.vector_load %arg5[%get3A_427] {strides = array<i32>} : memref<2048xi32, #tpu.memory_space<vmem>>, vector<16xi32>,
      %mul3A_429 = arith.constant 128 : i32
      %mul3A_430 = arith.muli %scan3A_385, %mul3A_429 : i32
      %add3A_431 = arith.constant 32 : i32
      %add3A_432 = arith.addi %mul3A_430, %add3A_431 : i32
      %add3A_433 = arith.constant 16 : i32
      %add3A_434 = arith.addi %add3A_432, %add3A_433 : i32
      %get3A_435 = arith.index_cast %add3A_434 : i32 to index
      %get3A_436 = tpu.vector_load %arg5[%get3A_435] {strides = array<i32>} : memref<2048xi32, #tpu.memory_space<vmem>>, vector<16xi32>,
      %sub3A_437 = arith.constant 320017171 : i32
      %sub3A_438 = vector.broadcast %sub3A_437 : i32 to vector<16xi32>
      %sub3A_439 = arith.subi %get3A_428, %sub3A_438 : vector<16xi32>
      %not3A_440 = arith.constant dense<-1> : vector<16xi32>
      %not3A_441 = arith.xori %get3A_428, %not3A_440 : vector<16xi32>
      %and3A_442 = arith.andi %sub3A_439, %not3A_441 : vector<16xi32>
      %and3A_443 = arith.constant -2139062144 : i32
      %and3A_444 = vector.broadcast %and3A_443 : i32 to vector<16xi32>
      %and3A_445 = arith.andi %and3A_442, %and3A_444 : vector<16xi32>
      %sub3A_446 = arith.constant 320017171 : i32
      %sub3A_447 = vector.broadcast %sub3A_446 : i32 to vector<16xi32>
      %sub3A_448 = arith.subi %get3A_436, %sub3A_447 : vector<16xi32>
      %not3A_449 = arith.constant dense<-1> : vector<16xi32>
      %not3A_450 = arith.xori %get3A_436, %not3A_449 : vector<16xi32>
      %and3A_451 = arith.andi %sub3A_448, %not3A_450 : vector<16xi32>
      %and3A_452 = arith.constant -2139062144 : i32
      %and3A_453 = vector.broadcast %and3A_452 : i32 to vector<16xi32>
      %and3A_454 = arith.andi %and3A_451, %and3A_453 : vector<16xi32>
      %or3A_455 = arith.ori %and3A_445, %and3A_454 : vector<16xi32>
      %ne3A_456 = arith.constant 0 : i32
      %ne3A_457 = vector.broadcast %ne3A_456 : i32 to vector<16xi32>
      %ne3A_458 = arith.cmpi ne, %or3A_455, %ne3A_457 : vector<16xi32>
      %jit3A_459 = arith.constant 1 : i32
      %jit3A_460 = arith.constant 0 : i32
      %broadcast_in_dim3A_461 = vector.broadcast %jit3A_459 : i32 to vector<16xi32>
      %broadcast_in_dim3A_462 = vector.broadcast %jit3A_460 : i32 to vector<16xi32>
      %select_n3A_463 = arith.select %ne3A_458, %broadcast_in_dim3A_461, %broadcast_in_dim3A_462 : vector<16xi1>, vector<16xi32>
      %reduce_sum3A_464 = arith.constant true
      %reduce_sum3A_465 = vector.broadcast %reduce_sum3A_464 : i1 to vector<16xi1>
      %reduce_sum3A_466 = tpu.scan <sum>, %select_n3A_463 masked %reduce_sum3A_465 : vector<16xi32>, vector<16xi1> -> vector<16xi32>
      %reduce_sum3A_467 = vector.extract %reduce_sum3A_466[15] : i32 from vector<16xi32>
      %mul3A_468 = arith.constant 128 : i32
      %mul3A_469 = arith.muli %scan3A_385, %mul3A_468 : i32
      %add3A_470 = arith.constant 64 : i32
      %add3A_471 = arith.addi %mul3A_469, %add3A_470 : i32
      %get3A_472 = arith.index_cast %add3A_471 : i32 to index
      %get3A_473 = tpu.vector_load %arg5[%get3A_472] {strides = array<i32>} : memref<2048xi32, #tpu.memory_space<vmem>>, vector<16xi32>,
      %mul3A_474 = arith.constant 128 : i32
      %mul3A_475 = arith.muli %scan3A_385, %mul3A_474 : i32
      %add3A_476 = arith.constant 64 : i32
      %add3A_477 = arith.addi %mul3A_475, %add3A_476 : i32
      %add3A_478 = arith.constant 16 : i32
      %add3A_479 = arith.addi %add3A_477, %add3A_478 : i32
      %get3A_480 = arith.index_cast %add3A_479 : i32 to index
      %get3A_481 = tpu.vector_load %arg5[%get3A_480] {strides = array<i32>} : memref<2048xi32, #tpu.memory_space<vmem>>, vector<16xi32>,
      %sub3A_482 = arith.constant 320017171 : i32
      %sub3A_483 = vector.broadcast %sub3A_482 : i32 to vector<16xi32>
      %sub3A_484 = arith.subi %get3A_473, %sub3A_483 : vector<16xi32>
      %not3A_485 = arith.constant dense<-1> : vector<16xi32>
      %not3A_486 = arith.xori %get3A_473, %not3A_485 : vector<16xi32>
      %and3A_487 = arith.andi %sub3A_484, %not3A_486 : vector<16xi32>
      %and3A_488 = arith.constant -2139062144 : i32
      %and3A_489 = vector.broadcast %and3A_488 : i32 to vector<16xi32>
      %and3A_490 = arith.andi %and3A_487, %and3A_489 : vector<16xi32>
      %sub3A_491 = arith.constant 320017171 : i32
      %sub3A_492 = vector.broadcast %sub3A_491 : i32 to vector<16xi32>
      %sub3A_493 = arith.subi %get3A_481, %sub3A_492 : vector<16xi32>
      %not3A_494 = arith.constant dense<-1> : vector<16xi32>
      %not3A_495 = arith.xori %get3A_481, %not3A_494 : vector<16xi32>
      %and3A_496 = arith.andi %sub3A_493, %not3A_495 : vector<16xi32>
      %and3A_497 = arith.constant -2139062144 : i32
      %and3A_498 = vector.broadcast %and3A_497 : i32 to vector<16xi32>
      %and3A_499 = arith.andi %and3A_496, %and3A_498 : vector<16xi32>
      %or3A_500 = arith.ori %and3A_490, %and3A_499 : vector<16xi32>
      %ne3A_501 = arith.constant 0 : i32
      %ne3A_502 = vector.broadcast %ne3A_501 : i32 to vector<16xi32>
      %ne3A_503 = arith.cmpi ne, %or3A_500, %ne3A_502 : vector<16xi32>
      %jit3A_504 = arith.constant 1 : i32
      %jit3A_505 = arith.constant 0 : i32
      %broadcast_in_dim3A_506 = vector.broadcast %jit3A_504 : i32 to vector<16xi32>
      %broadcast_in_dim3A_507 = vector.broadcast %jit3A_505 : i32 to vector<16xi32>
      %select_n3A_508 = arith.select %ne3A_503, %broadcast_in_dim3A_506, %broadcast_in_dim3A_507 : vector<16xi1>, vector<16xi32>
      %reduce_sum3A_509 = arith.constant true
      %reduce_sum3A_510 = vector.broadcast %reduce_sum3A_509 : i1 to vector<16xi1>
      %reduce_sum3A_511 = tpu.scan <sum>, %select_n3A_508 masked %reduce_sum3A_510 : vector<16xi32>, vector<16xi1> -> vector<16xi32>
      %reduce_sum3A_512 = vector.extract %reduce_sum3A_511[15] : i32 from vector<16xi32>
      %mul3A_513 = arith.constant 128 : i32
      %mul3A_514 = arith.muli %scan3A_385, %mul3A_513 : i32
      %add3A_515 = arith.constant 96 : i32
      %add3A_516 = arith.addi %mul3A_514, %add3A_515 : i32
      %get3A_517 = arith.index_cast %add3A_516 : i32 to index
      %get3A_518 = tpu.vector_load %arg5[%get3A_517] {strides = array<i32>} : memref<2048xi32, #tpu.memory_space<vmem>>, vector<16xi32>,
      %mul3A_519 = arith.constant 128 : i32
      %mul3A_520 = arith.muli %scan3A_385, %mul3A_519 : i32
      %add3A_521 = arith.constant 96 : i32
      %add3A_522 = arith.addi %mul3A_520, %add3A_521 : i32
      %add3A_523 = arith.constant 16 : i32
      %add3A_524 = arith.addi %add3A_522, %add3A_523 : i32
      %get3A_525 = arith.index_cast %add3A_524 : i32 to index
      %get3A_526 = tpu.vector_load %arg5[%get3A_525] {strides = array<i32>} : memref<2048xi32, #tpu.memory_space<vmem>>, vector<16xi32>,
      %sub3A_527 = arith.constant 320017171 : i32
      %sub3A_528 = vector.broadcast %sub3A_527 : i32 to vector<16xi32>
      %sub3A_529 = arith.subi %get3A_518, %sub3A_528 : vector<16xi32>
      %not3A_530 = arith.constant dense<-1> : vector<16xi32>
      %not3A_531 = arith.xori %get3A_518, %not3A_530 : vector<16xi32>
      %and3A_532 = arith.andi %sub3A_529, %not3A_531 : vector<16xi32>
      %and3A_533 = arith.constant -2139062144 : i32
      %and3A_534 = vector.broadcast %and3A_533 : i32 to vector<16xi32>
      %and3A_535 = arith.andi %and3A_532, %and3A_534 : vector<16xi32>
      %sub3A_536 = arith.constant 320017171 : i32
      %sub3A_537 = vector.broadcast %sub3A_536 : i32 to vector<16xi32>
      %sub3A_538 = arith.subi %get3A_526, %sub3A_537 : vector<16xi32>
      %not3A_539 = arith.constant dense<-1> : vector<16xi32>
      %not3A_540 = arith.xori %get3A_526, %not3A_539 : vector<16xi32>
      %and3A_541 = arith.andi %sub3A_538, %not3A_540 : vector<16xi32>
      %and3A_542 = arith.constant -2139062144 : i32
      %and3A_543 = vector.broadcast %and3A_542 : i32 to vector<16xi32>
      %and3A_544 = arith.andi %and3A_541, %and3A_543 : vector<16xi32>
      %or3A_545 = arith.ori %and3A_535, %and3A_544 : vector<16xi32>
      %ne3A_546 = arith.constant 0 : i32
      %ne3A_547 = vector.broadcast %ne3A_546 : i32 to vector<16xi32>
      %ne3A_548 = arith.cmpi ne, %or3A_545, %ne3A_547 : vector<16xi32>
      %jit3A_549 = arith.constant 1 : i32
      %jit3A_550 = arith.constant 0 : i32
      %broadcast_in_dim3A_551 = vector.broadcast %jit3A_549 : i32 to vector<16xi32>
      %broadcast_in_dim3A_552 = vector.broadcast %jit3A_550 : i32 to vector<16xi32>
      %select_n3A_553 = arith.select %ne3A_548, %broadcast_in_dim3A_551, %broadcast_in_dim3A_552 : vector<16xi1>, vector<16xi32>
      %reduce_sum3A_554 = arith.constant true
      %reduce_sum3A_555 = vector.broadcast %reduce_sum3A_554 : i1 to vector<16xi1>
      %reduce_sum3A_556 = tpu.scan <sum>, %select_n3A_553 masked %reduce_sum3A_555 : vector<16xi32>, vector<16xi1> -> vector<16xi32>
      %reduce_sum3A_557 = vector.extract %reduce_sum3A_556[15] : i32 from vector<16xi32>
      %gt3A = arith.constant 0 : i32
      %gt3A_558 = arith.cmpi sgt, %reduce_sum3A_422, %gt3A : i32
      %convert_element_type3A = arith.extui %gt3A_558 : i1 to i32
      %cond3A = arith.constant 0 : i32
      %cond3A_559 = arith.cmpi ne, %convert_element_type3A, %cond3A : i32
      scf.if %cond3A_559 {
        %shift_right_logical3A = arith.constant 0 : i32
        %shift_right_logical3A_575 = vector.broadcast %shift_right_logical3A : i32 to vector<16xi32>
        %shift_right_logical3A_576 = arith.shrui %get3A_391, %shift_right_logical3A_575 : vector<16xi32>
        %and3A_577 = arith.constant 255 : i32
        %and3A_578 = vector.broadcast %and3A_577 : i32 to vector<16xi32>
        %and3A_579 = arith.andi %shift_right_logical3A_576, %and3A_578 : vector<16xi32>
        %lt3A = arith.constant 19 : i32
        %lt3A_580 = vector.broadcast %lt3A : i32 to vector<16xi32>
        %lt3A_581 = arith.cmpi slt, %and3A_579, %lt3A_580 : vector<16xi32>
        tpu.vector_store_idx %arg6[%iota3A, %and3A_579], %broadcast_in_dim3A_130 masked %lt3A_581 {add = true} : memref<16x32xf32, #tpu.memory_space<vmem>>[vector<16xi32>, vector<16xi32>], vector<16xf32>, vector<16xi1>
        %shift_right_logical3A_582 = arith.constant 8 : i32
        %shift_right_logical3A_583 = vector.broadcast %shift_right_logical3A_582 : i32 to vector<16xi32>
        %shift_right_logical3A_584 = arith.shrui %get3A_391, %shift_right_logical3A_583 : vector<16xi32>
        %and3A_585 = arith.constant 255 : i32
        %and3A_586 = vector.broadcast %and3A_585 : i32 to vector<16xi32>
        %and3A_587 = arith.andi %shift_right_logical3A_584, %and3A_586 : vector<16xi32>
        %lt3A_588 = arith.constant 19 : i32
        %lt3A_589 = vector.broadcast %lt3A_588 : i32 to vector<16xi32>
        %lt3A_590 = arith.cmpi slt, %and3A_587, %lt3A_589 : vector<16xi32>
        tpu.vector_store_idx %arg6[%iota3A, %and3A_587], %broadcast_in_dim3A_130 masked %lt3A_590 {add = true} : memref<16x32xf32, #tpu.memory_space<vmem>>[vector<16xi32>, vector<16xi32>], vector<16xf32>, vector<16xi1>
        %shift_right_logical3A_591 = arith.constant 16 : i32
        %shift_right_logical3A_592 = vector.broadcast %shift_right_logical3A_591 : i32 to vector<16xi32>
        %shift_right_logical3A_593 = arith.shrui %get3A_391, %shift_right_logical3A_592 : vector<16xi32>
        %and3A_594 = arith.constant 255 : i32
        %and3A_595 = vector.broadcast %and3A_594 : i32 to vector<16xi32>
        %and3A_596 = arith.andi %shift_right_logical3A_593, %and3A_595 : vector<16xi32>
        %lt3A_597 = arith.constant 19 : i32
        %lt3A_598 = vector.broadcast %lt3A_597 : i32 to vector<16xi32>
        %lt3A_599 = arith.cmpi slt, %and3A_596, %lt3A_598 : vector<16xi32>
        tpu.vector_store_idx %arg6[%iota3A, %and3A_596], %broadcast_in_dim3A_130 masked %lt3A_599 {add = true} : memref<16x32xf32, #tpu.memory_space<vmem>>[vector<16xi32>, vector<16xi32>], vector<16xf32>, vector<16xi1>
        %shift_right_logical3A_600 = arith.constant 24 : i32
        %shift_right_logical3A_601 = vector.broadcast %shift_right_logical3A_600 : i32 to vector<16xi32>
        %shift_right_logical3A_602 = arith.shrui %get3A_391, %shift_right_logical3A_601 : vector<16xi32>
        %and3A_603 = arith.constant 255 : i32
        %and3A_604 = vector.broadcast %and3A_603 : i32 to vector<16xi32>
        %and3A_605 = arith.andi %shift_right_logical3A_602, %and3A_604 : vector<16xi32>
        %lt3A_606 = arith.constant 19 : i32
        %lt3A_607 = vector.broadcast %lt3A_606 : i32 to vector<16xi32>
        %lt3A_608 = arith.cmpi slt, %and3A_605, %lt3A_607 : vector<16xi32>
        tpu.vector_store_idx %arg6[%iota3A, %and3A_605], %broadcast_in_dim3A_130 masked %lt3A_608 {add = true} : memref<16x32xf32, #tpu.memory_space<vmem>>[vector<16xi32>, vector<16xi32>], vector<16xf32>, vector<16xi1>
        %shift_right_logical3A_609 = arith.constant 0 : i32
        %shift_right_logical3A_610 = vector.broadcast %shift_right_logical3A_609 : i32 to vector<16xi32>
        %shift_right_logical3A_611 = arith.shrui %get3A_399, %shift_right_logical3A_610 : vector<16xi32>
        %and3A_612 = arith.constant 255 : i32
        %and3A_613 = vector.broadcast %and3A_612 : i32 to vector<16xi32>
        %and3A_614 = arith.andi %shift_right_logical3A_611, %and3A_613 : vector<16xi32>
        %lt3A_615 = arith.constant 19 : i32
        %lt3A_616 = vector.broadcast %lt3A_615 : i32 to vector<16xi32>
        %lt3A_617 = arith.cmpi slt, %and3A_614, %lt3A_616 : vector<16xi32>
        tpu.vector_store_idx %arg6[%iota3A, %and3A_614], %broadcast_in_dim3A_130 masked %lt3A_617 {add = true} : memref<16x32xf32, #tpu.memory_space<vmem>>[vector<16xi32>, vector<16xi32>], vector<16xf32>, vector<16xi1>
        %shift_right_logical3A_618 = arith.constant 8 : i32
        %shift_right_logical3A_619 = vector.broadcast %shift_right_logical3A_618 : i32 to vector<16xi32>
        %shift_right_logical3A_620 = arith.shrui %get3A_399, %shift_right_logical3A_619 : vector<16xi32>
        %and3A_621 = arith.constant 255 : i32
        %and3A_622 = vector.broadcast %and3A_621 : i32 to vector<16xi32>
        %and3A_623 = arith.andi %shift_right_logical3A_620, %and3A_622 : vector<16xi32>
        %lt3A_624 = arith.constant 19 : i32
        %lt3A_625 = vector.broadcast %lt3A_624 : i32 to vector<16xi32>
        %lt3A_626 = arith.cmpi slt, %and3A_623, %lt3A_625 : vector<16xi32>
        tpu.vector_store_idx %arg6[%iota3A, %and3A_623], %broadcast_in_dim3A_130 masked %lt3A_626 {add = true} : memref<16x32xf32, #tpu.memory_space<vmem>>[vector<16xi32>, vector<16xi32>], vector<16xf32>, vector<16xi1>
        %shift_right_logical3A_627 = arith.constant 16 : i32
        %shift_right_logical3A_628 = vector.broadcast %shift_right_logical3A_627 : i32 to vector<16xi32>
        %shift_right_logical3A_629 = arith.shrui %get3A_399, %shift_right_logical3A_628 : vector<16xi32>
        %and3A_630 = arith.constant 255 : i32
        %and3A_631 = vector.broadcast %and3A_630 : i32 to vector<16xi32>
        %and3A_632 = arith.andi %shift_right_logical3A_629, %and3A_631 : vector<16xi32>
        %lt3A_633 = arith.constant 19 : i32
        %lt3A_634 = vector.broadcast %lt3A_633 : i32 to vector<16xi32>
        %lt3A_635 = arith.cmpi slt, %and3A_632, %lt3A_634 : vector<16xi32>
        tpu.vector_store_idx %arg6[%iota3A, %and3A_632], %broadcast_in_dim3A_130 masked %lt3A_635 {add = true} : memref<16x32xf32, #tpu.memory_space<vmem>>[vector<16xi32>, vector<16xi32>], vector<16xf32>, vector<16xi1>
        %shift_right_logical3A_636 = arith.constant 24 : i32
        %shift_right_logical3A_637 = vector.broadcast %shift_right_logical3A_636 : i32 to vector<16xi32>
        %shift_right_logical3A_638 = arith.shrui %get3A_399, %shift_right_logical3A_637 : vector<16xi32>
        %and3A_639 = arith.constant 255 : i32
        %and3A_640 = vector.broadcast %and3A_639 : i32 to vector<16xi32>
        %and3A_641 = arith.andi %shift_right_logical3A_638, %and3A_640 : vector<16xi32>
        %lt3A_642 = arith.constant 19 : i32
        %lt3A_643 = vector.broadcast %lt3A_642 : i32 to vector<16xi32>
        %lt3A_644 = arith.cmpi slt, %and3A_641, %lt3A_643 : vector<16xi32>
        tpu.vector_store_idx %arg6[%iota3A, %and3A_641], %broadcast_in_dim3A_130 masked %lt3A_644 {add = true} : memref<16x32xf32, #tpu.memory_space<vmem>>[vector<16xi32>, vector<16xi32>], vector<16xf32>, vector<16xi1>
      } else {
      }
      %gt3A_560 = arith.constant 0 : i32
      %gt3A_561 = arith.cmpi sgt, %reduce_sum3A_467, %gt3A_560 : i32
      %convert_element_type3A_562 = arith.extui %gt3A_561 : i1 to i32
      %cond3A_563 = arith.constant 0 : i32
      %cond3A_564 = arith.cmpi ne, %convert_element_type3A_562, %cond3A_563 : i32
      scf.if %cond3A_564 {
        %shift_right_logical3A = arith.constant 0 : i32
        %shift_right_logical3A_575 = vector.broadcast %shift_right_logical3A : i32 to vector<16xi32>
        %shift_right_logical3A_576 = arith.shrui %get3A_428, %shift_right_logical3A_575 : vector<16xi32>
        %and3A_577 = arith.constant 255 : i32
        %and3A_578 = vector.broadcast %and3A_577 : i32 to vector<16xi32>
        %and3A_579 = arith.andi %shift_right_logical3A_576, %and3A_578 : vector<16xi32>
        %lt3A = arith.constant 19 : i32
        %lt3A_580 = vector.broadcast %lt3A : i32 to vector<16xi32>
        %lt3A_581 = arith.cmpi slt, %and3A_579, %lt3A_580 : vector<16xi32>
        tpu.vector_store_idx %arg6[%iota3A, %and3A_579], %broadcast_in_dim3A_130 masked %lt3A_581 {add = true} : memref<16x32xf32, #tpu.memory_space<vmem>>[vector<16xi32>, vector<16xi32>], vector<16xf32>, vector<16xi1>
        %shift_right_logical3A_582 = arith.constant 8 : i32
        %shift_right_logical3A_583 = vector.broadcast %shift_right_logical3A_582 : i32 to vector<16xi32>
        %shift_right_logical3A_584 = arith.shrui %get3A_428, %shift_right_logical3A_583 : vector<16xi32>
        %and3A_585 = arith.constant 255 : i32
        %and3A_586 = vector.broadcast %and3A_585 : i32 to vector<16xi32>
        %and3A_587 = arith.andi %shift_right_logical3A_584, %and3A_586 : vector<16xi32>
        %lt3A_588 = arith.constant 19 : i32
        %lt3A_589 = vector.broadcast %lt3A_588 : i32 to vector<16xi32>
        %lt3A_590 = arith.cmpi slt, %and3A_587, %lt3A_589 : vector<16xi32>
        tpu.vector_store_idx %arg6[%iota3A, %and3A_587], %broadcast_in_dim3A_130 masked %lt3A_590 {add = true} : memref<16x32xf32, #tpu.memory_space<vmem>>[vector<16xi32>, vector<16xi32>], vector<16xf32>, vector<16xi1>
        %shift_right_logical3A_591 = arith.constant 16 : i32
        %shift_right_logical3A_592 = vector.broadcast %shift_right_logical3A_591 : i32 to vector<16xi32>
        %shift_right_logical3A_593 = arith.shrui %get3A_428, %shift_right_logical3A_592 : vector<16xi32>
        %and3A_594 = arith.constant 255 : i32
        %and3A_595 = vector.broadcast %and3A_594 : i32 to vector<16xi32>
        %and3A_596 = arith.andi %shift_right_logical3A_593, %and3A_595 : vector<16xi32>
        %lt3A_597 = arith.constant 19 : i32
        %lt3A_598 = vector.broadcast %lt3A_597 : i32 to vector<16xi32>
        %lt3A_599 = arith.cmpi slt, %and3A_596, %lt3A_598 : vector<16xi32>
        tpu.vector_store_idx %arg6[%iota3A, %and3A_596], %broadcast_in_dim3A_130 masked %lt3A_599 {add = true} : memref<16x32xf32, #tpu.memory_space<vmem>>[vector<16xi32>, vector<16xi32>], vector<16xf32>, vector<16xi1>
        %shift_right_logical3A_600 = arith.constant 24 : i32
        %shift_right_logical3A_601 = vector.broadcast %shift_right_logical3A_600 : i32 to vector<16xi32>
        %shift_right_logical3A_602 = arith.shrui %get3A_428, %shift_right_logical3A_601 : vector<16xi32>
        %and3A_603 = arith.constant 255 : i32
        %and3A_604 = vector.broadcast %and3A_603 : i32 to vector<16xi32>
        %and3A_605 = arith.andi %shift_right_logical3A_602, %and3A_604 : vector<16xi32>
        %lt3A_606 = arith.constant 19 : i32
        %lt3A_607 = vector.broadcast %lt3A_606 : i32 to vector<16xi32>
        %lt3A_608 = arith.cmpi slt, %and3A_605, %lt3A_607 : vector<16xi32>
        tpu.vector_store_idx %arg6[%iota3A, %and3A_605], %broadcast_in_dim3A_130 masked %lt3A_608 {add = true} : memref<16x32xf32, #tpu.memory_space<vmem>>[vector<16xi32>, vector<16xi32>], vector<16xf32>, vector<16xi1>
        %shift_right_logical3A_609 = arith.constant 0 : i32
        %shift_right_logical3A_610 = vector.broadcast %shift_right_logical3A_609 : i32 to vector<16xi32>
        %shift_right_logical3A_611 = arith.shrui %get3A_436, %shift_right_logical3A_610 : vector<16xi32>
        %and3A_612 = arith.constant 255 : i32
        %and3A_613 = vector.broadcast %and3A_612 : i32 to vector<16xi32>
        %and3A_614 = arith.andi %shift_right_logical3A_611, %and3A_613 : vector<16xi32>
        %lt3A_615 = arith.constant 19 : i32
        %lt3A_616 = vector.broadcast %lt3A_615 : i32 to vector<16xi32>
        %lt3A_617 = arith.cmpi slt, %and3A_614, %lt3A_616 : vector<16xi32>
        tpu.vector_store_idx %arg6[%iota3A, %and3A_614], %broadcast_in_dim3A_130 masked %lt3A_617 {add = true} : memref<16x32xf32, #tpu.memory_space<vmem>>[vector<16xi32>, vector<16xi32>], vector<16xf32>, vector<16xi1>
        %shift_right_logical3A_618 = arith.constant 8 : i32
        %shift_right_logical3A_619 = vector.broadcast %shift_right_logical3A_618 : i32 to vector<16xi32>
        %shift_right_logical3A_620 = arith.shrui %get3A_436, %shift_right_logical3A_619 : vector<16xi32>
        %and3A_621 = arith.constant 255 : i32
        %and3A_622 = vector.broadcast %and3A_621 : i32 to vector<16xi32>
        %and3A_623 = arith.andi %shift_right_logical3A_620, %and3A_622 : vector<16xi32>
        %lt3A_624 = arith.constant 19 : i32
        %lt3A_625 = vector.broadcast %lt3A_624 : i32 to vector<16xi32>
        %lt3A_626 = arith.cmpi slt, %and3A_623, %lt3A_625 : vector<16xi32>
        tpu.vector_store_idx %arg6[%iota3A, %and3A_623], %broadcast_in_dim3A_130 masked %lt3A_626 {add = true} : memref<16x32xf32, #tpu.memory_space<vmem>>[vector<16xi32>, vector<16xi32>], vector<16xf32>, vector<16xi1>
        %shift_right_logical3A_627 = arith.constant 16 : i32
        %shift_right_logical3A_628 = vector.broadcast %shift_right_logical3A_627 : i32 to vector<16xi32>
        %shift_right_logical3A_629 = arith.shrui %get3A_436, %shift_right_logical3A_628 : vector<16xi32>
        %and3A_630 = arith.constant 255 : i32
        %and3A_631 = vector.broadcast %and3A_630 : i32 to vector<16xi32>
        %and3A_632 = arith.andi %shift_right_logical3A_629, %and3A_631 : vector<16xi32>
        %lt3A_633 = arith.constant 19 : i32
        %lt3A_634 = vector.broadcast %lt3A_633 : i32 to vector<16xi32>
        %lt3A_635 = arith.cmpi slt, %and3A_632, %lt3A_634 : vector<16xi32>
        tpu.vector_store_idx %arg6[%iota3A, %and3A_632], %broadcast_in_dim3A_130 masked %lt3A_635 {add = true} : memref<16x32xf32, #tpu.memory_space<vmem>>[vector<16xi32>, vector<16xi32>], vector<16xf32>, vector<16xi1>
        %shift_right_logical3A_636 = arith.constant 24 : i32
        %shift_right_logical3A_637 = vector.broadcast %shift_right_logical3A_636 : i32 to vector<16xi32>
        %shift_right_logical3A_638 = arith.shrui %get3A_436, %shift_right_logical3A_637 : vector<16xi32>
        %and3A_639 = arith.constant 255 : i32
        %and3A_640 = vector.broadcast %and3A_639 : i32 to vector<16xi32>
        %and3A_641 = arith.andi %shift_right_logical3A_638, %and3A_640 : vector<16xi32>
        %lt3A_642 = arith.constant 19 : i32
        %lt3A_643 = vector.broadcast %lt3A_642 : i32 to vector<16xi32>
        %lt3A_644 = arith.cmpi slt, %and3A_641, %lt3A_643 : vector<16xi32>
        tpu.vector_store_idx %arg6[%iota3A, %and3A_641], %broadcast_in_dim3A_130 masked %lt3A_644 {add = true} : memref<16x32xf32, #tpu.memory_space<vmem>>[vector<16xi32>, vector<16xi32>], vector<16xf32>, vector<16xi1>
      } else {
      }
      %gt3A_565 = arith.constant 0 : i32
      %gt3A_566 = arith.cmpi sgt, %reduce_sum3A_512, %gt3A_565 : i32
      %convert_element_type3A_567 = arith.extui %gt3A_566 : i1 to i32
      %cond3A_568 = arith.constant 0 : i32
      %cond3A_569 = arith.cmpi ne, %convert_element_type3A_567, %cond3A_568 : i32
      scf.if %cond3A_569 {
        %shift_right_logical3A = arith.constant 0 : i32
        %shift_right_logical3A_575 = vector.broadcast %shift_right_logical3A : i32 to vector<16xi32>
        %shift_right_logical3A_576 = arith.shrui %get3A_473, %shift_right_logical3A_575 : vector<16xi32>
        %and3A_577 = arith.constant 255 : i32
        %and3A_578 = vector.broadcast %and3A_577 : i32 to vector<16xi32>
        %and3A_579 = arith.andi %shift_right_logical3A_576, %and3A_578 : vector<16xi32>
        %lt3A = arith.constant 19 : i32
        %lt3A_580 = vector.broadcast %lt3A : i32 to vector<16xi32>
        %lt3A_581 = arith.cmpi slt, %and3A_579, %lt3A_580 : vector<16xi32>
        tpu.vector_store_idx %arg6[%iota3A, %and3A_579], %broadcast_in_dim3A_130 masked %lt3A_581 {add = true} : memref<16x32xf32, #tpu.memory_space<vmem>>[vector<16xi32>, vector<16xi32>], vector<16xf32>, vector<16xi1>
        %shift_right_logical3A_582 = arith.constant 8 : i32
        %shift_right_logical3A_583 = vector.broadcast %shift_right_logical3A_582 : i32 to vector<16xi32>
        %shift_right_logical3A_584 = arith.shrui %get3A_473, %shift_right_logical3A_583 : vector<16xi32>
        %and3A_585 = arith.constant 255 : i32
        %and3A_586 = vector.broadcast %and3A_585 : i32 to vector<16xi32>
        %and3A_587 = arith.andi %shift_right_logical3A_584, %and3A_586 : vector<16xi32>
        %lt3A_588 = arith.constant 19 : i32
        %lt3A_589 = vector.broadcast %lt3A_588 : i32 to vector<16xi32>
        %lt3A_590 = arith.cmpi slt, %and3A_587, %lt3A_589 : vector<16xi32>
        tpu.vector_store_idx %arg6[%iota3A, %and3A_587], %broadcast_in_dim3A_130 masked %lt3A_590 {add = true} : memref<16x32xf32, #tpu.memory_space<vmem>>[vector<16xi32>, vector<16xi32>], vector<16xf32>, vector<16xi1>
        %shift_right_logical3A_591 = arith.constant 16 : i32
        %shift_right_logical3A_592 = vector.broadcast %shift_right_logical3A_591 : i32 to vector<16xi32>
        %shift_right_logical3A_593 = arith.shrui %get3A_473, %shift_right_logical3A_592 : vector<16xi32>
        %and3A_594 = arith.constant 255 : i32
        %and3A_595 = vector.broadcast %and3A_594 : i32 to vector<16xi32>
        %and3A_596 = arith.andi %shift_right_logical3A_593, %and3A_595 : vector<16xi32>
        %lt3A_597 = arith.constant 19 : i32
        %lt3A_598 = vector.broadcast %lt3A_597 : i32 to vector<16xi32>
        %lt3A_599 = arith.cmpi slt, %and3A_596, %lt3A_598 : vector<16xi32>
        tpu.vector_store_idx %arg6[%iota3A, %and3A_596], %broadcast_in_dim3A_130 masked %lt3A_599 {add = true} : memref<16x32xf32, #tpu.memory_space<vmem>>[vector<16xi32>, vector<16xi32>], vector<16xf32>, vector<16xi1>
        %shift_right_logical3A_600 = arith.constant 24 : i32
        %shift_right_logical3A_601 = vector.broadcast %shift_right_logical3A_600 : i32 to vector<16xi32>
        %shift_right_logical3A_602 = arith.shrui %get3A_473, %shift_right_logical3A_601 : vector<16xi32>
        %and3A_603 = arith.constant 255 : i32
        %and3A_604 = vector.broadcast %and3A_603 : i32 to vector<16xi32>
        %and3A_605 = arith.andi %shift_right_logical3A_602, %and3A_604 : vector<16xi32>
        %lt3A_606 = arith.constant 19 : i32
        %lt3A_607 = vector.broadcast %lt3A_606 : i32 to vector<16xi32>
        %lt3A_608 = arith.cmpi slt, %and3A_605, %lt3A_607 : vector<16xi32>
        tpu.vector_store_idx %arg6[%iota3A, %and3A_605], %broadcast_in_dim3A_130 masked %lt3A_608 {add = true} : memref<16x32xf32, #tpu.memory_space<vmem>>[vector<16xi32>, vector<16xi32>], vector<16xf32>, vector<16xi1>
        %shift_right_logical3A_609 = arith.constant 0 : i32
        %shift_right_logical3A_610 = vector.broadcast %shift_right_logical3A_609 : i32 to vector<16xi32>
        %shift_right_logical3A_611 = arith.shrui %get3A_481, %shift_right_logical3A_610 : vector<16xi32>
        %and3A_612 = arith.constant 255 : i32
        %and3A_613 = vector.broadcast %and3A_612 : i32 to vector<16xi32>
        %and3A_614 = arith.andi %shift_right_logical3A_611, %and3A_613 : vector<16xi32>
        %lt3A_615 = arith.constant 19 : i32
        %lt3A_616 = vector.broadcast %lt3A_615 : i32 to vector<16xi32>
        %lt3A_617 = arith.cmpi slt, %and3A_614, %lt3A_616 : vector<16xi32>
        tpu.vector_store_idx %arg6[%iota3A, %and3A_614], %broadcast_in_dim3A_130 masked %lt3A_617 {add = true} : memref<16x32xf32, #tpu.memory_space<vmem>>[vector<16xi32>, vector<16xi32>], vector<16xf32>, vector<16xi1>
        %shift_right_logical3A_618 = arith.constant 8 : i32
        %shift_right_logical3A_619 = vector.broadcast %shift_right_logical3A_618 : i32 to vector<16xi32>
        %shift_right_logical3A_620 = arith.shrui %get3A_481, %shift_right_logical3A_619 : vector<16xi32>
        %and3A_621 = arith.constant 255 : i32
        %and3A_622 = vector.broadcast %and3A_621 : i32 to vector<16xi32>
        %and3A_623 = arith.andi %shift_right_logical3A_620, %and3A_622 : vector<16xi32>
        %lt3A_624 = arith.constant 19 : i32
        %lt3A_625 = vector.broadcast %lt3A_624 : i32 to vector<16xi32>
        %lt3A_626 = arith.cmpi slt, %and3A_623, %lt3A_625 : vector<16xi32>
        tpu.vector_store_idx %arg6[%iota3A, %and3A_623], %broadcast_in_dim3A_130 masked %lt3A_626 {add = true} : memref<16x32xf32, #tpu.memory_space<vmem>>[vector<16xi32>, vector<16xi32>], vector<16xf32>, vector<16xi1>
        %shift_right_logical3A_627 = arith.constant 16 : i32
        %shift_right_logical3A_628 = vector.broadcast %shift_right_logical3A_627 : i32 to vector<16xi32>
        %shift_right_logical3A_629 = arith.shrui %get3A_481, %shift_right_logical3A_628 : vector<16xi32>
        %and3A_630 = arith.constant 255 : i32
        %and3A_631 = vector.broadcast %and3A_630 : i32 to vector<16xi32>
        %and3A_632 = arith.andi %shift_right_logical3A_629, %and3A_631 : vector<16xi32>
        %lt3A_633 = arith.constant 19 : i32
        %lt3A_634 = vector.broadcast %lt3A_633 : i32 to vector<16xi32>
        %lt3A_635 = arith.cmpi slt, %and3A_632, %lt3A_634 : vector<16xi32>
        tpu.vector_store_idx %arg6[%iota3A, %and3A_632], %broadcast_in_dim3A_130 masked %lt3A_635 {add = true} : memref<16x32xf32, #tpu.memory_space<vmem>>[vector<16xi32>, vector<16xi32>], vector<16xf32>, vector<16xi1>
        %shift_right_logical3A_636 = arith.constant 24 : i32
        %shift_right_logical3A_637 = vector.broadcast %shift_right_logical3A_636 : i32 to vector<16xi32>
        %shift_right_logical3A_638 = arith.shrui %get3A_481, %shift_right_logical3A_637 : vector<16xi32>
        %and3A_639 = arith.constant 255 : i32
        %and3A_640 = vector.broadcast %and3A_639 : i32 to vector<16xi32>
        %and3A_641 = arith.andi %shift_right_logical3A_638, %and3A_640 : vector<16xi32>
        %lt3A_642 = arith.constant 19 : i32
        %lt3A_643 = vector.broadcast %lt3A_642 : i32 to vector<16xi32>
        %lt3A_644 = arith.cmpi slt, %and3A_641, %lt3A_643 : vector<16xi32>
        tpu.vector_store_idx %arg6[%iota3A, %and3A_641], %broadcast_in_dim3A_130 masked %lt3A_644 {add = true} : memref<16x32xf32, #tpu.memory_space<vmem>>[vector<16xi32>, vector<16xi32>], vector<16xf32>, vector<16xi1>
      } else {
      }
      %gt3A_570 = arith.constant 0 : i32
      %gt3A_571 = arith.cmpi sgt, %reduce_sum3A_557, %gt3A_570 : i32
      %convert_element_type3A_572 = arith.extui %gt3A_571 : i1 to i32
      %cond3A_573 = arith.constant 0 : i32
      %cond3A_574 = arith.cmpi ne, %convert_element_type3A_572, %cond3A_573 : i32
      scf.if %cond3A_574 {
        %shift_right_logical3A = arith.constant 0 : i32
        %shift_right_logical3A_575 = vector.broadcast %shift_right_logical3A : i32 to vector<16xi32>
        %shift_right_logical3A_576 = arith.shrui %get3A_518, %shift_right_logical3A_575 : vector<16xi32>
        %and3A_577 = arith.constant 255 : i32
        %and3A_578 = vector.broadcast %and3A_577 : i32 to vector<16xi32>
        %and3A_579 = arith.andi %shift_right_logical3A_576, %and3A_578 : vector<16xi32>
        %lt3A = arith.constant 19 : i32
        %lt3A_580 = vector.broadcast %lt3A : i32 to vector<16xi32>
        %lt3A_581 = arith.cmpi slt, %and3A_579, %lt3A_580 : vector<16xi32>
        tpu.vector_store_idx %arg6[%iota3A, %and3A_579], %broadcast_in_dim3A_130 masked %lt3A_581 {add = true} : memref<16x32xf32, #tpu.memory_space<vmem>>[vector<16xi32>, vector<16xi32>], vector<16xf32>, vector<16xi1>
        %shift_right_logical3A_582 = arith.constant 8 : i32
        %shift_right_logical3A_583 = vector.broadcast %shift_right_logical3A_582 : i32 to vector<16xi32>
        %shift_right_logical3A_584 = arith.shrui %get3A_518, %shift_right_logical3A_583 : vector<16xi32>
        %and3A_585 = arith.constant 255 : i32
        %and3A_586 = vector.broadcast %and3A_585 : i32 to vector<16xi32>
        %and3A_587 = arith.andi %shift_right_logical3A_584, %and3A_586 : vector<16xi32>
        %lt3A_588 = arith.constant 19 : i32
        %lt3A_589 = vector.broadcast %lt3A_588 : i32 to vector<16xi32>
        %lt3A_590 = arith.cmpi slt, %and3A_587, %lt3A_589 : vector<16xi32>
        tpu.vector_store_idx %arg6[%iota3A, %and3A_587], %broadcast_in_dim3A_130 masked %lt3A_590 {add = true} : memref<16x32xf32, #tpu.memory_space<vmem>>[vector<16xi32>, vector<16xi32>], vector<16xf32>, vector<16xi1>
        %shift_right_logical3A_591 = arith.constant 16 : i32
        %shift_right_logical3A_592 = vector.broadcast %shift_right_logical3A_591 : i32 to vector<16xi32>
        %shift_right_logical3A_593 = arith.shrui %get3A_518, %shift_right_logical3A_592 : vector<16xi32>
        %and3A_594 = arith.constant 255 : i32
        %and3A_595 = vector.broadcast %and3A_594 : i32 to vector<16xi32>
        %and3A_596 = arith.andi %shift_right_logical3A_593, %and3A_595 : vector<16xi32>
        %lt3A_597 = arith.constant 19 : i32
        %lt3A_598 = vector.broadcast %lt3A_597 : i32 to vector<16xi32>
        %lt3A_599 = arith.cmpi slt, %and3A_596, %lt3A_598 : vector<16xi32>
        tpu.vector_store_idx %arg6[%iota3A, %and3A_596], %broadcast_in_dim3A_130 masked %lt3A_599 {add = true} : memref<16x32xf32, #tpu.memory_space<vmem>>[vector<16xi32>, vector<16xi32>], vector<16xf32>, vector<16xi1>
        %shift_right_logical3A_600 = arith.constant 24 : i32
        %shift_right_logical3A_601 = vector.broadcast %shift_right_logical3A_600 : i32 to vector<16xi32>
        %shift_right_logical3A_602 = arith.shrui %get3A_518, %shift_right_logical3A_601 : vector<16xi32>
        %and3A_603 = arith.constant 255 : i32
        %and3A_604 = vector.broadcast %and3A_603 : i32 to vector<16xi32>
        %and3A_605 = arith.andi %shift_right_logical3A_602, %and3A_604 : vector<16xi32>
        %lt3A_606 = arith.constant 19 : i32
        %lt3A_607 = vector.broadcast %lt3A_606 : i32 to vector<16xi32>
        %lt3A_608 = arith.cmpi slt, %and3A_605, %lt3A_607 : vector<16xi32>
        tpu.vector_store_idx %arg6[%iota3A, %and3A_605], %broadcast_in_dim3A_130 masked %lt3A_608 {add = true} : memref<16x32xf32, #tpu.memory_space<vmem>>[vector<16xi32>, vector<16xi32>], vector<16xf32>, vector<16xi1>
        %shift_right_logical3A_609 = arith.constant 0 : i32
        %shift_right_logical3A_610 = vector.broadcast %shift_right_logical3A_609 : i32 to vector<16xi32>
        %shift_right_logical3A_611 = arith.shrui %get3A_526, %shift_right_logical3A_610 : vector<16xi32>
        %and3A_612 = arith.constant 255 : i32
        %and3A_613 = vector.broadcast %and3A_612 : i32 to vector<16xi32>
        %and3A_614 = arith.andi %shift_right_logical3A_611, %and3A_613 : vector<16xi32>
        %lt3A_615 = arith.constant 19 : i32
        %lt3A_616 = vector.broadcast %lt3A_615 : i32 to vector<16xi32>
        %lt3A_617 = arith.cmpi slt, %and3A_614, %lt3A_616 : vector<16xi32>
        tpu.vector_store_idx %arg6[%iota3A, %and3A_614], %broadcast_in_dim3A_130 masked %lt3A_617 {add = true} : memref<16x32xf32, #tpu.memory_space<vmem>>[vector<16xi32>, vector<16xi32>], vector<16xf32>, vector<16xi1>
        %shift_right_logical3A_618 = arith.constant 8 : i32
        %shift_right_logical3A_619 = vector.broadcast %shift_right_logical3A_618 : i32 to vector<16xi32>
        %shift_right_logical3A_620 = arith.shrui %get3A_526, %shift_right_logical3A_619 : vector<16xi32>
        %and3A_621 = arith.constant 255 : i32
        %and3A_622 = vector.broadcast %and3A_621 : i32 to vector<16xi32>
        %and3A_623 = arith.andi %shift_right_logical3A_620, %and3A_622 : vector<16xi32>
        %lt3A_624 = arith.constant 19 : i32
        %lt3A_625 = vector.broadcast %lt3A_624 : i32 to vector<16xi32>
        %lt3A_626 = arith.cmpi slt, %and3A_623, %lt3A_625 : vector<16xi32>
        tpu.vector_store_idx %arg6[%iota3A, %and3A_623], %broadcast_in_dim3A_130 masked %lt3A_626 {add = true} : memref<16x32xf32, #tpu.memory_space<vmem>>[vector<16xi32>, vector<16xi32>], vector<16xf32>, vector<16xi1>
        %shift_right_logical3A_627 = arith.constant 16 : i32
        %shift_right_logical3A_628 = vector.broadcast %shift_right_logical3A_627 : i32 to vector<16xi32>
        %shift_right_logical3A_629 = arith.shrui %get3A_526, %shift_right_logical3A_628 : vector<16xi32>
        %and3A_630 = arith.constant 255 : i32
        %and3A_631 = vector.broadcast %and3A_630 : i32 to vector<16xi32>
        %and3A_632 = arith.andi %shift_right_logical3A_629, %and3A_631 : vector<16xi32>
        %lt3A_633 = arith.constant 19 : i32
        %lt3A_634 = vector.broadcast %lt3A_633 : i32 to vector<16xi32>
        %lt3A_635 = arith.cmpi slt, %and3A_632, %lt3A_634 : vector<16xi32>
        tpu.vector_store_idx %arg6[%iota3A, %and3A_632], %broadcast_in_dim3A_130 masked %lt3A_635 {add = true} : memref<16x32xf32, #tpu.memory_space<vmem>>[vector<16xi32>, vector<16xi32>], vector<16xf32>, vector<16xi1>
        %shift_right_logical3A_636 = arith.constant 24 : i32
        %shift_right_logical3A_637 = vector.broadcast %shift_right_logical3A_636 : i32 to vector<16xi32>
        %shift_right_logical3A_638 = arith.shrui %get3A_526, %shift_right_logical3A_637 : vector<16xi32>
        %and3A_639 = arith.constant 255 : i32
        %and3A_640 = vector.broadcast %and3A_639 : i32 to vector<16xi32>
        %and3A_641 = arith.andi %shift_right_logical3A_638, %and3A_640 : vector<16xi32>
        %lt3A_642 = arith.constant 19 : i32
        %lt3A_643 = vector.broadcast %lt3A_642 : i32 to vector<16xi32>
        %lt3A_644 = arith.cmpi slt, %and3A_641, %lt3A_643 : vector<16xi32>
        tpu.vector_store_idx %arg6[%iota3A, %and3A_641], %broadcast_in_dim3A_130 masked %lt3A_644 {add = true} : memref<16x32xf32, #tpu.memory_space<vmem>>[vector<16xi32>, vector<16xi32>], vector<16xf32>, vector<16xi1>
      } else {
      }
    }
    %scan3A_179 = arith.constant 16 : i32
    %add3A_180 = arith.constant 10240 : i32
    %add3A_181 = arith.addi %mul3A_132, %add3A_180 : i32
    %dma_start3A_182 = tpu.memref_slice %arg2[%add3A_181] : memref<524288xi32, #tpu.memory_space<hbm>> -> memref<2048xi32, #tpu.memory_space<hbm>>
    %dma_start3A_183 = tpu.memref_slice %arg2[%add3A_181] : memref<524288xi32, #tpu.memory_space<hbm>> -> memref<2048xi32, #tpu.memory_space<hbm>>
    tpu.enqueue_dma source(%dma_start3A_183 : memref<2048xi32, #tpu.memory_space<hbm>>) target(%arg5 : memref<2048xi32, #tpu.memory_space<vmem>>) target_semaphore(%arg9 : memref<!tpu.dma_semaphore, #tpu.memory_space<semaphore_mem>>)
    %dma_wait3A_184 = tpu.memref_slice %arg2[%add3A_169] : memref<524288xi32, #tpu.memory_space<hbm>> -> memref<2048xi32, #tpu.memory_space<hbm>>
    %dma_wait3A_185 = tpu.memref_slice %arg2[%add3A_169] : memref<524288xi32, #tpu.memory_space<hbm>> -> memref<2048xi32, #tpu.memory_space<hbm>>
    tpu.wait_dma2 semaphore(%arg8 : memref<!tpu.dma_semaphore, #tpu.memory_space<semaphore_mem>>) src(%dma_wait3A_185 : memref<2048xi32, #tpu.memory_space<hbm>>) dst(%arg4 : memref<2048xi32, #tpu.memory_space<vmem>>)
    %scan3A_186 = arith.constant 0 : i32
    %scan3A_187 = arith.constant 0 : i32
    %scan3A_188 = arith.constant 16 : i32
    %scan3A_189 = arith.addi %scan3A_187, %scan3A_188 : i32
    %scan3A_190 = arith.constant 1 : i32
    scf.for %scan3A_385 = %scan3A_187 to %scan3A_189 step %scan3A_190  : i32 {
      %mul3A_386 = arith.constant 128 : i32
      %mul3A_387 = arith.muli %scan3A_385, %mul3A_386 : i32
      %add3A_388 = arith.constant 0 : i32
      %add3A_389 = arith.addi %mul3A_387, %add3A_388 : i32
      %get3A_390 = arith.index_cast %add3A_389 : i32 to index
      %get3A_391 = tpu.vector_load %arg4[%get3A_390] {strides = array<i32>} : memref<2048xi32, #tpu.memory_space<vmem>>, vector<16xi32>,
      %mul3A_392 = arith.constant 128 : i32
      %mul3A_393 = arith.muli %scan3A_385, %mul3A_392 : i32
      %add3A_394 = arith.constant 0 : i32
      %add3A_395 = arith.addi %mul3A_393, %add3A_394 : i32
      %add3A_396 = arith.constant 16 : i32
      %add3A_397 = arith.addi %add3A_395, %add3A_396 : i32
      %get3A_398 = arith.index_cast %add3A_397 : i32 to index
      %get3A_399 = tpu.vector_load %arg4[%get3A_398] {strides = array<i32>} : memref<2048xi32, #tpu.memory_space<vmem>>, vector<16xi32>,
      %sub3A = arith.constant 320017171 : i32
      %sub3A_400 = vector.broadcast %sub3A : i32 to vector<16xi32>
      %sub3A_401 = arith.subi %get3A_391, %sub3A_400 : vector<16xi32>
      %not3A = arith.constant dense<-1> : vector<16xi32>
      %not3A_402 = arith.xori %get3A_391, %not3A : vector<16xi32>
      %and3A = arith.andi %sub3A_401, %not3A_402 : vector<16xi32>
      %and3A_403 = arith.constant -2139062144 : i32
      %and3A_404 = vector.broadcast %and3A_403 : i32 to vector<16xi32>
      %and3A_405 = arith.andi %and3A, %and3A_404 : vector<16xi32>
      %sub3A_406 = arith.constant 320017171 : i32
      %sub3A_407 = vector.broadcast %sub3A_406 : i32 to vector<16xi32>
      %sub3A_408 = arith.subi %get3A_399, %sub3A_407 : vector<16xi32>
      %not3A_409 = arith.constant dense<-1> : vector<16xi32>
      %not3A_410 = arith.xori %get3A_399, %not3A_409 : vector<16xi32>
      %and3A_411 = arith.andi %sub3A_408, %not3A_410 : vector<16xi32>
      %and3A_412 = arith.constant -2139062144 : i32
      %and3A_413 = vector.broadcast %and3A_412 : i32 to vector<16xi32>
      %and3A_414 = arith.andi %and3A_411, %and3A_413 : vector<16xi32>
      %or3A = arith.ori %and3A_405, %and3A_414 : vector<16xi32>
      %ne3A = arith.constant 0 : i32
      %ne3A_415 = vector.broadcast %ne3A : i32 to vector<16xi32>
      %ne3A_416 = arith.cmpi ne, %or3A, %ne3A_415 : vector<16xi32>
      %jit3A = arith.constant 1 : i32
      %jit3A_417 = arith.constant 0 : i32
      %broadcast_in_dim3A_418 = vector.broadcast %jit3A : i32 to vector<16xi32>
      %broadcast_in_dim3A_419 = vector.broadcast %jit3A_417 : i32 to vector<16xi32>
      %select_n3A = arith.select %ne3A_416, %broadcast_in_dim3A_418, %broadcast_in_dim3A_419 : vector<16xi1>, vector<16xi32>
      %reduce_sum3A = arith.constant true
      %reduce_sum3A_420 = vector.broadcast %reduce_sum3A : i1 to vector<16xi1>
      %reduce_sum3A_421 = tpu.scan <sum>, %select_n3A masked %reduce_sum3A_420 : vector<16xi32>, vector<16xi1> -> vector<16xi32>
      %reduce_sum3A_422 = vector.extract %reduce_sum3A_421[15] : i32 from vector<16xi32>
      %mul3A_423 = arith.constant 128 : i32
      %mul3A_424 = arith.muli %scan3A_385, %mul3A_423 : i32
      %add3A_425 = arith.constant 32 : i32
      %add3A_426 = arith.addi %mul3A_424, %add3A_425 : i32
      %get3A_427 = arith.index_cast %add3A_426 : i32 to index
      %get3A_428 = tpu.vector_load %arg4[%get3A_427] {strides = array<i32>} : memref<2048xi32, #tpu.memory_space<vmem>>, vector<16xi32>,
      %mul3A_429 = arith.constant 128 : i32
      %mul3A_430 = arith.muli %scan3A_385, %mul3A_429 : i32
      %add3A_431 = arith.constant 32 : i32
      %add3A_432 = arith.addi %mul3A_430, %add3A_431 : i32
      %add3A_433 = arith.constant 16 : i32
      %add3A_434 = arith.addi %add3A_432, %add3A_433 : i32
      %get3A_435 = arith.index_cast %add3A_434 : i32 to index
      %get3A_436 = tpu.vector_load %arg4[%get3A_435] {strides = array<i32>} : memref<2048xi32, #tpu.memory_space<vmem>>, vector<16xi32>,
      %sub3A_437 = arith.constant 320017171 : i32
      %sub3A_438 = vector.broadcast %sub3A_437 : i32 to vector<16xi32>
      %sub3A_439 = arith.subi %get3A_428, %sub3A_438 : vector<16xi32>
      %not3A_440 = arith.constant dense<-1> : vector<16xi32>
      %not3A_441 = arith.xori %get3A_428, %not3A_440 : vector<16xi32>
      %and3A_442 = arith.andi %sub3A_439, %not3A_441 : vector<16xi32>
      %and3A_443 = arith.constant -2139062144 : i32
      %and3A_444 = vector.broadcast %and3A_443 : i32 to vector<16xi32>
      %and3A_445 = arith.andi %and3A_442, %and3A_444 : vector<16xi32>
      %sub3A_446 = arith.constant 320017171 : i32
      %sub3A_447 = vector.broadcast %sub3A_446 : i32 to vector<16xi32>
      %sub3A_448 = arith.subi %get3A_436, %sub3A_447 : vector<16xi32>
      %not3A_449 = arith.constant dense<-1> : vector<16xi32>
      %not3A_450 = arith.xori %get3A_436, %not3A_449 : vector<16xi32>
      %and3A_451 = arith.andi %sub3A_448, %not3A_450 : vector<16xi32>
      %and3A_452 = arith.constant -2139062144 : i32
      %and3A_453 = vector.broadcast %and3A_452 : i32 to vector<16xi32>
      %and3A_454 = arith.andi %and3A_451, %and3A_453 : vector<16xi32>
      %or3A_455 = arith.ori %and3A_445, %and3A_454 : vector<16xi32>
      %ne3A_456 = arith.constant 0 : i32
      %ne3A_457 = vector.broadcast %ne3A_456 : i32 to vector<16xi32>
      %ne3A_458 = arith.cmpi ne, %or3A_455, %ne3A_457 : vector<16xi32>
      %jit3A_459 = arith.constant 1 : i32
      %jit3A_460 = arith.constant 0 : i32
      %broadcast_in_dim3A_461 = vector.broadcast %jit3A_459 : i32 to vector<16xi32>
      %broadcast_in_dim3A_462 = vector.broadcast %jit3A_460 : i32 to vector<16xi32>
      %select_n3A_463 = arith.select %ne3A_458, %broadcast_in_dim3A_461, %broadcast_in_dim3A_462 : vector<16xi1>, vector<16xi32>
      %reduce_sum3A_464 = arith.constant true
      %reduce_sum3A_465 = vector.broadcast %reduce_sum3A_464 : i1 to vector<16xi1>
      %reduce_sum3A_466 = tpu.scan <sum>, %select_n3A_463 masked %reduce_sum3A_465 : vector<16xi32>, vector<16xi1> -> vector<16xi32>
      %reduce_sum3A_467 = vector.extract %reduce_sum3A_466[15] : i32 from vector<16xi32>
      %mul3A_468 = arith.constant 128 : i32
      %mul3A_469 = arith.muli %scan3A_385, %mul3A_468 : i32
      %add3A_470 = arith.constant 64 : i32
      %add3A_471 = arith.addi %mul3A_469, %add3A_470 : i32
      %get3A_472 = arith.index_cast %add3A_471 : i32 to index
      %get3A_473 = tpu.vector_load %arg4[%get3A_472] {strides = array<i32>} : memref<2048xi32, #tpu.memory_space<vmem>>, vector<16xi32>,
      %mul3A_474 = arith.constant 128 : i32
      %mul3A_475 = arith.muli %scan3A_385, %mul3A_474 : i32
      %add3A_476 = arith.constant 64 : i32
      %add3A_477 = arith.addi %mul3A_475, %add3A_476 : i32
      %add3A_478 = arith.constant 16 : i32
      %add3A_479 = arith.addi %add3A_477, %add3A_478 : i32
      %get3A_480 = arith.index_cast %add3A_479 : i32 to index
      %get3A_481 = tpu.vector_load %arg4[%get3A_480] {strides = array<i32>} : memref<2048xi32, #tpu.memory_space<vmem>>, vector<16xi32>,
      %sub3A_482 = arith.constant 320017171 : i32
      %sub3A_483 = vector.broadcast %sub3A_482 : i32 to vector<16xi32>
      %sub3A_484 = arith.subi %get3A_473, %sub3A_483 : vector<16xi32>
      %not3A_485 = arith.constant dense<-1> : vector<16xi32>
      %not3A_486 = arith.xori %get3A_473, %not3A_485 : vector<16xi32>
      %and3A_487 = arith.andi %sub3A_484, %not3A_486 : vector<16xi32>
      %and3A_488 = arith.constant -2139062144 : i32
      %and3A_489 = vector.broadcast %and3A_488 : i32 to vector<16xi32>
      %and3A_490 = arith.andi %and3A_487, %and3A_489 : vector<16xi32>
      %sub3A_491 = arith.constant 320017171 : i32
      %sub3A_492 = vector.broadcast %sub3A_491 : i32 to vector<16xi32>
      %sub3A_493 = arith.subi %get3A_481, %sub3A_492 : vector<16xi32>
      %not3A_494 = arith.constant dense<-1> : vector<16xi32>
      %not3A_495 = arith.xori %get3A_481, %not3A_494 : vector<16xi32>
      %and3A_496 = arith.andi %sub3A_493, %not3A_495 : vector<16xi32>
      %and3A_497 = arith.constant -2139062144 : i32
      %and3A_498 = vector.broadcast %and3A_497 : i32 to vector<16xi32>
      %and3A_499 = arith.andi %and3A_496, %and3A_498 : vector<16xi32>
      %or3A_500 = arith.ori %and3A_490, %and3A_499 : vector<16xi32>
      %ne3A_501 = arith.constant 0 : i32
      %ne3A_502 = vector.broadcast %ne3A_501 : i32 to vector<16xi32>
      %ne3A_503 = arith.cmpi ne, %or3A_500, %ne3A_502 : vector<16xi32>
      %jit3A_504 = arith.constant 1 : i32
      %jit3A_505 = arith.constant 0 : i32
      %broadcast_in_dim3A_506 = vector.broadcast %jit3A_504 : i32 to vector<16xi32>
      %broadcast_in_dim3A_507 = vector.broadcast %jit3A_505 : i32 to vector<16xi32>
      %select_n3A_508 = arith.select %ne3A_503, %broadcast_in_dim3A_506, %broadcast_in_dim3A_507 : vector<16xi1>, vector<16xi32>
      %reduce_sum3A_509 = arith.constant true
      %reduce_sum3A_510 = vector.broadcast %reduce_sum3A_509 : i1 to vector<16xi1>
      %reduce_sum3A_511 = tpu.scan <sum>, %select_n3A_508 masked %reduce_sum3A_510 : vector<16xi32>, vector<16xi1> -> vector<16xi32>
      %reduce_sum3A_512 = vector.extract %reduce_sum3A_511[15] : i32 from vector<16xi32>
      %mul3A_513 = arith.constant 128 : i32
      %mul3A_514 = arith.muli %scan3A_385, %mul3A_513 : i32
      %add3A_515 = arith.constant 96 : i32
      %add3A_516 = arith.addi %mul3A_514, %add3A_515 : i32
      %get3A_517 = arith.index_cast %add3A_516 : i32 to index
      %get3A_518 = tpu.vector_load %arg4[%get3A_517] {strides = array<i32>} : memref<2048xi32, #tpu.memory_space<vmem>>, vector<16xi32>,
      %mul3A_519 = arith.constant 128 : i32
      %mul3A_520 = arith.muli %scan3A_385, %mul3A_519 : i32
      %add3A_521 = arith.constant 96 : i32
      %add3A_522 = arith.addi %mul3A_520, %add3A_521 : i32
      %add3A_523 = arith.constant 16 : i32
      %add3A_524 = arith.addi %add3A_522, %add3A_523 : i32
      %get3A_525 = arith.index_cast %add3A_524 : i32 to index
      %get3A_526 = tpu.vector_load %arg4[%get3A_525] {strides = array<i32>} : memref<2048xi32, #tpu.memory_space<vmem>>, vector<16xi32>,
      %sub3A_527 = arith.constant 320017171 : i32
      %sub3A_528 = vector.broadcast %sub3A_527 : i32 to vector<16xi32>
      %sub3A_529 = arith.subi %get3A_518, %sub3A_528 : vector<16xi32>
      %not3A_530 = arith.constant dense<-1> : vector<16xi32>
      %not3A_531 = arith.xori %get3A_518, %not3A_530 : vector<16xi32>
      %and3A_532 = arith.andi %sub3A_529, %not3A_531 : vector<16xi32>
      %and3A_533 = arith.constant -2139062144 : i32
      %and3A_534 = vector.broadcast %and3A_533 : i32 to vector<16xi32>
      %and3A_535 = arith.andi %and3A_532, %and3A_534 : vector<16xi32>
      %sub3A_536 = arith.constant 320017171 : i32
      %sub3A_537 = vector.broadcast %sub3A_536 : i32 to vector<16xi32>
      %sub3A_538 = arith.subi %get3A_526, %sub3A_537 : vector<16xi32>
      %not3A_539 = arith.constant dense<-1> : vector<16xi32>
      %not3A_540 = arith.xori %get3A_526, %not3A_539 : vector<16xi32>
      %and3A_541 = arith.andi %sub3A_538, %not3A_540 : vector<16xi32>
      %and3A_542 = arith.constant -2139062144 : i32
      %and3A_543 = vector.broadcast %and3A_542 : i32 to vector<16xi32>
      %and3A_544 = arith.andi %and3A_541, %and3A_543 : vector<16xi32>
      %or3A_545 = arith.ori %and3A_535, %and3A_544 : vector<16xi32>
      %ne3A_546 = arith.constant 0 : i32
      %ne3A_547 = vector.broadcast %ne3A_546 : i32 to vector<16xi32>
      %ne3A_548 = arith.cmpi ne, %or3A_545, %ne3A_547 : vector<16xi32>
      %jit3A_549 = arith.constant 1 : i32
      %jit3A_550 = arith.constant 0 : i32
      %broadcast_in_dim3A_551 = vector.broadcast %jit3A_549 : i32 to vector<16xi32>
      %broadcast_in_dim3A_552 = vector.broadcast %jit3A_550 : i32 to vector<16xi32>
      %select_n3A_553 = arith.select %ne3A_548, %broadcast_in_dim3A_551, %broadcast_in_dim3A_552 : vector<16xi1>, vector<16xi32>
      %reduce_sum3A_554 = arith.constant true
      %reduce_sum3A_555 = vector.broadcast %reduce_sum3A_554 : i1 to vector<16xi1>
      %reduce_sum3A_556 = tpu.scan <sum>, %select_n3A_553 masked %reduce_sum3A_555 : vector<16xi32>, vector<16xi1> -> vector<16xi32>
      %reduce_sum3A_557 = vector.extract %reduce_sum3A_556[15] : i32 from vector<16xi32>
      %gt3A = arith.constant 0 : i32
      %gt3A_558 = arith.cmpi sgt, %reduce_sum3A_422, %gt3A : i32
      %convert_element_type3A = arith.extui %gt3A_558 : i1 to i32
      %cond3A = arith.constant 0 : i32
      %cond3A_559 = arith.cmpi ne, %convert_element_type3A, %cond3A : i32
      scf.if %cond3A_559 {
        %shift_right_logical3A = arith.constant 0 : i32
        %shift_right_logical3A_575 = vector.broadcast %shift_right_logical3A : i32 to vector<16xi32>
        %shift_right_logical3A_576 = arith.shrui %get3A_391, %shift_right_logical3A_575 : vector<16xi32>
        %and3A_577 = arith.constant 255 : i32
        %and3A_578 = vector.broadcast %and3A_577 : i32 to vector<16xi32>
        %and3A_579 = arith.andi %shift_right_logical3A_576, %and3A_578 : vector<16xi32>
        %lt3A = arith.constant 19 : i32
        %lt3A_580 = vector.broadcast %lt3A : i32 to vector<16xi32>
        %lt3A_581 = arith.cmpi slt, %and3A_579, %lt3A_580 : vector<16xi32>
        tpu.vector_store_idx %arg6[%iota3A, %and3A_579], %broadcast_in_dim3A_130 masked %lt3A_581 {add = true} : memref<16x32xf32, #tpu.memory_space<vmem>>[vector<16xi32>, vector<16xi32>], vector<16xf32>, vector<16xi1>
        %shift_right_logical3A_582 = arith.constant 8 : i32
        %shift_right_logical3A_583 = vector.broadcast %shift_right_logical3A_582 : i32 to vector<16xi32>
        %shift_right_logical3A_584 = arith.shrui %get3A_391, %shift_right_logical3A_583 : vector<16xi32>
        %and3A_585 = arith.constant 255 : i32
        %and3A_586 = vector.broadcast %and3A_585 : i32 to vector<16xi32>
        %and3A_587 = arith.andi %shift_right_logical3A_584, %and3A_586 : vector<16xi32>
        %lt3A_588 = arith.constant 19 : i32
        %lt3A_589 = vector.broadcast %lt3A_588 : i32 to vector<16xi32>
        %lt3A_590 = arith.cmpi slt, %and3A_587, %lt3A_589 : vector<16xi32>
        tpu.vector_store_idx %arg6[%iota3A, %and3A_587], %broadcast_in_dim3A_130 masked %lt3A_590 {add = true} : memref<16x32xf32, #tpu.memory_space<vmem>>[vector<16xi32>, vector<16xi32>], vector<16xf32>, vector<16xi1>
        %shift_right_logical3A_591 = arith.constant 16 : i32
        %shift_right_logical3A_592 = vector.broadcast %shift_right_logical3A_591 : i32 to vector<16xi32>
        %shift_right_logical3A_593 = arith.shrui %get3A_391, %shift_right_logical3A_592 : vector<16xi32>
        %and3A_594 = arith.constant 255 : i32
        %and3A_595 = vector.broadcast %and3A_594 : i32 to vector<16xi32>
        %and3A_596 = arith.andi %shift_right_logical3A_593, %and3A_595 : vector<16xi32>
        %lt3A_597 = arith.constant 19 : i32
        %lt3A_598 = vector.broadcast %lt3A_597 : i32 to vector<16xi32>
        %lt3A_599 = arith.cmpi slt, %and3A_596, %lt3A_598 : vector<16xi32>
        tpu.vector_store_idx %arg6[%iota3A, %and3A_596], %broadcast_in_dim3A_130 masked %lt3A_599 {add = true} : memref<16x32xf32, #tpu.memory_space<vmem>>[vector<16xi32>, vector<16xi32>], vector<16xf32>, vector<16xi1>
        %shift_right_logical3A_600 = arith.constant 24 : i32
        %shift_right_logical3A_601 = vector.broadcast %shift_right_logical3A_600 : i32 to vector<16xi32>
        %shift_right_logical3A_602 = arith.shrui %get3A_391, %shift_right_logical3A_601 : vector<16xi32>
        %and3A_603 = arith.constant 255 : i32
        %and3A_604 = vector.broadcast %and3A_603 : i32 to vector<16xi32>
        %and3A_605 = arith.andi %shift_right_logical3A_602, %and3A_604 : vector<16xi32>
        %lt3A_606 = arith.constant 19 : i32
        %lt3A_607 = vector.broadcast %lt3A_606 : i32 to vector<16xi32>
        %lt3A_608 = arith.cmpi slt, %and3A_605, %lt3A_607 : vector<16xi32>
        tpu.vector_store_idx %arg6[%iota3A, %and3A_605], %broadcast_in_dim3A_130 masked %lt3A_608 {add = true} : memref<16x32xf32, #tpu.memory_space<vmem>>[vector<16xi32>, vector<16xi32>], vector<16xf32>, vector<16xi1>
        %shift_right_logical3A_609 = arith.constant 0 : i32
        %shift_right_logical3A_610 = vector.broadcast %shift_right_logical3A_609 : i32 to vector<16xi32>
        %shift_right_logical3A_611 = arith.shrui %get3A_399, %shift_right_logical3A_610 : vector<16xi32>
        %and3A_612 = arith.constant 255 : i32
        %and3A_613 = vector.broadcast %and3A_612 : i32 to vector<16xi32>
        %and3A_614 = arith.andi %shift_right_logical3A_611, %and3A_613 : vector<16xi32>
        %lt3A_615 = arith.constant 19 : i32
        %lt3A_616 = vector.broadcast %lt3A_615 : i32 to vector<16xi32>
        %lt3A_617 = arith.cmpi slt, %and3A_614, %lt3A_616 : vector<16xi32>
        tpu.vector_store_idx %arg6[%iota3A, %and3A_614], %broadcast_in_dim3A_130 masked %lt3A_617 {add = true} : memref<16x32xf32, #tpu.memory_space<vmem>>[vector<16xi32>, vector<16xi32>], vector<16xf32>, vector<16xi1>
        %shift_right_logical3A_618 = arith.constant 8 : i32
        %shift_right_logical3A_619 = vector.broadcast %shift_right_logical3A_618 : i32 to vector<16xi32>
        %shift_right_logical3A_620 = arith.shrui %get3A_399, %shift_right_logical3A_619 : vector<16xi32>
        %and3A_621 = arith.constant 255 : i32
        %and3A_622 = vector.broadcast %and3A_621 : i32 to vector<16xi32>
        %and3A_623 = arith.andi %shift_right_logical3A_620, %and3A_622 : vector<16xi32>
        %lt3A_624 = arith.constant 19 : i32
        %lt3A_625 = vector.broadcast %lt3A_624 : i32 to vector<16xi32>
        %lt3A_626 = arith.cmpi slt, %and3A_623, %lt3A_625 : vector<16xi32>
        tpu.vector_store_idx %arg6[%iota3A, %and3A_623], %broadcast_in_dim3A_130 masked %lt3A_626 {add = true} : memref<16x32xf32, #tpu.memory_space<vmem>>[vector<16xi32>, vector<16xi32>], vector<16xf32>, vector<16xi1>
        %shift_right_logical3A_627 = arith.constant 16 : i32
        %shift_right_logical3A_628 = vector.broadcast %shift_right_logical3A_627 : i32 to vector<16xi32>
        %shift_right_logical3A_629 = arith.shrui %get3A_399, %shift_right_logical3A_628 : vector<16xi32>
        %and3A_630 = arith.constant 255 : i32
        %and3A_631 = vector.broadcast %and3A_630 : i32 to vector<16xi32>
        %and3A_632 = arith.andi %shift_right_logical3A_629, %and3A_631 : vector<16xi32>
        %lt3A_633 = arith.constant 19 : i32
        %lt3A_634 = vector.broadcast %lt3A_633 : i32 to vector<16xi32>
        %lt3A_635 = arith.cmpi slt, %and3A_632, %lt3A_634 : vector<16xi32>
        tpu.vector_store_idx %arg6[%iota3A, %and3A_632], %broadcast_in_dim3A_130 masked %lt3A_635 {add = true} : memref<16x32xf32, #tpu.memory_space<vmem>>[vector<16xi32>, vector<16xi32>], vector<16xf32>, vector<16xi1>
        %shift_right_logical3A_636 = arith.constant 24 : i32
        %shift_right_logical3A_637 = vector.broadcast %shift_right_logical3A_636 : i32 to vector<16xi32>
        %shift_right_logical3A_638 = arith.shrui %get3A_399, %shift_right_logical3A_637 : vector<16xi32>
        %and3A_639 = arith.constant 255 : i32
        %and3A_640 = vector.broadcast %and3A_639 : i32 to vector<16xi32>
        %and3A_641 = arith.andi %shift_right_logical3A_638, %and3A_640 : vector<16xi32>
        %lt3A_642 = arith.constant 19 : i32
        %lt3A_643 = vector.broadcast %lt3A_642 : i32 to vector<16xi32>
        %lt3A_644 = arith.cmpi slt, %and3A_641, %lt3A_643 : vector<16xi32>
        tpu.vector_store_idx %arg6[%iota3A, %and3A_641], %broadcast_in_dim3A_130 masked %lt3A_644 {add = true} : memref<16x32xf32, #tpu.memory_space<vmem>>[vector<16xi32>, vector<16xi32>], vector<16xf32>, vector<16xi1>
      } else {
      }
      %gt3A_560 = arith.constant 0 : i32
      %gt3A_561 = arith.cmpi sgt, %reduce_sum3A_467, %gt3A_560 : i32
      %convert_element_type3A_562 = arith.extui %gt3A_561 : i1 to i32
      %cond3A_563 = arith.constant 0 : i32
      %cond3A_564 = arith.cmpi ne, %convert_element_type3A_562, %cond3A_563 : i32
      scf.if %cond3A_564 {
        %shift_right_logical3A = arith.constant 0 : i32
        %shift_right_logical3A_575 = vector.broadcast %shift_right_logical3A : i32 to vector<16xi32>
        %shift_right_logical3A_576 = arith.shrui %get3A_428, %shift_right_logical3A_575 : vector<16xi32>
        %and3A_577 = arith.constant 255 : i32
        %and3A_578 = vector.broadcast %and3A_577 : i32 to vector<16xi32>
        %and3A_579 = arith.andi %shift_right_logical3A_576, %and3A_578 : vector<16xi32>
        %lt3A = arith.constant 19 : i32
        %lt3A_580 = vector.broadcast %lt3A : i32 to vector<16xi32>
        %lt3A_581 = arith.cmpi slt, %and3A_579, %lt3A_580 : vector<16xi32>
        tpu.vector_store_idx %arg6[%iota3A, %and3A_579], %broadcast_in_dim3A_130 masked %lt3A_581 {add = true} : memref<16x32xf32, #tpu.memory_space<vmem>>[vector<16xi32>, vector<16xi32>], vector<16xf32>, vector<16xi1>
        %shift_right_logical3A_582 = arith.constant 8 : i32
        %shift_right_logical3A_583 = vector.broadcast %shift_right_logical3A_582 : i32 to vector<16xi32>
        %shift_right_logical3A_584 = arith.shrui %get3A_428, %shift_right_logical3A_583 : vector<16xi32>
        %and3A_585 = arith.constant 255 : i32
        %and3A_586 = vector.broadcast %and3A_585 : i32 to vector<16xi32>
        %and3A_587 = arith.andi %shift_right_logical3A_584, %and3A_586 : vector<16xi32>
        %lt3A_588 = arith.constant 19 : i32
        %lt3A_589 = vector.broadcast %lt3A_588 : i32 to vector<16xi32>
        %lt3A_590 = arith.cmpi slt, %and3A_587, %lt3A_589 : vector<16xi32>
        tpu.vector_store_idx %arg6[%iota3A, %and3A_587], %broadcast_in_dim3A_130 masked %lt3A_590 {add = true} : memref<16x32xf32, #tpu.memory_space<vmem>>[vector<16xi32>, vector<16xi32>], vector<16xf32>, vector<16xi1>
        %shift_right_logical3A_591 = arith.constant 16 : i32
        %shift_right_logical3A_592 = vector.broadcast %shift_right_logical3A_591 : i32 to vector<16xi32>
        %shift_right_logical3A_593 = arith.shrui %get3A_428, %shift_right_logical3A_592 : vector<16xi32>
        %and3A_594 = arith.constant 255 : i32
        %and3A_595 = vector.broadcast %and3A_594 : i32 to vector<16xi32>
        %and3A_596 = arith.andi %shift_right_logical3A_593, %and3A_595 : vector<16xi32>
        %lt3A_597 = arith.constant 19 : i32
        %lt3A_598 = vector.broadcast %lt3A_597 : i32 to vector<16xi32>
        %lt3A_599 = arith.cmpi slt, %and3A_596, %lt3A_598 : vector<16xi32>
        tpu.vector_store_idx %arg6[%iota3A, %and3A_596], %broadcast_in_dim3A_130 masked %lt3A_599 {add = true} : memref<16x32xf32, #tpu.memory_space<vmem>>[vector<16xi32>, vector<16xi32>], vector<16xf32>, vector<16xi1>
        %shift_right_logical3A_600 = arith.constant 24 : i32
        %shift_right_logical3A_601 = vector.broadcast %shift_right_logical3A_600 : i32 to vector<16xi32>
        %shift_right_logical3A_602 = arith.shrui %get3A_428, %shift_right_logical3A_601 : vector<16xi32>
        %and3A_603 = arith.constant 255 : i32
        %and3A_604 = vector.broadcast %and3A_603 : i32 to vector<16xi32>
        %and3A_605 = arith.andi %shift_right_logical3A_602, %and3A_604 : vector<16xi32>
        %lt3A_606 = arith.constant 19 : i32
        %lt3A_607 = vector.broadcast %lt3A_606 : i32 to vector<16xi32>
        %lt3A_608 = arith.cmpi slt, %and3A_605, %lt3A_607 : vector<16xi32>
        tpu.vector_store_idx %arg6[%iota3A, %and3A_605], %broadcast_in_dim3A_130 masked %lt3A_608 {add = true} : memref<16x32xf32, #tpu.memory_space<vmem>>[vector<16xi32>, vector<16xi32>], vector<16xf32>, vector<16xi1>
        %shift_right_logical3A_609 = arith.constant 0 : i32
        %shift_right_logical3A_610 = vector.broadcast %shift_right_logical3A_609 : i32 to vector<16xi32>
        %shift_right_logical3A_611 = arith.shrui %get3A_436, %shift_right_logical3A_610 : vector<16xi32>
        %and3A_612 = arith.constant 255 : i32
        %and3A_613 = vector.broadcast %and3A_612 : i32 to vector<16xi32>
        %and3A_614 = arith.andi %shift_right_logical3A_611, %and3A_613 : vector<16xi32>
        %lt3A_615 = arith.constant 19 : i32
        %lt3A_616 = vector.broadcast %lt3A_615 : i32 to vector<16xi32>
        %lt3A_617 = arith.cmpi slt, %and3A_614, %lt3A_616 : vector<16xi32>
        tpu.vector_store_idx %arg6[%iota3A, %and3A_614], %broadcast_in_dim3A_130 masked %lt3A_617 {add = true} : memref<16x32xf32, #tpu.memory_space<vmem>>[vector<16xi32>, vector<16xi32>], vector<16xf32>, vector<16xi1>
        %shift_right_logical3A_618 = arith.constant 8 : i32
        %shift_right_logical3A_619 = vector.broadcast %shift_right_logical3A_618 : i32 to vector<16xi32>
        %shift_right_logical3A_620 = arith.shrui %get3A_436, %shift_right_logical3A_619 : vector<16xi32>
        %and3A_621 = arith.constant 255 : i32
        %and3A_622 = vector.broadcast %and3A_621 : i32 to vector<16xi32>
        %and3A_623 = arith.andi %shift_right_logical3A_620, %and3A_622 : vector<16xi32>
        %lt3A_624 = arith.constant 19 : i32
        %lt3A_625 = vector.broadcast %lt3A_624 : i32 to vector<16xi32>
        %lt3A_626 = arith.cmpi slt, %and3A_623, %lt3A_625 : vector<16xi32>
        tpu.vector_store_idx %arg6[%iota3A, %and3A_623], %broadcast_in_dim3A_130 masked %lt3A_626 {add = true} : memref<16x32xf32, #tpu.memory_space<vmem>>[vector<16xi32>, vector<16xi32>], vector<16xf32>, vector<16xi1>
        %shift_right_logical3A_627 = arith.constant 16 : i32
        %shift_right_logical3A_628 = vector.broadcast %shift_right_logical3A_627 : i32 to vector<16xi32>
        %shift_right_logical3A_629 = arith.shrui %get3A_436, %shift_right_logical3A_628 : vector<16xi32>
        %and3A_630 = arith.constant 255 : i32
        %and3A_631 = vector.broadcast %and3A_630 : i32 to vector<16xi32>
        %and3A_632 = arith.andi %shift_right_logical3A_629, %and3A_631 : vector<16xi32>
        %lt3A_633 = arith.constant 19 : i32
        %lt3A_634 = vector.broadcast %lt3A_633 : i32 to vector<16xi32>
        %lt3A_635 = arith.cmpi slt, %and3A_632, %lt3A_634 : vector<16xi32>
        tpu.vector_store_idx %arg6[%iota3A, %and3A_632], %broadcast_in_dim3A_130 masked %lt3A_635 {add = true} : memref<16x32xf32, #tpu.memory_space<vmem>>[vector<16xi32>, vector<16xi32>], vector<16xf32>, vector<16xi1>
        %shift_right_logical3A_636 = arith.constant 24 : i32
        %shift_right_logical3A_637 = vector.broadcast %shift_right_logical3A_636 : i32 to vector<16xi32>
        %shift_right_logical3A_638 = arith.shrui %get3A_436, %shift_right_logical3A_637 : vector<16xi32>
        %and3A_639 = arith.constant 255 : i32
        %and3A_640 = vector.broadcast %and3A_639 : i32 to vector<16xi32>
        %and3A_641 = arith.andi %shift_right_logical3A_638, %and3A_640 : vector<16xi32>
        %lt3A_642 = arith.constant 19 : i32
        %lt3A_643 = vector.broadcast %lt3A_642 : i32 to vector<16xi32>
        %lt3A_644 = arith.cmpi slt, %and3A_641, %lt3A_643 : vector<16xi32>
        tpu.vector_store_idx %arg6[%iota3A, %and3A_641], %broadcast_in_dim3A_130 masked %lt3A_644 {add = true} : memref<16x32xf32, #tpu.memory_space<vmem>>[vector<16xi32>, vector<16xi32>], vector<16xf32>, vector<16xi1>
      } else {
      }
      %gt3A_565 = arith.constant 0 : i32
      %gt3A_566 = arith.cmpi sgt, %reduce_sum3A_512, %gt3A_565 : i32
      %convert_element_type3A_567 = arith.extui %gt3A_566 : i1 to i32
      %cond3A_568 = arith.constant 0 : i32
      %cond3A_569 = arith.cmpi ne, %convert_element_type3A_567, %cond3A_568 : i32
      scf.if %cond3A_569 {
        %shift_right_logical3A = arith.constant 0 : i32
        %shift_right_logical3A_575 = vector.broadcast %shift_right_logical3A : i32 to vector<16xi32>
        %shift_right_logical3A_576 = arith.shrui %get3A_473, %shift_right_logical3A_575 : vector<16xi32>
        %and3A_577 = arith.constant 255 : i32
        %and3A_578 = vector.broadcast %and3A_577 : i32 to vector<16xi32>
        %and3A_579 = arith.andi %shift_right_logical3A_576, %and3A_578 : vector<16xi32>
        %lt3A = arith.constant 19 : i32
        %lt3A_580 = vector.broadcast %lt3A : i32 to vector<16xi32>
        %lt3A_581 = arith.cmpi slt, %and3A_579, %lt3A_580 : vector<16xi32>
        tpu.vector_store_idx %arg6[%iota3A, %and3A_579], %broadcast_in_dim3A_130 masked %lt3A_581 {add = true} : memref<16x32xf32, #tpu.memory_space<vmem>>[vector<16xi32>, vector<16xi32>], vector<16xf32>, vector<16xi1>
        %shift_right_logical3A_582 = arith.constant 8 : i32
        %shift_right_logical3A_583 = vector.broadcast %shift_right_logical3A_582 : i32 to vector<16xi32>
        %shift_right_logical3A_584 = arith.shrui %get3A_473, %shift_right_logical3A_583 : vector<16xi32>
        %and3A_585 = arith.constant 255 : i32
        %and3A_586 = vector.broadcast %and3A_585 : i32 to vector<16xi32>
        %and3A_587 = arith.andi %shift_right_logical3A_584, %and3A_586 : vector<16xi32>
        %lt3A_588 = arith.constant 19 : i32
        %lt3A_589 = vector.broadcast %lt3A_588 : i32 to vector<16xi32>
        %lt3A_590 = arith.cmpi slt, %and3A_587, %lt3A_589 : vector<16xi32>
        tpu.vector_store_idx %arg6[%iota3A, %and3A_587], %broadcast_in_dim3A_130 masked %lt3A_590 {add = true} : memref<16x32xf32, #tpu.memory_space<vmem>>[vector<16xi32>, vector<16xi32>], vector<16xf32>, vector<16xi1>
        %shift_right_logical3A_591 = arith.constant 16 : i32
        %shift_right_logical3A_592 = vector.broadcast %shift_right_logical3A_591 : i32 to vector<16xi32>
        %shift_right_logical3A_593 = arith.shrui %get3A_473, %shift_right_logical3A_592 : vector<16xi32>
        %and3A_594 = arith.constant 255 : i32
        %and3A_595 = vector.broadcast %and3A_594 : i32 to vector<16xi32>
        %and3A_596 = arith.andi %shift_right_logical3A_593, %and3A_595 : vector<16xi32>
        %lt3A_597 = arith.constant 19 : i32
        %lt3A_598 = vector.broadcast %lt3A_597 : i32 to vector<16xi32>
        %lt3A_599 = arith.cmpi slt, %and3A_596, %lt3A_598 : vector<16xi32>
        tpu.vector_store_idx %arg6[%iota3A, %and3A_596], %broadcast_in_dim3A_130 masked %lt3A_599 {add = true} : memref<16x32xf32, #tpu.memory_space<vmem>>[vector<16xi32>, vector<16xi32>], vector<16xf32>, vector<16xi1>
        %shift_right_logical3A_600 = arith.constant 24 : i32
        %shift_right_logical3A_601 = vector.broadcast %shift_right_logical3A_600 : i32 to vector<16xi32>
        %shift_right_logical3A_602 = arith.shrui %get3A_473, %shift_right_logical3A_601 : vector<16xi32>
        %and3A_603 = arith.constant 255 : i32
        %and3A_604 = vector.broadcast %and3A_603 : i32 to vector<16xi32>
        %and3A_605 = arith.andi %shift_right_logical3A_602, %and3A_604 : vector<16xi32>
        %lt3A_606 = arith.constant 19 : i32
        %lt3A_607 = vector.broadcast %lt3A_606 : i32 to vector<16xi32>
        %lt3A_608 = arith.cmpi slt, %and3A_605, %lt3A_607 : vector<16xi32>
        tpu.vector_store_idx %arg6[%iota3A, %and3A_605], %broadcast_in_dim3A_130 masked %lt3A_608 {add = true} : memref<16x32xf32, #tpu.memory_space<vmem>>[vector<16xi32>, vector<16xi32>], vector<16xf32>, vector<16xi1>
        %shift_right_logical3A_609 = arith.constant 0 : i32
        %shift_right_logical3A_610 = vector.broadcast %shift_right_logical3A_609 : i32 to vector<16xi32>
        %shift_right_logical3A_611 = arith.shrui %get3A_481, %shift_right_logical3A_610 : vector<16xi32>
        %and3A_612 = arith.constant 255 : i32
        %and3A_613 = vector.broadcast %and3A_612 : i32 to vector<16xi32>
        %and3A_614 = arith.andi %shift_right_logical3A_611, %and3A_613 : vector<16xi32>
        %lt3A_615 = arith.constant 19 : i32
        %lt3A_616 = vector.broadcast %lt3A_615 : i32 to vector<16xi32>
        %lt3A_617 = arith.cmpi slt, %and3A_614, %lt3A_616 : vector<16xi32>
        tpu.vector_store_idx %arg6[%iota3A, %and3A_614], %broadcast_in_dim3A_130 masked %lt3A_617 {add = true} : memref<16x32xf32, #tpu.memory_space<vmem>>[vector<16xi32>, vector<16xi32>], vector<16xf32>, vector<16xi1>
        %shift_right_logical3A_618 = arith.constant 8 : i32
        %shift_right_logical3A_619 = vector.broadcast %shift_right_logical3A_618 : i32 to vector<16xi32>
        %shift_right_logical3A_620 = arith.shrui %get3A_481, %shift_right_logical3A_619 : vector<16xi32>
        %and3A_621 = arith.constant 255 : i32
        %and3A_622 = vector.broadcast %and3A_621 : i32 to vector<16xi32>
        %and3A_623 = arith.andi %shift_right_logical3A_620, %and3A_622 : vector<16xi32>
        %lt3A_624 = arith.constant 19 : i32
        %lt3A_625 = vector.broadcast %lt3A_624 : i32 to vector<16xi32>
        %lt3A_626 = arith.cmpi slt, %and3A_623, %lt3A_625 : vector<16xi32>
        tpu.vector_store_idx %arg6[%iota3A, %and3A_623], %broadcast_in_dim3A_130 masked %lt3A_626 {add = true} : memref<16x32xf32, #tpu.memory_space<vmem>>[vector<16xi32>, vector<16xi32>], vector<16xf32>, vector<16xi1>
        %shift_right_logical3A_627 = arith.constant 16 : i32
        %shift_right_logical3A_628 = vector.broadcast %shift_right_logical3A_627 : i32 to vector<16xi32>
        %shift_right_logical3A_629 = arith.shrui %get3A_481, %shift_right_logical3A_628 : vector<16xi32>
        %and3A_630 = arith.constant 255 : i32
        %and3A_631 = vector.broadcast %and3A_630 : i32 to vector<16xi32>
        %and3A_632 = arith.andi %shift_right_logical3A_629, %and3A_631 : vector<16xi32>
        %lt3A_633 = arith.constant 19 : i32
        %lt3A_634 = vector.broadcast %lt3A_633 : i32 to vector<16xi32>
        %lt3A_635 = arith.cmpi slt, %and3A_632, %lt3A_634 : vector<16xi32>
        tpu.vector_store_idx %arg6[%iota3A, %and3A_632], %broadcast_in_dim3A_130 masked %lt3A_635 {add = true} : memref<16x32xf32, #tpu.memory_space<vmem>>[vector<16xi32>, vector<16xi32>], vector<16xf32>, vector<16xi1>
        %shift_right_logical3A_636 = arith.constant 24 : i32
        %shift_right_logical3A_637 = vector.broadcast %shift_right_logical3A_636 : i32 to vector<16xi32>
        %shift_right_logical3A_638 = arith.shrui %get3A_481, %shift_right_logical3A_637 : vector<16xi32>
        %and3A_639 = arith.constant 255 : i32
        %and3A_640 = vector.broadcast %and3A_639 : i32 to vector<16xi32>
        %and3A_641 = arith.andi %shift_right_logical3A_638, %and3A_640 : vector<16xi32>
        %lt3A_642 = arith.constant 19 : i32
        %lt3A_643 = vector.broadcast %lt3A_642 : i32 to vector<16xi32>
        %lt3A_644 = arith.cmpi slt, %and3A_641, %lt3A_643 : vector<16xi32>
        tpu.vector_store_idx %arg6[%iota3A, %and3A_641], %broadcast_in_dim3A_130 masked %lt3A_644 {add = true} : memref<16x32xf32, #tpu.memory_space<vmem>>[vector<16xi32>, vector<16xi32>], vector<16xf32>, vector<16xi1>
      } else {
      }
      %gt3A_570 = arith.constant 0 : i32
      %gt3A_571 = arith.cmpi sgt, %reduce_sum3A_557, %gt3A_570 : i32
      %convert_element_type3A_572 = arith.extui %gt3A_571 : i1 to i32
      %cond3A_573 = arith.constant 0 : i32
      %cond3A_574 = arith.cmpi ne, %convert_element_type3A_572, %cond3A_573 : i32
      scf.if %cond3A_574 {
        %shift_right_logical3A = arith.constant 0 : i32
        %shift_right_logical3A_575 = vector.broadcast %shift_right_logical3A : i32 to vector<16xi32>
        %shift_right_logical3A_576 = arith.shrui %get3A_518, %shift_right_logical3A_575 : vector<16xi32>
        %and3A_577 = arith.constant 255 : i32
        %and3A_578 = vector.broadcast %and3A_577 : i32 to vector<16xi32>
        %and3A_579 = arith.andi %shift_right_logical3A_576, %and3A_578 : vector<16xi32>
        %lt3A = arith.constant 19 : i32
        %lt3A_580 = vector.broadcast %lt3A : i32 to vector<16xi32>
        %lt3A_581 = arith.cmpi slt, %and3A_579, %lt3A_580 : vector<16xi32>
        tpu.vector_store_idx %arg6[%iota3A, %and3A_579], %broadcast_in_dim3A_130 masked %lt3A_581 {add = true} : memref<16x32xf32, #tpu.memory_space<vmem>>[vector<16xi32>, vector<16xi32>], vector<16xf32>, vector<16xi1>
        %shift_right_logical3A_582 = arith.constant 8 : i32
        %shift_right_logical3A_583 = vector.broadcast %shift_right_logical3A_582 : i32 to vector<16xi32>
        %shift_right_logical3A_584 = arith.shrui %get3A_518, %shift_right_logical3A_583 : vector<16xi32>
        %and3A_585 = arith.constant 255 : i32
        %and3A_586 = vector.broadcast %and3A_585 : i32 to vector<16xi32>
        %and3A_587 = arith.andi %shift_right_logical3A_584, %and3A_586 : vector<16xi32>
        %lt3A_588 = arith.constant 19 : i32
        %lt3A_589 = vector.broadcast %lt3A_588 : i32 to vector<16xi32>
        %lt3A_590 = arith.cmpi slt, %and3A_587, %lt3A_589 : vector<16xi32>
        tpu.vector_store_idx %arg6[%iota3A, %and3A_587], %broadcast_in_dim3A_130 masked %lt3A_590 {add = true} : memref<16x32xf32, #tpu.memory_space<vmem>>[vector<16xi32>, vector<16xi32>], vector<16xf32>, vector<16xi1>
        %shift_right_logical3A_591 = arith.constant 16 : i32
        %shift_right_logical3A_592 = vector.broadcast %shift_right_logical3A_591 : i32 to vector<16xi32>
        %shift_right_logical3A_593 = arith.shrui %get3A_518, %shift_right_logical3A_592 : vector<16xi32>
        %and3A_594 = arith.constant 255 : i32
        %and3A_595 = vector.broadcast %and3A_594 : i32 to vector<16xi32>
        %and3A_596 = arith.andi %shift_right_logical3A_593, %and3A_595 : vector<16xi32>
        %lt3A_597 = arith.constant 19 : i32
        %lt3A_598 = vector.broadcast %lt3A_597 : i32 to vector<16xi32>
        %lt3A_599 = arith.cmpi slt, %and3A_596, %lt3A_598 : vector<16xi32>
        tpu.vector_store_idx %arg6[%iota3A, %and3A_596], %broadcast_in_dim3A_130 masked %lt3A_599 {add = true} : memref<16x32xf32, #tpu.memory_space<vmem>>[vector<16xi32>, vector<16xi32>], vector<16xf32>, vector<16xi1>
        %shift_right_logical3A_600 = arith.constant 24 : i32
        %shift_right_logical3A_601 = vector.broadcast %shift_right_logical3A_600 : i32 to vector<16xi32>
        %shift_right_logical3A_602 = arith.shrui %get3A_518, %shift_right_logical3A_601 : vector<16xi32>
        %and3A_603 = arith.constant 255 : i32
        %and3A_604 = vector.broadcast %and3A_603 : i32 to vector<16xi32>
        %and3A_605 = arith.andi %shift_right_logical3A_602, %and3A_604 : vector<16xi32>
        %lt3A_606 = arith.constant 19 : i32
        %lt3A_607 = vector.broadcast %lt3A_606 : i32 to vector<16xi32>
        %lt3A_608 = arith.cmpi slt, %and3A_605, %lt3A_607 : vector<16xi32>
        tpu.vector_store_idx %arg6[%iota3A, %and3A_605], %broadcast_in_dim3A_130 masked %lt3A_608 {add = true} : memref<16x32xf32, #tpu.memory_space<vmem>>[vector<16xi32>, vector<16xi32>], vector<16xf32>, vector<16xi1>
        %shift_right_logical3A_609 = arith.constant 0 : i32
        %shift_right_logical3A_610 = vector.broadcast %shift_right_logical3A_609 : i32 to vector<16xi32>
        %shift_right_logical3A_611 = arith.shrui %get3A_526, %shift_right_logical3A_610 : vector<16xi32>
        %and3A_612 = arith.constant 255 : i32
        %and3A_613 = vector.broadcast %and3A_612 : i32 to vector<16xi32>
        %and3A_614 = arith.andi %shift_right_logical3A_611, %and3A_613 : vector<16xi32>
        %lt3A_615 = arith.constant 19 : i32
        %lt3A_616 = vector.broadcast %lt3A_615 : i32 to vector<16xi32>
        %lt3A_617 = arith.cmpi slt, %and3A_614, %lt3A_616 : vector<16xi32>
        tpu.vector_store_idx %arg6[%iota3A, %and3A_614], %broadcast_in_dim3A_130 masked %lt3A_617 {add = true} : memref<16x32xf32, #tpu.memory_space<vmem>>[vector<16xi32>, vector<16xi32>], vector<16xf32>, vector<16xi1>
        %shift_right_logical3A_618 = arith.constant 8 : i32
        %shift_right_logical3A_619 = vector.broadcast %shift_right_logical3A_618 : i32 to vector<16xi32>
        %shift_right_logical3A_620 = arith.shrui %get3A_526, %shift_right_logical3A_619 : vector<16xi32>
        %and3A_621 = arith.constant 255 : i32
        %and3A_622 = vector.broadcast %and3A_621 : i32 to vector<16xi32>
        %and3A_623 = arith.andi %shift_right_logical3A_620, %and3A_622 : vector<16xi32>
        %lt3A_624 = arith.constant 19 : i32
        %lt3A_625 = vector.broadcast %lt3A_624 : i32 to vector<16xi32>
        %lt3A_626 = arith.cmpi slt, %and3A_623, %lt3A_625 : vector<16xi32>
        tpu.vector_store_idx %arg6[%iota3A, %and3A_623], %broadcast_in_dim3A_130 masked %lt3A_626 {add = true} : memref<16x32xf32, #tpu.memory_space<vmem>>[vector<16xi32>, vector<16xi32>], vector<16xf32>, vector<16xi1>
        %shift_right_logical3A_627 = arith.constant 16 : i32
        %shift_right_logical3A_628 = vector.broadcast %shift_right_logical3A_627 : i32 to vector<16xi32>
        %shift_right_logical3A_629 = arith.shrui %get3A_526, %shift_right_logical3A_628 : vector<16xi32>
        %and3A_630 = arith.constant 255 : i32
        %and3A_631 = vector.broadcast %and3A_630 : i32 to vector<16xi32>
        %and3A_632 = arith.andi %shift_right_logical3A_629, %and3A_631 : vector<16xi32>
        %lt3A_633 = arith.constant 19 : i32
        %lt3A_634 = vector.broadcast %lt3A_633 : i32 to vector<16xi32>
        %lt3A_635 = arith.cmpi slt, %and3A_632, %lt3A_634 : vector<16xi32>
        tpu.vector_store_idx %arg6[%iota3A, %and3A_632], %broadcast_in_dim3A_130 masked %lt3A_635 {add = true} : memref<16x32xf32, #tpu.memory_space<vmem>>[vector<16xi32>, vector<16xi32>], vector<16xf32>, vector<16xi1>
        %shift_right_logical3A_636 = arith.constant 24 : i32
        %shift_right_logical3A_637 = vector.broadcast %shift_right_logical3A_636 : i32 to vector<16xi32>
        %shift_right_logical3A_638 = arith.shrui %get3A_526, %shift_right_logical3A_637 : vector<16xi32>
        %and3A_639 = arith.constant 255 : i32
        %and3A_640 = vector.broadcast %and3A_639 : i32 to vector<16xi32>
        %and3A_641 = arith.andi %shift_right_logical3A_638, %and3A_640 : vector<16xi32>
        %lt3A_642 = arith.constant 19 : i32
        %lt3A_643 = vector.broadcast %lt3A_642 : i32 to vector<16xi32>
        %lt3A_644 = arith.cmpi slt, %and3A_641, %lt3A_643 : vector<16xi32>
        tpu.vector_store_idx %arg6[%iota3A, %and3A_641], %broadcast_in_dim3A_130 masked %lt3A_644 {add = true} : memref<16x32xf32, #tpu.memory_space<vmem>>[vector<16xi32>, vector<16xi32>], vector<16xf32>, vector<16xi1>
      } else {
      }
    }
    %scan3A_191 = arith.constant 16 : i32
    %add3A_192 = arith.constant 12288 : i32
    %add3A_193 = arith.addi %mul3A_132, %add3A_192 : i32
    %dma_start3A_194 = tpu.memref_slice %arg2[%add3A_193] : memref<524288xi32, #tpu.memory_space<hbm>> -> memref<2048xi32, #tpu.memory_space<hbm>>
    %dma_start3A_195 = tpu.memref_slice %arg2[%add3A_193] : memref<524288xi32, #tpu.memory_space<hbm>> -> memref<2048xi32, #tpu.memory_space<hbm>>
    tpu.enqueue_dma source(%dma_start3A_195 : memref<2048xi32, #tpu.memory_space<hbm>>) target(%arg4 : memref<2048xi32, #tpu.memory_space<vmem>>) target_semaphore(%arg8 : memref<!tpu.dma_semaphore, #tpu.memory_space<semaphore_mem>>)
    %dma_wait3A_196 = tpu.memref_slice %arg2[%add3A_181] : memref<524288xi32, #tpu.memory_space<hbm>> -> memref<2048xi32, #tpu.memory_space<hbm>>
    %dma_wait3A_197 = tpu.memref_slice %arg2[%add3A_181] : memref<524288xi32, #tpu.memory_space<hbm>> -> memref<2048xi32, #tpu.memory_space<hbm>>
    tpu.wait_dma2 semaphore(%arg9 : memref<!tpu.dma_semaphore, #tpu.memory_space<semaphore_mem>>) src(%dma_wait3A_197 : memref<2048xi32, #tpu.memory_space<hbm>>) dst(%arg5 : memref<2048xi32, #tpu.memory_space<vmem>>)
    %scan3A_198 = arith.constant 0 : i32
    %scan3A_199 = arith.constant 0 : i32
    %scan3A_200 = arith.constant 16 : i32
    %scan3A_201 = arith.addi %scan3A_199, %scan3A_200 : i32
    %scan3A_202 = arith.constant 1 : i32
    scf.for %scan3A_385 = %scan3A_199 to %scan3A_201 step %scan3A_202  : i32 {
      %mul3A_386 = arith.constant 128 : i32
      %mul3A_387 = arith.muli %scan3A_385, %mul3A_386 : i32
      %add3A_388 = arith.constant 0 : i32
      %add3A_389 = arith.addi %mul3A_387, %add3A_388 : i32
      %get3A_390 = arith.index_cast %add3A_389 : i32 to index
      %get3A_391 = tpu.vector_load %arg5[%get3A_390] {strides = array<i32>} : memref<2048xi32, #tpu.memory_space<vmem>>, vector<16xi32>,
      %mul3A_392 = arith.constant 128 : i32
      %mul3A_393 = arith.muli %scan3A_385, %mul3A_392 : i32
      %add3A_394 = arith.constant 0 : i32
      %add3A_395 = arith.addi %mul3A_393, %add3A_394 : i32
      %add3A_396 = arith.constant 16 : i32
      %add3A_397 = arith.addi %add3A_395, %add3A_396 : i32
      %get3A_398 = arith.index_cast %add3A_397 : i32 to index
      %get3A_399 = tpu.vector_load %arg5[%get3A_398] {strides = array<i32>} : memref<2048xi32, #tpu.memory_space<vmem>>, vector<16xi32>,
      %sub3A = arith.constant 320017171 : i32
      %sub3A_400 = vector.broadcast %sub3A : i32 to vector<16xi32>
      %sub3A_401 = arith.subi %get3A_391, %sub3A_400 : vector<16xi32>
      %not3A = arith.constant dense<-1> : vector<16xi32>
      %not3A_402 = arith.xori %get3A_391, %not3A : vector<16xi32>
      %and3A = arith.andi %sub3A_401, %not3A_402 : vector<16xi32>
      %and3A_403 = arith.constant -2139062144 : i32
      %and3A_404 = vector.broadcast %and3A_403 : i32 to vector<16xi32>
      %and3A_405 = arith.andi %and3A, %and3A_404 : vector<16xi32>
      %sub3A_406 = arith.constant 320017171 : i32
      %sub3A_407 = vector.broadcast %sub3A_406 : i32 to vector<16xi32>
      %sub3A_408 = arith.subi %get3A_399, %sub3A_407 : vector<16xi32>
      %not3A_409 = arith.constant dense<-1> : vector<16xi32>
      %not3A_410 = arith.xori %get3A_399, %not3A_409 : vector<16xi32>
      %and3A_411 = arith.andi %sub3A_408, %not3A_410 : vector<16xi32>
      %and3A_412 = arith.constant -2139062144 : i32
      %and3A_413 = vector.broadcast %and3A_412 : i32 to vector<16xi32>
      %and3A_414 = arith.andi %and3A_411, %and3A_413 : vector<16xi32>
      %or3A = arith.ori %and3A_405, %and3A_414 : vector<16xi32>
      %ne3A = arith.constant 0 : i32
      %ne3A_415 = vector.broadcast %ne3A : i32 to vector<16xi32>
      %ne3A_416 = arith.cmpi ne, %or3A, %ne3A_415 : vector<16xi32>
      %jit3A = arith.constant 1 : i32
      %jit3A_417 = arith.constant 0 : i32
      %broadcast_in_dim3A_418 = vector.broadcast %jit3A : i32 to vector<16xi32>
      %broadcast_in_dim3A_419 = vector.broadcast %jit3A_417 : i32 to vector<16xi32>
      %select_n3A = arith.select %ne3A_416, %broadcast_in_dim3A_418, %broadcast_in_dim3A_419 : vector<16xi1>, vector<16xi32>
      %reduce_sum3A = arith.constant true
      %reduce_sum3A_420 = vector.broadcast %reduce_sum3A : i1 to vector<16xi1>
      %reduce_sum3A_421 = tpu.scan <sum>, %select_n3A masked %reduce_sum3A_420 : vector<16xi32>, vector<16xi1> -> vector<16xi32>
      %reduce_sum3A_422 = vector.extract %reduce_sum3A_421[15] : i32 from vector<16xi32>
      %mul3A_423 = arith.constant 128 : i32
      %mul3A_424 = arith.muli %scan3A_385, %mul3A_423 : i32
      %add3A_425 = arith.constant 32 : i32
      %add3A_426 = arith.addi %mul3A_424, %add3A_425 : i32
      %get3A_427 = arith.index_cast %add3A_426 : i32 to index
      %get3A_428 = tpu.vector_load %arg5[%get3A_427] {strides = array<i32>} : memref<2048xi32, #tpu.memory_space<vmem>>, vector<16xi32>,
      %mul3A_429 = arith.constant 128 : i32
      %mul3A_430 = arith.muli %scan3A_385, %mul3A_429 : i32
      %add3A_431 = arith.constant 32 : i32
      %add3A_432 = arith.addi %mul3A_430, %add3A_431 : i32
      %add3A_433 = arith.constant 16 : i32
      %add3A_434 = arith.addi %add3A_432, %add3A_433 : i32
      %get3A_435 = arith.index_cast %add3A_434 : i32 to index
      %get3A_436 = tpu.vector_load %arg5[%get3A_435] {strides = array<i32>} : memref<2048xi32, #tpu.memory_space<vmem>>, vector<16xi32>,
      %sub3A_437 = arith.constant 320017171 : i32
      %sub3A_438 = vector.broadcast %sub3A_437 : i32 to vector<16xi32>
      %sub3A_439 = arith.subi %get3A_428, %sub3A_438 : vector<16xi32>
      %not3A_440 = arith.constant dense<-1> : vector<16xi32>
      %not3A_441 = arith.xori %get3A_428, %not3A_440 : vector<16xi32>
      %and3A_442 = arith.andi %sub3A_439, %not3A_441 : vector<16xi32>
      %and3A_443 = arith.constant -2139062144 : i32
      %and3A_444 = vector.broadcast %and3A_443 : i32 to vector<16xi32>
      %and3A_445 = arith.andi %and3A_442, %and3A_444 : vector<16xi32>
      %sub3A_446 = arith.constant 320017171 : i32
      %sub3A_447 = vector.broadcast %sub3A_446 : i32 to vector<16xi32>
      %sub3A_448 = arith.subi %get3A_436, %sub3A_447 : vector<16xi32>
      %not3A_449 = arith.constant dense<-1> : vector<16xi32>
      %not3A_450 = arith.xori %get3A_436, %not3A_449 : vector<16xi32>
      %and3A_451 = arith.andi %sub3A_448, %not3A_450 : vector<16xi32>
      %and3A_452 = arith.constant -2139062144 : i32
      %and3A_453 = vector.broadcast %and3A_452 : i32 to vector<16xi32>
      %and3A_454 = arith.andi %and3A_451, %and3A_453 : vector<16xi32>
      %or3A_455 = arith.ori %and3A_445, %and3A_454 : vector<16xi32>
      %ne3A_456 = arith.constant 0 : i32
      %ne3A_457 = vector.broadcast %ne3A_456 : i32 to vector<16xi32>
      %ne3A_458 = arith.cmpi ne, %or3A_455, %ne3A_457 : vector<16xi32>
      %jit3A_459 = arith.constant 1 : i32
      %jit3A_460 = arith.constant 0 : i32
      %broadcast_in_dim3A_461 = vector.broadcast %jit3A_459 : i32 to vector<16xi32>
      %broadcast_in_dim3A_462 = vector.broadcast %jit3A_460 : i32 to vector<16xi32>
      %select_n3A_463 = arith.select %ne3A_458, %broadcast_in_dim3A_461, %broadcast_in_dim3A_462 : vector<16xi1>, vector<16xi32>
      %reduce_sum3A_464 = arith.constant true
      %reduce_sum3A_465 = vector.broadcast %reduce_sum3A_464 : i1 to vector<16xi1>
      %reduce_sum3A_466 = tpu.scan <sum>, %select_n3A_463 masked %reduce_sum3A_465 : vector<16xi32>, vector<16xi1> -> vector<16xi32>
      %reduce_sum3A_467 = vector.extract %reduce_sum3A_466[15] : i32 from vector<16xi32>
      %mul3A_468 = arith.constant 128 : i32
      %mul3A_469 = arith.muli %scan3A_385, %mul3A_468 : i32
      %add3A_470 = arith.constant 64 : i32
      %add3A_471 = arith.addi %mul3A_469, %add3A_470 : i32
      %get3A_472 = arith.index_cast %add3A_471 : i32 to index
      %get3A_473 = tpu.vector_load %arg5[%get3A_472] {strides = array<i32>} : memref<2048xi32, #tpu.memory_space<vmem>>, vector<16xi32>,
      %mul3A_474 = arith.constant 128 : i32
      %mul3A_475 = arith.muli %scan3A_385, %mul3A_474 : i32
      %add3A_476 = arith.constant 64 : i32
      %add3A_477 = arith.addi %mul3A_475, %add3A_476 : i32
      %add3A_478 = arith.constant 16 : i32
      %add3A_479 = arith.addi %add3A_477, %add3A_478 : i32
      %get3A_480 = arith.index_cast %add3A_479 : i32 to index
      %get3A_481 = tpu.vector_load %arg5[%get3A_480] {strides = array<i32>} : memref<2048xi32, #tpu.memory_space<vmem>>, vector<16xi32>,
      %sub3A_482 = arith.constant 320017171 : i32
      %sub3A_483 = vector.broadcast %sub3A_482 : i32 to vector<16xi32>
      %sub3A_484 = arith.subi %get3A_473, %sub3A_483 : vector<16xi32>
      %not3A_485 = arith.constant dense<-1> : vector<16xi32>
      %not3A_486 = arith.xori %get3A_473, %not3A_485 : vector<16xi32>
      %and3A_487 = arith.andi %sub3A_484, %not3A_486 : vector<16xi32>
      %and3A_488 = arith.constant -2139062144 : i32
      %and3A_489 = vector.broadcast %and3A_488 : i32 to vector<16xi32>
      %and3A_490 = arith.andi %and3A_487, %and3A_489 : vector<16xi32>
      %sub3A_491 = arith.constant 320017171 : i32
      %sub3A_492 = vector.broadcast %sub3A_491 : i32 to vector<16xi32>
      %sub3A_493 = arith.subi %get3A_481, %sub3A_492 : vector<16xi32>
      %not3A_494 = arith.constant dense<-1> : vector<16xi32>
      %not3A_495 = arith.xori %get3A_481, %not3A_494 : vector<16xi32>
      %and3A_496 = arith.andi %sub3A_493, %not3A_495 : vector<16xi32>
      %and3A_497 = arith.constant -2139062144 : i32
      %and3A_498 = vector.broadcast %and3A_497 : i32 to vector<16xi32>
      %and3A_499 = arith.andi %and3A_496, %and3A_498 : vector<16xi32>
      %or3A_500 = arith.ori %and3A_490, %and3A_499 : vector<16xi32>
      %ne3A_501 = arith.constant 0 : i32
      %ne3A_502 = vector.broadcast %ne3A_501 : i32 to vector<16xi32>
      %ne3A_503 = arith.cmpi ne, %or3A_500, %ne3A_502 : vector<16xi32>
      %jit3A_504 = arith.constant 1 : i32
      %jit3A_505 = arith.constant 0 : i32
      %broadcast_in_dim3A_506 = vector.broadcast %jit3A_504 : i32 to vector<16xi32>
      %broadcast_in_dim3A_507 = vector.broadcast %jit3A_505 : i32 to vector<16xi32>
      %select_n3A_508 = arith.select %ne3A_503, %broadcast_in_dim3A_506, %broadcast_in_dim3A_507 : vector<16xi1>, vector<16xi32>
      %reduce_sum3A_509 = arith.constant true
      %reduce_sum3A_510 = vector.broadcast %reduce_sum3A_509 : i1 to vector<16xi1>
      %reduce_sum3A_511 = tpu.scan <sum>, %select_n3A_508 masked %reduce_sum3A_510 : vector<16xi32>, vector<16xi1> -> vector<16xi32>
      %reduce_sum3A_512 = vector.extract %reduce_sum3A_511[15] : i32 from vector<16xi32>
      %mul3A_513 = arith.constant 128 : i32
      %mul3A_514 = arith.muli %scan3A_385, %mul3A_513 : i32
      %add3A_515 = arith.constant 96 : i32
      %add3A_516 = arith.addi %mul3A_514, %add3A_515 : i32
      %get3A_517 = arith.index_cast %add3A_516 : i32 to index
      %get3A_518 = tpu.vector_load %arg5[%get3A_517] {strides = array<i32>} : memref<2048xi32, #tpu.memory_space<vmem>>, vector<16xi32>,
      %mul3A_519 = arith.constant 128 : i32
      %mul3A_520 = arith.muli %scan3A_385, %mul3A_519 : i32
      %add3A_521 = arith.constant 96 : i32
      %add3A_522 = arith.addi %mul3A_520, %add3A_521 : i32
      %add3A_523 = arith.constant 16 : i32
      %add3A_524 = arith.addi %add3A_522, %add3A_523 : i32
      %get3A_525 = arith.index_cast %add3A_524 : i32 to index
      %get3A_526 = tpu.vector_load %arg5[%get3A_525] {strides = array<i32>} : memref<2048xi32, #tpu.memory_space<vmem>>, vector<16xi32>,
      %sub3A_527 = arith.constant 320017171 : i32
      %sub3A_528 = vector.broadcast %sub3A_527 : i32 to vector<16xi32>
      %sub3A_529 = arith.subi %get3A_518, %sub3A_528 : vector<16xi32>
      %not3A_530 = arith.constant dense<-1> : vector<16xi32>
      %not3A_531 = arith.xori %get3A_518, %not3A_530 : vector<16xi32>
      %and3A_532 = arith.andi %sub3A_529, %not3A_531 : vector<16xi32>
      %and3A_533 = arith.constant -2139062144 : i32
      %and3A_534 = vector.broadcast %and3A_533 : i32 to vector<16xi32>
      %and3A_535 = arith.andi %and3A_532, %and3A_534 : vector<16xi32>
      %sub3A_536 = arith.constant 320017171 : i32
      %sub3A_537 = vector.broadcast %sub3A_536 : i32 to vector<16xi32>
      %sub3A_538 = arith.subi %get3A_526, %sub3A_537 : vector<16xi32>
      %not3A_539 = arith.constant dense<-1> : vector<16xi32>
      %not3A_540 = arith.xori %get3A_526, %not3A_539 : vector<16xi32>
      %and3A_541 = arith.andi %sub3A_538, %not3A_540 : vector<16xi32>
      %and3A_542 = arith.constant -2139062144 : i32
      %and3A_543 = vector.broadcast %and3A_542 : i32 to vector<16xi32>
      %and3A_544 = arith.andi %and3A_541, %and3A_543 : vector<16xi32>
      %or3A_545 = arith.ori %and3A_535, %and3A_544 : vector<16xi32>
      %ne3A_546 = arith.constant 0 : i32
      %ne3A_547 = vector.broadcast %ne3A_546 : i32 to vector<16xi32>
      %ne3A_548 = arith.cmpi ne, %or3A_545, %ne3A_547 : vector<16xi32>
      %jit3A_549 = arith.constant 1 : i32
      %jit3A_550 = arith.constant 0 : i32
      %broadcast_in_dim3A_551 = vector.broadcast %jit3A_549 : i32 to vector<16xi32>
      %broadcast_in_dim3A_552 = vector.broadcast %jit3A_550 : i32 to vector<16xi32>
      %select_n3A_553 = arith.select %ne3A_548, %broadcast_in_dim3A_551, %broadcast_in_dim3A_552 : vector<16xi1>, vector<16xi32>
      %reduce_sum3A_554 = arith.constant true
      %reduce_sum3A_555 = vector.broadcast %reduce_sum3A_554 : i1 to vector<16xi1>
      %reduce_sum3A_556 = tpu.scan <sum>, %select_n3A_553 masked %reduce_sum3A_555 : vector<16xi32>, vector<16xi1> -> vector<16xi32>
      %reduce_sum3A_557 = vector.extract %reduce_sum3A_556[15] : i32 from vector<16xi32>
      %gt3A = arith.constant 0 : i32
      %gt3A_558 = arith.cmpi sgt, %reduce_sum3A_422, %gt3A : i32
      %convert_element_type3A = arith.extui %gt3A_558 : i1 to i32
      %cond3A = arith.constant 0 : i32
      %cond3A_559 = arith.cmpi ne, %convert_element_type3A, %cond3A : i32
      scf.if %cond3A_559 {
        %shift_right_logical3A = arith.constant 0 : i32
        %shift_right_logical3A_575 = vector.broadcast %shift_right_logical3A : i32 to vector<16xi32>
        %shift_right_logical3A_576 = arith.shrui %get3A_391, %shift_right_logical3A_575 : vector<16xi32>
        %and3A_577 = arith.constant 255 : i32
        %and3A_578 = vector.broadcast %and3A_577 : i32 to vector<16xi32>
        %and3A_579 = arith.andi %shift_right_logical3A_576, %and3A_578 : vector<16xi32>
        %lt3A = arith.constant 19 : i32
        %lt3A_580 = vector.broadcast %lt3A : i32 to vector<16xi32>
        %lt3A_581 = arith.cmpi slt, %and3A_579, %lt3A_580 : vector<16xi32>
        tpu.vector_store_idx %arg6[%iota3A, %and3A_579], %broadcast_in_dim3A_130 masked %lt3A_581 {add = true} : memref<16x32xf32, #tpu.memory_space<vmem>>[vector<16xi32>, vector<16xi32>], vector<16xf32>, vector<16xi1>
        %shift_right_logical3A_582 = arith.constant 8 : i32
        %shift_right_logical3A_583 = vector.broadcast %shift_right_logical3A_582 : i32 to vector<16xi32>
        %shift_right_logical3A_584 = arith.shrui %get3A_391, %shift_right_logical3A_583 : vector<16xi32>
        %and3A_585 = arith.constant 255 : i32
        %and3A_586 = vector.broadcast %and3A_585 : i32 to vector<16xi32>
        %and3A_587 = arith.andi %shift_right_logical3A_584, %and3A_586 : vector<16xi32>
        %lt3A_588 = arith.constant 19 : i32
        %lt3A_589 = vector.broadcast %lt3A_588 : i32 to vector<16xi32>
        %lt3A_590 = arith.cmpi slt, %and3A_587, %lt3A_589 : vector<16xi32>
        tpu.vector_store_idx %arg6[%iota3A, %and3A_587], %broadcast_in_dim3A_130 masked %lt3A_590 {add = true} : memref<16x32xf32, #tpu.memory_space<vmem>>[vector<16xi32>, vector<16xi32>], vector<16xf32>, vector<16xi1>
        %shift_right_logical3A_591 = arith.constant 16 : i32
        %shift_right_logical3A_592 = vector.broadcast %shift_right_logical3A_591 : i32 to vector<16xi32>
        %shift_right_logical3A_593 = arith.shrui %get3A_391, %shift_right_logical3A_592 : vector<16xi32>
        %and3A_594 = arith.constant 255 : i32
        %and3A_595 = vector.broadcast %and3A_594 : i32 to vector<16xi32>
        %and3A_596 = arith.andi %shift_right_logical3A_593, %and3A_595 : vector<16xi32>
        %lt3A_597 = arith.constant 19 : i32
        %lt3A_598 = vector.broadcast %lt3A_597 : i32 to vector<16xi32>
        %lt3A_599 = arith.cmpi slt, %and3A_596, %lt3A_598 : vector<16xi32>
        tpu.vector_store_idx %arg6[%iota3A, %and3A_596], %broadcast_in_dim3A_130 masked %lt3A_599 {add = true} : memref<16x32xf32, #tpu.memory_space<vmem>>[vector<16xi32>, vector<16xi32>], vector<16xf32>, vector<16xi1>
        %shift_right_logical3A_600 = arith.constant 24 : i32
        %shift_right_logical3A_601 = vector.broadcast %shift_right_logical3A_600 : i32 to vector<16xi32>
        %shift_right_logical3A_602 = arith.shrui %get3A_391, %shift_right_logical3A_601 : vector<16xi32>
        %and3A_603 = arith.constant 255 : i32
        %and3A_604 = vector.broadcast %and3A_603 : i32 to vector<16xi32>
        %and3A_605 = arith.andi %shift_right_logical3A_602, %and3A_604 : vector<16xi32>
        %lt3A_606 = arith.constant 19 : i32
        %lt3A_607 = vector.broadcast %lt3A_606 : i32 to vector<16xi32>
        %lt3A_608 = arith.cmpi slt, %and3A_605, %lt3A_607 : vector<16xi32>
        tpu.vector_store_idx %arg6[%iota3A, %and3A_605], %broadcast_in_dim3A_130 masked %lt3A_608 {add = true} : memref<16x32xf32, #tpu.memory_space<vmem>>[vector<16xi32>, vector<16xi32>], vector<16xf32>, vector<16xi1>
        %shift_right_logical3A_609 = arith.constant 0 : i32
        %shift_right_logical3A_610 = vector.broadcast %shift_right_logical3A_609 : i32 to vector<16xi32>
        %shift_right_logical3A_611 = arith.shrui %get3A_399, %shift_right_logical3A_610 : vector<16xi32>
        %and3A_612 = arith.constant 255 : i32
        %and3A_613 = vector.broadcast %and3A_612 : i32 to vector<16xi32>
        %and3A_614 = arith.andi %shift_right_logical3A_611, %and3A_613 : vector<16xi32>
        %lt3A_615 = arith.constant 19 : i32
        %lt3A_616 = vector.broadcast %lt3A_615 : i32 to vector<16xi32>
        %lt3A_617 = arith.cmpi slt, %and3A_614, %lt3A_616 : vector<16xi32>
        tpu.vector_store_idx %arg6[%iota3A, %and3A_614], %broadcast_in_dim3A_130 masked %lt3A_617 {add = true} : memref<16x32xf32, #tpu.memory_space<vmem>>[vector<16xi32>, vector<16xi32>], vector<16xf32>, vector<16xi1>
        %shift_right_logical3A_618 = arith.constant 8 : i32
        %shift_right_logical3A_619 = vector.broadcast %shift_right_logical3A_618 : i32 to vector<16xi32>
        %shift_right_logical3A_620 = arith.shrui %get3A_399, %shift_right_logical3A_619 : vector<16xi32>
        %and3A_621 = arith.constant 255 : i32
        %and3A_622 = vector.broadcast %and3A_621 : i32 to vector<16xi32>
        %and3A_623 = arith.andi %shift_right_logical3A_620, %and3A_622 : vector<16xi32>
        %lt3A_624 = arith.constant 19 : i32
        %lt3A_625 = vector.broadcast %lt3A_624 : i32 to vector<16xi32>
        %lt3A_626 = arith.cmpi slt, %and3A_623, %lt3A_625 : vector<16xi32>
        tpu.vector_store_idx %arg6[%iota3A, %and3A_623], %broadcast_in_dim3A_130 masked %lt3A_626 {add = true} : memref<16x32xf32, #tpu.memory_space<vmem>>[vector<16xi32>, vector<16xi32>], vector<16xf32>, vector<16xi1>
        %shift_right_logical3A_627 = arith.constant 16 : i32
        %shift_right_logical3A_628 = vector.broadcast %shift_right_logical3A_627 : i32 to vector<16xi32>
        %shift_right_logical3A_629 = arith.shrui %get3A_399, %shift_right_logical3A_628 : vector<16xi32>
        %and3A_630 = arith.constant 255 : i32
        %and3A_631 = vector.broadcast %and3A_630 : i32 to vector<16xi32>
        %and3A_632 = arith.andi %shift_right_logical3A_629, %and3A_631 : vector<16xi32>
        %lt3A_633 = arith.constant 19 : i32
        %lt3A_634 = vector.broadcast %lt3A_633 : i32 to vector<16xi32>
        %lt3A_635 = arith.cmpi slt, %and3A_632, %lt3A_634 : vector<16xi32>
        tpu.vector_store_idx %arg6[%iota3A, %and3A_632], %broadcast_in_dim3A_130 masked %lt3A_635 {add = true} : memref<16x32xf32, #tpu.memory_space<vmem>>[vector<16xi32>, vector<16xi32>], vector<16xf32>, vector<16xi1>
        %shift_right_logical3A_636 = arith.constant 24 : i32
        %shift_right_logical3A_637 = vector.broadcast %shift_right_logical3A_636 : i32 to vector<16xi32>
        %shift_right_logical3A_638 = arith.shrui %get3A_399, %shift_right_logical3A_637 : vector<16xi32>
        %and3A_639 = arith.constant 255 : i32
        %and3A_640 = vector.broadcast %and3A_639 : i32 to vector<16xi32>
        %and3A_641 = arith.andi %shift_right_logical3A_638, %and3A_640 : vector<16xi32>
        %lt3A_642 = arith.constant 19 : i32
        %lt3A_643 = vector.broadcast %lt3A_642 : i32 to vector<16xi32>
        %lt3A_644 = arith.cmpi slt, %and3A_641, %lt3A_643 : vector<16xi32>
        tpu.vector_store_idx %arg6[%iota3A, %and3A_641], %broadcast_in_dim3A_130 masked %lt3A_644 {add = true} : memref<16x32xf32, #tpu.memory_space<vmem>>[vector<16xi32>, vector<16xi32>], vector<16xf32>, vector<16xi1>
      } else {
      }
      %gt3A_560 = arith.constant 0 : i32
      %gt3A_561 = arith.cmpi sgt, %reduce_sum3A_467, %gt3A_560 : i32
      %convert_element_type3A_562 = arith.extui %gt3A_561 : i1 to i32
      %cond3A_563 = arith.constant 0 : i32
      %cond3A_564 = arith.cmpi ne, %convert_element_type3A_562, %cond3A_563 : i32
      scf.if %cond3A_564 {
        %shift_right_logical3A = arith.constant 0 : i32
        %shift_right_logical3A_575 = vector.broadcast %shift_right_logical3A : i32 to vector<16xi32>
        %shift_right_logical3A_576 = arith.shrui %get3A_428, %shift_right_logical3A_575 : vector<16xi32>
        %and3A_577 = arith.constant 255 : i32
        %and3A_578 = vector.broadcast %and3A_577 : i32 to vector<16xi32>
        %and3A_579 = arith.andi %shift_right_logical3A_576, %and3A_578 : vector<16xi32>
        %lt3A = arith.constant 19 : i32
        %lt3A_580 = vector.broadcast %lt3A : i32 to vector<16xi32>
        %lt3A_581 = arith.cmpi slt, %and3A_579, %lt3A_580 : vector<16xi32>
        tpu.vector_store_idx %arg6[%iota3A, %and3A_579], %broadcast_in_dim3A_130 masked %lt3A_581 {add = true} : memref<16x32xf32, #tpu.memory_space<vmem>>[vector<16xi32>, vector<16xi32>], vector<16xf32>, vector<16xi1>
        %shift_right_logical3A_582 = arith.constant 8 : i32
        %shift_right_logical3A_583 = vector.broadcast %shift_right_logical3A_582 : i32 to vector<16xi32>
        %shift_right_logical3A_584 = arith.shrui %get3A_428, %shift_right_logical3A_583 : vector<16xi32>
        %and3A_585 = arith.constant 255 : i32
        %and3A_586 = vector.broadcast %and3A_585 : i32 to vector<16xi32>
        %and3A_587 = arith.andi %shift_right_logical3A_584, %and3A_586 : vector<16xi32>
        %lt3A_588 = arith.constant 19 : i32
        %lt3A_589 = vector.broadcast %lt3A_588 : i32 to vector<16xi32>
        %lt3A_590 = arith.cmpi slt, %and3A_587, %lt3A_589 : vector<16xi32>
        tpu.vector_store_idx %arg6[%iota3A, %and3A_587], %broadcast_in_dim3A_130 masked %lt3A_590 {add = true} : memref<16x32xf32, #tpu.memory_space<vmem>>[vector<16xi32>, vector<16xi32>], vector<16xf32>, vector<16xi1>
        %shift_right_logical3A_591 = arith.constant 16 : i32
        %shift_right_logical3A_592 = vector.broadcast %shift_right_logical3A_591 : i32 to vector<16xi32>
        %shift_right_logical3A_593 = arith.shrui %get3A_428, %shift_right_logical3A_592 : vector<16xi32>
        %and3A_594 = arith.constant 255 : i32
        %and3A_595 = vector.broadcast %and3A_594 : i32 to vector<16xi32>
        %and3A_596 = arith.andi %shift_right_logical3A_593, %and3A_595 : vector<16xi32>
        %lt3A_597 = arith.constant 19 : i32
        %lt3A_598 = vector.broadcast %lt3A_597 : i32 to vector<16xi32>
        %lt3A_599 = arith.cmpi slt, %and3A_596, %lt3A_598 : vector<16xi32>
        tpu.vector_store_idx %arg6[%iota3A, %and3A_596], %broadcast_in_dim3A_130 masked %lt3A_599 {add = true} : memref<16x32xf32, #tpu.memory_space<vmem>>[vector<16xi32>, vector<16xi32>], vector<16xf32>, vector<16xi1>
        %shift_right_logical3A_600 = arith.constant 24 : i32
        %shift_right_logical3A_601 = vector.broadcast %shift_right_logical3A_600 : i32 to vector<16xi32>
        %shift_right_logical3A_602 = arith.shrui %get3A_428, %shift_right_logical3A_601 : vector<16xi32>
        %and3A_603 = arith.constant 255 : i32
        %and3A_604 = vector.broadcast %and3A_603 : i32 to vector<16xi32>
        %and3A_605 = arith.andi %shift_right_logical3A_602, %and3A_604 : vector<16xi32>
        %lt3A_606 = arith.constant 19 : i32
        %lt3A_607 = vector.broadcast %lt3A_606 : i32 to vector<16xi32>
        %lt3A_608 = arith.cmpi slt, %and3A_605, %lt3A_607 : vector<16xi32>
        tpu.vector_store_idx %arg6[%iota3A, %and3A_605], %broadcast_in_dim3A_130 masked %lt3A_608 {add = true} : memref<16x32xf32, #tpu.memory_space<vmem>>[vector<16xi32>, vector<16xi32>], vector<16xf32>, vector<16xi1>
        %shift_right_logical3A_609 = arith.constant 0 : i32
        %shift_right_logical3A_610 = vector.broadcast %shift_right_logical3A_609 : i32 to vector<16xi32>
        %shift_right_logical3A_611 = arith.shrui %get3A_436, %shift_right_logical3A_610 : vector<16xi32>
        %and3A_612 = arith.constant 255 : i32
        %and3A_613 = vector.broadcast %and3A_612 : i32 to vector<16xi32>
        %and3A_614 = arith.andi %shift_right_logical3A_611, %and3A_613 : vector<16xi32>
        %lt3A_615 = arith.constant 19 : i32
        %lt3A_616 = vector.broadcast %lt3A_615 : i32 to vector<16xi32>
        %lt3A_617 = arith.cmpi slt, %and3A_614, %lt3A_616 : vector<16xi32>
        tpu.vector_store_idx %arg6[%iota3A, %and3A_614], %broadcast_in_dim3A_130 masked %lt3A_617 {add = true} : memref<16x32xf32, #tpu.memory_space<vmem>>[vector<16xi32>, vector<16xi32>], vector<16xf32>, vector<16xi1>
        %shift_right_logical3A_618 = arith.constant 8 : i32
        %shift_right_logical3A_619 = vector.broadcast %shift_right_logical3A_618 : i32 to vector<16xi32>
        %shift_right_logical3A_620 = arith.shrui %get3A_436, %shift_right_logical3A_619 : vector<16xi32>
        %and3A_621 = arith.constant 255 : i32
        %and3A_622 = vector.broadcast %and3A_621 : i32 to vector<16xi32>
        %and3A_623 = arith.andi %shift_right_logical3A_620, %and3A_622 : vector<16xi32>
        %lt3A_624 = arith.constant 19 : i32
        %lt3A_625 = vector.broadcast %lt3A_624 : i32 to vector<16xi32>
        %lt3A_626 = arith.cmpi slt, %and3A_623, %lt3A_625 : vector<16xi32>
        tpu.vector_store_idx %arg6[%iota3A, %and3A_623], %broadcast_in_dim3A_130 masked %lt3A_626 {add = true} : memref<16x32xf32, #tpu.memory_space<vmem>>[vector<16xi32>, vector<16xi32>], vector<16xf32>, vector<16xi1>
        %shift_right_logical3A_627 = arith.constant 16 : i32
        %shift_right_logical3A_628 = vector.broadcast %shift_right_logical3A_627 : i32 to vector<16xi32>
        %shift_right_logical3A_629 = arith.shrui %get3A_436, %shift_right_logical3A_628 : vector<16xi32>
        %and3A_630 = arith.constant 255 : i32
        %and3A_631 = vector.broadcast %and3A_630 : i32 to vector<16xi32>
        %and3A_632 = arith.andi %shift_right_logical3A_629, %and3A_631 : vector<16xi32>
        %lt3A_633 = arith.constant 19 : i32
        %lt3A_634 = vector.broadcast %lt3A_633 : i32 to vector<16xi32>
        %lt3A_635 = arith.cmpi slt, %and3A_632, %lt3A_634 : vector<16xi32>
        tpu.vector_store_idx %arg6[%iota3A, %and3A_632], %broadcast_in_dim3A_130 masked %lt3A_635 {add = true} : memref<16x32xf32, #tpu.memory_space<vmem>>[vector<16xi32>, vector<16xi32>], vector<16xf32>, vector<16xi1>
        %shift_right_logical3A_636 = arith.constant 24 : i32
        %shift_right_logical3A_637 = vector.broadcast %shift_right_logical3A_636 : i32 to vector<16xi32>
        %shift_right_logical3A_638 = arith.shrui %get3A_436, %shift_right_logical3A_637 : vector<16xi32>
        %and3A_639 = arith.constant 255 : i32
        %and3A_640 = vector.broadcast %and3A_639 : i32 to vector<16xi32>
        %and3A_641 = arith.andi %shift_right_logical3A_638, %and3A_640 : vector<16xi32>
        %lt3A_642 = arith.constant 19 : i32
        %lt3A_643 = vector.broadcast %lt3A_642 : i32 to vector<16xi32>
        %lt3A_644 = arith.cmpi slt, %and3A_641, %lt3A_643 : vector<16xi32>
        tpu.vector_store_idx %arg6[%iota3A, %and3A_641], %broadcast_in_dim3A_130 masked %lt3A_644 {add = true} : memref<16x32xf32, #tpu.memory_space<vmem>>[vector<16xi32>, vector<16xi32>], vector<16xf32>, vector<16xi1>
      } else {
      }
      %gt3A_565 = arith.constant 0 : i32
      %gt3A_566 = arith.cmpi sgt, %reduce_sum3A_512, %gt3A_565 : i32
      %convert_element_type3A_567 = arith.extui %gt3A_566 : i1 to i32
      %cond3A_568 = arith.constant 0 : i32
      %cond3A_569 = arith.cmpi ne, %convert_element_type3A_567, %cond3A_568 : i32
      scf.if %cond3A_569 {
        %shift_right_logical3A = arith.constant 0 : i32
        %shift_right_logical3A_575 = vector.broadcast %shift_right_logical3A : i32 to vector<16xi32>
        %shift_right_logical3A_576 = arith.shrui %get3A_473, %shift_right_logical3A_575 : vector<16xi32>
        %and3A_577 = arith.constant 255 : i32
        %and3A_578 = vector.broadcast %and3A_577 : i32 to vector<16xi32>
        %and3A_579 = arith.andi %shift_right_logical3A_576, %and3A_578 : vector<16xi32>
        %lt3A = arith.constant 19 : i32
        %lt3A_580 = vector.broadcast %lt3A : i32 to vector<16xi32>
        %lt3A_581 = arith.cmpi slt, %and3A_579, %lt3A_580 : vector<16xi32>
        tpu.vector_store_idx %arg6[%iota3A, %and3A_579], %broadcast_in_dim3A_130 masked %lt3A_581 {add = true} : memref<16x32xf32, #tpu.memory_space<vmem>>[vector<16xi32>, vector<16xi32>], vector<16xf32>, vector<16xi1>
        %shift_right_logical3A_582 = arith.constant 8 : i32
        %shift_right_logical3A_583 = vector.broadcast %shift_right_logical3A_582 : i32 to vector<16xi32>
        %shift_right_logical3A_584 = arith.shrui %get3A_473, %shift_right_logical3A_583 : vector<16xi32>
        %and3A_585 = arith.constant 255 : i32
        %and3A_586 = vector.broadcast %and3A_585 : i32 to vector<16xi32>
        %and3A_587 = arith.andi %shift_right_logical3A_584, %and3A_586 : vector<16xi32>
        %lt3A_588 = arith.constant 19 : i32
        %lt3A_589 = vector.broadcast %lt3A_588 : i32 to vector<16xi32>
        %lt3A_590 = arith.cmpi slt, %and3A_587, %lt3A_589 : vector<16xi32>
        tpu.vector_store_idx %arg6[%iota3A, %and3A_587], %broadcast_in_dim3A_130 masked %lt3A_590 {add = true} : memref<16x32xf32, #tpu.memory_space<vmem>>[vector<16xi32>, vector<16xi32>], vector<16xf32>, vector<16xi1>
        %shift_right_logical3A_591 = arith.constant 16 : i32
        %shift_right_logical3A_592 = vector.broadcast %shift_right_logical3A_591 : i32 to vector<16xi32>
        %shift_right_logical3A_593 = arith.shrui %get3A_473, %shift_right_logical3A_592 : vector<16xi32>
        %and3A_594 = arith.constant 255 : i32
        %and3A_595 = vector.broadcast %and3A_594 : i32 to vector<16xi32>
        %and3A_596 = arith.andi %shift_right_logical3A_593, %and3A_595 : vector<16xi32>
        %lt3A_597 = arith.constant 19 : i32
        %lt3A_598 = vector.broadcast %lt3A_597 : i32 to vector<16xi32>
        %lt3A_599 = arith.cmpi slt, %and3A_596, %lt3A_598 : vector<16xi32>
        tpu.vector_store_idx %arg6[%iota3A, %and3A_596], %broadcast_in_dim3A_130 masked %lt3A_599 {add = true} : memref<16x32xf32, #tpu.memory_space<vmem>>[vector<16xi32>, vector<16xi32>], vector<16xf32>, vector<16xi1>
        %shift_right_logical3A_600 = arith.constant 24 : i32
        %shift_right_logical3A_601 = vector.broadcast %shift_right_logical3A_600 : i32 to vector<16xi32>
        %shift_right_logical3A_602 = arith.shrui %get3A_473, %shift_right_logical3A_601 : vector<16xi32>
        %and3A_603 = arith.constant 255 : i32
        %and3A_604 = vector.broadcast %and3A_603 : i32 to vector<16xi32>
        %and3A_605 = arith.andi %shift_right_logical3A_602, %and3A_604 : vector<16xi32>
        %lt3A_606 = arith.constant 19 : i32
        %lt3A_607 = vector.broadcast %lt3A_606 : i32 to vector<16xi32>
        %lt3A_608 = arith.cmpi slt, %and3A_605, %lt3A_607 : vector<16xi32>
        tpu.vector_store_idx %arg6[%iota3A, %and3A_605], %broadcast_in_dim3A_130 masked %lt3A_608 {add = true} : memref<16x32xf32, #tpu.memory_space<vmem>>[vector<16xi32>, vector<16xi32>], vector<16xf32>, vector<16xi1>
        %shift_right_logical3A_609 = arith.constant 0 : i32
        %shift_right_logical3A_610 = vector.broadcast %shift_right_logical3A_609 : i32 to vector<16xi32>
        %shift_right_logical3A_611 = arith.shrui %get3A_481, %shift_right_logical3A_610 : vector<16xi32>
        %and3A_612 = arith.constant 255 : i32
        %and3A_613 = vector.broadcast %and3A_612 : i32 to vector<16xi32>
        %and3A_614 = arith.andi %shift_right_logical3A_611, %and3A_613 : vector<16xi32>
        %lt3A_615 = arith.constant 19 : i32
        %lt3A_616 = vector.broadcast %lt3A_615 : i32 to vector<16xi32>
        %lt3A_617 = arith.cmpi slt, %and3A_614, %lt3A_616 : vector<16xi32>
        tpu.vector_store_idx %arg6[%iota3A, %and3A_614], %broadcast_in_dim3A_130 masked %lt3A_617 {add = true} : memref<16x32xf32, #tpu.memory_space<vmem>>[vector<16xi32>, vector<16xi32>], vector<16xf32>, vector<16xi1>
        %shift_right_logical3A_618 = arith.constant 8 : i32
        %shift_right_logical3A_619 = vector.broadcast %shift_right_logical3A_618 : i32 to vector<16xi32>
        %shift_right_logical3A_620 = arith.shrui %get3A_481, %shift_right_logical3A_619 : vector<16xi32>
        %and3A_621 = arith.constant 255 : i32
        %and3A_622 = vector.broadcast %and3A_621 : i32 to vector<16xi32>
        %and3A_623 = arith.andi %shift_right_logical3A_620, %and3A_622 : vector<16xi32>
        %lt3A_624 = arith.constant 19 : i32
        %lt3A_625 = vector.broadcast %lt3A_624 : i32 to vector<16xi32>
        %lt3A_626 = arith.cmpi slt, %and3A_623, %lt3A_625 : vector<16xi32>
        tpu.vector_store_idx %arg6[%iota3A, %and3A_623], %broadcast_in_dim3A_130 masked %lt3A_626 {add = true} : memref<16x32xf32, #tpu.memory_space<vmem>>[vector<16xi32>, vector<16xi32>], vector<16xf32>, vector<16xi1>
        %shift_right_logical3A_627 = arith.constant 16 : i32
        %shift_right_logical3A_628 = vector.broadcast %shift_right_logical3A_627 : i32 to vector<16xi32>
        %shift_right_logical3A_629 = arith.shrui %get3A_481, %shift_right_logical3A_628 : vector<16xi32>
        %and3A_630 = arith.constant 255 : i32
        %and3A_631 = vector.broadcast %and3A_630 : i32 to vector<16xi32>
        %and3A_632 = arith.andi %shift_right_logical3A_629, %and3A_631 : vector<16xi32>
        %lt3A_633 = arith.constant 19 : i32
        %lt3A_634 = vector.broadcast %lt3A_633 : i32 to vector<16xi32>
        %lt3A_635 = arith.cmpi slt, %and3A_632, %lt3A_634 : vector<16xi32>
        tpu.vector_store_idx %arg6[%iota3A, %and3A_632], %broadcast_in_dim3A_130 masked %lt3A_635 {add = true} : memref<16x32xf32, #tpu.memory_space<vmem>>[vector<16xi32>, vector<16xi32>], vector<16xf32>, vector<16xi1>
        %shift_right_logical3A_636 = arith.constant 24 : i32
        %shift_right_logical3A_637 = vector.broadcast %shift_right_logical3A_636 : i32 to vector<16xi32>
        %shift_right_logical3A_638 = arith.shrui %get3A_481, %shift_right_logical3A_637 : vector<16xi32>
        %and3A_639 = arith.constant 255 : i32
        %and3A_640 = vector.broadcast %and3A_639 : i32 to vector<16xi32>
        %and3A_641 = arith.andi %shift_right_logical3A_638, %and3A_640 : vector<16xi32>
        %lt3A_642 = arith.constant 19 : i32
        %lt3A_643 = vector.broadcast %lt3A_642 : i32 to vector<16xi32>
        %lt3A_644 = arith.cmpi slt, %and3A_641, %lt3A_643 : vector<16xi32>
        tpu.vector_store_idx %arg6[%iota3A, %and3A_641], %broadcast_in_dim3A_130 masked %lt3A_644 {add = true} : memref<16x32xf32, #tpu.memory_space<vmem>>[vector<16xi32>, vector<16xi32>], vector<16xf32>, vector<16xi1>
      } else {
      }
      %gt3A_570 = arith.constant 0 : i32
      %gt3A_571 = arith.cmpi sgt, %reduce_sum3A_557, %gt3A_570 : i32
      %convert_element_type3A_572 = arith.extui %gt3A_571 : i1 to i32
      %cond3A_573 = arith.constant 0 : i32
      %cond3A_574 = arith.cmpi ne, %convert_element_type3A_572, %cond3A_573 : i32
      scf.if %cond3A_574 {
        %shift_right_logical3A = arith.constant 0 : i32
        %shift_right_logical3A_575 = vector.broadcast %shift_right_logical3A : i32 to vector<16xi32>
        %shift_right_logical3A_576 = arith.shrui %get3A_518, %shift_right_logical3A_575 : vector<16xi32>
        %and3A_577 = arith.constant 255 : i32
        %and3A_578 = vector.broadcast %and3A_577 : i32 to vector<16xi32>
        %and3A_579 = arith.andi %shift_right_logical3A_576, %and3A_578 : vector<16xi32>
        %lt3A = arith.constant 19 : i32
        %lt3A_580 = vector.broadcast %lt3A : i32 to vector<16xi32>
        %lt3A_581 = arith.cmpi slt, %and3A_579, %lt3A_580 : vector<16xi32>
        tpu.vector_store_idx %arg6[%iota3A, %and3A_579], %broadcast_in_dim3A_130 masked %lt3A_581 {add = true} : memref<16x32xf32, #tpu.memory_space<vmem>>[vector<16xi32>, vector<16xi32>], vector<16xf32>, vector<16xi1>
        %shift_right_logical3A_582 = arith.constant 8 : i32
        %shift_right_logical3A_583 = vector.broadcast %shift_right_logical3A_582 : i32 to vector<16xi32>
        %shift_right_logical3A_584 = arith.shrui %get3A_518, %shift_right_logical3A_583 : vector<16xi32>
        %and3A_585 = arith.constant 255 : i32
        %and3A_586 = vector.broadcast %and3A_585 : i32 to vector<16xi32>
        %and3A_587 = arith.andi %shift_right_logical3A_584, %and3A_586 : vector<16xi32>
        %lt3A_588 = arith.constant 19 : i32
        %lt3A_589 = vector.broadcast %lt3A_588 : i32 to vector<16xi32>
        %lt3A_590 = arith.cmpi slt, %and3A_587, %lt3A_589 : vector<16xi32>
        tpu.vector_store_idx %arg6[%iota3A, %and3A_587], %broadcast_in_dim3A_130 masked %lt3A_590 {add = true} : memref<16x32xf32, #tpu.memory_space<vmem>>[vector<16xi32>, vector<16xi32>], vector<16xf32>, vector<16xi1>
        %shift_right_logical3A_591 = arith.constant 16 : i32
        %shift_right_logical3A_592 = vector.broadcast %shift_right_logical3A_591 : i32 to vector<16xi32>
        %shift_right_logical3A_593 = arith.shrui %get3A_518, %shift_right_logical3A_592 : vector<16xi32>
        %and3A_594 = arith.constant 255 : i32
        %and3A_595 = vector.broadcast %and3A_594 : i32 to vector<16xi32>
        %and3A_596 = arith.andi %shift_right_logical3A_593, %and3A_595 : vector<16xi32>
        %lt3A_597 = arith.constant 19 : i32
        %lt3A_598 = vector.broadcast %lt3A_597 : i32 to vector<16xi32>
        %lt3A_599 = arith.cmpi slt, %and3A_596, %lt3A_598 : vector<16xi32>
        tpu.vector_store_idx %arg6[%iota3A, %and3A_596], %broadcast_in_dim3A_130 masked %lt3A_599 {add = true} : memref<16x32xf32, #tpu.memory_space<vmem>>[vector<16xi32>, vector<16xi32>], vector<16xf32>, vector<16xi1>
        %shift_right_logical3A_600 = arith.constant 24 : i32
        %shift_right_logical3A_601 = vector.broadcast %shift_right_logical3A_600 : i32 to vector<16xi32>
        %shift_right_logical3A_602 = arith.shrui %get3A_518, %shift_right_logical3A_601 : vector<16xi32>
        %and3A_603 = arith.constant 255 : i32
        %and3A_604 = vector.broadcast %and3A_603 : i32 to vector<16xi32>
        %and3A_605 = arith.andi %shift_right_logical3A_602, %and3A_604 : vector<16xi32>
        %lt3A_606 = arith.constant 19 : i32
        %lt3A_607 = vector.broadcast %lt3A_606 : i32 to vector<16xi32>
        %lt3A_608 = arith.cmpi slt, %and3A_605, %lt3A_607 : vector<16xi32>
        tpu.vector_store_idx %arg6[%iota3A, %and3A_605], %broadcast_in_dim3A_130 masked %lt3A_608 {add = true} : memref<16x32xf32, #tpu.memory_space<vmem>>[vector<16xi32>, vector<16xi32>], vector<16xf32>, vector<16xi1>
        %shift_right_logical3A_609 = arith.constant 0 : i32
        %shift_right_logical3A_610 = vector.broadcast %shift_right_logical3A_609 : i32 to vector<16xi32>
        %shift_right_logical3A_611 = arith.shrui %get3A_526, %shift_right_logical3A_610 : vector<16xi32>
        %and3A_612 = arith.constant 255 : i32
        %and3A_613 = vector.broadcast %and3A_612 : i32 to vector<16xi32>
        %and3A_614 = arith.andi %shift_right_logical3A_611, %and3A_613 : vector<16xi32>
        %lt3A_615 = arith.constant 19 : i32
        %lt3A_616 = vector.broadcast %lt3A_615 : i32 to vector<16xi32>
        %lt3A_617 = arith.cmpi slt, %and3A_614, %lt3A_616 : vector<16xi32>
        tpu.vector_store_idx %arg6[%iota3A, %and3A_614], %broadcast_in_dim3A_130 masked %lt3A_617 {add = true} : memref<16x32xf32, #tpu.memory_space<vmem>>[vector<16xi32>, vector<16xi32>], vector<16xf32>, vector<16xi1>
        %shift_right_logical3A_618 = arith.constant 8 : i32
        %shift_right_logical3A_619 = vector.broadcast %shift_right_logical3A_618 : i32 to vector<16xi32>
        %shift_right_logical3A_620 = arith.shrui %get3A_526, %shift_right_logical3A_619 : vector<16xi32>
        %and3A_621 = arith.constant 255 : i32
        %and3A_622 = vector.broadcast %and3A_621 : i32 to vector<16xi32>
        %and3A_623 = arith.andi %shift_right_logical3A_620, %and3A_622 : vector<16xi32>
        %lt3A_624 = arith.constant 19 : i32
        %lt3A_625 = vector.broadcast %lt3A_624 : i32 to vector<16xi32>
        %lt3A_626 = arith.cmpi slt, %and3A_623, %lt3A_625 : vector<16xi32>
        tpu.vector_store_idx %arg6[%iota3A, %and3A_623], %broadcast_in_dim3A_130 masked %lt3A_626 {add = true} : memref<16x32xf32, #tpu.memory_space<vmem>>[vector<16xi32>, vector<16xi32>], vector<16xf32>, vector<16xi1>
        %shift_right_logical3A_627 = arith.constant 16 : i32
        %shift_right_logical3A_628 = vector.broadcast %shift_right_logical3A_627 : i32 to vector<16xi32>
        %shift_right_logical3A_629 = arith.shrui %get3A_526, %shift_right_logical3A_628 : vector<16xi32>
        %and3A_630 = arith.constant 255 : i32
        %and3A_631 = vector.broadcast %and3A_630 : i32 to vector<16xi32>
        %and3A_632 = arith.andi %shift_right_logical3A_629, %and3A_631 : vector<16xi32>
        %lt3A_633 = arith.constant 19 : i32
        %lt3A_634 = vector.broadcast %lt3A_633 : i32 to vector<16xi32>
        %lt3A_635 = arith.cmpi slt, %and3A_632, %lt3A_634 : vector<16xi32>
        tpu.vector_store_idx %arg6[%iota3A, %and3A_632], %broadcast_in_dim3A_130 masked %lt3A_635 {add = true} : memref<16x32xf32, #tpu.memory_space<vmem>>[vector<16xi32>, vector<16xi32>], vector<16xf32>, vector<16xi1>
        %shift_right_logical3A_636 = arith.constant 24 : i32
        %shift_right_logical3A_637 = vector.broadcast %shift_right_logical3A_636 : i32 to vector<16xi32>
        %shift_right_logical3A_638 = arith.shrui %get3A_526, %shift_right_logical3A_637 : vector<16xi32>
        %and3A_639 = arith.constant 255 : i32
        %and3A_640 = vector.broadcast %and3A_639 : i32 to vector<16xi32>
        %and3A_641 = arith.andi %shift_right_logical3A_638, %and3A_640 : vector<16xi32>
        %lt3A_642 = arith.constant 19 : i32
        %lt3A_643 = vector.broadcast %lt3A_642 : i32 to vector<16xi32>
        %lt3A_644 = arith.cmpi slt, %and3A_641, %lt3A_643 : vector<16xi32>
        tpu.vector_store_idx %arg6[%iota3A, %and3A_641], %broadcast_in_dim3A_130 masked %lt3A_644 {add = true} : memref<16x32xf32, #tpu.memory_space<vmem>>[vector<16xi32>, vector<16xi32>], vector<16xf32>, vector<16xi1>
      } else {
      }
    }
    %scan3A_203 = arith.constant 16 : i32
    %add3A_204 = arith.constant 14336 : i32
    %add3A_205 = arith.addi %mul3A_132, %add3A_204 : i32
    %dma_start3A_206 = tpu.memref_slice %arg2[%add3A_205] : memref<524288xi32, #tpu.memory_space<hbm>> -> memref<2048xi32, #tpu.memory_space<hbm>>
    %dma_start3A_207 = tpu.memref_slice %arg2[%add3A_205] : memref<524288xi32, #tpu.memory_space<hbm>> -> memref<2048xi32, #tpu.memory_space<hbm>>
    tpu.enqueue_dma source(%dma_start3A_207 : memref<2048xi32, #tpu.memory_space<hbm>>) target(%arg5 : memref<2048xi32, #tpu.memory_space<vmem>>) target_semaphore(%arg9 : memref<!tpu.dma_semaphore, #tpu.memory_space<semaphore_mem>>)
    %dma_wait3A_208 = tpu.memref_slice %arg2[%add3A_193] : memref<524288xi32, #tpu.memory_space<hbm>> -> memref<2048xi32, #tpu.memory_space<hbm>>
    %dma_wait3A_209 = tpu.memref_slice %arg2[%add3A_193] : memref<524288xi32, #tpu.memory_space<hbm>> -> memref<2048xi32, #tpu.memory_space<hbm>>
    tpu.wait_dma2 semaphore(%arg8 : memref<!tpu.dma_semaphore, #tpu.memory_space<semaphore_mem>>) src(%dma_wait3A_209 : memref<2048xi32, #tpu.memory_space<hbm>>) dst(%arg4 : memref<2048xi32, #tpu.memory_space<vmem>>)
    %scan3A_210 = arith.constant 0 : i32
    %scan3A_211 = arith.constant 0 : i32
    %scan3A_212 = arith.constant 16 : i32
    %scan3A_213 = arith.addi %scan3A_211, %scan3A_212 : i32
    %scan3A_214 = arith.constant 1 : i32
    scf.for %scan3A_385 = %scan3A_211 to %scan3A_213 step %scan3A_214  : i32 {
      %mul3A_386 = arith.constant 128 : i32
      %mul3A_387 = arith.muli %scan3A_385, %mul3A_386 : i32
      %add3A_388 = arith.constant 0 : i32
      %add3A_389 = arith.addi %mul3A_387, %add3A_388 : i32
      %get3A_390 = arith.index_cast %add3A_389 : i32 to index
      %get3A_391 = tpu.vector_load %arg4[%get3A_390] {strides = array<i32>} : memref<2048xi32, #tpu.memory_space<vmem>>, vector<16xi32>,
      %mul3A_392 = arith.constant 128 : i32
      %mul3A_393 = arith.muli %scan3A_385, %mul3A_392 : i32
      %add3A_394 = arith.constant 0 : i32
      %add3A_395 = arith.addi %mul3A_393, %add3A_394 : i32
      %add3A_396 = arith.constant 16 : i32
      %add3A_397 = arith.addi %add3A_395, %add3A_396 : i32
      %get3A_398 = arith.index_cast %add3A_397 : i32 to index
      %get3A_399 = tpu.vector_load %arg4[%get3A_398] {strides = array<i32>} : memref<2048xi32, #tpu.memory_space<vmem>>, vector<16xi32>,
      %sub3A = arith.constant 320017171 : i32
      %sub3A_400 = vector.broadcast %sub3A : i32 to vector<16xi32>
      %sub3A_401 = arith.subi %get3A_391, %sub3A_400 : vector<16xi32>
      %not3A = arith.constant dense<-1> : vector<16xi32>
      %not3A_402 = arith.xori %get3A_391, %not3A : vector<16xi32>
      %and3A = arith.andi %sub3A_401, %not3A_402 : vector<16xi32>
      %and3A_403 = arith.constant -2139062144 : i32
      %and3A_404 = vector.broadcast %and3A_403 : i32 to vector<16xi32>
      %and3A_405 = arith.andi %and3A, %and3A_404 : vector<16xi32>
      %sub3A_406 = arith.constant 320017171 : i32
      %sub3A_407 = vector.broadcast %sub3A_406 : i32 to vector<16xi32>
      %sub3A_408 = arith.subi %get3A_399, %sub3A_407 : vector<16xi32>
      %not3A_409 = arith.constant dense<-1> : vector<16xi32>
      %not3A_410 = arith.xori %get3A_399, %not3A_409 : vector<16xi32>
      %and3A_411 = arith.andi %sub3A_408, %not3A_410 : vector<16xi32>
      %and3A_412 = arith.constant -2139062144 : i32
      %and3A_413 = vector.broadcast %and3A_412 : i32 to vector<16xi32>
      %and3A_414 = arith.andi %and3A_411, %and3A_413 : vector<16xi32>
      %or3A = arith.ori %and3A_405, %and3A_414 : vector<16xi32>
      %ne3A = arith.constant 0 : i32
      %ne3A_415 = vector.broadcast %ne3A : i32 to vector<16xi32>
      %ne3A_416 = arith.cmpi ne, %or3A, %ne3A_415 : vector<16xi32>
      %jit3A = arith.constant 1 : i32
      %jit3A_417 = arith.constant 0 : i32
      %broadcast_in_dim3A_418 = vector.broadcast %jit3A : i32 to vector<16xi32>
      %broadcast_in_dim3A_419 = vector.broadcast %jit3A_417 : i32 to vector<16xi32>
      %select_n3A = arith.select %ne3A_416, %broadcast_in_dim3A_418, %broadcast_in_dim3A_419 : vector<16xi1>, vector<16xi32>
      %reduce_sum3A = arith.constant true
      %reduce_sum3A_420 = vector.broadcast %reduce_sum3A : i1 to vector<16xi1>
      %reduce_sum3A_421 = tpu.scan <sum>, %select_n3A masked %reduce_sum3A_420 : vector<16xi32>, vector<16xi1> -> vector<16xi32>
      %reduce_sum3A_422 = vector.extract %reduce_sum3A_421[15] : i32 from vector<16xi32>
      %mul3A_423 = arith.constant 128 : i32
      %mul3A_424 = arith.muli %scan3A_385, %mul3A_423 : i32
      %add3A_425 = arith.constant 32 : i32
      %add3A_426 = arith.addi %mul3A_424, %add3A_425 : i32
      %get3A_427 = arith.index_cast %add3A_426 : i32 to index
      %get3A_428 = tpu.vector_load %arg4[%get3A_427] {strides = array<i32>} : memref<2048xi32, #tpu.memory_space<vmem>>, vector<16xi32>,
      %mul3A_429 = arith.constant 128 : i32
      %mul3A_430 = arith.muli %scan3A_385, %mul3A_429 : i32
      %add3A_431 = arith.constant 32 : i32
      %add3A_432 = arith.addi %mul3A_430, %add3A_431 : i32
      %add3A_433 = arith.constant 16 : i32
      %add3A_434 = arith.addi %add3A_432, %add3A_433 : i32
      %get3A_435 = arith.index_cast %add3A_434 : i32 to index
      %get3A_436 = tpu.vector_load %arg4[%get3A_435] {strides = array<i32>} : memref<2048xi32, #tpu.memory_space<vmem>>, vector<16xi32>,
      %sub3A_437 = arith.constant 320017171 : i32
      %sub3A_438 = vector.broadcast %sub3A_437 : i32 to vector<16xi32>
      %sub3A_439 = arith.subi %get3A_428, %sub3A_438 : vector<16xi32>
      %not3A_440 = arith.constant dense<-1> : vector<16xi32>
      %not3A_441 = arith.xori %get3A_428, %not3A_440 : vector<16xi32>
      %and3A_442 = arith.andi %sub3A_439, %not3A_441 : vector<16xi32>
      %and3A_443 = arith.constant -2139062144 : i32
      %and3A_444 = vector.broadcast %and3A_443 : i32 to vector<16xi32>
      %and3A_445 = arith.andi %and3A_442, %and3A_444 : vector<16xi32>
      %sub3A_446 = arith.constant 320017171 : i32
      %sub3A_447 = vector.broadcast %sub3A_446 : i32 to vector<16xi32>
      %sub3A_448 = arith.subi %get3A_436, %sub3A_447 : vector<16xi32>
      %not3A_449 = arith.constant dense<-1> : vector<16xi32>
      %not3A_450 = arith.xori %get3A_436, %not3A_449 : vector<16xi32>
      %and3A_451 = arith.andi %sub3A_448, %not3A_450 : vector<16xi32>
      %and3A_452 = arith.constant -2139062144 : i32
      %and3A_453 = vector.broadcast %and3A_452 : i32 to vector<16xi32>
      %and3A_454 = arith.andi %and3A_451, %and3A_453 : vector<16xi32>
      %or3A_455 = arith.ori %and3A_445, %and3A_454 : vector<16xi32>
      %ne3A_456 = arith.constant 0 : i32
      %ne3A_457 = vector.broadcast %ne3A_456 : i32 to vector<16xi32>
      %ne3A_458 = arith.cmpi ne, %or3A_455, %ne3A_457 : vector<16xi32>
      %jit3A_459 = arith.constant 1 : i32
      %jit3A_460 = arith.constant 0 : i32
      %broadcast_in_dim3A_461 = vector.broadcast %jit3A_459 : i32 to vector<16xi32>
      %broadcast_in_dim3A_462 = vector.broadcast %jit3A_460 : i32 to vector<16xi32>
      %select_n3A_463 = arith.select %ne3A_458, %broadcast_in_dim3A_461, %broadcast_in_dim3A_462 : vector<16xi1>, vector<16xi32>
      %reduce_sum3A_464 = arith.constant true
      %reduce_sum3A_465 = vector.broadcast %reduce_sum3A_464 : i1 to vector<16xi1>
      %reduce_sum3A_466 = tpu.scan <sum>, %select_n3A_463 masked %reduce_sum3A_465 : vector<16xi32>, vector<16xi1> -> vector<16xi32>
      %reduce_sum3A_467 = vector.extract %reduce_sum3A_466[15] : i32 from vector<16xi32>
      %mul3A_468 = arith.constant 128 : i32
      %mul3A_469 = arith.muli %scan3A_385, %mul3A_468 : i32
      %add3A_470 = arith.constant 64 : i32
      %add3A_471 = arith.addi %mul3A_469, %add3A_470 : i32
      %get3A_472 = arith.index_cast %add3A_471 : i32 to index
      %get3A_473 = tpu.vector_load %arg4[%get3A_472] {strides = array<i32>} : memref<2048xi32, #tpu.memory_space<vmem>>, vector<16xi32>,
      %mul3A_474 = arith.constant 128 : i32
      %mul3A_475 = arith.muli %scan3A_385, %mul3A_474 : i32
      %add3A_476 = arith.constant 64 : i32
      %add3A_477 = arith.addi %mul3A_475, %add3A_476 : i32
      %add3A_478 = arith.constant 16 : i32
      %add3A_479 = arith.addi %add3A_477, %add3A_478 : i32
      %get3A_480 = arith.index_cast %add3A_479 : i32 to index
      %get3A_481 = tpu.vector_load %arg4[%get3A_480] {strides = array<i32>} : memref<2048xi32, #tpu.memory_space<vmem>>, vector<16xi32>,
      %sub3A_482 = arith.constant 320017171 : i32
      %sub3A_483 = vector.broadcast %sub3A_482 : i32 to vector<16xi32>
      %sub3A_484 = arith.subi %get3A_473, %sub3A_483 : vector<16xi32>
      %not3A_485 = arith.constant dense<-1> : vector<16xi32>
      %not3A_486 = arith.xori %get3A_473, %not3A_485 : vector<16xi32>
      %and3A_487 = arith.andi %sub3A_484, %not3A_486 : vector<16xi32>
      %and3A_488 = arith.constant -2139062144 : i32
      %and3A_489 = vector.broadcast %and3A_488 : i32 to vector<16xi32>
      %and3A_490 = arith.andi %and3A_487, %and3A_489 : vector<16xi32>
      %sub3A_491 = arith.constant 320017171 : i32
      %sub3A_492 = vector.broadcast %sub3A_491 : i32 to vector<16xi32>
      %sub3A_493 = arith.subi %get3A_481, %sub3A_492 : vector<16xi32>
      %not3A_494 = arith.constant dense<-1> : vector<16xi32>
      %not3A_495 = arith.xori %get3A_481, %not3A_494 : vector<16xi32>
      %and3A_496 = arith.andi %sub3A_493, %not3A_495 : vector<16xi32>
      %and3A_497 = arith.constant -2139062144 : i32
      %and3A_498 = vector.broadcast %and3A_497 : i32 to vector<16xi32>
      %and3A_499 = arith.andi %and3A_496, %and3A_498 : vector<16xi32>
      %or3A_500 = arith.ori %and3A_490, %and3A_499 : vector<16xi32>
      %ne3A_501 = arith.constant 0 : i32
      %ne3A_502 = vector.broadcast %ne3A_501 : i32 to vector<16xi32>
      %ne3A_503 = arith.cmpi ne, %or3A_500, %ne3A_502 : vector<16xi32>
      %jit3A_504 = arith.constant 1 : i32
      %jit3A_505 = arith.constant 0 : i32
      %broadcast_in_dim3A_506 = vector.broadcast %jit3A_504 : i32 to vector<16xi32>
      %broadcast_in_dim3A_507 = vector.broadcast %jit3A_505 : i32 to vector<16xi32>
      %select_n3A_508 = arith.select %ne3A_503, %broadcast_in_dim3A_506, %broadcast_in_dim3A_507 : vector<16xi1>, vector<16xi32>
      %reduce_sum3A_509 = arith.constant true
      %reduce_sum3A_510 = vector.broadcast %reduce_sum3A_509 : i1 to vector<16xi1>
      %reduce_sum3A_511 = tpu.scan <sum>, %select_n3A_508 masked %reduce_sum3A_510 : vector<16xi32>, vector<16xi1> -> vector<16xi32>
      %reduce_sum3A_512 = vector.extract %reduce_sum3A_511[15] : i32 from vector<16xi32>
      %mul3A_513 = arith.constant 128 : i32
      %mul3A_514 = arith.muli %scan3A_385, %mul3A_513 : i32
      %add3A_515 = arith.constant 96 : i32
      %add3A_516 = arith.addi %mul3A_514, %add3A_515 : i32
      %get3A_517 = arith.index_cast %add3A_516 : i32 to index
      %get3A_518 = tpu.vector_load %arg4[%get3A_517] {strides = array<i32>} : memref<2048xi32, #tpu.memory_space<vmem>>, vector<16xi32>,
      %mul3A_519 = arith.constant 128 : i32
      %mul3A_520 = arith.muli %scan3A_385, %mul3A_519 : i32
      %add3A_521 = arith.constant 96 : i32
      %add3A_522 = arith.addi %mul3A_520, %add3A_521 : i32
      %add3A_523 = arith.constant 16 : i32
      %add3A_524 = arith.addi %add3A_522, %add3A_523 : i32
      %get3A_525 = arith.index_cast %add3A_524 : i32 to index
      %get3A_526 = tpu.vector_load %arg4[%get3A_525] {strides = array<i32>} : memref<2048xi32, #tpu.memory_space<vmem>>, vector<16xi32>,
      %sub3A_527 = arith.constant 320017171 : i32
      %sub3A_528 = vector.broadcast %sub3A_527 : i32 to vector<16xi32>
      %sub3A_529 = arith.subi %get3A_518, %sub3A_528 : vector<16xi32>
      %not3A_530 = arith.constant dense<-1> : vector<16xi32>
      %not3A_531 = arith.xori %get3A_518, %not3A_530 : vector<16xi32>
      %and3A_532 = arith.andi %sub3A_529, %not3A_531 : vector<16xi32>
      %and3A_533 = arith.constant -2139062144 : i32
      %and3A_534 = vector.broadcast %and3A_533 : i32 to vector<16xi32>
      %and3A_535 = arith.andi %and3A_532, %and3A_534 : vector<16xi32>
      %sub3A_536 = arith.constant 320017171 : i32
      %sub3A_537 = vector.broadcast %sub3A_536 : i32 to vector<16xi32>
      %sub3A_538 = arith.subi %get3A_526, %sub3A_537 : vector<16xi32>
      %not3A_539 = arith.constant dense<-1> : vector<16xi32>
      %not3A_540 = arith.xori %get3A_526, %not3A_539 : vector<16xi32>
      %and3A_541 = arith.andi %sub3A_538, %not3A_540 : vector<16xi32>
      %and3A_542 = arith.constant -2139062144 : i32
      %and3A_543 = vector.broadcast %and3A_542 : i32 to vector<16xi32>
      %and3A_544 = arith.andi %and3A_541, %and3A_543 : vector<16xi32>
      %or3A_545 = arith.ori %and3A_535, %and3A_544 : vector<16xi32>
      %ne3A_546 = arith.constant 0 : i32
      %ne3A_547 = vector.broadcast %ne3A_546 : i32 to vector<16xi32>
      %ne3A_548 = arith.cmpi ne, %or3A_545, %ne3A_547 : vector<16xi32>
      %jit3A_549 = arith.constant 1 : i32
      %jit3A_550 = arith.constant 0 : i32
      %broadcast_in_dim3A_551 = vector.broadcast %jit3A_549 : i32 to vector<16xi32>
      %broadcast_in_dim3A_552 = vector.broadcast %jit3A_550 : i32 to vector<16xi32>
      %select_n3A_553 = arith.select %ne3A_548, %broadcast_in_dim3A_551, %broadcast_in_dim3A_552 : vector<16xi1>, vector<16xi32>
      %reduce_sum3A_554 = arith.constant true
      %reduce_sum3A_555 = vector.broadcast %reduce_sum3A_554 : i1 to vector<16xi1>
      %reduce_sum3A_556 = tpu.scan <sum>, %select_n3A_553 masked %reduce_sum3A_555 : vector<16xi32>, vector<16xi1> -> vector<16xi32>
      %reduce_sum3A_557 = vector.extract %reduce_sum3A_556[15] : i32 from vector<16xi32>
      %gt3A = arith.constant 0 : i32
      %gt3A_558 = arith.cmpi sgt, %reduce_sum3A_422, %gt3A : i32
      %convert_element_type3A = arith.extui %gt3A_558 : i1 to i32
      %cond3A = arith.constant 0 : i32
      %cond3A_559 = arith.cmpi ne, %convert_element_type3A, %cond3A : i32
      scf.if %cond3A_559 {
        %shift_right_logical3A = arith.constant 0 : i32
        %shift_right_logical3A_575 = vector.broadcast %shift_right_logical3A : i32 to vector<16xi32>
        %shift_right_logical3A_576 = arith.shrui %get3A_391, %shift_right_logical3A_575 : vector<16xi32>
        %and3A_577 = arith.constant 255 : i32
        %and3A_578 = vector.broadcast %and3A_577 : i32 to vector<16xi32>
        %and3A_579 = arith.andi %shift_right_logical3A_576, %and3A_578 : vector<16xi32>
        %lt3A = arith.constant 19 : i32
        %lt3A_580 = vector.broadcast %lt3A : i32 to vector<16xi32>
        %lt3A_581 = arith.cmpi slt, %and3A_579, %lt3A_580 : vector<16xi32>
        tpu.vector_store_idx %arg6[%iota3A, %and3A_579], %broadcast_in_dim3A_130 masked %lt3A_581 {add = true} : memref<16x32xf32, #tpu.memory_space<vmem>>[vector<16xi32>, vector<16xi32>], vector<16xf32>, vector<16xi1>
        %shift_right_logical3A_582 = arith.constant 8 : i32
        %shift_right_logical3A_583 = vector.broadcast %shift_right_logical3A_582 : i32 to vector<16xi32>
        %shift_right_logical3A_584 = arith.shrui %get3A_391, %shift_right_logical3A_583 : vector<16xi32>
        %and3A_585 = arith.constant 255 : i32
        %and3A_586 = vector.broadcast %and3A_585 : i32 to vector<16xi32>
        %and3A_587 = arith.andi %shift_right_logical3A_584, %and3A_586 : vector<16xi32>
        %lt3A_588 = arith.constant 19 : i32
        %lt3A_589 = vector.broadcast %lt3A_588 : i32 to vector<16xi32>
        %lt3A_590 = arith.cmpi slt, %and3A_587, %lt3A_589 : vector<16xi32>
        tpu.vector_store_idx %arg6[%iota3A, %and3A_587], %broadcast_in_dim3A_130 masked %lt3A_590 {add = true} : memref<16x32xf32, #tpu.memory_space<vmem>>[vector<16xi32>, vector<16xi32>], vector<16xf32>, vector<16xi1>
        %shift_right_logical3A_591 = arith.constant 16 : i32
        %shift_right_logical3A_592 = vector.broadcast %shift_right_logical3A_591 : i32 to vector<16xi32>
        %shift_right_logical3A_593 = arith.shrui %get3A_391, %shift_right_logical3A_592 : vector<16xi32>
        %and3A_594 = arith.constant 255 : i32
        %and3A_595 = vector.broadcast %and3A_594 : i32 to vector<16xi32>
        %and3A_596 = arith.andi %shift_right_logical3A_593, %and3A_595 : vector<16xi32>
        %lt3A_597 = arith.constant 19 : i32
        %lt3A_598 = vector.broadcast %lt3A_597 : i32 to vector<16xi32>
        %lt3A_599 = arith.cmpi slt, %and3A_596, %lt3A_598 : vector<16xi32>
        tpu.vector_store_idx %arg6[%iota3A, %and3A_596], %broadcast_in_dim3A_130 masked %lt3A_599 {add = true} : memref<16x32xf32, #tpu.memory_space<vmem>>[vector<16xi32>, vector<16xi32>], vector<16xf32>, vector<16xi1>
        %shift_right_logical3A_600 = arith.constant 24 : i32
        %shift_right_logical3A_601 = vector.broadcast %shift_right_logical3A_600 : i32 to vector<16xi32>
        %shift_right_logical3A_602 = arith.shrui %get3A_391, %shift_right_logical3A_601 : vector<16xi32>
        %and3A_603 = arith.constant 255 : i32
        %and3A_604 = vector.broadcast %and3A_603 : i32 to vector<16xi32>
        %and3A_605 = arith.andi %shift_right_logical3A_602, %and3A_604 : vector<16xi32>
        %lt3A_606 = arith.constant 19 : i32
        %lt3A_607 = vector.broadcast %lt3A_606 : i32 to vector<16xi32>
        %lt3A_608 = arith.cmpi slt, %and3A_605, %lt3A_607 : vector<16xi32>
        tpu.vector_store_idx %arg6[%iota3A, %and3A_605], %broadcast_in_dim3A_130 masked %lt3A_608 {add = true} : memref<16x32xf32, #tpu.memory_space<vmem>>[vector<16xi32>, vector<16xi32>], vector<16xf32>, vector<16xi1>
        %shift_right_logical3A_609 = arith.constant 0 : i32
        %shift_right_logical3A_610 = vector.broadcast %shift_right_logical3A_609 : i32 to vector<16xi32>
        %shift_right_logical3A_611 = arith.shrui %get3A_399, %shift_right_logical3A_610 : vector<16xi32>
        %and3A_612 = arith.constant 255 : i32
        %and3A_613 = vector.broadcast %and3A_612 : i32 to vector<16xi32>
        %and3A_614 = arith.andi %shift_right_logical3A_611, %and3A_613 : vector<16xi32>
        %lt3A_615 = arith.constant 19 : i32
        %lt3A_616 = vector.broadcast %lt3A_615 : i32 to vector<16xi32>
        %lt3A_617 = arith.cmpi slt, %and3A_614, %lt3A_616 : vector<16xi32>
        tpu.vector_store_idx %arg6[%iota3A, %and3A_614], %broadcast_in_dim3A_130 masked %lt3A_617 {add = true} : memref<16x32xf32, #tpu.memory_space<vmem>>[vector<16xi32>, vector<16xi32>], vector<16xf32>, vector<16xi1>
        %shift_right_logical3A_618 = arith.constant 8 : i32
        %shift_right_logical3A_619 = vector.broadcast %shift_right_logical3A_618 : i32 to vector<16xi32>
        %shift_right_logical3A_620 = arith.shrui %get3A_399, %shift_right_logical3A_619 : vector<16xi32>
        %and3A_621 = arith.constant 255 : i32
        %and3A_622 = vector.broadcast %and3A_621 : i32 to vector<16xi32>
        %and3A_623 = arith.andi %shift_right_logical3A_620, %and3A_622 : vector<16xi32>
        %lt3A_624 = arith.constant 19 : i32
        %lt3A_625 = vector.broadcast %lt3A_624 : i32 to vector<16xi32>
        %lt3A_626 = arith.cmpi slt, %and3A_623, %lt3A_625 : vector<16xi32>
        tpu.vector_store_idx %arg6[%iota3A, %and3A_623], %broadcast_in_dim3A_130 masked %lt3A_626 {add = true} : memref<16x32xf32, #tpu.memory_space<vmem>>[vector<16xi32>, vector<16xi32>], vector<16xf32>, vector<16xi1>
        %shift_right_logical3A_627 = arith.constant 16 : i32
        %shift_right_logical3A_628 = vector.broadcast %shift_right_logical3A_627 : i32 to vector<16xi32>
        %shift_right_logical3A_629 = arith.shrui %get3A_399, %shift_right_logical3A_628 : vector<16xi32>
        %and3A_630 = arith.constant 255 : i32
        %and3A_631 = vector.broadcast %and3A_630 : i32 to vector<16xi32>
        %and3A_632 = arith.andi %shift_right_logical3A_629, %and3A_631 : vector<16xi32>
        %lt3A_633 = arith.constant 19 : i32
        %lt3A_634 = vector.broadcast %lt3A_633 : i32 to vector<16xi32>
        %lt3A_635 = arith.cmpi slt, %and3A_632, %lt3A_634 : vector<16xi32>
        tpu.vector_store_idx %arg6[%iota3A, %and3A_632], %broadcast_in_dim3A_130 masked %lt3A_635 {add = true} : memref<16x32xf32, #tpu.memory_space<vmem>>[vector<16xi32>, vector<16xi32>], vector<16xf32>, vector<16xi1>
        %shift_right_logical3A_636 = arith.constant 24 : i32
        %shift_right_logical3A_637 = vector.broadcast %shift_right_logical3A_636 : i32 to vector<16xi32>
        %shift_right_logical3A_638 = arith.shrui %get3A_399, %shift_right_logical3A_637 : vector<16xi32>
        %and3A_639 = arith.constant 255 : i32
        %and3A_640 = vector.broadcast %and3A_639 : i32 to vector<16xi32>
        %and3A_641 = arith.andi %shift_right_logical3A_638, %and3A_640 : vector<16xi32>
        %lt3A_642 = arith.constant 19 : i32
        %lt3A_643 = vector.broadcast %lt3A_642 : i32 to vector<16xi32>
        %lt3A_644 = arith.cmpi slt, %and3A_641, %lt3A_643 : vector<16xi32>
        tpu.vector_store_idx %arg6[%iota3A, %and3A_641], %broadcast_in_dim3A_130 masked %lt3A_644 {add = true} : memref<16x32xf32, #tpu.memory_space<vmem>>[vector<16xi32>, vector<16xi32>], vector<16xf32>, vector<16xi1>
      } else {
      }
      %gt3A_560 = arith.constant 0 : i32
      %gt3A_561 = arith.cmpi sgt, %reduce_sum3A_467, %gt3A_560 : i32
      %convert_element_type3A_562 = arith.extui %gt3A_561 : i1 to i32
      %cond3A_563 = arith.constant 0 : i32
      %cond3A_564 = arith.cmpi ne, %convert_element_type3A_562, %cond3A_563 : i32
      scf.if %cond3A_564 {
        %shift_right_logical3A = arith.constant 0 : i32
        %shift_right_logical3A_575 = vector.broadcast %shift_right_logical3A : i32 to vector<16xi32>
        %shift_right_logical3A_576 = arith.shrui %get3A_428, %shift_right_logical3A_575 : vector<16xi32>
        %and3A_577 = arith.constant 255 : i32
        %and3A_578 = vector.broadcast %and3A_577 : i32 to vector<16xi32>
        %and3A_579 = arith.andi %shift_right_logical3A_576, %and3A_578 : vector<16xi32>
        %lt3A = arith.constant 19 : i32
        %lt3A_580 = vector.broadcast %lt3A : i32 to vector<16xi32>
        %lt3A_581 = arith.cmpi slt, %and3A_579, %lt3A_580 : vector<16xi32>
        tpu.vector_store_idx %arg6[%iota3A, %and3A_579], %broadcast_in_dim3A_130 masked %lt3A_581 {add = true} : memref<16x32xf32, #tpu.memory_space<vmem>>[vector<16xi32>, vector<16xi32>], vector<16xf32>, vector<16xi1>
        %shift_right_logical3A_582 = arith.constant 8 : i32
        %shift_right_logical3A_583 = vector.broadcast %shift_right_logical3A_582 : i32 to vector<16xi32>
        %shift_right_logical3A_584 = arith.shrui %get3A_428, %shift_right_logical3A_583 : vector<16xi32>
        %and3A_585 = arith.constant 255 : i32
        %and3A_586 = vector.broadcast %and3A_585 : i32 to vector<16xi32>
        %and3A_587 = arith.andi %shift_right_logical3A_584, %and3A_586 : vector<16xi32>
        %lt3A_588 = arith.constant 19 : i32
        %lt3A_589 = vector.broadcast %lt3A_588 : i32 to vector<16xi32>
        %lt3A_590 = arith.cmpi slt, %and3A_587, %lt3A_589 : vector<16xi32>
        tpu.vector_store_idx %arg6[%iota3A, %and3A_587], %broadcast_in_dim3A_130 masked %lt3A_590 {add = true} : memref<16x32xf32, #tpu.memory_space<vmem>>[vector<16xi32>, vector<16xi32>], vector<16xf32>, vector<16xi1>
        %shift_right_logical3A_591 = arith.constant 16 : i32
        %shift_right_logical3A_592 = vector.broadcast %shift_right_logical3A_591 : i32 to vector<16xi32>
        %shift_right_logical3A_593 = arith.shrui %get3A_428, %shift_right_logical3A_592 : vector<16xi32>
        %and3A_594 = arith.constant 255 : i32
        %and3A_595 = vector.broadcast %and3A_594 : i32 to vector<16xi32>
        %and3A_596 = arith.andi %shift_right_logical3A_593, %and3A_595 : vector<16xi32>
        %lt3A_597 = arith.constant 19 : i32
        %lt3A_598 = vector.broadcast %lt3A_597 : i32 to vector<16xi32>
        %lt3A_599 = arith.cmpi slt, %and3A_596, %lt3A_598 : vector<16xi32>
        tpu.vector_store_idx %arg6[%iota3A, %and3A_596], %broadcast_in_dim3A_130 masked %lt3A_599 {add = true} : memref<16x32xf32, #tpu.memory_space<vmem>>[vector<16xi32>, vector<16xi32>], vector<16xf32>, vector<16xi1>
        %shift_right_logical3A_600 = arith.constant 24 : i32
        %shift_right_logical3A_601 = vector.broadcast %shift_right_logical3A_600 : i32 to vector<16xi32>
        %shift_right_logical3A_602 = arith.shrui %get3A_428, %shift_right_logical3A_601 : vector<16xi32>
        %and3A_603 = arith.constant 255 : i32
        %and3A_604 = vector.broadcast %and3A_603 : i32 to vector<16xi32>
        %and3A_605 = arith.andi %shift_right_logical3A_602, %and3A_604 : vector<16xi32>
        %lt3A_606 = arith.constant 19 : i32
        %lt3A_607 = vector.broadcast %lt3A_606 : i32 to vector<16xi32>
        %lt3A_608 = arith.cmpi slt, %and3A_605, %lt3A_607 : vector<16xi32>
        tpu.vector_store_idx %arg6[%iota3A, %and3A_605], %broadcast_in_dim3A_130 masked %lt3A_608 {add = true} : memref<16x32xf32, #tpu.memory_space<vmem>>[vector<16xi32>, vector<16xi32>], vector<16xf32>, vector<16xi1>
        %shift_right_logical3A_609 = arith.constant 0 : i32
        %shift_right_logical3A_610 = vector.broadcast %shift_right_logical3A_609 : i32 to vector<16xi32>
        %shift_right_logical3A_611 = arith.shrui %get3A_436, %shift_right_logical3A_610 : vector<16xi32>
        %and3A_612 = arith.constant 255 : i32
        %and3A_613 = vector.broadcast %and3A_612 : i32 to vector<16xi32>
        %and3A_614 = arith.andi %shift_right_logical3A_611, %and3A_613 : vector<16xi32>
        %lt3A_615 = arith.constant 19 : i32
        %lt3A_616 = vector.broadcast %lt3A_615 : i32 to vector<16xi32>
        %lt3A_617 = arith.cmpi slt, %and3A_614, %lt3A_616 : vector<16xi32>
        tpu.vector_store_idx %arg6[%iota3A, %and3A_614], %broadcast_in_dim3A_130 masked %lt3A_617 {add = true} : memref<16x32xf32, #tpu.memory_space<vmem>>[vector<16xi32>, vector<16xi32>], vector<16xf32>, vector<16xi1>
        %shift_right_logical3A_618 = arith.constant 8 : i32
        %shift_right_logical3A_619 = vector.broadcast %shift_right_logical3A_618 : i32 to vector<16xi32>
        %shift_right_logical3A_620 = arith.shrui %get3A_436, %shift_right_logical3A_619 : vector<16xi32>
        %and3A_621 = arith.constant 255 : i32
        %and3A_622 = vector.broadcast %and3A_621 : i32 to vector<16xi32>
        %and3A_623 = arith.andi %shift_right_logical3A_620, %and3A_622 : vector<16xi32>
        %lt3A_624 = arith.constant 19 : i32
        %lt3A_625 = vector.broadcast %lt3A_624 : i32 to vector<16xi32>
        %lt3A_626 = arith.cmpi slt, %and3A_623, %lt3A_625 : vector<16xi32>
        tpu.vector_store_idx %arg6[%iota3A, %and3A_623], %broadcast_in_dim3A_130 masked %lt3A_626 {add = true} : memref<16x32xf32, #tpu.memory_space<vmem>>[vector<16xi32>, vector<16xi32>], vector<16xf32>, vector<16xi1>
        %shift_right_logical3A_627 = arith.constant 16 : i32
        %shift_right_logical3A_628 = vector.broadcast %shift_right_logical3A_627 : i32 to vector<16xi32>
        %shift_right_logical3A_629 = arith.shrui %get3A_436, %shift_right_logical3A_628 : vector<16xi32>
        %and3A_630 = arith.constant 255 : i32
        %and3A_631 = vector.broadcast %and3A_630 : i32 to vector<16xi32>
        %and3A_632 = arith.andi %shift_right_logical3A_629, %and3A_631 : vector<16xi32>
        %lt3A_633 = arith.constant 19 : i32
        %lt3A_634 = vector.broadcast %lt3A_633 : i32 to vector<16xi32>
        %lt3A_635 = arith.cmpi slt, %and3A_632, %lt3A_634 : vector<16xi32>
        tpu.vector_store_idx %arg6[%iota3A, %and3A_632], %broadcast_in_dim3A_130 masked %lt3A_635 {add = true} : memref<16x32xf32, #tpu.memory_space<vmem>>[vector<16xi32>, vector<16xi32>], vector<16xf32>, vector<16xi1>
        %shift_right_logical3A_636 = arith.constant 24 : i32
        %shift_right_logical3A_637 = vector.broadcast %shift_right_logical3A_636 : i32 to vector<16xi32>
        %shift_right_logical3A_638 = arith.shrui %get3A_436, %shift_right_logical3A_637 : vector<16xi32>
        %and3A_639 = arith.constant 255 : i32
        %and3A_640 = vector.broadcast %and3A_639 : i32 to vector<16xi32>
        %and3A_641 = arith.andi %shift_right_logical3A_638, %and3A_640 : vector<16xi32>
        %lt3A_642 = arith.constant 19 : i32
        %lt3A_643 = vector.broadcast %lt3A_642 : i32 to vector<16xi32>
        %lt3A_644 = arith.cmpi slt, %and3A_641, %lt3A_643 : vector<16xi32>
        tpu.vector_store_idx %arg6[%iota3A, %and3A_641], %broadcast_in_dim3A_130 masked %lt3A_644 {add = true} : memref<16x32xf32, #tpu.memory_space<vmem>>[vector<16xi32>, vector<16xi32>], vector<16xf32>, vector<16xi1>
      } else {
      }
      %gt3A_565 = arith.constant 0 : i32
      %gt3A_566 = arith.cmpi sgt, %reduce_sum3A_512, %gt3A_565 : i32
      %convert_element_type3A_567 = arith.extui %gt3A_566 : i1 to i32
      %cond3A_568 = arith.constant 0 : i32
      %cond3A_569 = arith.cmpi ne, %convert_element_type3A_567, %cond3A_568 : i32
      scf.if %cond3A_569 {
        %shift_right_logical3A = arith.constant 0 : i32
        %shift_right_logical3A_575 = vector.broadcast %shift_right_logical3A : i32 to vector<16xi32>
        %shift_right_logical3A_576 = arith.shrui %get3A_473, %shift_right_logical3A_575 : vector<16xi32>
        %and3A_577 = arith.constant 255 : i32
        %and3A_578 = vector.broadcast %and3A_577 : i32 to vector<16xi32>
        %and3A_579 = arith.andi %shift_right_logical3A_576, %and3A_578 : vector<16xi32>
        %lt3A = arith.constant 19 : i32
        %lt3A_580 = vector.broadcast %lt3A : i32 to vector<16xi32>
        %lt3A_581 = arith.cmpi slt, %and3A_579, %lt3A_580 : vector<16xi32>
        tpu.vector_store_idx %arg6[%iota3A, %and3A_579], %broadcast_in_dim3A_130 masked %lt3A_581 {add = true} : memref<16x32xf32, #tpu.memory_space<vmem>>[vector<16xi32>, vector<16xi32>], vector<16xf32>, vector<16xi1>
        %shift_right_logical3A_582 = arith.constant 8 : i32
        %shift_right_logical3A_583 = vector.broadcast %shift_right_logical3A_582 : i32 to vector<16xi32>
        %shift_right_logical3A_584 = arith.shrui %get3A_473, %shift_right_logical3A_583 : vector<16xi32>
        %and3A_585 = arith.constant 255 : i32
        %and3A_586 = vector.broadcast %and3A_585 : i32 to vector<16xi32>
        %and3A_587 = arith.andi %shift_right_logical3A_584, %and3A_586 : vector<16xi32>
        %lt3A_588 = arith.constant 19 : i32
        %lt3A_589 = vector.broadcast %lt3A_588 : i32 to vector<16xi32>
        %lt3A_590 = arith.cmpi slt, %and3A_587, %lt3A_589 : vector<16xi32>
        tpu.vector_store_idx %arg6[%iota3A, %and3A_587], %broadcast_in_dim3A_130 masked %lt3A_590 {add = true} : memref<16x32xf32, #tpu.memory_space<vmem>>[vector<16xi32>, vector<16xi32>], vector<16xf32>, vector<16xi1>
        %shift_right_logical3A_591 = arith.constant 16 : i32
        %shift_right_logical3A_592 = vector.broadcast %shift_right_logical3A_591 : i32 to vector<16xi32>
        %shift_right_logical3A_593 = arith.shrui %get3A_473, %shift_right_logical3A_592 : vector<16xi32>
        %and3A_594 = arith.constant 255 : i32
        %and3A_595 = vector.broadcast %and3A_594 : i32 to vector<16xi32>
        %and3A_596 = arith.andi %shift_right_logical3A_593, %and3A_595 : vector<16xi32>
        %lt3A_597 = arith.constant 19 : i32
        %lt3A_598 = vector.broadcast %lt3A_597 : i32 to vector<16xi32>
        %lt3A_599 = arith.cmpi slt, %and3A_596, %lt3A_598 : vector<16xi32>
        tpu.vector_store_idx %arg6[%iota3A, %and3A_596], %broadcast_in_dim3A_130 masked %lt3A_599 {add = true} : memref<16x32xf32, #tpu.memory_space<vmem>>[vector<16xi32>, vector<16xi32>], vector<16xf32>, vector<16xi1>
        %shift_right_logical3A_600 = arith.constant 24 : i32
        %shift_right_logical3A_601 = vector.broadcast %shift_right_logical3A_600 : i32 to vector<16xi32>
        %shift_right_logical3A_602 = arith.shrui %get3A_473, %shift_right_logical3A_601 : vector<16xi32>
        %and3A_603 = arith.constant 255 : i32
        %and3A_604 = vector.broadcast %and3A_603 : i32 to vector<16xi32>
        %and3A_605 = arith.andi %shift_right_logical3A_602, %and3A_604 : vector<16xi32>
        %lt3A_606 = arith.constant 19 : i32
        %lt3A_607 = vector.broadcast %lt3A_606 : i32 to vector<16xi32>
        %lt3A_608 = arith.cmpi slt, %and3A_605, %lt3A_607 : vector<16xi32>
        tpu.vector_store_idx %arg6[%iota3A, %and3A_605], %broadcast_in_dim3A_130 masked %lt3A_608 {add = true} : memref<16x32xf32, #tpu.memory_space<vmem>>[vector<16xi32>, vector<16xi32>], vector<16xf32>, vector<16xi1>
        %shift_right_logical3A_609 = arith.constant 0 : i32
        %shift_right_logical3A_610 = vector.broadcast %shift_right_logical3A_609 : i32 to vector<16xi32>
        %shift_right_logical3A_611 = arith.shrui %get3A_481, %shift_right_logical3A_610 : vector<16xi32>
        %and3A_612 = arith.constant 255 : i32
        %and3A_613 = vector.broadcast %and3A_612 : i32 to vector<16xi32>
        %and3A_614 = arith.andi %shift_right_logical3A_611, %and3A_613 : vector<16xi32>
        %lt3A_615 = arith.constant 19 : i32
        %lt3A_616 = vector.broadcast %lt3A_615 : i32 to vector<16xi32>
        %lt3A_617 = arith.cmpi slt, %and3A_614, %lt3A_616 : vector<16xi32>
        tpu.vector_store_idx %arg6[%iota3A, %and3A_614], %broadcast_in_dim3A_130 masked %lt3A_617 {add = true} : memref<16x32xf32, #tpu.memory_space<vmem>>[vector<16xi32>, vector<16xi32>], vector<16xf32>, vector<16xi1>
        %shift_right_logical3A_618 = arith.constant 8 : i32
        %shift_right_logical3A_619 = vector.broadcast %shift_right_logical3A_618 : i32 to vector<16xi32>
        %shift_right_logical3A_620 = arith.shrui %get3A_481, %shift_right_logical3A_619 : vector<16xi32>
        %and3A_621 = arith.constant 255 : i32
        %and3A_622 = vector.broadcast %and3A_621 : i32 to vector<16xi32>
        %and3A_623 = arith.andi %shift_right_logical3A_620, %and3A_622 : vector<16xi32>
        %lt3A_624 = arith.constant 19 : i32
        %lt3A_625 = vector.broadcast %lt3A_624 : i32 to vector<16xi32>
        %lt3A_626 = arith.cmpi slt, %and3A_623, %lt3A_625 : vector<16xi32>
        tpu.vector_store_idx %arg6[%iota3A, %and3A_623], %broadcast_in_dim3A_130 masked %lt3A_626 {add = true} : memref<16x32xf32, #tpu.memory_space<vmem>>[vector<16xi32>, vector<16xi32>], vector<16xf32>, vector<16xi1>
        %shift_right_logical3A_627 = arith.constant 16 : i32
        %shift_right_logical3A_628 = vector.broadcast %shift_right_logical3A_627 : i32 to vector<16xi32>
        %shift_right_logical3A_629 = arith.shrui %get3A_481, %shift_right_logical3A_628 : vector<16xi32>
        %and3A_630 = arith.constant 255 : i32
        %and3A_631 = vector.broadcast %and3A_630 : i32 to vector<16xi32>
        %and3A_632 = arith.andi %shift_right_logical3A_629, %and3A_631 : vector<16xi32>
        %lt3A_633 = arith.constant 19 : i32
        %lt3A_634 = vector.broadcast %lt3A_633 : i32 to vector<16xi32>
        %lt3A_635 = arith.cmpi slt, %and3A_632, %lt3A_634 : vector<16xi32>
        tpu.vector_store_idx %arg6[%iota3A, %and3A_632], %broadcast_in_dim3A_130 masked %lt3A_635 {add = true} : memref<16x32xf32, #tpu.memory_space<vmem>>[vector<16xi32>, vector<16xi32>], vector<16xf32>, vector<16xi1>
        %shift_right_logical3A_636 = arith.constant 24 : i32
        %shift_right_logical3A_637 = vector.broadcast %shift_right_logical3A_636 : i32 to vector<16xi32>
        %shift_right_logical3A_638 = arith.shrui %get3A_481, %shift_right_logical3A_637 : vector<16xi32>
        %and3A_639 = arith.constant 255 : i32
        %and3A_640 = vector.broadcast %and3A_639 : i32 to vector<16xi32>
        %and3A_641 = arith.andi %shift_right_logical3A_638, %and3A_640 : vector<16xi32>
        %lt3A_642 = arith.constant 19 : i32
        %lt3A_643 = vector.broadcast %lt3A_642 : i32 to vector<16xi32>
        %lt3A_644 = arith.cmpi slt, %and3A_641, %lt3A_643 : vector<16xi32>
        tpu.vector_store_idx %arg6[%iota3A, %and3A_641], %broadcast_in_dim3A_130 masked %lt3A_644 {add = true} : memref<16x32xf32, #tpu.memory_space<vmem>>[vector<16xi32>, vector<16xi32>], vector<16xf32>, vector<16xi1>
      } else {
      }
      %gt3A_570 = arith.constant 0 : i32
      %gt3A_571 = arith.cmpi sgt, %reduce_sum3A_557, %gt3A_570 : i32
      %convert_element_type3A_572 = arith.extui %gt3A_571 : i1 to i32
      %cond3A_573 = arith.constant 0 : i32
      %cond3A_574 = arith.cmpi ne, %convert_element_type3A_572, %cond3A_573 : i32
      scf.if %cond3A_574 {
        %shift_right_logical3A = arith.constant 0 : i32
        %shift_right_logical3A_575 = vector.broadcast %shift_right_logical3A : i32 to vector<16xi32>
        %shift_right_logical3A_576 = arith.shrui %get3A_518, %shift_right_logical3A_575 : vector<16xi32>
        %and3A_577 = arith.constant 255 : i32
        %and3A_578 = vector.broadcast %and3A_577 : i32 to vector<16xi32>
        %and3A_579 = arith.andi %shift_right_logical3A_576, %and3A_578 : vector<16xi32>
        %lt3A = arith.constant 19 : i32
        %lt3A_580 = vector.broadcast %lt3A : i32 to vector<16xi32>
        %lt3A_581 = arith.cmpi slt, %and3A_579, %lt3A_580 : vector<16xi32>
        tpu.vector_store_idx %arg6[%iota3A, %and3A_579], %broadcast_in_dim3A_130 masked %lt3A_581 {add = true} : memref<16x32xf32, #tpu.memory_space<vmem>>[vector<16xi32>, vector<16xi32>], vector<16xf32>, vector<16xi1>
        %shift_right_logical3A_582 = arith.constant 8 : i32
        %shift_right_logical3A_583 = vector.broadcast %shift_right_logical3A_582 : i32 to vector<16xi32>
        %shift_right_logical3A_584 = arith.shrui %get3A_518, %shift_right_logical3A_583 : vector<16xi32>
        %and3A_585 = arith.constant 255 : i32
        %and3A_586 = vector.broadcast %and3A_585 : i32 to vector<16xi32>
        %and3A_587 = arith.andi %shift_right_logical3A_584, %and3A_586 : vector<16xi32>
        %lt3A_588 = arith.constant 19 : i32
        %lt3A_589 = vector.broadcast %lt3A_588 : i32 to vector<16xi32>
        %lt3A_590 = arith.cmpi slt, %and3A_587, %lt3A_589 : vector<16xi32>
        tpu.vector_store_idx %arg6[%iota3A, %and3A_587], %broadcast_in_dim3A_130 masked %lt3A_590 {add = true} : memref<16x32xf32, #tpu.memory_space<vmem>>[vector<16xi32>, vector<16xi32>], vector<16xf32>, vector<16xi1>
        %shift_right_logical3A_591 = arith.constant 16 : i32
        %shift_right_logical3A_592 = vector.broadcast %shift_right_logical3A_591 : i32 to vector<16xi32>
        %shift_right_logical3A_593 = arith.shrui %get3A_518, %shift_right_logical3A_592 : vector<16xi32>
        %and3A_594 = arith.constant 255 : i32
        %and3A_595 = vector.broadcast %and3A_594 : i32 to vector<16xi32>
        %and3A_596 = arith.andi %shift_right_logical3A_593, %and3A_595 : vector<16xi32>
        %lt3A_597 = arith.constant 19 : i32
        %lt3A_598 = vector.broadcast %lt3A_597 : i32 to vector<16xi32>
        %lt3A_599 = arith.cmpi slt, %and3A_596, %lt3A_598 : vector<16xi32>
        tpu.vector_store_idx %arg6[%iota3A, %and3A_596], %broadcast_in_dim3A_130 masked %lt3A_599 {add = true} : memref<16x32xf32, #tpu.memory_space<vmem>>[vector<16xi32>, vector<16xi32>], vector<16xf32>, vector<16xi1>
        %shift_right_logical3A_600 = arith.constant 24 : i32
        %shift_right_logical3A_601 = vector.broadcast %shift_right_logical3A_600 : i32 to vector<16xi32>
        %shift_right_logical3A_602 = arith.shrui %get3A_518, %shift_right_logical3A_601 : vector<16xi32>
        %and3A_603 = arith.constant 255 : i32
        %and3A_604 = vector.broadcast %and3A_603 : i32 to vector<16xi32>
        %and3A_605 = arith.andi %shift_right_logical3A_602, %and3A_604 : vector<16xi32>
        %lt3A_606 = arith.constant 19 : i32
        %lt3A_607 = vector.broadcast %lt3A_606 : i32 to vector<16xi32>
        %lt3A_608 = arith.cmpi slt, %and3A_605, %lt3A_607 : vector<16xi32>
        tpu.vector_store_idx %arg6[%iota3A, %and3A_605], %broadcast_in_dim3A_130 masked %lt3A_608 {add = true} : memref<16x32xf32, #tpu.memory_space<vmem>>[vector<16xi32>, vector<16xi32>], vector<16xf32>, vector<16xi1>
        %shift_right_logical3A_609 = arith.constant 0 : i32
        %shift_right_logical3A_610 = vector.broadcast %shift_right_logical3A_609 : i32 to vector<16xi32>
        %shift_right_logical3A_611 = arith.shrui %get3A_526, %shift_right_logical3A_610 : vector<16xi32>
        %and3A_612 = arith.constant 255 : i32
        %and3A_613 = vector.broadcast %and3A_612 : i32 to vector<16xi32>
        %and3A_614 = arith.andi %shift_right_logical3A_611, %and3A_613 : vector<16xi32>
        %lt3A_615 = arith.constant 19 : i32
        %lt3A_616 = vector.broadcast %lt3A_615 : i32 to vector<16xi32>
        %lt3A_617 = arith.cmpi slt, %and3A_614, %lt3A_616 : vector<16xi32>
        tpu.vector_store_idx %arg6[%iota3A, %and3A_614], %broadcast_in_dim3A_130 masked %lt3A_617 {add = true} : memref<16x32xf32, #tpu.memory_space<vmem>>[vector<16xi32>, vector<16xi32>], vector<16xf32>, vector<16xi1>
        %shift_right_logical3A_618 = arith.constant 8 : i32
        %shift_right_logical3A_619 = vector.broadcast %shift_right_logical3A_618 : i32 to vector<16xi32>
        %shift_right_logical3A_620 = arith.shrui %get3A_526, %shift_right_logical3A_619 : vector<16xi32>
        %and3A_621 = arith.constant 255 : i32
        %and3A_622 = vector.broadcast %and3A_621 : i32 to vector<16xi32>
        %and3A_623 = arith.andi %shift_right_logical3A_620, %and3A_622 : vector<16xi32>
        %lt3A_624 = arith.constant 19 : i32
        %lt3A_625 = vector.broadcast %lt3A_624 : i32 to vector<16xi32>
        %lt3A_626 = arith.cmpi slt, %and3A_623, %lt3A_625 : vector<16xi32>
        tpu.vector_store_idx %arg6[%iota3A, %and3A_623], %broadcast_in_dim3A_130 masked %lt3A_626 {add = true} : memref<16x32xf32, #tpu.memory_space<vmem>>[vector<16xi32>, vector<16xi32>], vector<16xf32>, vector<16xi1>
        %shift_right_logical3A_627 = arith.constant 16 : i32
        %shift_right_logical3A_628 = vector.broadcast %shift_right_logical3A_627 : i32 to vector<16xi32>
        %shift_right_logical3A_629 = arith.shrui %get3A_526, %shift_right_logical3A_628 : vector<16xi32>
        %and3A_630 = arith.constant 255 : i32
        %and3A_631 = vector.broadcast %and3A_630 : i32 to vector<16xi32>
        %and3A_632 = arith.andi %shift_right_logical3A_629, %and3A_631 : vector<16xi32>
        %lt3A_633 = arith.constant 19 : i32
        %lt3A_634 = vector.broadcast %lt3A_633 : i32 to vector<16xi32>
        %lt3A_635 = arith.cmpi slt, %and3A_632, %lt3A_634 : vector<16xi32>
        tpu.vector_store_idx %arg6[%iota3A, %and3A_632], %broadcast_in_dim3A_130 masked %lt3A_635 {add = true} : memref<16x32xf32, #tpu.memory_space<vmem>>[vector<16xi32>, vector<16xi32>], vector<16xf32>, vector<16xi1>
        %shift_right_logical3A_636 = arith.constant 24 : i32
        %shift_right_logical3A_637 = vector.broadcast %shift_right_logical3A_636 : i32 to vector<16xi32>
        %shift_right_logical3A_638 = arith.shrui %get3A_526, %shift_right_logical3A_637 : vector<16xi32>
        %and3A_639 = arith.constant 255 : i32
        %and3A_640 = vector.broadcast %and3A_639 : i32 to vector<16xi32>
        %and3A_641 = arith.andi %shift_right_logical3A_638, %and3A_640 : vector<16xi32>
        %lt3A_642 = arith.constant 19 : i32
        %lt3A_643 = vector.broadcast %lt3A_642 : i32 to vector<16xi32>
        %lt3A_644 = arith.cmpi slt, %and3A_641, %lt3A_643 : vector<16xi32>
        tpu.vector_store_idx %arg6[%iota3A, %and3A_641], %broadcast_in_dim3A_130 masked %lt3A_644 {add = true} : memref<16x32xf32, #tpu.memory_space<vmem>>[vector<16xi32>, vector<16xi32>], vector<16xf32>, vector<16xi1>
      } else {
      }
    }
    %scan3A_215 = arith.constant 16 : i32
    %dma_wait3A_216 = tpu.memref_slice %arg2[%add3A_205] : memref<524288xi32, #tpu.memory_space<hbm>> -> memref<2048xi32, #tpu.memory_space<hbm>>
    %dma_wait3A_217 = tpu.memref_slice %arg2[%add3A_205] : memref<524288xi32, #tpu.memory_space<hbm>> -> memref<2048xi32, #tpu.memory_space<hbm>>
    tpu.wait_dma2 semaphore(%arg9 : memref<!tpu.dma_semaphore, #tpu.memory_space<semaphore_mem>>) src(%dma_wait3A_217 : memref<2048xi32, #tpu.memory_space<hbm>>) dst(%arg5 : memref<2048xi32, #tpu.memory_space<vmem>>)
    %scan3A_218 = arith.constant 0 : i32
    %scan3A_219 = arith.constant 0 : i32
    %scan3A_220 = arith.constant 16 : i32
    %scan3A_221 = arith.addi %scan3A_219, %scan3A_220 : i32
    %scan3A_222 = arith.constant 1 : i32
    scf.for %scan3A_385 = %scan3A_219 to %scan3A_221 step %scan3A_222  : i32 {
      %mul3A_386 = arith.constant 128 : i32
      %mul3A_387 = arith.muli %scan3A_385, %mul3A_386 : i32
      %add3A_388 = arith.constant 0 : i32
      %add3A_389 = arith.addi %mul3A_387, %add3A_388 : i32
      %get3A_390 = arith.index_cast %add3A_389 : i32 to index
      %get3A_391 = tpu.vector_load %arg5[%get3A_390] {strides = array<i32>} : memref<2048xi32, #tpu.memory_space<vmem>>, vector<16xi32>,
      %mul3A_392 = arith.constant 128 : i32
      %mul3A_393 = arith.muli %scan3A_385, %mul3A_392 : i32
      %add3A_394 = arith.constant 0 : i32
      %add3A_395 = arith.addi %mul3A_393, %add3A_394 : i32
      %add3A_396 = arith.constant 16 : i32
      %add3A_397 = arith.addi %add3A_395, %add3A_396 : i32
      %get3A_398 = arith.index_cast %add3A_397 : i32 to index
      %get3A_399 = tpu.vector_load %arg5[%get3A_398] {strides = array<i32>} : memref<2048xi32, #tpu.memory_space<vmem>>, vector<16xi32>,
      %sub3A = arith.constant 320017171 : i32
      %sub3A_400 = vector.broadcast %sub3A : i32 to vector<16xi32>
      %sub3A_401 = arith.subi %get3A_391, %sub3A_400 : vector<16xi32>
      %not3A = arith.constant dense<-1> : vector<16xi32>
      %not3A_402 = arith.xori %get3A_391, %not3A : vector<16xi32>
      %and3A = arith.andi %sub3A_401, %not3A_402 : vector<16xi32>
      %and3A_403 = arith.constant -2139062144 : i32
      %and3A_404 = vector.broadcast %and3A_403 : i32 to vector<16xi32>
      %and3A_405 = arith.andi %and3A, %and3A_404 : vector<16xi32>
      %sub3A_406 = arith.constant 320017171 : i32
      %sub3A_407 = vector.broadcast %sub3A_406 : i32 to vector<16xi32>
      %sub3A_408 = arith.subi %get3A_399, %sub3A_407 : vector<16xi32>
      %not3A_409 = arith.constant dense<-1> : vector<16xi32>
      %not3A_410 = arith.xori %get3A_399, %not3A_409 : vector<16xi32>
      %and3A_411 = arith.andi %sub3A_408, %not3A_410 : vector<16xi32>
      %and3A_412 = arith.constant -2139062144 : i32
      %and3A_413 = vector.broadcast %and3A_412 : i32 to vector<16xi32>
      %and3A_414 = arith.andi %and3A_411, %and3A_413 : vector<16xi32>
      %or3A = arith.ori %and3A_405, %and3A_414 : vector<16xi32>
      %ne3A = arith.constant 0 : i32
      %ne3A_415 = vector.broadcast %ne3A : i32 to vector<16xi32>
      %ne3A_416 = arith.cmpi ne, %or3A, %ne3A_415 : vector<16xi32>
      %jit3A = arith.constant 1 : i32
      %jit3A_417 = arith.constant 0 : i32
      %broadcast_in_dim3A_418 = vector.broadcast %jit3A : i32 to vector<16xi32>
      %broadcast_in_dim3A_419 = vector.broadcast %jit3A_417 : i32 to vector<16xi32>
      %select_n3A = arith.select %ne3A_416, %broadcast_in_dim3A_418, %broadcast_in_dim3A_419 : vector<16xi1>, vector<16xi32>
      %reduce_sum3A = arith.constant true
      %reduce_sum3A_420 = vector.broadcast %reduce_sum3A : i1 to vector<16xi1>
      %reduce_sum3A_421 = tpu.scan <sum>, %select_n3A masked %reduce_sum3A_420 : vector<16xi32>, vector<16xi1> -> vector<16xi32>
      %reduce_sum3A_422 = vector.extract %reduce_sum3A_421[15] : i32 from vector<16xi32>
      %mul3A_423 = arith.constant 128 : i32
      %mul3A_424 = arith.muli %scan3A_385, %mul3A_423 : i32
      %add3A_425 = arith.constant 32 : i32
      %add3A_426 = arith.addi %mul3A_424, %add3A_425 : i32
      %get3A_427 = arith.index_cast %add3A_426 : i32 to index
      %get3A_428 = tpu.vector_load %arg5[%get3A_427] {strides = array<i32>} : memref<2048xi32, #tpu.memory_space<vmem>>, vector<16xi32>,
      %mul3A_429 = arith.constant 128 : i32
      %mul3A_430 = arith.muli %scan3A_385, %mul3A_429 : i32
      %add3A_431 = arith.constant 32 : i32
      %add3A_432 = arith.addi %mul3A_430, %add3A_431 : i32
      %add3A_433 = arith.constant 16 : i32
      %add3A_434 = arith.addi %add3A_432, %add3A_433 : i32
      %get3A_435 = arith.index_cast %add3A_434 : i32 to index
      %get3A_436 = tpu.vector_load %arg5[%get3A_435] {strides = array<i32>} : memref<2048xi32, #tpu.memory_space<vmem>>, vector<16xi32>,
      %sub3A_437 = arith.constant 320017171 : i32
      %sub3A_438 = vector.broadcast %sub3A_437 : i32 to vector<16xi32>
      %sub3A_439 = arith.subi %get3A_428, %sub3A_438 : vector<16xi32>
      %not3A_440 = arith.constant dense<-1> : vector<16xi32>
      %not3A_441 = arith.xori %get3A_428, %not3A_440 : vector<16xi32>
      %and3A_442 = arith.andi %sub3A_439, %not3A_441 : vector<16xi32>
      %and3A_443 = arith.constant -2139062144 : i32
      %and3A_444 = vector.broadcast %and3A_443 : i32 to vector<16xi32>
      %and3A_445 = arith.andi %and3A_442, %and3A_444 : vector<16xi32>
      %sub3A_446 = arith.constant 320017171 : i32
      %sub3A_447 = vector.broadcast %sub3A_446 : i32 to vector<16xi32>
      %sub3A_448 = arith.subi %get3A_436, %sub3A_447 : vector<16xi32>
      %not3A_449 = arith.constant dense<-1> : vector<16xi32>
      %not3A_450 = arith.xori %get3A_436, %not3A_449 : vector<16xi32>
      %and3A_451 = arith.andi %sub3A_448, %not3A_450 : vector<16xi32>
      %and3A_452 = arith.constant -2139062144 : i32
      %and3A_453 = vector.broadcast %and3A_452 : i32 to vector<16xi32>
      %and3A_454 = arith.andi %and3A_451, %and3A_453 : vector<16xi32>
      %or3A_455 = arith.ori %and3A_445, %and3A_454 : vector<16xi32>
      %ne3A_456 = arith.constant 0 : i32
      %ne3A_457 = vector.broadcast %ne3A_456 : i32 to vector<16xi32>
      %ne3A_458 = arith.cmpi ne, %or3A_455, %ne3A_457 : vector<16xi32>
      %jit3A_459 = arith.constant 1 : i32
      %jit3A_460 = arith.constant 0 : i32
      %broadcast_in_dim3A_461 = vector.broadcast %jit3A_459 : i32 to vector<16xi32>
      %broadcast_in_dim3A_462 = vector.broadcast %jit3A_460 : i32 to vector<16xi32>
      %select_n3A_463 = arith.select %ne3A_458, %broadcast_in_dim3A_461, %broadcast_in_dim3A_462 : vector<16xi1>, vector<16xi32>
      %reduce_sum3A_464 = arith.constant true
      %reduce_sum3A_465 = vector.broadcast %reduce_sum3A_464 : i1 to vector<16xi1>
      %reduce_sum3A_466 = tpu.scan <sum>, %select_n3A_463 masked %reduce_sum3A_465 : vector<16xi32>, vector<16xi1> -> vector<16xi32>
      %reduce_sum3A_467 = vector.extract %reduce_sum3A_466[15] : i32 from vector<16xi32>
      %mul3A_468 = arith.constant 128 : i32
      %mul3A_469 = arith.muli %scan3A_385, %mul3A_468 : i32
      %add3A_470 = arith.constant 64 : i32
      %add3A_471 = arith.addi %mul3A_469, %add3A_470 : i32
      %get3A_472 = arith.index_cast %add3A_471 : i32 to index
      %get3A_473 = tpu.vector_load %arg5[%get3A_472] {strides = array<i32>} : memref<2048xi32, #tpu.memory_space<vmem>>, vector<16xi32>,
      %mul3A_474 = arith.constant 128 : i32
      %mul3A_475 = arith.muli %scan3A_385, %mul3A_474 : i32
      %add3A_476 = arith.constant 64 : i32
      %add3A_477 = arith.addi %mul3A_475, %add3A_476 : i32
      %add3A_478 = arith.constant 16 : i32
      %add3A_479 = arith.addi %add3A_477, %add3A_478 : i32
      %get3A_480 = arith.index_cast %add3A_479 : i32 to index
      %get3A_481 = tpu.vector_load %arg5[%get3A_480] {strides = array<i32>} : memref<2048xi32, #tpu.memory_space<vmem>>, vector<16xi32>,
      %sub3A_482 = arith.constant 320017171 : i32
      %sub3A_483 = vector.broadcast %sub3A_482 : i32 to vector<16xi32>
      %sub3A_484 = arith.subi %get3A_473, %sub3A_483 : vector<16xi32>
      %not3A_485 = arith.constant dense<-1> : vector<16xi32>
      %not3A_486 = arith.xori %get3A_473, %not3A_485 : vector<16xi32>
      %and3A_487 = arith.andi %sub3A_484, %not3A_486 : vector<16xi32>
      %and3A_488 = arith.constant -2139062144 : i32
      %and3A_489 = vector.broadcast %and3A_488 : i32 to vector<16xi32>
      %and3A_490 = arith.andi %and3A_487, %and3A_489 : vector<16xi32>
      %sub3A_491 = arith.constant 320017171 : i32
      %sub3A_492 = vector.broadcast %sub3A_491 : i32 to vector<16xi32>
      %sub3A_493 = arith.subi %get3A_481, %sub3A_492 : vector<16xi32>
      %not3A_494 = arith.constant dense<-1> : vector<16xi32>
      %not3A_495 = arith.xori %get3A_481, %not3A_494 : vector<16xi32>
      %and3A_496 = arith.andi %sub3A_493, %not3A_495 : vector<16xi32>
      %and3A_497 = arith.constant -2139062144 : i32
      %and3A_498 = vector.broadcast %and3A_497 : i32 to vector<16xi32>
      %and3A_499 = arith.andi %and3A_496, %and3A_498 : vector<16xi32>
      %or3A_500 = arith.ori %and3A_490, %and3A_499 : vector<16xi32>
      %ne3A_501 = arith.constant 0 : i32
      %ne3A_502 = vector.broadcast %ne3A_501 : i32 to vector<16xi32>
      %ne3A_503 = arith.cmpi ne, %or3A_500, %ne3A_502 : vector<16xi32>
      %jit3A_504 = arith.constant 1 : i32
      %jit3A_505 = arith.constant 0 : i32
      %broadcast_in_dim3A_506 = vector.broadcast %jit3A_504 : i32 to vector<16xi32>
      %broadcast_in_dim3A_507 = vector.broadcast %jit3A_505 : i32 to vector<16xi32>
      %select_n3A_508 = arith.select %ne3A_503, %broadcast_in_dim3A_506, %broadcast_in_dim3A_507 : vector<16xi1>, vector<16xi32>
      %reduce_sum3A_509 = arith.constant true
      %reduce_sum3A_510 = vector.broadcast %reduce_sum3A_509 : i1 to vector<16xi1>
      %reduce_sum3A_511 = tpu.scan <sum>, %select_n3A_508 masked %reduce_sum3A_510 : vector<16xi32>, vector<16xi1> -> vector<16xi32>
      %reduce_sum3A_512 = vector.extract %reduce_sum3A_511[15] : i32 from vector<16xi32>
      %mul3A_513 = arith.constant 128 : i32
      %mul3A_514 = arith.muli %scan3A_385, %mul3A_513 : i32
      %add3A_515 = arith.constant 96 : i32
      %add3A_516 = arith.addi %mul3A_514, %add3A_515 : i32
      %get3A_517 = arith.index_cast %add3A_516 : i32 to index
      %get3A_518 = tpu.vector_load %arg5[%get3A_517] {strides = array<i32>} : memref<2048xi32, #tpu.memory_space<vmem>>, vector<16xi32>,
      %mul3A_519 = arith.constant 128 : i32
      %mul3A_520 = arith.muli %scan3A_385, %mul3A_519 : i32
      %add3A_521 = arith.constant 96 : i32
      %add3A_522 = arith.addi %mul3A_520, %add3A_521 : i32
      %add3A_523 = arith.constant 16 : i32
      %add3A_524 = arith.addi %add3A_522, %add3A_523 : i32
      %get3A_525 = arith.index_cast %add3A_524 : i32 to index
      %get3A_526 = tpu.vector_load %arg5[%get3A_525] {strides = array<i32>} : memref<2048xi32, #tpu.memory_space<vmem>>, vector<16xi32>,
      %sub3A_527 = arith.constant 320017171 : i32
      %sub3A_528 = vector.broadcast %sub3A_527 : i32 to vector<16xi32>
      %sub3A_529 = arith.subi %get3A_518, %sub3A_528 : vector<16xi32>
      %not3A_530 = arith.constant dense<-1> : vector<16xi32>
      %not3A_531 = arith.xori %get3A_518, %not3A_530 : vector<16xi32>
      %and3A_532 = arith.andi %sub3A_529, %not3A_531 : vector<16xi32>
      %and3A_533 = arith.constant -2139062144 : i32
      %and3A_534 = vector.broadcast %and3A_533 : i32 to vector<16xi32>
      %and3A_535 = arith.andi %and3A_532, %and3A_534 : vector<16xi32>
      %sub3A_536 = arith.constant 320017171 : i32
      %sub3A_537 = vector.broadcast %sub3A_536 : i32 to vector<16xi32>
      %sub3A_538 = arith.subi %get3A_526, %sub3A_537 : vector<16xi32>
      %not3A_539 = arith.constant dense<-1> : vector<16xi32>
      %not3A_540 = arith.xori %get3A_526, %not3A_539 : vector<16xi32>
      %and3A_541 = arith.andi %sub3A_538, %not3A_540 : vector<16xi32>
      %and3A_542 = arith.constant -2139062144 : i32
      %and3A_543 = vector.broadcast %and3A_542 : i32 to vector<16xi32>
      %and3A_544 = arith.andi %and3A_541, %and3A_543 : vector<16xi32>
      %or3A_545 = arith.ori %and3A_535, %and3A_544 : vector<16xi32>
      %ne3A_546 = arith.constant 0 : i32
      %ne3A_547 = vector.broadcast %ne3A_546 : i32 to vector<16xi32>
      %ne3A_548 = arith.cmpi ne, %or3A_545, %ne3A_547 : vector<16xi32>
      %jit3A_549 = arith.constant 1 : i32
      %jit3A_550 = arith.constant 0 : i32
      %broadcast_in_dim3A_551 = vector.broadcast %jit3A_549 : i32 to vector<16xi32>
      %broadcast_in_dim3A_552 = vector.broadcast %jit3A_550 : i32 to vector<16xi32>
      %select_n3A_553 = arith.select %ne3A_548, %broadcast_in_dim3A_551, %broadcast_in_dim3A_552 : vector<16xi1>, vector<16xi32>
      %reduce_sum3A_554 = arith.constant true
      %reduce_sum3A_555 = vector.broadcast %reduce_sum3A_554 : i1 to vector<16xi1>
      %reduce_sum3A_556 = tpu.scan <sum>, %select_n3A_553 masked %reduce_sum3A_555 : vector<16xi32>, vector<16xi1> -> vector<16xi32>
      %reduce_sum3A_557 = vector.extract %reduce_sum3A_556[15] : i32 from vector<16xi32>
      %gt3A = arith.constant 0 : i32
      %gt3A_558 = arith.cmpi sgt, %reduce_sum3A_422, %gt3A : i32
      %convert_element_type3A = arith.extui %gt3A_558 : i1 to i32
      %cond3A = arith.constant 0 : i32
      %cond3A_559 = arith.cmpi ne, %convert_element_type3A, %cond3A : i32
      scf.if %cond3A_559 {
        %shift_right_logical3A = arith.constant 0 : i32
        %shift_right_logical3A_575 = vector.broadcast %shift_right_logical3A : i32 to vector<16xi32>
        %shift_right_logical3A_576 = arith.shrui %get3A_391, %shift_right_logical3A_575 : vector<16xi32>
        %and3A_577 = arith.constant 255 : i32
        %and3A_578 = vector.broadcast %and3A_577 : i32 to vector<16xi32>
        %and3A_579 = arith.andi %shift_right_logical3A_576, %and3A_578 : vector<16xi32>
        %lt3A = arith.constant 19 : i32
        %lt3A_580 = vector.broadcast %lt3A : i32 to vector<16xi32>
        %lt3A_581 = arith.cmpi slt, %and3A_579, %lt3A_580 : vector<16xi32>
        tpu.vector_store_idx %arg6[%iota3A, %and3A_579], %broadcast_in_dim3A_130 masked %lt3A_581 {add = true} : memref<16x32xf32, #tpu.memory_space<vmem>>[vector<16xi32>, vector<16xi32>], vector<16xf32>, vector<16xi1>
        %shift_right_logical3A_582 = arith.constant 8 : i32
        %shift_right_logical3A_583 = vector.broadcast %shift_right_logical3A_582 : i32 to vector<16xi32>
        %shift_right_logical3A_584 = arith.shrui %get3A_391, %shift_right_logical3A_583 : vector<16xi32>
        %and3A_585 = arith.constant 255 : i32
        %and3A_586 = vector.broadcast %and3A_585 : i32 to vector<16xi32>
        %and3A_587 = arith.andi %shift_right_logical3A_584, %and3A_586 : vector<16xi32>
        %lt3A_588 = arith.constant 19 : i32
        %lt3A_589 = vector.broadcast %lt3A_588 : i32 to vector<16xi32>
        %lt3A_590 = arith.cmpi slt, %and3A_587, %lt3A_589 : vector<16xi32>
        tpu.vector_store_idx %arg6[%iota3A, %and3A_587], %broadcast_in_dim3A_130 masked %lt3A_590 {add = true} : memref<16x32xf32, #tpu.memory_space<vmem>>[vector<16xi32>, vector<16xi32>], vector<16xf32>, vector<16xi1>
        %shift_right_logical3A_591 = arith.constant 16 : i32
        %shift_right_logical3A_592 = vector.broadcast %shift_right_logical3A_591 : i32 to vector<16xi32>
        %shift_right_logical3A_593 = arith.shrui %get3A_391, %shift_right_logical3A_592 : vector<16xi32>
        %and3A_594 = arith.constant 255 : i32
        %and3A_595 = vector.broadcast %and3A_594 : i32 to vector<16xi32>
        %and3A_596 = arith.andi %shift_right_logical3A_593, %and3A_595 : vector<16xi32>
        %lt3A_597 = arith.constant 19 : i32
        %lt3A_598 = vector.broadcast %lt3A_597 : i32 to vector<16xi32>
        %lt3A_599 = arith.cmpi slt, %and3A_596, %lt3A_598 : vector<16xi32>
        tpu.vector_store_idx %arg6[%iota3A, %and3A_596], %broadcast_in_dim3A_130 masked %lt3A_599 {add = true} : memref<16x32xf32, #tpu.memory_space<vmem>>[vector<16xi32>, vector<16xi32>], vector<16xf32>, vector<16xi1>
        %shift_right_logical3A_600 = arith.constant 24 : i32
        %shift_right_logical3A_601 = vector.broadcast %shift_right_logical3A_600 : i32 to vector<16xi32>
        %shift_right_logical3A_602 = arith.shrui %get3A_391, %shift_right_logical3A_601 : vector<16xi32>
        %and3A_603 = arith.constant 255 : i32
        %and3A_604 = vector.broadcast %and3A_603 : i32 to vector<16xi32>
        %and3A_605 = arith.andi %shift_right_logical3A_602, %and3A_604 : vector<16xi32>
        %lt3A_606 = arith.constant 19 : i32
        %lt3A_607 = vector.broadcast %lt3A_606 : i32 to vector<16xi32>
        %lt3A_608 = arith.cmpi slt, %and3A_605, %lt3A_607 : vector<16xi32>
        tpu.vector_store_idx %arg6[%iota3A, %and3A_605], %broadcast_in_dim3A_130 masked %lt3A_608 {add = true} : memref<16x32xf32, #tpu.memory_space<vmem>>[vector<16xi32>, vector<16xi32>], vector<16xf32>, vector<16xi1>
        %shift_right_logical3A_609 = arith.constant 0 : i32
        %shift_right_logical3A_610 = vector.broadcast %shift_right_logical3A_609 : i32 to vector<16xi32>
        %shift_right_logical3A_611 = arith.shrui %get3A_399, %shift_right_logical3A_610 : vector<16xi32>
        %and3A_612 = arith.constant 255 : i32
        %and3A_613 = vector.broadcast %and3A_612 : i32 to vector<16xi32>
        %and3A_614 = arith.andi %shift_right_logical3A_611, %and3A_613 : vector<16xi32>
        %lt3A_615 = arith.constant 19 : i32
        %lt3A_616 = vector.broadcast %lt3A_615 : i32 to vector<16xi32>
        %lt3A_617 = arith.cmpi slt, %and3A_614, %lt3A_616 : vector<16xi32>
        tpu.vector_store_idx %arg6[%iota3A, %and3A_614], %broadcast_in_dim3A_130 masked %lt3A_617 {add = true} : memref<16x32xf32, #tpu.memory_space<vmem>>[vector<16xi32>, vector<16xi32>], vector<16xf32>, vector<16xi1>
        %shift_right_logical3A_618 = arith.constant 8 : i32
        %shift_right_logical3A_619 = vector.broadcast %shift_right_logical3A_618 : i32 to vector<16xi32>
        %shift_right_logical3A_620 = arith.shrui %get3A_399, %shift_right_logical3A_619 : vector<16xi32>
        %and3A_621 = arith.constant 255 : i32
        %and3A_622 = vector.broadcast %and3A_621 : i32 to vector<16xi32>
        %and3A_623 = arith.andi %shift_right_logical3A_620, %and3A_622 : vector<16xi32>
        %lt3A_624 = arith.constant 19 : i32
        %lt3A_625 = vector.broadcast %lt3A_624 : i32 to vector<16xi32>
        %lt3A_626 = arith.cmpi slt, %and3A_623, %lt3A_625 : vector<16xi32>
        tpu.vector_store_idx %arg6[%iota3A, %and3A_623], %broadcast_in_dim3A_130 masked %lt3A_626 {add = true} : memref<16x32xf32, #tpu.memory_space<vmem>>[vector<16xi32>, vector<16xi32>], vector<16xf32>, vector<16xi1>
        %shift_right_logical3A_627 = arith.constant 16 : i32
        %shift_right_logical3A_628 = vector.broadcast %shift_right_logical3A_627 : i32 to vector<16xi32>
        %shift_right_logical3A_629 = arith.shrui %get3A_399, %shift_right_logical3A_628 : vector<16xi32>
        %and3A_630 = arith.constant 255 : i32
        %and3A_631 = vector.broadcast %and3A_630 : i32 to vector<16xi32>
        %and3A_632 = arith.andi %shift_right_logical3A_629, %and3A_631 : vector<16xi32>
        %lt3A_633 = arith.constant 19 : i32
        %lt3A_634 = vector.broadcast %lt3A_633 : i32 to vector<16xi32>
        %lt3A_635 = arith.cmpi slt, %and3A_632, %lt3A_634 : vector<16xi32>
        tpu.vector_store_idx %arg6[%iota3A, %and3A_632], %broadcast_in_dim3A_130 masked %lt3A_635 {add = true} : memref<16x32xf32, #tpu.memory_space<vmem>>[vector<16xi32>, vector<16xi32>], vector<16xf32>, vector<16xi1>
        %shift_right_logical3A_636 = arith.constant 24 : i32
        %shift_right_logical3A_637 = vector.broadcast %shift_right_logical3A_636 : i32 to vector<16xi32>
        %shift_right_logical3A_638 = arith.shrui %get3A_399, %shift_right_logical3A_637 : vector<16xi32>
        %and3A_639 = arith.constant 255 : i32
        %and3A_640 = vector.broadcast %and3A_639 : i32 to vector<16xi32>
        %and3A_641 = arith.andi %shift_right_logical3A_638, %and3A_640 : vector<16xi32>
        %lt3A_642 = arith.constant 19 : i32
        %lt3A_643 = vector.broadcast %lt3A_642 : i32 to vector<16xi32>
        %lt3A_644 = arith.cmpi slt, %and3A_641, %lt3A_643 : vector<16xi32>
        tpu.vector_store_idx %arg6[%iota3A, %and3A_641], %broadcast_in_dim3A_130 masked %lt3A_644 {add = true} : memref<16x32xf32, #tpu.memory_space<vmem>>[vector<16xi32>, vector<16xi32>], vector<16xf32>, vector<16xi1>
      } else {
      }
      %gt3A_560 = arith.constant 0 : i32
      %gt3A_561 = arith.cmpi sgt, %reduce_sum3A_467, %gt3A_560 : i32
      %convert_element_type3A_562 = arith.extui %gt3A_561 : i1 to i32
      %cond3A_563 = arith.constant 0 : i32
      %cond3A_564 = arith.cmpi ne, %convert_element_type3A_562, %cond3A_563 : i32
      scf.if %cond3A_564 {
        %shift_right_logical3A = arith.constant 0 : i32
        %shift_right_logical3A_575 = vector.broadcast %shift_right_logical3A : i32 to vector<16xi32>
        %shift_right_logical3A_576 = arith.shrui %get3A_428, %shift_right_logical3A_575 : vector<16xi32>
        %and3A_577 = arith.constant 255 : i32
        %and3A_578 = vector.broadcast %and3A_577 : i32 to vector<16xi32>
        %and3A_579 = arith.andi %shift_right_logical3A_576, %and3A_578 : vector<16xi32>
        %lt3A = arith.constant 19 : i32
        %lt3A_580 = vector.broadcast %lt3A : i32 to vector<16xi32>
        %lt3A_581 = arith.cmpi slt, %and3A_579, %lt3A_580 : vector<16xi32>
        tpu.vector_store_idx %arg6[%iota3A, %and3A_579], %broadcast_in_dim3A_130 masked %lt3A_581 {add = true} : memref<16x32xf32, #tpu.memory_space<vmem>>[vector<16xi32>, vector<16xi32>], vector<16xf32>, vector<16xi1>
        %shift_right_logical3A_582 = arith.constant 8 : i32
        %shift_right_logical3A_583 = vector.broadcast %shift_right_logical3A_582 : i32 to vector<16xi32>
        %shift_right_logical3A_584 = arith.shrui %get3A_428, %shift_right_logical3A_583 : vector<16xi32>
        %and3A_585 = arith.constant 255 : i32
        %and3A_586 = vector.broadcast %and3A_585 : i32 to vector<16xi32>
        %and3A_587 = arith.andi %shift_right_logical3A_584, %and3A_586 : vector<16xi32>
        %lt3A_588 = arith.constant 19 : i32
        %lt3A_589 = vector.broadcast %lt3A_588 : i32 to vector<16xi32>
        %lt3A_590 = arith.cmpi slt, %and3A_587, %lt3A_589 : vector<16xi32>
        tpu.vector_store_idx %arg6[%iota3A, %and3A_587], %broadcast_in_dim3A_130 masked %lt3A_590 {add = true} : memref<16x32xf32, #tpu.memory_space<vmem>>[vector<16xi32>, vector<16xi32>], vector<16xf32>, vector<16xi1>
        %shift_right_logical3A_591 = arith.constant 16 : i32
        %shift_right_logical3A_592 = vector.broadcast %shift_right_logical3A_591 : i32 to vector<16xi32>
        %shift_right_logical3A_593 = arith.shrui %get3A_428, %shift_right_logical3A_592 : vector<16xi32>
        %and3A_594 = arith.constant 255 : i32
        %and3A_595 = vector.broadcast %and3A_594 : i32 to vector<16xi32>
        %and3A_596 = arith.andi %shift_right_logical3A_593, %and3A_595 : vector<16xi32>
        %lt3A_597 = arith.constant 19 : i32
        %lt3A_598 = vector.broadcast %lt3A_597 : i32 to vector<16xi32>
        %lt3A_599 = arith.cmpi slt, %and3A_596, %lt3A_598 : vector<16xi32>
        tpu.vector_store_idx %arg6[%iota3A, %and3A_596], %broadcast_in_dim3A_130 masked %lt3A_599 {add = true} : memref<16x32xf32, #tpu.memory_space<vmem>>[vector<16xi32>, vector<16xi32>], vector<16xf32>, vector<16xi1>
        %shift_right_logical3A_600 = arith.constant 24 : i32
        %shift_right_logical3A_601 = vector.broadcast %shift_right_logical3A_600 : i32 to vector<16xi32>
        %shift_right_logical3A_602 = arith.shrui %get3A_428, %shift_right_logical3A_601 : vector<16xi32>
        %and3A_603 = arith.constant 255 : i32
        %and3A_604 = vector.broadcast %and3A_603 : i32 to vector<16xi32>
        %and3A_605 = arith.andi %shift_right_logical3A_602, %and3A_604 : vector<16xi32>
        %lt3A_606 = arith.constant 19 : i32
        %lt3A_607 = vector.broadcast %lt3A_606 : i32 to vector<16xi32>
        %lt3A_608 = arith.cmpi slt, %and3A_605, %lt3A_607 : vector<16xi32>
        tpu.vector_store_idx %arg6[%iota3A, %and3A_605], %broadcast_in_dim3A_130 masked %lt3A_608 {add = true} : memref<16x32xf32, #tpu.memory_space<vmem>>[vector<16xi32>, vector<16xi32>], vector<16xf32>, vector<16xi1>
        %shift_right_logical3A_609 = arith.constant 0 : i32
        %shift_right_logical3A_610 = vector.broadcast %shift_right_logical3A_609 : i32 to vector<16xi32>
        %shift_right_logical3A_611 = arith.shrui %get3A_436, %shift_right_logical3A_610 : vector<16xi32>
        %and3A_612 = arith.constant 255 : i32
        %and3A_613 = vector.broadcast %and3A_612 : i32 to vector<16xi32>
        %and3A_614 = arith.andi %shift_right_logical3A_611, %and3A_613 : vector<16xi32>
        %lt3A_615 = arith.constant 19 : i32
        %lt3A_616 = vector.broadcast %lt3A_615 : i32 to vector<16xi32>
        %lt3A_617 = arith.cmpi slt, %and3A_614, %lt3A_616 : vector<16xi32>
        tpu.vector_store_idx %arg6[%iota3A, %and3A_614], %broadcast_in_dim3A_130 masked %lt3A_617 {add = true} : memref<16x32xf32, #tpu.memory_space<vmem>>[vector<16xi32>, vector<16xi32>], vector<16xf32>, vector<16xi1>
        %shift_right_logical3A_618 = arith.constant 8 : i32
        %shift_right_logical3A_619 = vector.broadcast %shift_right_logical3A_618 : i32 to vector<16xi32>
        %shift_right_logical3A_620 = arith.shrui %get3A_436, %shift_right_logical3A_619 : vector<16xi32>
        %and3A_621 = arith.constant 255 : i32
        %and3A_622 = vector.broadcast %and3A_621 : i32 to vector<16xi32>
        %and3A_623 = arith.andi %shift_right_logical3A_620, %and3A_622 : vector<16xi32>
        %lt3A_624 = arith.constant 19 : i32
        %lt3A_625 = vector.broadcast %lt3A_624 : i32 to vector<16xi32>
        %lt3A_626 = arith.cmpi slt, %and3A_623, %lt3A_625 : vector<16xi32>
        tpu.vector_store_idx %arg6[%iota3A, %and3A_623], %broadcast_in_dim3A_130 masked %lt3A_626 {add = true} : memref<16x32xf32, #tpu.memory_space<vmem>>[vector<16xi32>, vector<16xi32>], vector<16xf32>, vector<16xi1>
        %shift_right_logical3A_627 = arith.constant 16 : i32
        %shift_right_logical3A_628 = vector.broadcast %shift_right_logical3A_627 : i32 to vector<16xi32>
        %shift_right_logical3A_629 = arith.shrui %get3A_436, %shift_right_logical3A_628 : vector<16xi32>
        %and3A_630 = arith.constant 255 : i32
        %and3A_631 = vector.broadcast %and3A_630 : i32 to vector<16xi32>
        %and3A_632 = arith.andi %shift_right_logical3A_629, %and3A_631 : vector<16xi32>
        %lt3A_633 = arith.constant 19 : i32
        %lt3A_634 = vector.broadcast %lt3A_633 : i32 to vector<16xi32>
        %lt3A_635 = arith.cmpi slt, %and3A_632, %lt3A_634 : vector<16xi32>
        tpu.vector_store_idx %arg6[%iota3A, %and3A_632], %broadcast_in_dim3A_130 masked %lt3A_635 {add = true} : memref<16x32xf32, #tpu.memory_space<vmem>>[vector<16xi32>, vector<16xi32>], vector<16xf32>, vector<16xi1>
        %shift_right_logical3A_636 = arith.constant 24 : i32
        %shift_right_logical3A_637 = vector.broadcast %shift_right_logical3A_636 : i32 to vector<16xi32>
        %shift_right_logical3A_638 = arith.shrui %get3A_436, %shift_right_logical3A_637 : vector<16xi32>
        %and3A_639 = arith.constant 255 : i32
        %and3A_640 = vector.broadcast %and3A_639 : i32 to vector<16xi32>
        %and3A_641 = arith.andi %shift_right_logical3A_638, %and3A_640 : vector<16xi32>
        %lt3A_642 = arith.constant 19 : i32
        %lt3A_643 = vector.broadcast %lt3A_642 : i32 to vector<16xi32>
        %lt3A_644 = arith.cmpi slt, %and3A_641, %lt3A_643 : vector<16xi32>
        tpu.vector_store_idx %arg6[%iota3A, %and3A_641], %broadcast_in_dim3A_130 masked %lt3A_644 {add = true} : memref<16x32xf32, #tpu.memory_space<vmem>>[vector<16xi32>, vector<16xi32>], vector<16xf32>, vector<16xi1>
      } else {
      }
      %gt3A_565 = arith.constant 0 : i32
      %gt3A_566 = arith.cmpi sgt, %reduce_sum3A_512, %gt3A_565 : i32
      %convert_element_type3A_567 = arith.extui %gt3A_566 : i1 to i32
      %cond3A_568 = arith.constant 0 : i32
      %cond3A_569 = arith.cmpi ne, %convert_element_type3A_567, %cond3A_568 : i32
      scf.if %cond3A_569 {
        %shift_right_logical3A = arith.constant 0 : i32
        %shift_right_logical3A_575 = vector.broadcast %shift_right_logical3A : i32 to vector<16xi32>
        %shift_right_logical3A_576 = arith.shrui %get3A_473, %shift_right_logical3A_575 : vector<16xi32>
        %and3A_577 = arith.constant 255 : i32
        %and3A_578 = vector.broadcast %and3A_577 : i32 to vector<16xi32>
        %and3A_579 = arith.andi %shift_right_logical3A_576, %and3A_578 : vector<16xi32>
        %lt3A = arith.constant 19 : i32
        %lt3A_580 = vector.broadcast %lt3A : i32 to vector<16xi32>
        %lt3A_581 = arith.cmpi slt, %and3A_579, %lt3A_580 : vector<16xi32>
        tpu.vector_store_idx %arg6[%iota3A, %and3A_579], %broadcast_in_dim3A_130 masked %lt3A_581 {add = true} : memref<16x32xf32, #tpu.memory_space<vmem>>[vector<16xi32>, vector<16xi32>], vector<16xf32>, vector<16xi1>
        %shift_right_logical3A_582 = arith.constant 8 : i32
        %shift_right_logical3A_583 = vector.broadcast %shift_right_logical3A_582 : i32 to vector<16xi32>
        %shift_right_logical3A_584 = arith.shrui %get3A_473, %shift_right_logical3A_583 : vector<16xi32>
        %and3A_585 = arith.constant 255 : i32
        %and3A_586 = vector.broadcast %and3A_585 : i32 to vector<16xi32>
        %and3A_587 = arith.andi %shift_right_logical3A_584, %and3A_586 : vector<16xi32>
        %lt3A_588 = arith.constant 19 : i32
        %lt3A_589 = vector.broadcast %lt3A_588 : i32 to vector<16xi32>
        %lt3A_590 = arith.cmpi slt, %and3A_587, %lt3A_589 : vector<16xi32>
        tpu.vector_store_idx %arg6[%iota3A, %and3A_587], %broadcast_in_dim3A_130 masked %lt3A_590 {add = true} : memref<16x32xf32, #tpu.memory_space<vmem>>[vector<16xi32>, vector<16xi32>], vector<16xf32>, vector<16xi1>
        %shift_right_logical3A_591 = arith.constant 16 : i32
        %shift_right_logical3A_592 = vector.broadcast %shift_right_logical3A_591 : i32 to vector<16xi32>
        %shift_right_logical3A_593 = arith.shrui %get3A_473, %shift_right_logical3A_592 : vector<16xi32>
        %and3A_594 = arith.constant 255 : i32
        %and3A_595 = vector.broadcast %and3A_594 : i32 to vector<16xi32>
        %and3A_596 = arith.andi %shift_right_logical3A_593, %and3A_595 : vector<16xi32>
        %lt3A_597 = arith.constant 19 : i32
        %lt3A_598 = vector.broadcast %lt3A_597 : i32 to vector<16xi32>
        %lt3A_599 = arith.cmpi slt, %and3A_596, %lt3A_598 : vector<16xi32>
        tpu.vector_store_idx %arg6[%iota3A, %and3A_596], %broadcast_in_dim3A_130 masked %lt3A_599 {add = true} : memref<16x32xf32, #tpu.memory_space<vmem>>[vector<16xi32>, vector<16xi32>], vector<16xf32>, vector<16xi1>
        %shift_right_logical3A_600 = arith.constant 24 : i32
        %shift_right_logical3A_601 = vector.broadcast %shift_right_logical3A_600 : i32 to vector<16xi32>
        %shift_right_logical3A_602 = arith.shrui %get3A_473, %shift_right_logical3A_601 : vector<16xi32>
        %and3A_603 = arith.constant 255 : i32
        %and3A_604 = vector.broadcast %and3A_603 : i32 to vector<16xi32>
        %and3A_605 = arith.andi %shift_right_logical3A_602, %and3A_604 : vector<16xi32>
        %lt3A_606 = arith.constant 19 : i32
        %lt3A_607 = vector.broadcast %lt3A_606 : i32 to vector<16xi32>
        %lt3A_608 = arith.cmpi slt, %and3A_605, %lt3A_607 : vector<16xi32>
        tpu.vector_store_idx %arg6[%iota3A, %and3A_605], %broadcast_in_dim3A_130 masked %lt3A_608 {add = true} : memref<16x32xf32, #tpu.memory_space<vmem>>[vector<16xi32>, vector<16xi32>], vector<16xf32>, vector<16xi1>
        %shift_right_logical3A_609 = arith.constant 0 : i32
        %shift_right_logical3A_610 = vector.broadcast %shift_right_logical3A_609 : i32 to vector<16xi32>
        %shift_right_logical3A_611 = arith.shrui %get3A_481, %shift_right_logical3A_610 : vector<16xi32>
        %and3A_612 = arith.constant 255 : i32
        %and3A_613 = vector.broadcast %and3A_612 : i32 to vector<16xi32>
        %and3A_614 = arith.andi %shift_right_logical3A_611, %and3A_613 : vector<16xi32>
        %lt3A_615 = arith.constant 19 : i32
        %lt3A_616 = vector.broadcast %lt3A_615 : i32 to vector<16xi32>
        %lt3A_617 = arith.cmpi slt, %and3A_614, %lt3A_616 : vector<16xi32>
        tpu.vector_store_idx %arg6[%iota3A, %and3A_614], %broadcast_in_dim3A_130 masked %lt3A_617 {add = true} : memref<16x32xf32, #tpu.memory_space<vmem>>[vector<16xi32>, vector<16xi32>], vector<16xf32>, vector<16xi1>
        %shift_right_logical3A_618 = arith.constant 8 : i32
        %shift_right_logical3A_619 = vector.broadcast %shift_right_logical3A_618 : i32 to vector<16xi32>
        %shift_right_logical3A_620 = arith.shrui %get3A_481, %shift_right_logical3A_619 : vector<16xi32>
        %and3A_621 = arith.constant 255 : i32
        %and3A_622 = vector.broadcast %and3A_621 : i32 to vector<16xi32>
        %and3A_623 = arith.andi %shift_right_logical3A_620, %and3A_622 : vector<16xi32>
        %lt3A_624 = arith.constant 19 : i32
        %lt3A_625 = vector.broadcast %lt3A_624 : i32 to vector<16xi32>
        %lt3A_626 = arith.cmpi slt, %and3A_623, %lt3A_625 : vector<16xi32>
        tpu.vector_store_idx %arg6[%iota3A, %and3A_623], %broadcast_in_dim3A_130 masked %lt3A_626 {add = true} : memref<16x32xf32, #tpu.memory_space<vmem>>[vector<16xi32>, vector<16xi32>], vector<16xf32>, vector<16xi1>
        %shift_right_logical3A_627 = arith.constant 16 : i32
        %shift_right_logical3A_628 = vector.broadcast %shift_right_logical3A_627 : i32 to vector<16xi32>
        %shift_right_logical3A_629 = arith.shrui %get3A_481, %shift_right_logical3A_628 : vector<16xi32>
        %and3A_630 = arith.constant 255 : i32
        %and3A_631 = vector.broadcast %and3A_630 : i32 to vector<16xi32>
        %and3A_632 = arith.andi %shift_right_logical3A_629, %and3A_631 : vector<16xi32>
        %lt3A_633 = arith.constant 19 : i32
        %lt3A_634 = vector.broadcast %lt3A_633 : i32 to vector<16xi32>
        %lt3A_635 = arith.cmpi slt, %and3A_632, %lt3A_634 : vector<16xi32>
        tpu.vector_store_idx %arg6[%iota3A, %and3A_632], %broadcast_in_dim3A_130 masked %lt3A_635 {add = true} : memref<16x32xf32, #tpu.memory_space<vmem>>[vector<16xi32>, vector<16xi32>], vector<16xf32>, vector<16xi1>
        %shift_right_logical3A_636 = arith.constant 24 : i32
        %shift_right_logical3A_637 = vector.broadcast %shift_right_logical3A_636 : i32 to vector<16xi32>
        %shift_right_logical3A_638 = arith.shrui %get3A_481, %shift_right_logical3A_637 : vector<16xi32>
        %and3A_639 = arith.constant 255 : i32
        %and3A_640 = vector.broadcast %and3A_639 : i32 to vector<16xi32>
        %and3A_641 = arith.andi %shift_right_logical3A_638, %and3A_640 : vector<16xi32>
        %lt3A_642 = arith.constant 19 : i32
        %lt3A_643 = vector.broadcast %lt3A_642 : i32 to vector<16xi32>
        %lt3A_644 = arith.cmpi slt, %and3A_641, %lt3A_643 : vector<16xi32>
        tpu.vector_store_idx %arg6[%iota3A, %and3A_641], %broadcast_in_dim3A_130 masked %lt3A_644 {add = true} : memref<16x32xf32, #tpu.memory_space<vmem>>[vector<16xi32>, vector<16xi32>], vector<16xf32>, vector<16xi1>
      } else {
      }
      %gt3A_570 = arith.constant 0 : i32
      %gt3A_571 = arith.cmpi sgt, %reduce_sum3A_557, %gt3A_570 : i32
      %convert_element_type3A_572 = arith.extui %gt3A_571 : i1 to i32
      %cond3A_573 = arith.constant 0 : i32
      %cond3A_574 = arith.cmpi ne, %convert_element_type3A_572, %cond3A_573 : i32
      scf.if %cond3A_574 {
        %shift_right_logical3A = arith.constant 0 : i32
        %shift_right_logical3A_575 = vector.broadcast %shift_right_logical3A : i32 to vector<16xi32>
        %shift_right_logical3A_576 = arith.shrui %get3A_518, %shift_right_logical3A_575 : vector<16xi32>
        %and3A_577 = arith.constant 255 : i32
        %and3A_578 = vector.broadcast %and3A_577 : i32 to vector<16xi32>
        %and3A_579 = arith.andi %shift_right_logical3A_576, %and3A_578 : vector<16xi32>
        %lt3A = arith.constant 19 : i32
        %lt3A_580 = vector.broadcast %lt3A : i32 to vector<16xi32>
        %lt3A_581 = arith.cmpi slt, %and3A_579, %lt3A_580 : vector<16xi32>
        tpu.vector_store_idx %arg6[%iota3A, %and3A_579], %broadcast_in_dim3A_130 masked %lt3A_581 {add = true} : memref<16x32xf32, #tpu.memory_space<vmem>>[vector<16xi32>, vector<16xi32>], vector<16xf32>, vector<16xi1>
        %shift_right_logical3A_582 = arith.constant 8 : i32
        %shift_right_logical3A_583 = vector.broadcast %shift_right_logical3A_582 : i32 to vector<16xi32>
        %shift_right_logical3A_584 = arith.shrui %get3A_518, %shift_right_logical3A_583 : vector<16xi32>
        %and3A_585 = arith.constant 255 : i32
        %and3A_586 = vector.broadcast %and3A_585 : i32 to vector<16xi32>
        %and3A_587 = arith.andi %shift_right_logical3A_584, %and3A_586 : vector<16xi32>
        %lt3A_588 = arith.constant 19 : i32
        %lt3A_589 = vector.broadcast %lt3A_588 : i32 to vector<16xi32>
        %lt3A_590 = arith.cmpi slt, %and3A_587, %lt3A_589 : vector<16xi32>
        tpu.vector_store_idx %arg6[%iota3A, %and3A_587], %broadcast_in_dim3A_130 masked %lt3A_590 {add = true} : memref<16x32xf32, #tpu.memory_space<vmem>>[vector<16xi32>, vector<16xi32>], vector<16xf32>, vector<16xi1>
        %shift_right_logical3A_591 = arith.constant 16 : i32
        %shift_right_logical3A_592 = vector.broadcast %shift_right_logical3A_591 : i32 to vector<16xi32>
        %shift_right_logical3A_593 = arith.shrui %get3A_518, %shift_right_logical3A_592 : vector<16xi32>
        %and3A_594 = arith.constant 255 : i32
        %and3A_595 = vector.broadcast %and3A_594 : i32 to vector<16xi32>
        %and3A_596 = arith.andi %shift_right_logical3A_593, %and3A_595 : vector<16xi32>
        %lt3A_597 = arith.constant 19 : i32
        %lt3A_598 = vector.broadcast %lt3A_597 : i32 to vector<16xi32>
        %lt3A_599 = arith.cmpi slt, %and3A_596, %lt3A_598 : vector<16xi32>
        tpu.vector_store_idx %arg6[%iota3A, %and3A_596], %broadcast_in_dim3A_130 masked %lt3A_599 {add = true} : memref<16x32xf32, #tpu.memory_space<vmem>>[vector<16xi32>, vector<16xi32>], vector<16xf32>, vector<16xi1>
        %shift_right_logical3A_600 = arith.constant 24 : i32
        %shift_right_logical3A_601 = vector.broadcast %shift_right_logical3A_600 : i32 to vector<16xi32>
        %shift_right_logical3A_602 = arith.shrui %get3A_518, %shift_right_logical3A_601 : vector<16xi32>
        %and3A_603 = arith.constant 255 : i32
        %and3A_604 = vector.broadcast %and3A_603 : i32 to vector<16xi32>
        %and3A_605 = arith.andi %shift_right_logical3A_602, %and3A_604 : vector<16xi32>
        %lt3A_606 = arith.constant 19 : i32
        %lt3A_607 = vector.broadcast %lt3A_606 : i32 to vector<16xi32>
        %lt3A_608 = arith.cmpi slt, %and3A_605, %lt3A_607 : vector<16xi32>
        tpu.vector_store_idx %arg6[%iota3A, %and3A_605], %broadcast_in_dim3A_130 masked %lt3A_608 {add = true} : memref<16x32xf32, #tpu.memory_space<vmem>>[vector<16xi32>, vector<16xi32>], vector<16xf32>, vector<16xi1>
        %shift_right_logical3A_609 = arith.constant 0 : i32
        %shift_right_logical3A_610 = vector.broadcast %shift_right_logical3A_609 : i32 to vector<16xi32>
        %shift_right_logical3A_611 = arith.shrui %get3A_526, %shift_right_logical3A_610 : vector<16xi32>
        %and3A_612 = arith.constant 255 : i32
        %and3A_613 = vector.broadcast %and3A_612 : i32 to vector<16xi32>
        %and3A_614 = arith.andi %shift_right_logical3A_611, %and3A_613 : vector<16xi32>
        %lt3A_615 = arith.constant 19 : i32
        %lt3A_616 = vector.broadcast %lt3A_615 : i32 to vector<16xi32>
        %lt3A_617 = arith.cmpi slt, %and3A_614, %lt3A_616 : vector<16xi32>
        tpu.vector_store_idx %arg6[%iota3A, %and3A_614], %broadcast_in_dim3A_130 masked %lt3A_617 {add = true} : memref<16x32xf32, #tpu.memory_space<vmem>>[vector<16xi32>, vector<16xi32>], vector<16xf32>, vector<16xi1>
        %shift_right_logical3A_618 = arith.constant 8 : i32
        %shift_right_logical3A_619 = vector.broadcast %shift_right_logical3A_618 : i32 to vector<16xi32>
        %shift_right_logical3A_620 = arith.shrui %get3A_526, %shift_right_logical3A_619 : vector<16xi32>
        %and3A_621 = arith.constant 255 : i32
        %and3A_622 = vector.broadcast %and3A_621 : i32 to vector<16xi32>
        %and3A_623 = arith.andi %shift_right_logical3A_620, %and3A_622 : vector<16xi32>
        %lt3A_624 = arith.constant 19 : i32
        %lt3A_625 = vector.broadcast %lt3A_624 : i32 to vector<16xi32>
        %lt3A_626 = arith.cmpi slt, %and3A_623, %lt3A_625 : vector<16xi32>
        tpu.vector_store_idx %arg6[%iota3A, %and3A_623], %broadcast_in_dim3A_130 masked %lt3A_626 {add = true} : memref<16x32xf32, #tpu.memory_space<vmem>>[vector<16xi32>, vector<16xi32>], vector<16xf32>, vector<16xi1>
        %shift_right_logical3A_627 = arith.constant 16 : i32
        %shift_right_logical3A_628 = vector.broadcast %shift_right_logical3A_627 : i32 to vector<16xi32>
        %shift_right_logical3A_629 = arith.shrui %get3A_526, %shift_right_logical3A_628 : vector<16xi32>
        %and3A_630 = arith.constant 255 : i32
        %and3A_631 = vector.broadcast %and3A_630 : i32 to vector<16xi32>
        %and3A_632 = arith.andi %shift_right_logical3A_629, %and3A_631 : vector<16xi32>
        %lt3A_633 = arith.constant 19 : i32
        %lt3A_634 = vector.broadcast %lt3A_633 : i32 to vector<16xi32>
        %lt3A_635 = arith.cmpi slt, %and3A_632, %lt3A_634 : vector<16xi32>
        tpu.vector_store_idx %arg6[%iota3A, %and3A_632], %broadcast_in_dim3A_130 masked %lt3A_635 {add = true} : memref<16x32xf32, #tpu.memory_space<vmem>>[vector<16xi32>, vector<16xi32>], vector<16xf32>, vector<16xi1>
        %shift_right_logical3A_636 = arith.constant 24 : i32
        %shift_right_logical3A_637 = vector.broadcast %shift_right_logical3A_636 : i32 to vector<16xi32>
        %shift_right_logical3A_638 = arith.shrui %get3A_526, %shift_right_logical3A_637 : vector<16xi32>
        %and3A_639 = arith.constant 255 : i32
        %and3A_640 = vector.broadcast %and3A_639 : i32 to vector<16xi32>
        %and3A_641 = arith.andi %shift_right_logical3A_638, %and3A_640 : vector<16xi32>
        %lt3A_642 = arith.constant 19 : i32
        %lt3A_643 = vector.broadcast %lt3A_642 : i32 to vector<16xi32>
        %lt3A_644 = arith.cmpi slt, %and3A_641, %lt3A_643 : vector<16xi32>
        tpu.vector_store_idx %arg6[%iota3A, %and3A_641], %broadcast_in_dim3A_130 masked %lt3A_644 {add = true} : memref<16x32xf32, #tpu.memory_space<vmem>>[vector<16xi32>, vector<16xi32>], vector<16xf32>, vector<16xi1>
      } else {
      }
    }
    %scan3A_223 = arith.constant 16 : i32
    %get3A = arith.constant 0 : i32
    %get3A_224 = arith.index_cast %get3A : i32 to index
    %get3A_225 = arith.constant 0 : index
    %get3A_226 = tpu.vector_load %arg6[%get3A_224, %get3A_225] {strides = array<i32>} : memref<16x32xf32, #tpu.memory_space<vmem>>, vector<16xf32>,
    %get3A_227 = arith.constant 0 : i32
    %get3A_228 = arith.index_cast %get3A_227 : i32 to index
    %get3A_229 = arith.constant 16 : index
    %get3A_230 = tpu.vector_load %arg6[%get3A_228, %get3A_229] {strides = array<i32>} : memref<16x32xf32, #tpu.memory_space<vmem>>, vector<16xf32>,
    %get3A_231 = arith.constant 1 : i32
    %get3A_232 = arith.index_cast %get3A_231 : i32 to index
    %get3A_233 = arith.constant 0 : index
    %get3A_234 = tpu.vector_load %arg6[%get3A_232, %get3A_233] {strides = array<i32>} : memref<16x32xf32, #tpu.memory_space<vmem>>, vector<16xf32>,
    %add3A_235 = arith.addf %get3A_226, %get3A_234 : vector<16xf32>
    %get3A_236 = arith.constant 1 : i32
    %get3A_237 = arith.index_cast %get3A_236 : i32 to index
    %get3A_238 = arith.constant 16 : index
    %get3A_239 = tpu.vector_load %arg6[%get3A_237, %get3A_238] {strides = array<i32>} : memref<16x32xf32, #tpu.memory_space<vmem>>, vector<16xf32>,
    %add3A_240 = arith.addf %get3A_230, %get3A_239 : vector<16xf32>
    %get3A_241 = arith.constant 2 : i32
    %get3A_242 = arith.index_cast %get3A_241 : i32 to index
    %get3A_243 = arith.constant 0 : index
    %get3A_244 = tpu.vector_load %arg6[%get3A_242, %get3A_243] {strides = array<i32>} : memref<16x32xf32, #tpu.memory_space<vmem>>, vector<16xf32>,
    %add3A_245 = arith.addf %add3A_235, %get3A_244 : vector<16xf32>
    %get3A_246 = arith.constant 2 : i32
    %get3A_247 = arith.index_cast %get3A_246 : i32 to index
    %get3A_248 = arith.constant 16 : index
    %get3A_249 = tpu.vector_load %arg6[%get3A_247, %get3A_248] {strides = array<i32>} : memref<16x32xf32, #tpu.memory_space<vmem>>, vector<16xf32>,
    %add3A_250 = arith.addf %add3A_240, %get3A_249 : vector<16xf32>
    %get3A_251 = arith.constant 3 : i32
    %get3A_252 = arith.index_cast %get3A_251 : i32 to index
    %get3A_253 = arith.constant 0 : index
    %get3A_254 = tpu.vector_load %arg6[%get3A_252, %get3A_253] {strides = array<i32>} : memref<16x32xf32, #tpu.memory_space<vmem>>, vector<16xf32>,
    %add3A_255 = arith.addf %add3A_245, %get3A_254 : vector<16xf32>
    %get3A_256 = arith.constant 3 : i32
    %get3A_257 = arith.index_cast %get3A_256 : i32 to index
    %get3A_258 = arith.constant 16 : index
    %get3A_259 = tpu.vector_load %arg6[%get3A_257, %get3A_258] {strides = array<i32>} : memref<16x32xf32, #tpu.memory_space<vmem>>, vector<16xf32>,
    %add3A_260 = arith.addf %add3A_250, %get3A_259 : vector<16xf32>
    %get3A_261 = arith.constant 4 : i32
    %get3A_262 = arith.index_cast %get3A_261 : i32 to index
    %get3A_263 = arith.constant 0 : index
    %get3A_264 = tpu.vector_load %arg6[%get3A_262, %get3A_263] {strides = array<i32>} : memref<16x32xf32, #tpu.memory_space<vmem>>, vector<16xf32>,
    %add3A_265 = arith.addf %add3A_255, %get3A_264 : vector<16xf32>
    %get3A_266 = arith.constant 4 : i32
    %get3A_267 = arith.index_cast %get3A_266 : i32 to index
    %get3A_268 = arith.constant 16 : index
    %get3A_269 = tpu.vector_load %arg6[%get3A_267, %get3A_268] {strides = array<i32>} : memref<16x32xf32, #tpu.memory_space<vmem>>, vector<16xf32>,
    %add3A_270 = arith.addf %add3A_260, %get3A_269 : vector<16xf32>
    %get3A_271 = arith.constant 5 : i32
    %get3A_272 = arith.index_cast %get3A_271 : i32 to index
    %get3A_273 = arith.constant 0 : index
    %get3A_274 = tpu.vector_load %arg6[%get3A_272, %get3A_273] {strides = array<i32>} : memref<16x32xf32, #tpu.memory_space<vmem>>, vector<16xf32>,
    %add3A_275 = arith.addf %add3A_265, %get3A_274 : vector<16xf32>
    %get3A_276 = arith.constant 5 : i32
    %get3A_277 = arith.index_cast %get3A_276 : i32 to index
    %get3A_278 = arith.constant 16 : index
    %get3A_279 = tpu.vector_load %arg6[%get3A_277, %get3A_278] {strides = array<i32>} : memref<16x32xf32, #tpu.memory_space<vmem>>, vector<16xf32>,
    %add3A_280 = arith.addf %add3A_270, %get3A_279 : vector<16xf32>
    %get3A_281 = arith.constant 6 : i32
    %get3A_282 = arith.index_cast %get3A_281 : i32 to index
    %get3A_283 = arith.constant 0 : index
    %get3A_284 = tpu.vector_load %arg6[%get3A_282, %get3A_283] {strides = array<i32>} : memref<16x32xf32, #tpu.memory_space<vmem>>, vector<16xf32>,
    %add3A_285 = arith.addf %add3A_275, %get3A_284 : vector<16xf32>
    %get3A_286 = arith.constant 6 : i32
    %get3A_287 = arith.index_cast %get3A_286 : i32 to index
    %get3A_288 = arith.constant 16 : index
    %get3A_289 = tpu.vector_load %arg6[%get3A_287, %get3A_288] {strides = array<i32>} : memref<16x32xf32, #tpu.memory_space<vmem>>, vector<16xf32>,
    %add3A_290 = arith.addf %add3A_280, %get3A_289 : vector<16xf32>
    %get3A_291 = arith.constant 7 : i32
    %get3A_292 = arith.index_cast %get3A_291 : i32 to index
    %get3A_293 = arith.constant 0 : index
    %get3A_294 = tpu.vector_load %arg6[%get3A_292, %get3A_293] {strides = array<i32>} : memref<16x32xf32, #tpu.memory_space<vmem>>, vector<16xf32>,
    %add3A_295 = arith.addf %add3A_285, %get3A_294 : vector<16xf32>
    %get3A_296 = arith.constant 7 : i32
    %get3A_297 = arith.index_cast %get3A_296 : i32 to index
    %get3A_298 = arith.constant 16 : index
    %get3A_299 = tpu.vector_load %arg6[%get3A_297, %get3A_298] {strides = array<i32>} : memref<16x32xf32, #tpu.memory_space<vmem>>, vector<16xf32>,
    %add3A_300 = arith.addf %add3A_290, %get3A_299 : vector<16xf32>
    %get3A_301 = arith.constant 8 : i32
    %get3A_302 = arith.index_cast %get3A_301 : i32 to index
    %get3A_303 = arith.constant 0 : index
    %get3A_304 = tpu.vector_load %arg6[%get3A_302, %get3A_303] {strides = array<i32>} : memref<16x32xf32, #tpu.memory_space<vmem>>, vector<16xf32>,
    %add3A_305 = arith.addf %add3A_295, %get3A_304 : vector<16xf32>
    %get3A_306 = arith.constant 8 : i32
    %get3A_307 = arith.index_cast %get3A_306 : i32 to index
    %get3A_308 = arith.constant 16 : index
    %get3A_309 = tpu.vector_load %arg6[%get3A_307, %get3A_308] {strides = array<i32>} : memref<16x32xf32, #tpu.memory_space<vmem>>, vector<16xf32>,
    %add3A_310 = arith.addf %add3A_300, %get3A_309 : vector<16xf32>
    %get3A_311 = arith.constant 9 : i32
    %get3A_312 = arith.index_cast %get3A_311 : i32 to index
    %get3A_313 = arith.constant 0 : index
    %get3A_314 = tpu.vector_load %arg6[%get3A_312, %get3A_313] {strides = array<i32>} : memref<16x32xf32, #tpu.memory_space<vmem>>, vector<16xf32>,
    %add3A_315 = arith.addf %add3A_305, %get3A_314 : vector<16xf32>
    %get3A_316 = arith.constant 9 : i32
    %get3A_317 = arith.index_cast %get3A_316 : i32 to index
    %get3A_318 = arith.constant 16 : index
    %get3A_319 = tpu.vector_load %arg6[%get3A_317, %get3A_318] {strides = array<i32>} : memref<16x32xf32, #tpu.memory_space<vmem>>, vector<16xf32>,
    %add3A_320 = arith.addf %add3A_310, %get3A_319 : vector<16xf32>
    %get3A_321 = arith.constant 10 : i32
    %get3A_322 = arith.index_cast %get3A_321 : i32 to index
    %get3A_323 = arith.constant 0 : index
    %get3A_324 = tpu.vector_load %arg6[%get3A_322, %get3A_323] {strides = array<i32>} : memref<16x32xf32, #tpu.memory_space<vmem>>, vector<16xf32>,
    %add3A_325 = arith.addf %add3A_315, %get3A_324 : vector<16xf32>
    %get3A_326 = arith.constant 10 : i32
    %get3A_327 = arith.index_cast %get3A_326 : i32 to index
    %get3A_328 = arith.constant 16 : index
    %get3A_329 = tpu.vector_load %arg6[%get3A_327, %get3A_328] {strides = array<i32>} : memref<16x32xf32, #tpu.memory_space<vmem>>, vector<16xf32>,
    %add3A_330 = arith.addf %add3A_320, %get3A_329 : vector<16xf32>
    %get3A_331 = arith.constant 11 : i32
    %get3A_332 = arith.index_cast %get3A_331 : i32 to index
    %get3A_333 = arith.constant 0 : index
    %get3A_334 = tpu.vector_load %arg6[%get3A_332, %get3A_333] {strides = array<i32>} : memref<16x32xf32, #tpu.memory_space<vmem>>, vector<16xf32>,
    %add3A_335 = arith.addf %add3A_325, %get3A_334 : vector<16xf32>
    %get3A_336 = arith.constant 11 : i32
    %get3A_337 = arith.index_cast %get3A_336 : i32 to index
    %get3A_338 = arith.constant 16 : index
    %get3A_339 = tpu.vector_load %arg6[%get3A_337, %get3A_338] {strides = array<i32>} : memref<16x32xf32, #tpu.memory_space<vmem>>, vector<16xf32>,
    %add3A_340 = arith.addf %add3A_330, %get3A_339 : vector<16xf32>
    %get3A_341 = arith.constant 12 : i32
    %get3A_342 = arith.index_cast %get3A_341 : i32 to index
    %get3A_343 = arith.constant 0 : index
    %get3A_344 = tpu.vector_load %arg6[%get3A_342, %get3A_343] {strides = array<i32>} : memref<16x32xf32, #tpu.memory_space<vmem>>, vector<16xf32>,
    %add3A_345 = arith.addf %add3A_335, %get3A_344 : vector<16xf32>
    %get3A_346 = arith.constant 12 : i32
    %get3A_347 = arith.index_cast %get3A_346 : i32 to index
    %get3A_348 = arith.constant 16 : index
    %get3A_349 = tpu.vector_load %arg6[%get3A_347, %get3A_348] {strides = array<i32>} : memref<16x32xf32, #tpu.memory_space<vmem>>, vector<16xf32>,
    %add3A_350 = arith.addf %add3A_340, %get3A_349 : vector<16xf32>
    %get3A_351 = arith.constant 13 : i32
    %get3A_352 = arith.index_cast %get3A_351 : i32 to index
    %get3A_353 = arith.constant 0 : index
    %get3A_354 = tpu.vector_load %arg6[%get3A_352, %get3A_353] {strides = array<i32>} : memref<16x32xf32, #tpu.memory_space<vmem>>, vector<16xf32>,
    %add3A_355 = arith.addf %add3A_345, %get3A_354 : vector<16xf32>
    %get3A_356 = arith.constant 13 : i32
    %get3A_357 = arith.index_cast %get3A_356 : i32 to index
    %get3A_358 = arith.constant 16 : index
    %get3A_359 = tpu.vector_load %arg6[%get3A_357, %get3A_358] {strides = array<i32>} : memref<16x32xf32, #tpu.memory_space<vmem>>, vector<16xf32>,
    %add3A_360 = arith.addf %add3A_350, %get3A_359 : vector<16xf32>
    %get3A_361 = arith.constant 14 : i32
    %get3A_362 = arith.index_cast %get3A_361 : i32 to index
    %get3A_363 = arith.constant 0 : index
    %get3A_364 = tpu.vector_load %arg6[%get3A_362, %get3A_363] {strides = array<i32>} : memref<16x32xf32, #tpu.memory_space<vmem>>, vector<16xf32>,
    %add3A_365 = arith.addf %add3A_355, %get3A_364 : vector<16xf32>
    %get3A_366 = arith.constant 14 : i32
    %get3A_367 = arith.index_cast %get3A_366 : i32 to index
    %get3A_368 = arith.constant 16 : index
    %get3A_369 = tpu.vector_load %arg6[%get3A_367, %get3A_368] {strides = array<i32>} : memref<16x32xf32, #tpu.memory_space<vmem>>, vector<16xf32>,
    %add3A_370 = arith.addf %add3A_360, %get3A_369 : vector<16xf32>
    %get3A_371 = arith.constant 15 : i32
    %get3A_372 = arith.index_cast %get3A_371 : i32 to index
    %get3A_373 = arith.constant 0 : index
    %get3A_374 = tpu.vector_load %arg6[%get3A_372, %get3A_373] {strides = array<i32>} : memref<16x32xf32, #tpu.memory_space<vmem>>, vector<16xf32>,
    %add3A_375 = arith.addf %add3A_365, %get3A_374 : vector<16xf32>
    %get3A_376 = arith.constant 15 : i32
    %get3A_377 = arith.index_cast %get3A_376 : i32 to index
    %get3A_378 = arith.constant 16 : index
    %get3A_379 = tpu.vector_load %arg6[%get3A_377, %get3A_378] {strides = array<i32>} : memref<16x32xf32, #tpu.memory_space<vmem>>, vector<16xf32>,
    %add3A_380 = arith.addf %add3A_370, %get3A_379 : vector<16xf32>
    %swap3A_381 = arith.constant 0 : index
    %swap3A_382 = tpu.vector_load %arg7[%swap3A_381] {strides = array<i32>} : memref<32xf32, #tpu.memory_space<vmem>>, vector<16xf32>,
    tpu.vector_store %arg7[%swap3A_381], %add3A_375 {strides = array<i32>} : memref<32xf32, #tpu.memory_space<vmem>>, vector<16xf32>,
    %swap3A_383 = arith.constant 16 : index
    %swap3A_384 = tpu.vector_load %arg7[%swap3A_383] {strides = array<i32>} : memref<32xf32, #tpu.memory_space<vmem>>, vector<16xf32>,
    tpu.vector_store %arg7[%swap3A_383], %add3A_380 {strides = array<i32>} : memref<32xf32, #tpu.memory_space<vmem>>, vector<16xf32>,
    "tpu.region"() ({
      %run_scoped3A = tpu.sem_alloc : memref<!tpu.dma_semaphore, #tpu.memory_space<semaphore_mem>>
      %dma_start3A_385 = arith.constant 0 : i32
      %dma_start3A_386 = tpu.memref_slice %arg3[%add3A, %dma_start3A_385] : memref<32x32xf32, #tpu.memory_space<hbm>> -> memref<1x32xf32, #tpu.memory_space<hbm>>
      %dma_start3A_387 = tpu.memref_squeeze %dma_start3A_386 : memref<1x32xf32, #tpu.memory_space<hbm>> -> memref<32xf32, #tpu.memory_space<hbm>>
      %dma_start3A_388 = arith.constant 0 : i32
      %dma_start3A_389 = tpu.memref_slice %arg3[%add3A, %dma_start3A_388] : memref<32x32xf32, #tpu.memory_space<hbm>> -> memref<1x32xf32, #tpu.memory_space<hbm>>
      %dma_start3A_390 = tpu.memref_squeeze %dma_start3A_389 : memref<1x32xf32, #tpu.memory_space<hbm>> -> memref<32xf32, #tpu.memory_space<hbm>>
      tpu.enqueue_dma source(%arg7 : memref<32xf32, #tpu.memory_space<vmem>>) target(%dma_start3A_390 : memref<32xf32, #tpu.memory_space<hbm>>) target_semaphore(%run_scoped3A : memref<!tpu.dma_semaphore, #tpu.memory_space<semaphore_mem>>)
      %dma_wait3A_391 = arith.constant 0 : i32
      %dma_wait3A_392 = tpu.memref_slice %arg3[%add3A, %dma_wait3A_391] : memref<32x32xf32, #tpu.memory_space<hbm>> -> memref<1x32xf32, #tpu.memory_space<hbm>>
      %dma_wait3A_393 = tpu.memref_squeeze %dma_wait3A_392 : memref<1x32xf32, #tpu.memory_space<hbm>> -> memref<32xf32, #tpu.memory_space<hbm>>
      %dma_wait3A_394 = arith.constant 0 : i32
      %dma_wait3A_395 = tpu.memref_slice %arg3[%add3A, %dma_wait3A_394] : memref<32x32xf32, #tpu.memory_space<hbm>> -> memref<1x32xf32, #tpu.memory_space<hbm>>
      %dma_wait3A_396 = tpu.memref_squeeze %dma_wait3A_395 : memref<1x32xf32, #tpu.memory_space<hbm>> -> memref<32xf32, #tpu.memory_space<hbm>>
      tpu.wait_dma2 semaphore(%run_scoped3A : memref<!tpu.dma_semaphore, #tpu.memory_space<semaphore_mem>>) src(%arg7 : memref<32xf32, #tpu.memory_space<vmem>>) dst(%dma_wait3A_396 : memref<32xf32, #tpu.memory_space<hbm>>)
      tpu.yield
    }) : () -> ()
    return
  }
}

module attributes {stable_mosaic.version = 14 : i64} {
  func.func @_dense_body(%arg0: i32, %arg1: memref<1x19x256x512xf32, #tpu.memory_space<vmem>>, %arg2: memref<1x256x512xi32, #tpu.memory_space<vmem>>, %arg3: memref<1x256x512xf32, #tpu.memory_space<vmem>>, %arg4: memref<1x64x512xi32, #tpu.memory_space<vmem>>) attributes {dimension_semantics = [#tpu.dimension_semantics<arbitrary>], iteration_bounds = array<i64: 16>, scalar_prefetch = 0 : i64, scratch_operands = 0 : i64, tpu.core_type = #tpu.core_type<tc>, window_params = [{transform_indices = @transform_0, window_bounds = array<i64: 1, 19, 256, 512>}, {transform_indices = @transform_1, window_bounds = array<i64: 1, 256, 512>}, {transform_indices = @transform_2, window_bounds = array<i64: 1, 256, 512>}, {transform_indices = @transform_3, window_bounds = array<i64: 1, 64, 512>}]} {
    %get3A = arith.constant 0 : index
    %get3A_0 = arith.constant 0 : index
    %get3A_1 = arith.constant 0 : index
    %get3A_2 = arith.constant 0 : index
    %get3A_3 = vector.load %arg1[%get3A, %get3A_0, %get3A_1, %get3A_2] : memref<1x19x256x512xf32, #tpu.memory_space<vmem>>, vector<1x1x256x512xf32>
    %get3A_4 = vector.shape_cast %get3A_3 : vector<1x1x256x512xf32> to vector<256x512xf32>
    %broadcast_in_dim3A = arith.constant 0 : i32
    %broadcast_in_dim3A_5 = vector.broadcast %broadcast_in_dim3A : i32 to vector<256x512xi32>
    %get3A_6 = arith.constant 0 : index
    %get3A_7 = arith.constant 1 : index
    %get3A_8 = arith.constant 0 : index
    %get3A_9 = arith.constant 0 : index
    %get3A_10 = vector.load %arg1[%get3A_6, %get3A_7, %get3A_8, %get3A_9] : memref<1x19x256x512xf32, #tpu.memory_space<vmem>>, vector<1x1x256x512xf32>
    %get3A_11 = vector.shape_cast %get3A_10 : vector<1x1x256x512xf32> to vector<256x512xf32>
    %gt3A = arith.cmpf ogt, %get3A_11, %get3A_4 : vector<256x512xf32>
    %select_n3A = arith.select %gt3A, %get3A_11, %get3A_4 : vector<256x512xi1>, vector<256x512xf32>
    %jit3A = arith.constant 1 : i32
    %broadcast_in_dim3A_12 = vector.broadcast %jit3A : i32 to vector<256x512xi32>
    %select_n3A_13 = arith.select %gt3A, %broadcast_in_dim3A_12, %broadcast_in_dim3A_5 : vector<256x512xi1>, vector<256x512xi32>
    %get3A_14 = arith.constant 0 : index
    %get3A_15 = arith.constant 2 : index
    %get3A_16 = arith.constant 0 : index
    %get3A_17 = arith.constant 0 : index
    %get3A_18 = vector.load %arg1[%get3A_14, %get3A_15, %get3A_16, %get3A_17] : memref<1x19x256x512xf32, #tpu.memory_space<vmem>>, vector<1x1x256x512xf32>
    %get3A_19 = vector.shape_cast %get3A_18 : vector<1x1x256x512xf32> to vector<256x512xf32>
    %gt3A_20 = arith.cmpf ogt, %get3A_19, %select_n3A : vector<256x512xf32>
    %select_n3A_21 = arith.select %gt3A_20, %get3A_19, %select_n3A : vector<256x512xi1>, vector<256x512xf32>
    %jit3A_22 = arith.constant 2 : i32
    %broadcast_in_dim3A_23 = vector.broadcast %jit3A_22 : i32 to vector<256x512xi32>
    %select_n3A_24 = arith.select %gt3A_20, %broadcast_in_dim3A_23, %select_n3A_13 : vector<256x512xi1>, vector<256x512xi32>
    %get3A_25 = arith.constant 0 : index
    %get3A_26 = arith.constant 3 : index
    %get3A_27 = arith.constant 0 : index
    %get3A_28 = arith.constant 0 : index
    %get3A_29 = vector.load %arg1[%get3A_25, %get3A_26, %get3A_27, %get3A_28] : memref<1x19x256x512xf32, #tpu.memory_space<vmem>>, vector<1x1x256x512xf32>
    %get3A_30 = vector.shape_cast %get3A_29 : vector<1x1x256x512xf32> to vector<256x512xf32>
    %gt3A_31 = arith.cmpf ogt, %get3A_30, %select_n3A_21 : vector<256x512xf32>
    %select_n3A_32 = arith.select %gt3A_31, %get3A_30, %select_n3A_21 : vector<256x512xi1>, vector<256x512xf32>
    %jit3A_33 = arith.constant 3 : i32
    %broadcast_in_dim3A_34 = vector.broadcast %jit3A_33 : i32 to vector<256x512xi32>
    %select_n3A_35 = arith.select %gt3A_31, %broadcast_in_dim3A_34, %select_n3A_24 : vector<256x512xi1>, vector<256x512xi32>
    %get3A_36 = arith.constant 0 : index
    %get3A_37 = arith.constant 4 : index
    %get3A_38 = arith.constant 0 : index
    %get3A_39 = arith.constant 0 : index
    %get3A_40 = vector.load %arg1[%get3A_36, %get3A_37, %get3A_38, %get3A_39] : memref<1x19x256x512xf32, #tpu.memory_space<vmem>>, vector<1x1x256x512xf32>
    %get3A_41 = vector.shape_cast %get3A_40 : vector<1x1x256x512xf32> to vector<256x512xf32>
    %gt3A_42 = arith.cmpf ogt, %get3A_41, %select_n3A_32 : vector<256x512xf32>
    %select_n3A_43 = arith.select %gt3A_42, %get3A_41, %select_n3A_32 : vector<256x512xi1>, vector<256x512xf32>
    %jit3A_44 = arith.constant 4 : i32
    %broadcast_in_dim3A_45 = vector.broadcast %jit3A_44 : i32 to vector<256x512xi32>
    %select_n3A_46 = arith.select %gt3A_42, %broadcast_in_dim3A_45, %select_n3A_35 : vector<256x512xi1>, vector<256x512xi32>
    %get3A_47 = arith.constant 0 : index
    %get3A_48 = arith.constant 5 : index
    %get3A_49 = arith.constant 0 : index
    %get3A_50 = arith.constant 0 : index
    %get3A_51 = vector.load %arg1[%get3A_47, %get3A_48, %get3A_49, %get3A_50] : memref<1x19x256x512xf32, #tpu.memory_space<vmem>>, vector<1x1x256x512xf32>
    %get3A_52 = vector.shape_cast %get3A_51 : vector<1x1x256x512xf32> to vector<256x512xf32>
    %gt3A_53 = arith.cmpf ogt, %get3A_52, %select_n3A_43 : vector<256x512xf32>
    %select_n3A_54 = arith.select %gt3A_53, %get3A_52, %select_n3A_43 : vector<256x512xi1>, vector<256x512xf32>
    %jit3A_55 = arith.constant 5 : i32
    %broadcast_in_dim3A_56 = vector.broadcast %jit3A_55 : i32 to vector<256x512xi32>
    %select_n3A_57 = arith.select %gt3A_53, %broadcast_in_dim3A_56, %select_n3A_46 : vector<256x512xi1>, vector<256x512xi32>
    %get3A_58 = arith.constant 0 : index
    %get3A_59 = arith.constant 6 : index
    %get3A_60 = arith.constant 0 : index
    %get3A_61 = arith.constant 0 : index
    %get3A_62 = vector.load %arg1[%get3A_58, %get3A_59, %get3A_60, %get3A_61] : memref<1x19x256x512xf32, #tpu.memory_space<vmem>>, vector<1x1x256x512xf32>
    %get3A_63 = vector.shape_cast %get3A_62 : vector<1x1x256x512xf32> to vector<256x512xf32>
    %gt3A_64 = arith.cmpf ogt, %get3A_63, %select_n3A_54 : vector<256x512xf32>
    %select_n3A_65 = arith.select %gt3A_64, %get3A_63, %select_n3A_54 : vector<256x512xi1>, vector<256x512xf32>
    %jit3A_66 = arith.constant 6 : i32
    %broadcast_in_dim3A_67 = vector.broadcast %jit3A_66 : i32 to vector<256x512xi32>
    %select_n3A_68 = arith.select %gt3A_64, %broadcast_in_dim3A_67, %select_n3A_57 : vector<256x512xi1>, vector<256x512xi32>
    %get3A_69 = arith.constant 0 : index
    %get3A_70 = arith.constant 7 : index
    %get3A_71 = arith.constant 0 : index
    %get3A_72 = arith.constant 0 : index
    %get3A_73 = vector.load %arg1[%get3A_69, %get3A_70, %get3A_71, %get3A_72] : memref<1x19x256x512xf32, #tpu.memory_space<vmem>>, vector<1x1x256x512xf32>
    %get3A_74 = vector.shape_cast %get3A_73 : vector<1x1x256x512xf32> to vector<256x512xf32>
    %gt3A_75 = arith.cmpf ogt, %get3A_74, %select_n3A_65 : vector<256x512xf32>
    %select_n3A_76 = arith.select %gt3A_75, %get3A_74, %select_n3A_65 : vector<256x512xi1>, vector<256x512xf32>
    %jit3A_77 = arith.constant 7 : i32
    %broadcast_in_dim3A_78 = vector.broadcast %jit3A_77 : i32 to vector<256x512xi32>
    %select_n3A_79 = arith.select %gt3A_75, %broadcast_in_dim3A_78, %select_n3A_68 : vector<256x512xi1>, vector<256x512xi32>
    %get3A_80 = arith.constant 0 : index
    %get3A_81 = arith.constant 8 : index
    %get3A_82 = arith.constant 0 : index
    %get3A_83 = arith.constant 0 : index
    %get3A_84 = vector.load %arg1[%get3A_80, %get3A_81, %get3A_82, %get3A_83] : memref<1x19x256x512xf32, #tpu.memory_space<vmem>>, vector<1x1x256x512xf32>
    %get3A_85 = vector.shape_cast %get3A_84 : vector<1x1x256x512xf32> to vector<256x512xf32>
    %gt3A_86 = arith.cmpf ogt, %get3A_85, %select_n3A_76 : vector<256x512xf32>
    %select_n3A_87 = arith.select %gt3A_86, %get3A_85, %select_n3A_76 : vector<256x512xi1>, vector<256x512xf32>
    %jit3A_88 = arith.constant 8 : i32
    %broadcast_in_dim3A_89 = vector.broadcast %jit3A_88 : i32 to vector<256x512xi32>
    %select_n3A_90 = arith.select %gt3A_86, %broadcast_in_dim3A_89, %select_n3A_79 : vector<256x512xi1>, vector<256x512xi32>
    %get3A_91 = arith.constant 0 : index
    %get3A_92 = arith.constant 9 : index
    %get3A_93 = arith.constant 0 : index
    %get3A_94 = arith.constant 0 : index
    %get3A_95 = vector.load %arg1[%get3A_91, %get3A_92, %get3A_93, %get3A_94] : memref<1x19x256x512xf32, #tpu.memory_space<vmem>>, vector<1x1x256x512xf32>
    %get3A_96 = vector.shape_cast %get3A_95 : vector<1x1x256x512xf32> to vector<256x512xf32>
    %gt3A_97 = arith.cmpf ogt, %get3A_96, %select_n3A_87 : vector<256x512xf32>
    %select_n3A_98 = arith.select %gt3A_97, %get3A_96, %select_n3A_87 : vector<256x512xi1>, vector<256x512xf32>
    %jit3A_99 = arith.constant 9 : i32
    %broadcast_in_dim3A_100 = vector.broadcast %jit3A_99 : i32 to vector<256x512xi32>
    %select_n3A_101 = arith.select %gt3A_97, %broadcast_in_dim3A_100, %select_n3A_90 : vector<256x512xi1>, vector<256x512xi32>
    %get3A_102 = arith.constant 0 : index
    %get3A_103 = arith.constant 10 : index
    %get3A_104 = arith.constant 0 : index
    %get3A_105 = arith.constant 0 : index
    %get3A_106 = vector.load %arg1[%get3A_102, %get3A_103, %get3A_104, %get3A_105] : memref<1x19x256x512xf32, #tpu.memory_space<vmem>>, vector<1x1x256x512xf32>
    %get3A_107 = vector.shape_cast %get3A_106 : vector<1x1x256x512xf32> to vector<256x512xf32>
    %gt3A_108 = arith.cmpf ogt, %get3A_107, %select_n3A_98 : vector<256x512xf32>
    %select_n3A_109 = arith.select %gt3A_108, %get3A_107, %select_n3A_98 : vector<256x512xi1>, vector<256x512xf32>
    %jit3A_110 = arith.constant 10 : i32
    %broadcast_in_dim3A_111 = vector.broadcast %jit3A_110 : i32 to vector<256x512xi32>
    %select_n3A_112 = arith.select %gt3A_108, %broadcast_in_dim3A_111, %select_n3A_101 : vector<256x512xi1>, vector<256x512xi32>
    %get3A_113 = arith.constant 0 : index
    %get3A_114 = arith.constant 11 : index
    %get3A_115 = arith.constant 0 : index
    %get3A_116 = arith.constant 0 : index
    %get3A_117 = vector.load %arg1[%get3A_113, %get3A_114, %get3A_115, %get3A_116] : memref<1x19x256x512xf32, #tpu.memory_space<vmem>>, vector<1x1x256x512xf32>
    %get3A_118 = vector.shape_cast %get3A_117 : vector<1x1x256x512xf32> to vector<256x512xf32>
    %gt3A_119 = arith.cmpf ogt, %get3A_118, %select_n3A_109 : vector<256x512xf32>
    %select_n3A_120 = arith.select %gt3A_119, %get3A_118, %select_n3A_109 : vector<256x512xi1>, vector<256x512xf32>
    %jit3A_121 = arith.constant 11 : i32
    %broadcast_in_dim3A_122 = vector.broadcast %jit3A_121 : i32 to vector<256x512xi32>
    %select_n3A_123 = arith.select %gt3A_119, %broadcast_in_dim3A_122, %select_n3A_112 : vector<256x512xi1>, vector<256x512xi32>
    %get3A_124 = arith.constant 0 : index
    %get3A_125 = arith.constant 12 : index
    %get3A_126 = arith.constant 0 : index
    %get3A_127 = arith.constant 0 : index
    %get3A_128 = vector.load %arg1[%get3A_124, %get3A_125, %get3A_126, %get3A_127] : memref<1x19x256x512xf32, #tpu.memory_space<vmem>>, vector<1x1x256x512xf32>
    %get3A_129 = vector.shape_cast %get3A_128 : vector<1x1x256x512xf32> to vector<256x512xf32>
    %gt3A_130 = arith.cmpf ogt, %get3A_129, %select_n3A_120 : vector<256x512xf32>
    %select_n3A_131 = arith.select %gt3A_130, %get3A_129, %select_n3A_120 : vector<256x512xi1>, vector<256x512xf32>
    %jit3A_132 = arith.constant 12 : i32
    %broadcast_in_dim3A_133 = vector.broadcast %jit3A_132 : i32 to vector<256x512xi32>
    %select_n3A_134 = arith.select %gt3A_130, %broadcast_in_dim3A_133, %select_n3A_123 : vector<256x512xi1>, vector<256x512xi32>
    %get3A_135 = arith.constant 0 : index
    %get3A_136 = arith.constant 13 : index
    %get3A_137 = arith.constant 0 : index
    %get3A_138 = arith.constant 0 : index
    %get3A_139 = vector.load %arg1[%get3A_135, %get3A_136, %get3A_137, %get3A_138] : memref<1x19x256x512xf32, #tpu.memory_space<vmem>>, vector<1x1x256x512xf32>
    %get3A_140 = vector.shape_cast %get3A_139 : vector<1x1x256x512xf32> to vector<256x512xf32>
    %gt3A_141 = arith.cmpf ogt, %get3A_140, %select_n3A_131 : vector<256x512xf32>
    %select_n3A_142 = arith.select %gt3A_141, %get3A_140, %select_n3A_131 : vector<256x512xi1>, vector<256x512xf32>
    %jit3A_143 = arith.constant 13 : i32
    %broadcast_in_dim3A_144 = vector.broadcast %jit3A_143 : i32 to vector<256x512xi32>
    %select_n3A_145 = arith.select %gt3A_141, %broadcast_in_dim3A_144, %select_n3A_134 : vector<256x512xi1>, vector<256x512xi32>
    %get3A_146 = arith.constant 0 : index
    %get3A_147 = arith.constant 14 : index
    %get3A_148 = arith.constant 0 : index
    %get3A_149 = arith.constant 0 : index
    %get3A_150 = vector.load %arg1[%get3A_146, %get3A_147, %get3A_148, %get3A_149] : memref<1x19x256x512xf32, #tpu.memory_space<vmem>>, vector<1x1x256x512xf32>
    %get3A_151 = vector.shape_cast %get3A_150 : vector<1x1x256x512xf32> to vector<256x512xf32>
    %gt3A_152 = arith.cmpf ogt, %get3A_151, %select_n3A_142 : vector<256x512xf32>
    %select_n3A_153 = arith.select %gt3A_152, %get3A_151, %select_n3A_142 : vector<256x512xi1>, vector<256x512xf32>
    %jit3A_154 = arith.constant 14 : i32
    %broadcast_in_dim3A_155 = vector.broadcast %jit3A_154 : i32 to vector<256x512xi32>
    %select_n3A_156 = arith.select %gt3A_152, %broadcast_in_dim3A_155, %select_n3A_145 : vector<256x512xi1>, vector<256x512xi32>
    %get3A_157 = arith.constant 0 : index
    %get3A_158 = arith.constant 15 : index
    %get3A_159 = arith.constant 0 : index
    %get3A_160 = arith.constant 0 : index
    %get3A_161 = vector.load %arg1[%get3A_157, %get3A_158, %get3A_159, %get3A_160] : memref<1x19x256x512xf32, #tpu.memory_space<vmem>>, vector<1x1x256x512xf32>
    %get3A_162 = vector.shape_cast %get3A_161 : vector<1x1x256x512xf32> to vector<256x512xf32>
    %gt3A_163 = arith.cmpf ogt, %get3A_162, %select_n3A_153 : vector<256x512xf32>
    %select_n3A_164 = arith.select %gt3A_163, %get3A_162, %select_n3A_153 : vector<256x512xi1>, vector<256x512xf32>
    %jit3A_165 = arith.constant 15 : i32
    %broadcast_in_dim3A_166 = vector.broadcast %jit3A_165 : i32 to vector<256x512xi32>
    %select_n3A_167 = arith.select %gt3A_163, %broadcast_in_dim3A_166, %select_n3A_156 : vector<256x512xi1>, vector<256x512xi32>
    %get3A_168 = arith.constant 0 : index
    %get3A_169 = arith.constant 16 : index
    %get3A_170 = arith.constant 0 : index
    %get3A_171 = arith.constant 0 : index
    %get3A_172 = vector.load %arg1[%get3A_168, %get3A_169, %get3A_170, %get3A_171] : memref<1x19x256x512xf32, #tpu.memory_space<vmem>>, vector<1x1x256x512xf32>
    %get3A_173 = vector.shape_cast %get3A_172 : vector<1x1x256x512xf32> to vector<256x512xf32>
    %gt3A_174 = arith.cmpf ogt, %get3A_173, %select_n3A_164 : vector<256x512xf32>
    %select_n3A_175 = arith.select %gt3A_174, %get3A_173, %select_n3A_164 : vector<256x512xi1>, vector<256x512xf32>
    %jit3A_176 = arith.constant 16 : i32
    %broadcast_in_dim3A_177 = vector.broadcast %jit3A_176 : i32 to vector<256x512xi32>
    %select_n3A_178 = arith.select %gt3A_174, %broadcast_in_dim3A_177, %select_n3A_167 : vector<256x512xi1>, vector<256x512xi32>
    %get3A_179 = arith.constant 0 : index
    %get3A_180 = arith.constant 17 : index
    %get3A_181 = arith.constant 0 : index
    %get3A_182 = arith.constant 0 : index
    %get3A_183 = vector.load %arg1[%get3A_179, %get3A_180, %get3A_181, %get3A_182] : memref<1x19x256x512xf32, #tpu.memory_space<vmem>>, vector<1x1x256x512xf32>
    %get3A_184 = vector.shape_cast %get3A_183 : vector<1x1x256x512xf32> to vector<256x512xf32>
    %gt3A_185 = arith.cmpf ogt, %get3A_184, %select_n3A_175 : vector<256x512xf32>
    %select_n3A_186 = arith.select %gt3A_185, %get3A_184, %select_n3A_175 : vector<256x512xi1>, vector<256x512xf32>
    %jit3A_187 = arith.constant 17 : i32
    %broadcast_in_dim3A_188 = vector.broadcast %jit3A_187 : i32 to vector<256x512xi32>
    %select_n3A_189 = arith.select %gt3A_185, %broadcast_in_dim3A_188, %select_n3A_178 : vector<256x512xi1>, vector<256x512xi32>
    %get3A_190 = arith.constant 0 : index
    %get3A_191 = arith.constant 18 : index
    %get3A_192 = arith.constant 0 : index
    %get3A_193 = arith.constant 0 : index
    %get3A_194 = vector.load %arg1[%get3A_190, %get3A_191, %get3A_192, %get3A_193] : memref<1x19x256x512xf32, #tpu.memory_space<vmem>>, vector<1x1x256x512xf32>
    %get3A_195 = vector.shape_cast %get3A_194 : vector<1x1x256x512xf32> to vector<256x512xf32>
    %gt3A_196 = arith.cmpf ogt, %get3A_195, %select_n3A_186 : vector<256x512xf32>
    %select_n3A_197 = arith.select %gt3A_196, %get3A_195, %select_n3A_186 : vector<256x512xi1>, vector<256x512xf32>
    %jit3A_198 = arith.constant 18 : i32
    %broadcast_in_dim3A_199 = vector.broadcast %jit3A_198 : i32 to vector<256x512xi32>
    %select_n3A_200 = arith.select %gt3A_196, %broadcast_in_dim3A_199, %select_n3A_189 : vector<256x512xi1>, vector<256x512xi32>
    %get3A_201 = arith.constant 0 : index
    %get3A_202 = arith.constant 0 : index
    %get3A_203 = arith.constant 0 : index
    %get3A_204 = arith.constant 0 : index
    %get3A_205 = vector.load %arg1[%get3A_201, %get3A_202, %get3A_203, %get3A_204] : memref<1x19x256x512xf32, #tpu.memory_space<vmem>>, vector<1x1x256x512xf32>
    %get3A_206 = vector.shape_cast %get3A_205 : vector<1x1x256x512xf32> to vector<256x512xf32>
    %sub3A = arith.subf %get3A_206, %select_n3A_197 : vector<256x512xf32>
    %exp3A = math.exp %sub3A : vector<256x512xf32>
    %get3A_207 = arith.constant 0 : index
    %get3A_208 = arith.constant 1 : index
    %get3A_209 = arith.constant 0 : index
    %get3A_210 = arith.constant 0 : index
    %get3A_211 = vector.load %arg1[%get3A_207, %get3A_208, %get3A_209, %get3A_210] : memref<1x19x256x512xf32, #tpu.memory_space<vmem>>, vector<1x1x256x512xf32>
    %get3A_212 = vector.shape_cast %get3A_211 : vector<1x1x256x512xf32> to vector<256x512xf32>
    %sub3A_213 = arith.subf %get3A_212, %select_n3A_197 : vector<256x512xf32>
    %exp3A_214 = math.exp %sub3A_213 : vector<256x512xf32>
    %add3A = arith.addf %exp3A, %exp3A_214 : vector<256x512xf32>
    %get3A_215 = arith.constant 0 : index
    %get3A_216 = arith.constant 2 : index
    %get3A_217 = arith.constant 0 : index
    %get3A_218 = arith.constant 0 : index
    %get3A_219 = vector.load %arg1[%get3A_215, %get3A_216, %get3A_217, %get3A_218] : memref<1x19x256x512xf32, #tpu.memory_space<vmem>>, vector<1x1x256x512xf32>
    %get3A_220 = vector.shape_cast %get3A_219 : vector<1x1x256x512xf32> to vector<256x512xf32>
    %sub3A_221 = arith.subf %get3A_220, %select_n3A_197 : vector<256x512xf32>
    %exp3A_222 = math.exp %sub3A_221 : vector<256x512xf32>
    %add3A_223 = arith.addf %add3A, %exp3A_222 : vector<256x512xf32>
    %get3A_224 = arith.constant 0 : index
    %get3A_225 = arith.constant 3 : index
    %get3A_226 = arith.constant 0 : index
    %get3A_227 = arith.constant 0 : index
    %get3A_228 = vector.load %arg1[%get3A_224, %get3A_225, %get3A_226, %get3A_227] : memref<1x19x256x512xf32, #tpu.memory_space<vmem>>, vector<1x1x256x512xf32>
    %get3A_229 = vector.shape_cast %get3A_228 : vector<1x1x256x512xf32> to vector<256x512xf32>
    %sub3A_230 = arith.subf %get3A_229, %select_n3A_197 : vector<256x512xf32>
    %exp3A_231 = math.exp %sub3A_230 : vector<256x512xf32>
    %add3A_232 = arith.addf %add3A_223, %exp3A_231 : vector<256x512xf32>
    %get3A_233 = arith.constant 0 : index
    %get3A_234 = arith.constant 4 : index
    %get3A_235 = arith.constant 0 : index
    %get3A_236 = arith.constant 0 : index
    %get3A_237 = vector.load %arg1[%get3A_233, %get3A_234, %get3A_235, %get3A_236] : memref<1x19x256x512xf32, #tpu.memory_space<vmem>>, vector<1x1x256x512xf32>
    %get3A_238 = vector.shape_cast %get3A_237 : vector<1x1x256x512xf32> to vector<256x512xf32>
    %sub3A_239 = arith.subf %get3A_238, %select_n3A_197 : vector<256x512xf32>
    %exp3A_240 = math.exp %sub3A_239 : vector<256x512xf32>
    %add3A_241 = arith.addf %add3A_232, %exp3A_240 : vector<256x512xf32>
    %get3A_242 = arith.constant 0 : index
    %get3A_243 = arith.constant 5 : index
    %get3A_244 = arith.constant 0 : index
    %get3A_245 = arith.constant 0 : index
    %get3A_246 = vector.load %arg1[%get3A_242, %get3A_243, %get3A_244, %get3A_245] : memref<1x19x256x512xf32, #tpu.memory_space<vmem>>, vector<1x1x256x512xf32>
    %get3A_247 = vector.shape_cast %get3A_246 : vector<1x1x256x512xf32> to vector<256x512xf32>
    %sub3A_248 = arith.subf %get3A_247, %select_n3A_197 : vector<256x512xf32>
    %exp3A_249 = math.exp %sub3A_248 : vector<256x512xf32>
    %add3A_250 = arith.addf %add3A_241, %exp3A_249 : vector<256x512xf32>
    %get3A_251 = arith.constant 0 : index
    %get3A_252 = arith.constant 6 : index
    %get3A_253 = arith.constant 0 : index
    %get3A_254 = arith.constant 0 : index
    %get3A_255 = vector.load %arg1[%get3A_251, %get3A_252, %get3A_253, %get3A_254] : memref<1x19x256x512xf32, #tpu.memory_space<vmem>>, vector<1x1x256x512xf32>
    %get3A_256 = vector.shape_cast %get3A_255 : vector<1x1x256x512xf32> to vector<256x512xf32>
    %sub3A_257 = arith.subf %get3A_256, %select_n3A_197 : vector<256x512xf32>
    %exp3A_258 = math.exp %sub3A_257 : vector<256x512xf32>
    %add3A_259 = arith.addf %add3A_250, %exp3A_258 : vector<256x512xf32>
    %get3A_260 = arith.constant 0 : index
    %get3A_261 = arith.constant 7 : index
    %get3A_262 = arith.constant 0 : index
    %get3A_263 = arith.constant 0 : index
    %get3A_264 = vector.load %arg1[%get3A_260, %get3A_261, %get3A_262, %get3A_263] : memref<1x19x256x512xf32, #tpu.memory_space<vmem>>, vector<1x1x256x512xf32>
    %get3A_265 = vector.shape_cast %get3A_264 : vector<1x1x256x512xf32> to vector<256x512xf32>
    %sub3A_266 = arith.subf %get3A_265, %select_n3A_197 : vector<256x512xf32>
    %exp3A_267 = math.exp %sub3A_266 : vector<256x512xf32>
    %add3A_268 = arith.addf %add3A_259, %exp3A_267 : vector<256x512xf32>
    %get3A_269 = arith.constant 0 : index
    %get3A_270 = arith.constant 8 : index
    %get3A_271 = arith.constant 0 : index
    %get3A_272 = arith.constant 0 : index
    %get3A_273 = vector.load %arg1[%get3A_269, %get3A_270, %get3A_271, %get3A_272] : memref<1x19x256x512xf32, #tpu.memory_space<vmem>>, vector<1x1x256x512xf32>
    %get3A_274 = vector.shape_cast %get3A_273 : vector<1x1x256x512xf32> to vector<256x512xf32>
    %sub3A_275 = arith.subf %get3A_274, %select_n3A_197 : vector<256x512xf32>
    %exp3A_276 = math.exp %sub3A_275 : vector<256x512xf32>
    %add3A_277 = arith.addf %add3A_268, %exp3A_276 : vector<256x512xf32>
    %get3A_278 = arith.constant 0 : index
    %get3A_279 = arith.constant 9 : index
    %get3A_280 = arith.constant 0 : index
    %get3A_281 = arith.constant 0 : index
    %get3A_282 = vector.load %arg1[%get3A_278, %get3A_279, %get3A_280, %get3A_281] : memref<1x19x256x512xf32, #tpu.memory_space<vmem>>, vector<1x1x256x512xf32>
    %get3A_283 = vector.shape_cast %get3A_282 : vector<1x1x256x512xf32> to vector<256x512xf32>
    %sub3A_284 = arith.subf %get3A_283, %select_n3A_197 : vector<256x512xf32>
    %exp3A_285 = math.exp %sub3A_284 : vector<256x512xf32>
    %add3A_286 = arith.addf %add3A_277, %exp3A_285 : vector<256x512xf32>
    %get3A_287 = arith.constant 0 : index
    %get3A_288 = arith.constant 10 : index
    %get3A_289 = arith.constant 0 : index
    %get3A_290 = arith.constant 0 : index
    %get3A_291 = vector.load %arg1[%get3A_287, %get3A_288, %get3A_289, %get3A_290] : memref<1x19x256x512xf32, #tpu.memory_space<vmem>>, vector<1x1x256x512xf32>
    %get3A_292 = vector.shape_cast %get3A_291 : vector<1x1x256x512xf32> to vector<256x512xf32>
    %sub3A_293 = arith.subf %get3A_292, %select_n3A_197 : vector<256x512xf32>
    %exp3A_294 = math.exp %sub3A_293 : vector<256x512xf32>
    %add3A_295 = arith.addf %add3A_286, %exp3A_294 : vector<256x512xf32>
    %get3A_296 = arith.constant 0 : index
    %get3A_297 = arith.constant 11 : index
    %get3A_298 = arith.constant 0 : index
    %get3A_299 = arith.constant 0 : index
    %get3A_300 = vector.load %arg1[%get3A_296, %get3A_297, %get3A_298, %get3A_299] : memref<1x19x256x512xf32, #tpu.memory_space<vmem>>, vector<1x1x256x512xf32>
    %get3A_301 = vector.shape_cast %get3A_300 : vector<1x1x256x512xf32> to vector<256x512xf32>
    %sub3A_302 = arith.subf %get3A_301, %select_n3A_197 : vector<256x512xf32>
    %exp3A_303 = math.exp %sub3A_302 : vector<256x512xf32>
    %add3A_304 = arith.addf %add3A_295, %exp3A_303 : vector<256x512xf32>
    %get3A_305 = arith.constant 0 : index
    %get3A_306 = arith.constant 12 : index
    %get3A_307 = arith.constant 0 : index
    %get3A_308 = arith.constant 0 : index
    %get3A_309 = vector.load %arg1[%get3A_305, %get3A_306, %get3A_307, %get3A_308] : memref<1x19x256x512xf32, #tpu.memory_space<vmem>>, vector<1x1x256x512xf32>
    %get3A_310 = vector.shape_cast %get3A_309 : vector<1x1x256x512xf32> to vector<256x512xf32>
    %sub3A_311 = arith.subf %get3A_310, %select_n3A_197 : vector<256x512xf32>
    %exp3A_312 = math.exp %sub3A_311 : vector<256x512xf32>
    %add3A_313 = arith.addf %add3A_304, %exp3A_312 : vector<256x512xf32>
    %get3A_314 = arith.constant 0 : index
    %get3A_315 = arith.constant 13 : index
    %get3A_316 = arith.constant 0 : index
    %get3A_317 = arith.constant 0 : index
    %get3A_318 = vector.load %arg1[%get3A_314, %get3A_315, %get3A_316, %get3A_317] : memref<1x19x256x512xf32, #tpu.memory_space<vmem>>, vector<1x1x256x512xf32>
    %get3A_319 = vector.shape_cast %get3A_318 : vector<1x1x256x512xf32> to vector<256x512xf32>
    %sub3A_320 = arith.subf %get3A_319, %select_n3A_197 : vector<256x512xf32>
    %exp3A_321 = math.exp %sub3A_320 : vector<256x512xf32>
    %add3A_322 = arith.addf %add3A_313, %exp3A_321 : vector<256x512xf32>
    %get3A_323 = arith.constant 0 : index
    %get3A_324 = arith.constant 14 : index
    %get3A_325 = arith.constant 0 : index
    %get3A_326 = arith.constant 0 : index
    %get3A_327 = vector.load %arg1[%get3A_323, %get3A_324, %get3A_325, %get3A_326] : memref<1x19x256x512xf32, #tpu.memory_space<vmem>>, vector<1x1x256x512xf32>
    %get3A_328 = vector.shape_cast %get3A_327 : vector<1x1x256x512xf32> to vector<256x512xf32>
    %sub3A_329 = arith.subf %get3A_328, %select_n3A_197 : vector<256x512xf32>
    %exp3A_330 = math.exp %sub3A_329 : vector<256x512xf32>
    %add3A_331 = arith.addf %add3A_322, %exp3A_330 : vector<256x512xf32>
    %get3A_332 = arith.constant 0 : index
    %get3A_333 = arith.constant 15 : index
    %get3A_334 = arith.constant 0 : index
    %get3A_335 = arith.constant 0 : index
    %get3A_336 = vector.load %arg1[%get3A_332, %get3A_333, %get3A_334, %get3A_335] : memref<1x19x256x512xf32, #tpu.memory_space<vmem>>, vector<1x1x256x512xf32>
    %get3A_337 = vector.shape_cast %get3A_336 : vector<1x1x256x512xf32> to vector<256x512xf32>
    %sub3A_338 = arith.subf %get3A_337, %select_n3A_197 : vector<256x512xf32>
    %exp3A_339 = math.exp %sub3A_338 : vector<256x512xf32>
    %add3A_340 = arith.addf %add3A_331, %exp3A_339 : vector<256x512xf32>
    %get3A_341 = arith.constant 0 : index
    %get3A_342 = arith.constant 16 : index
    %get3A_343 = arith.constant 0 : index
    %get3A_344 = arith.constant 0 : index
    %get3A_345 = vector.load %arg1[%get3A_341, %get3A_342, %get3A_343, %get3A_344] : memref<1x19x256x512xf32, #tpu.memory_space<vmem>>, vector<1x1x256x512xf32>
    %get3A_346 = vector.shape_cast %get3A_345 : vector<1x1x256x512xf32> to vector<256x512xf32>
    %sub3A_347 = arith.subf %get3A_346, %select_n3A_197 : vector<256x512xf32>
    %exp3A_348 = math.exp %sub3A_347 : vector<256x512xf32>
    %add3A_349 = arith.addf %add3A_340, %exp3A_348 : vector<256x512xf32>
    %get3A_350 = arith.constant 0 : index
    %get3A_351 = arith.constant 17 : index
    %get3A_352 = arith.constant 0 : index
    %get3A_353 = arith.constant 0 : index
    %get3A_354 = vector.load %arg1[%get3A_350, %get3A_351, %get3A_352, %get3A_353] : memref<1x19x256x512xf32, #tpu.memory_space<vmem>>, vector<1x1x256x512xf32>
    %get3A_355 = vector.shape_cast %get3A_354 : vector<1x1x256x512xf32> to vector<256x512xf32>
    %sub3A_356 = arith.subf %get3A_355, %select_n3A_197 : vector<256x512xf32>
    %exp3A_357 = math.exp %sub3A_356 : vector<256x512xf32>
    %add3A_358 = arith.addf %add3A_349, %exp3A_357 : vector<256x512xf32>
    %get3A_359 = arith.constant 0 : index
    %get3A_360 = arith.constant 18 : index
    %get3A_361 = arith.constant 0 : index
    %get3A_362 = arith.constant 0 : index
    %get3A_363 = vector.load %arg1[%get3A_359, %get3A_360, %get3A_361, %get3A_362] : memref<1x19x256x512xf32, #tpu.memory_space<vmem>>, vector<1x1x256x512xf32>
    %get3A_364 = vector.shape_cast %get3A_363 : vector<1x1x256x512xf32> to vector<256x512xf32>
    %sub3A_365 = arith.subf %get3A_364, %select_n3A_197 : vector<256x512xf32>
    %exp3A_366 = math.exp %sub3A_365 : vector<256x512xf32>
    %add3A_367 = arith.addf %add3A_358, %exp3A_366 : vector<256x512xf32>
    %div3A = arith.constant 1.000000e+00 : f32
    %div3A_368 = vector.broadcast %div3A : f32 to vector<256x512xf32>
    %div3A_369 = arith.divf %div3A_368, %add3A_367 : vector<256x512xf32>
    %swap3A = arith.constant 0 : index
    %swap3A_370 = arith.constant 0 : index
    %swap3A_371 = arith.constant 0 : index
    %swap3A_372 = vector.load %arg2[%swap3A, %swap3A_370, %swap3A_371] : memref<1x256x512xi32, #tpu.memory_space<vmem>>, vector<1x256x512xi32>
    %swap3A_373 = vector.shape_cast %swap3A_372 : vector<1x256x512xi32> to vector<256x512xi32>
    %swap3A_374 = vector.shape_cast %select_n3A_200 : vector<256x512xi32> to vector<1x256x512xi32>
    tpu.vector_store %arg2[%swap3A, %swap3A_370, %swap3A_371], %swap3A_374 {strides = array<i32>} : memref<1x256x512xi32, #tpu.memory_space<vmem>>, vector<1x256x512xi32>,
    %swap3A_375 = arith.constant 0 : index
    %swap3A_376 = arith.constant 0 : index
    %swap3A_377 = arith.constant 0 : index
    %swap3A_378 = vector.load %arg3[%swap3A_375, %swap3A_376, %swap3A_377] : memref<1x256x512xf32, #tpu.memory_space<vmem>>, vector<1x256x512xf32>
    %swap3A_379 = vector.shape_cast %swap3A_378 : vector<1x256x512xf32> to vector<256x512xf32>
    %swap3A_380 = vector.shape_cast %div3A_369 : vector<256x512xf32> to vector<1x256x512xf32>
    tpu.vector_store %arg3[%swap3A_375, %swap3A_376, %swap3A_377], %swap3A_380 {strides = array<i32>} : memref<1x256x512xf32, #tpu.memory_space<vmem>>, vector<1x256x512xf32>,
    %gt3A_381 = arith.constant 6.000000e-01 : f32
    %gt3A_382 = vector.broadcast %gt3A_381 : f32 to vector<256x512xf32>
    %gt3A_383 = arith.cmpf ogt, %div3A_369, %gt3A_382 : vector<256x512xf32>
    %jit3A_384 = arith.constant 19 : i32
    %broadcast_in_dim3A_385 = vector.broadcast %jit3A_384 : i32 to vector<256x512xi32>
    %select_n3A_386 = arith.select %gt3A_383, %select_n3A_200, %broadcast_in_dim3A_385 : vector<256x512xi1>, vector<256x512xi32>
    %slice3A = vector.extract_strided_slice %select_n3A_386 {offsets = [0, 0], sizes = [64, 512], strides = [1, 1]} : vector<256x512xi32> to vector<64x512xi32>
    %slice3A_387 = vector.extract_strided_slice %select_n3A_386 {offsets = [64, 0], sizes = [64, 512], strides = [1, 1]} : vector<256x512xi32> to vector<64x512xi32>
    %shift_left3A = arith.constant 8 : i32
    %shift_left3A_388 = vector.broadcast %shift_left3A : i32 to vector<64x512xi32>
    %shift_left3A_389 = arith.shli %slice3A_387, %shift_left3A_388 : vector<64x512xi32>
    %or3A = arith.ori %slice3A, %shift_left3A_389 : vector<64x512xi32>
    %slice3A_390 = vector.extract_strided_slice %select_n3A_386 {offsets = [128, 0], sizes = [64, 512], strides = [1, 1]} : vector<256x512xi32> to vector<64x512xi32>
    %shift_left3A_391 = arith.constant 16 : i32
    %shift_left3A_392 = vector.broadcast %shift_left3A_391 : i32 to vector<64x512xi32>
    %shift_left3A_393 = arith.shli %slice3A_390, %shift_left3A_392 : vector<64x512xi32>
    %or3A_394 = arith.ori %or3A, %shift_left3A_393 : vector<64x512xi32>
    %slice3A_395 = vector.extract_strided_slice %select_n3A_386 {offsets = [192, 0], sizes = [64, 512], strides = [1, 1]} : vector<256x512xi32> to vector<64x512xi32>
    %shift_left3A_396 = arith.constant 24 : i32
    %shift_left3A_397 = vector.broadcast %shift_left3A_396 : i32 to vector<64x512xi32>
    %shift_left3A_398 = arith.shli %slice3A_395, %shift_left3A_397 : vector<64x512xi32>
    %or3A_399 = arith.ori %or3A_394, %shift_left3A_398 : vector<64x512xi32>
    %swap3A_400 = arith.constant 0 : index
    %swap3A_401 = arith.constant 0 : index
    %swap3A_402 = arith.constant 0 : index
    %swap3A_403 = vector.load %arg4[%swap3A_400, %swap3A_401, %swap3A_402] : memref<1x64x512xi32, #tpu.memory_space<vmem>>, vector<1x64x512xi32>
    %swap3A_404 = vector.shape_cast %swap3A_403 : vector<1x64x512xi32> to vector<64x512xi32>
    %swap3A_405 = vector.shape_cast %or3A_399 : vector<64x512xi32> to vector<1x64x512xi32>
    tpu.vector_store %arg4[%swap3A_400, %swap3A_401, %swap3A_402], %swap3A_405 {strides = array<i32>} : memref<1x64x512xi32, #tpu.memory_space<vmem>>, vector<1x64x512xi32>,
    return
  }
  func.func @transform_0(%arg0: i32) -> (i32, i32, i32, i32) {
    %jit3A = arith.constant 2 : i32
    %div3A = arith.divsi %arg0, %jit3A : i32
    %sign3A = arith.constant 0 : i32
    %sign3A_0 = arith.cmpi sgt, %arg0, %sign3A : i32
    %sign3A_1 = arith.extui %sign3A_0 : i1 to i32
    %sign3A_2 = arith.constant 0 : i32
    %sign3A_3 = arith.cmpi slt, %arg0, %sign3A_2 : i32
    %sign3A_4 = arith.extui %sign3A_3 : i1 to i32
    %sign3A_5 = arith.subi %sign3A_1, %sign3A_4 : i32
    %sign3A_6 = arith.constant 0 : i32
    %sign3A_7 = arith.cmpi sgt, %jit3A, %sign3A_6 : i32
    %sign3A_8 = arith.extui %sign3A_7 : i1 to i32
    %sign3A_9 = arith.constant 0 : i32
    %sign3A_10 = arith.cmpi slt, %jit3A, %sign3A_9 : i32
    %sign3A_11 = arith.extui %sign3A_10 : i1 to i32
    %sign3A_12 = arith.subi %sign3A_8, %sign3A_11 : i32
    %ne3A = arith.cmpi ne, %sign3A_5, %sign3A_12 : i32
    %rem3A = arith.remsi %arg0, %jit3A : i32
    %ne3A_13 = arith.constant 0 : i32
    %ne3A_14 = arith.cmpi ne, %rem3A, %ne3A_13 : i32
    %and3A = arith.andi %ne3A, %ne3A_14 : i1
    %sub3A = arith.constant 1 : i32
    %sub3A_15 = arith.subi %div3A, %sub3A : i32
    %select_n3A = arith.select %and3A, %sub3A_15, %div3A : i32
    %jit3A_16 = arith.constant 2 : i32
    %eq3A = arith.constant 0 : i32
    %eq3A_17 = arith.cmpi eq, %jit3A_16, %eq3A : i32
    %jit3A_18 = arith.constant 1 : i32
    %select_n3A_19 = arith.select %eq3A_17, %jit3A_18, %jit3A_16 : i32
    %rem3A_20 = arith.remsi %arg0, %select_n3A_19 : i32
    %ne3A_21 = arith.constant 0 : i32
    %ne3A_22 = arith.cmpi ne, %rem3A_20, %ne3A_21 : i32
    %lt3A = arith.constant 0 : i32
    %lt3A_23 = arith.cmpi slt, %rem3A_20, %lt3A : i32
    %lt3A_24 = arith.constant 0 : i32
    %lt3A_25 = arith.cmpi slt, %select_n3A_19, %lt3A_24 : i32
    %ne3A_26 = arith.xori %lt3A_23, %lt3A_25 : i1
    %and3A_27 = arith.andi %ne3A_26, %ne3A_22 : i1
    %add3A = arith.addi %rem3A_20, %select_n3A_19 : i32
    %select_n3A_28 = arith.select %and3A_27, %add3A, %rem3A_20 : i32
    %c0_i32 = arith.constant 0 : i32
    %c0_i32_29 = arith.constant 0 : i32
    %c0_i32_30 = arith.constant 0 : i32
    return %select_n3A, %c0_i32, %select_n3A_28, %c0_i32_29 : i32, i32, i32, i32
  }
  func.func @transform_1(%arg0: i32) -> (i32, i32, i32) {
    %jit3A = arith.constant 2 : i32
    %div3A = arith.divsi %arg0, %jit3A : i32
    %sign3A = arith.constant 0 : i32
    %sign3A_0 = arith.cmpi sgt, %arg0, %sign3A : i32
    %sign3A_1 = arith.extui %sign3A_0 : i1 to i32
    %sign3A_2 = arith.constant 0 : i32
    %sign3A_3 = arith.cmpi slt, %arg0, %sign3A_2 : i32
    %sign3A_4 = arith.extui %sign3A_3 : i1 to i32
    %sign3A_5 = arith.subi %sign3A_1, %sign3A_4 : i32
    %sign3A_6 = arith.constant 0 : i32
    %sign3A_7 = arith.cmpi sgt, %jit3A, %sign3A_6 : i32
    %sign3A_8 = arith.extui %sign3A_7 : i1 to i32
    %sign3A_9 = arith.constant 0 : i32
    %sign3A_10 = arith.cmpi slt, %jit3A, %sign3A_9 : i32
    %sign3A_11 = arith.extui %sign3A_10 : i1 to i32
    %sign3A_12 = arith.subi %sign3A_8, %sign3A_11 : i32
    %ne3A = arith.cmpi ne, %sign3A_5, %sign3A_12 : i32
    %rem3A = arith.remsi %arg0, %jit3A : i32
    %ne3A_13 = arith.constant 0 : i32
    %ne3A_14 = arith.cmpi ne, %rem3A, %ne3A_13 : i32
    %and3A = arith.andi %ne3A, %ne3A_14 : i1
    %sub3A = arith.constant 1 : i32
    %sub3A_15 = arith.subi %div3A, %sub3A : i32
    %select_n3A = arith.select %and3A, %sub3A_15, %div3A : i32
    %jit3A_16 = arith.constant 2 : i32
    %eq3A = arith.constant 0 : i32
    %eq3A_17 = arith.cmpi eq, %jit3A_16, %eq3A : i32
    %jit3A_18 = arith.constant 1 : i32
    %select_n3A_19 = arith.select %eq3A_17, %jit3A_18, %jit3A_16 : i32
    %rem3A_20 = arith.remsi %arg0, %select_n3A_19 : i32
    %ne3A_21 = arith.constant 0 : i32
    %ne3A_22 = arith.cmpi ne, %rem3A_20, %ne3A_21 : i32
    %lt3A = arith.constant 0 : i32
    %lt3A_23 = arith.cmpi slt, %rem3A_20, %lt3A : i32
    %lt3A_24 = arith.constant 0 : i32
    %lt3A_25 = arith.cmpi slt, %select_n3A_19, %lt3A_24 : i32
    %ne3A_26 = arith.xori %lt3A_23, %lt3A_25 : i1
    %and3A_27 = arith.andi %ne3A_26, %ne3A_22 : i1
    %add3A = arith.addi %rem3A_20, %select_n3A_19 : i32
    %select_n3A_28 = arith.select %and3A_27, %add3A, %rem3A_20 : i32
    %c0_i32 = arith.constant 0 : i32
    %c0_i32_29 = arith.constant 0 : i32
    return %select_n3A, %select_n3A_28, %c0_i32 : i32, i32, i32
  }
  func.func @transform_2(%arg0: i32) -> (i32, i32, i32) {
    %jit3A = arith.constant 2 : i32
    %div3A = arith.divsi %arg0, %jit3A : i32
    %sign3A = arith.constant 0 : i32
    %sign3A_0 = arith.cmpi sgt, %arg0, %sign3A : i32
    %sign3A_1 = arith.extui %sign3A_0 : i1 to i32
    %sign3A_2 = arith.constant 0 : i32
    %sign3A_3 = arith.cmpi slt, %arg0, %sign3A_2 : i32
    %sign3A_4 = arith.extui %sign3A_3 : i1 to i32
    %sign3A_5 = arith.subi %sign3A_1, %sign3A_4 : i32
    %sign3A_6 = arith.constant 0 : i32
    %sign3A_7 = arith.cmpi sgt, %jit3A, %sign3A_6 : i32
    %sign3A_8 = arith.extui %sign3A_7 : i1 to i32
    %sign3A_9 = arith.constant 0 : i32
    %sign3A_10 = arith.cmpi slt, %jit3A, %sign3A_9 : i32
    %sign3A_11 = arith.extui %sign3A_10 : i1 to i32
    %sign3A_12 = arith.subi %sign3A_8, %sign3A_11 : i32
    %ne3A = arith.cmpi ne, %sign3A_5, %sign3A_12 : i32
    %rem3A = arith.remsi %arg0, %jit3A : i32
    %ne3A_13 = arith.constant 0 : i32
    %ne3A_14 = arith.cmpi ne, %rem3A, %ne3A_13 : i32
    %and3A = arith.andi %ne3A, %ne3A_14 : i1
    %sub3A = arith.constant 1 : i32
    %sub3A_15 = arith.subi %div3A, %sub3A : i32
    %select_n3A = arith.select %and3A, %sub3A_15, %div3A : i32
    %jit3A_16 = arith.constant 2 : i32
    %eq3A = arith.constant 0 : i32
    %eq3A_17 = arith.cmpi eq, %jit3A_16, %eq3A : i32
    %jit3A_18 = arith.constant 1 : i32
    %select_n3A_19 = arith.select %eq3A_17, %jit3A_18, %jit3A_16 : i32
    %rem3A_20 = arith.remsi %arg0, %select_n3A_19 : i32
    %ne3A_21 = arith.constant 0 : i32
    %ne3A_22 = arith.cmpi ne, %rem3A_20, %ne3A_21 : i32
    %lt3A = arith.constant 0 : i32
    %lt3A_23 = arith.cmpi slt, %rem3A_20, %lt3A : i32
    %lt3A_24 = arith.constant 0 : i32
    %lt3A_25 = arith.cmpi slt, %select_n3A_19, %lt3A_24 : i32
    %ne3A_26 = arith.xori %lt3A_23, %lt3A_25 : i1
    %and3A_27 = arith.andi %ne3A_26, %ne3A_22 : i1
    %add3A = arith.addi %rem3A_20, %select_n3A_19 : i32
    %select_n3A_28 = arith.select %and3A_27, %add3A, %rem3A_20 : i32
    %c0_i32 = arith.constant 0 : i32
    %c0_i32_29 = arith.constant 0 : i32
    return %select_n3A, %select_n3A_28, %c0_i32 : i32, i32, i32
  }
  func.func @transform_3(%arg0: i32) -> (i32, i32, i32) {
    %jit3A = arith.constant 2 : i32
    %div3A = arith.divsi %arg0, %jit3A : i32
    %sign3A = arith.constant 0 : i32
    %sign3A_0 = arith.cmpi sgt, %arg0, %sign3A : i32
    %sign3A_1 = arith.extui %sign3A_0 : i1 to i32
    %sign3A_2 = arith.constant 0 : i32
    %sign3A_3 = arith.cmpi slt, %arg0, %sign3A_2 : i32
    %sign3A_4 = arith.extui %sign3A_3 : i1 to i32
    %sign3A_5 = arith.subi %sign3A_1, %sign3A_4 : i32
    %sign3A_6 = arith.constant 0 : i32
    %sign3A_7 = arith.cmpi sgt, %jit3A, %sign3A_6 : i32
    %sign3A_8 = arith.extui %sign3A_7 : i1 to i32
    %sign3A_9 = arith.constant 0 : i32
    %sign3A_10 = arith.cmpi slt, %jit3A, %sign3A_9 : i32
    %sign3A_11 = arith.extui %sign3A_10 : i1 to i32
    %sign3A_12 = arith.subi %sign3A_8, %sign3A_11 : i32
    %ne3A = arith.cmpi ne, %sign3A_5, %sign3A_12 : i32
    %rem3A = arith.remsi %arg0, %jit3A : i32
    %ne3A_13 = arith.constant 0 : i32
    %ne3A_14 = arith.cmpi ne, %rem3A, %ne3A_13 : i32
    %and3A = arith.andi %ne3A, %ne3A_14 : i1
    %sub3A = arith.constant 1 : i32
    %sub3A_15 = arith.subi %div3A, %sub3A : i32
    %select_n3A = arith.select %and3A, %sub3A_15, %div3A : i32
    %jit3A_16 = arith.constant 2 : i32
    %eq3A = arith.constant 0 : i32
    %eq3A_17 = arith.cmpi eq, %jit3A_16, %eq3A : i32
    %jit3A_18 = arith.constant 1 : i32
    %select_n3A_19 = arith.select %eq3A_17, %jit3A_18, %jit3A_16 : i32
    %rem3A_20 = arith.remsi %arg0, %select_n3A_19 : i32
    %ne3A_21 = arith.constant 0 : i32
    %ne3A_22 = arith.cmpi ne, %rem3A_20, %ne3A_21 : i32
    %lt3A = arith.constant 0 : i32
    %lt3A_23 = arith.cmpi slt, %rem3A_20, %lt3A : i32
    %lt3A_24 = arith.constant 0 : i32
    %lt3A_25 = arith.cmpi slt, %select_n3A_19, %lt3A_24 : i32
    %ne3A_26 = arith.xori %lt3A_23, %lt3A_25 : i1
    %and3A_27 = arith.andi %ne3A_26, %ne3A_22 : i1
    %add3A = arith.addi %rem3A_20, %select_n3A_19 : i32
    %select_n3A_28 = arith.select %and3A_27, %add3A, %rem3A_20 : i32
    %c0_i32 = arith.constant 0 : i32
    %c0_i32_29 = arith.constant 0 : i32
    return %select_n3A, %select_n3A_28, %c0_i32 : i32, i32, i32
  }
}

module attributes {stable_mosaic.version = 14 : i64} {
  func.func @_final_body(%arg0: i32, %arg1: memref<32x32xf32, #tpu.memory_space<vmem>>, %arg2: memref<1x256x512xf32, #tpu.memory_space<vmem>>, %arg3: memref<1x256x512xi32, #tpu.memory_space<vmem>>, %arg4: memref<1x256x512xi32, #tpu.memory_space<vmem>>, %arg5: memref<1x19xf32, #tpu.memory_space<vmem>>) attributes {dimension_semantics = [#tpu.dimension_semantics<arbitrary>], iteration_bounds = array<i64: 16>, scalar_prefetch = 0 : i64, scratch_operands = 0 : i64, tpu.core_type = #tpu.core_type<tc>, window_params = [{pipeline_mode = #tpu.pipeline_mode<synchronous>, transform_indices = @transform_0, window_bounds = array<i64: 32, 32>}, {transform_indices = @transform_1, window_bounds = array<i64: 1, 256, 512>}, {transform_indices = @transform_2, window_bounds = array<i64: 1, 256, 512>}, {transform_indices = @transform_3, window_bounds = array<i64: 1, 256, 512>}, {pipeline_mode = #tpu.pipeline_mode<synchronous>, transform_indices = @transform_4, window_bounds = array<i64: 1, 19>}]} {
    %get3A = arith.constant 0 : index
    %get3A_0 = arith.constant 0 : index
    %get3A_1 = vector.load %arg1[%get3A, %get3A_0] : memref<32x32xf32, #tpu.memory_space<vmem>>, vector<32x32xf32>
    %reduce_sum3A = arith.constant dense<0.000000e+00> : vector<32xf32>
    %reduce_sum3A_2 = vector.multi_reduction <add>, %get3A_1, %reduce_sum3A [0] : vector<32x32xf32> to vector<32xf32>
    %broadcast_in_dim3A = vector.shape_cast %reduce_sum3A_2 : vector<32xf32> to vector<1x32xf32>
    %slice3A = vector.extract_strided_slice %broadcast_in_dim3A {offsets = [0, 0], sizes = [1, 19], strides = [1, 1]} : vector<1x32xf32> to vector<1x19xf32>
    %reduce_max3A = vector.shape_cast %slice3A : vector<1x19xf32> to vector<1x1x19xf32>
    %reduce_max3A_3 = arith.constant dense<0xFF800000> : vector<1xf32>
    %reduce_max3A_4 = vector.multi_reduction <maximumf>, %reduce_max3A, %reduce_max3A_3 [1, 2] : vector<1x1x19xf32> to vector<1xf32>
    %reduce_max3A_5 = vector.shape_cast %reduce_max3A_4 : vector<1xf32> to vector<1x1x1xf32>
    %reduce_max3A_6 = vector.extract %reduce_max3A_5[0, 0, 0] : f32 from vector<1x1x1xf32>
    %max3A = arith.constant 9.99999997E-7 : f32
    %max3A_7 = arith.maximumf %reduce_max3A_6, %max3A : f32
    %div3A = vector.broadcast %max3A_7 : f32 to vector<1x19xf32>
    %div3A_8 = arith.divf %slice3A, %div3A : vector<1x19xf32>
    %min3A = arith.constant 1.000000e+00 : f32
    %min3A_9 = vector.broadcast %min3A : f32 to vector<1x19xf32>
    %min3A_10 = arith.minimumf %div3A_8, %min3A_9 : vector<1x19xf32>
    %sub3A = arith.constant 2.000000e+00 : f32
    %sub3A_11 = vector.broadcast %sub3A : f32 to vector<1x19xf32>
    %sub3A_12 = arith.subf %sub3A_11, %min3A_10 : vector<1x19xf32>
    %div3A_13 = arith.divf %div3A_8, %sub3A_12 : vector<1x19xf32>
    %mul3A = arith.constant 6.000000e-01 : f32
    %mul3A_14 = vector.broadcast %mul3A : f32 to vector<1x19xf32>
    %mul3A_15 = arith.mulf %div3A_13, %mul3A_14 : vector<1x19xf32>
    %eq3A = arith.constant 0 : i32
    %eq3A_16 = arith.cmpi eq, %arg0, %eq3A : i32
    %convert_element_type3A = arith.extui %eq3A_16 : i1 to i32
    %cond3A = arith.constant 0 : i32
    %cond3A_17 = arith.cmpi ne, %convert_element_type3A, %cond3A : i32
    scf.if %cond3A_17 {
      %swap3A_164 = arith.constant 0 : index
      %swap3A_165 = arith.constant 0 : index
      %swap3A_166 = vector.load %arg5[%swap3A_164, %swap3A_165] : memref<1x19xf32, #tpu.memory_space<vmem>>, vector<1x19xf32>
      tpu.vector_store %arg5[%swap3A_164, %swap3A_165], %mul3A_15 {strides = array<i32>} : memref<1x19xf32, #tpu.memory_space<vmem>>, vector<1x19xf32>,
    } else {
    }
    %get3A_18 = arith.constant 0 : index
    %get3A_19 = arith.constant 0 : index
    %get3A_20 = arith.constant 0 : index
    %get3A_21 = vector.load %arg3[%get3A_18, %get3A_19, %get3A_20] : memref<1x256x512xi32, #tpu.memory_space<vmem>>, vector<1x256x512xi32>
    %get3A_22 = vector.shape_cast %get3A_21 : vector<1x256x512xi32> to vector<256x512xi32>
    %get3A_23 = arith.constant 0 : index
    %get3A_24 = arith.constant 0 : index
    %get3A_25 = arith.constant 0 : index
    %get3A_26 = vector.load %arg2[%get3A_23, %get3A_24, %get3A_25] : memref<1x256x512xf32, #tpu.memory_space<vmem>>, vector<1x256x512xf32>
    %get3A_27 = vector.shape_cast %get3A_26 : vector<1x256x512xf32> to vector<256x512xf32>
    %slice3A_28 = vector.extract_strided_slice %mul3A_15 {offsets = [0, 0], sizes = [1, 1], strides = [1, 1]} : vector<1x19xf32> to vector<1x1xf32>
    %broadcast_in_dim3A_29 = vector.shape_cast %slice3A_28 : vector<1x1xf32> to vector<1x1xf32>
    %broadcast_in_dim3A_30 = vector.broadcast %broadcast_in_dim3A_29 : vector<1x1xf32> to vector<256x512xf32>
    %eq3A_31 = arith.constant 1 : i32
    %eq3A_32 = vector.broadcast %eq3A_31 : i32 to vector<256x512xi32>
    %eq3A_33 = arith.cmpi eq, %get3A_22, %eq3A_32 : vector<256x512xi32>
    %slice3A_34 = vector.extract_strided_slice %mul3A_15 {offsets = [0, 1], sizes = [1, 1], strides = [1, 1]} : vector<1x19xf32> to vector<1x1xf32>
    %broadcast_in_dim3A_35 = vector.shape_cast %slice3A_34 : vector<1x1xf32> to vector<1x1xf32>
    %broadcast_in_dim3A_36 = vector.broadcast %broadcast_in_dim3A_35 : vector<1x1xf32> to vector<256x512xf32>
    %select_n3A = arith.select %eq3A_33, %broadcast_in_dim3A_36, %broadcast_in_dim3A_30 : vector<256x512xi1>, vector<256x512xf32>
    %eq3A_37 = arith.constant 2 : i32
    %eq3A_38 = vector.broadcast %eq3A_37 : i32 to vector<256x512xi32>
    %eq3A_39 = arith.cmpi eq, %get3A_22, %eq3A_38 : vector<256x512xi32>
    %slice3A_40 = vector.extract_strided_slice %mul3A_15 {offsets = [0, 2], sizes = [1, 1], strides = [1, 1]} : vector<1x19xf32> to vector<1x1xf32>
    %broadcast_in_dim3A_41 = vector.shape_cast %slice3A_40 : vector<1x1xf32> to vector<1x1xf32>
    %broadcast_in_dim3A_42 = vector.broadcast %broadcast_in_dim3A_41 : vector<1x1xf32> to vector<256x512xf32>
    %select_n3A_43 = arith.select %eq3A_39, %broadcast_in_dim3A_42, %select_n3A : vector<256x512xi1>, vector<256x512xf32>
    %eq3A_44 = arith.constant 3 : i32
    %eq3A_45 = vector.broadcast %eq3A_44 : i32 to vector<256x512xi32>
    %eq3A_46 = arith.cmpi eq, %get3A_22, %eq3A_45 : vector<256x512xi32>
    %slice3A_47 = vector.extract_strided_slice %mul3A_15 {offsets = [0, 3], sizes = [1, 1], strides = [1, 1]} : vector<1x19xf32> to vector<1x1xf32>
    %broadcast_in_dim3A_48 = vector.shape_cast %slice3A_47 : vector<1x1xf32> to vector<1x1xf32>
    %broadcast_in_dim3A_49 = vector.broadcast %broadcast_in_dim3A_48 : vector<1x1xf32> to vector<256x512xf32>
    %select_n3A_50 = arith.select %eq3A_46, %broadcast_in_dim3A_49, %select_n3A_43 : vector<256x512xi1>, vector<256x512xf32>
    %eq3A_51 = arith.constant 4 : i32
    %eq3A_52 = vector.broadcast %eq3A_51 : i32 to vector<256x512xi32>
    %eq3A_53 = arith.cmpi eq, %get3A_22, %eq3A_52 : vector<256x512xi32>
    %slice3A_54 = vector.extract_strided_slice %mul3A_15 {offsets = [0, 4], sizes = [1, 1], strides = [1, 1]} : vector<1x19xf32> to vector<1x1xf32>
    %broadcast_in_dim3A_55 = vector.shape_cast %slice3A_54 : vector<1x1xf32> to vector<1x1xf32>
    %broadcast_in_dim3A_56 = vector.broadcast %broadcast_in_dim3A_55 : vector<1x1xf32> to vector<256x512xf32>
    %select_n3A_57 = arith.select %eq3A_53, %broadcast_in_dim3A_56, %select_n3A_50 : vector<256x512xi1>, vector<256x512xf32>
    %eq3A_58 = arith.constant 5 : i32
    %eq3A_59 = vector.broadcast %eq3A_58 : i32 to vector<256x512xi32>
    %eq3A_60 = arith.cmpi eq, %get3A_22, %eq3A_59 : vector<256x512xi32>
    %slice3A_61 = vector.extract_strided_slice %mul3A_15 {offsets = [0, 5], sizes = [1, 1], strides = [1, 1]} : vector<1x19xf32> to vector<1x1xf32>
    %broadcast_in_dim3A_62 = vector.shape_cast %slice3A_61 : vector<1x1xf32> to vector<1x1xf32>
    %broadcast_in_dim3A_63 = vector.broadcast %broadcast_in_dim3A_62 : vector<1x1xf32> to vector<256x512xf32>
    %select_n3A_64 = arith.select %eq3A_60, %broadcast_in_dim3A_63, %select_n3A_57 : vector<256x512xi1>, vector<256x512xf32>
    %eq3A_65 = arith.constant 6 : i32
    %eq3A_66 = vector.broadcast %eq3A_65 : i32 to vector<256x512xi32>
    %eq3A_67 = arith.cmpi eq, %get3A_22, %eq3A_66 : vector<256x512xi32>
    %slice3A_68 = vector.extract_strided_slice %mul3A_15 {offsets = [0, 6], sizes = [1, 1], strides = [1, 1]} : vector<1x19xf32> to vector<1x1xf32>
    %broadcast_in_dim3A_69 = vector.shape_cast %slice3A_68 : vector<1x1xf32> to vector<1x1xf32>
    %broadcast_in_dim3A_70 = vector.broadcast %broadcast_in_dim3A_69 : vector<1x1xf32> to vector<256x512xf32>
    %select_n3A_71 = arith.select %eq3A_67, %broadcast_in_dim3A_70, %select_n3A_64 : vector<256x512xi1>, vector<256x512xf32>
    %eq3A_72 = arith.constant 7 : i32
    %eq3A_73 = vector.broadcast %eq3A_72 : i32 to vector<256x512xi32>
    %eq3A_74 = arith.cmpi eq, %get3A_22, %eq3A_73 : vector<256x512xi32>
    %slice3A_75 = vector.extract_strided_slice %mul3A_15 {offsets = [0, 7], sizes = [1, 1], strides = [1, 1]} : vector<1x19xf32> to vector<1x1xf32>
    %broadcast_in_dim3A_76 = vector.shape_cast %slice3A_75 : vector<1x1xf32> to vector<1x1xf32>
    %broadcast_in_dim3A_77 = vector.broadcast %broadcast_in_dim3A_76 : vector<1x1xf32> to vector<256x512xf32>
    %select_n3A_78 = arith.select %eq3A_74, %broadcast_in_dim3A_77, %select_n3A_71 : vector<256x512xi1>, vector<256x512xf32>
    %eq3A_79 = arith.constant 8 : i32
    %eq3A_80 = vector.broadcast %eq3A_79 : i32 to vector<256x512xi32>
    %eq3A_81 = arith.cmpi eq, %get3A_22, %eq3A_80 : vector<256x512xi32>
    %slice3A_82 = vector.extract_strided_slice %mul3A_15 {offsets = [0, 8], sizes = [1, 1], strides = [1, 1]} : vector<1x19xf32> to vector<1x1xf32>
    %broadcast_in_dim3A_83 = vector.shape_cast %slice3A_82 : vector<1x1xf32> to vector<1x1xf32>
    %broadcast_in_dim3A_84 = vector.broadcast %broadcast_in_dim3A_83 : vector<1x1xf32> to vector<256x512xf32>
    %select_n3A_85 = arith.select %eq3A_81, %broadcast_in_dim3A_84, %select_n3A_78 : vector<256x512xi1>, vector<256x512xf32>
    %eq3A_86 = arith.constant 9 : i32
    %eq3A_87 = vector.broadcast %eq3A_86 : i32 to vector<256x512xi32>
    %eq3A_88 = arith.cmpi eq, %get3A_22, %eq3A_87 : vector<256x512xi32>
    %slice3A_89 = vector.extract_strided_slice %mul3A_15 {offsets = [0, 9], sizes = [1, 1], strides = [1, 1]} : vector<1x19xf32> to vector<1x1xf32>
    %broadcast_in_dim3A_90 = vector.shape_cast %slice3A_89 : vector<1x1xf32> to vector<1x1xf32>
    %broadcast_in_dim3A_91 = vector.broadcast %broadcast_in_dim3A_90 : vector<1x1xf32> to vector<256x512xf32>
    %select_n3A_92 = arith.select %eq3A_88, %broadcast_in_dim3A_91, %select_n3A_85 : vector<256x512xi1>, vector<256x512xf32>
    %eq3A_93 = arith.constant 10 : i32
    %eq3A_94 = vector.broadcast %eq3A_93 : i32 to vector<256x512xi32>
    %eq3A_95 = arith.cmpi eq, %get3A_22, %eq3A_94 : vector<256x512xi32>
    %slice3A_96 = vector.extract_strided_slice %mul3A_15 {offsets = [0, 10], sizes = [1, 1], strides = [1, 1]} : vector<1x19xf32> to vector<1x1xf32>
    %broadcast_in_dim3A_97 = vector.shape_cast %slice3A_96 : vector<1x1xf32> to vector<1x1xf32>
    %broadcast_in_dim3A_98 = vector.broadcast %broadcast_in_dim3A_97 : vector<1x1xf32> to vector<256x512xf32>
    %select_n3A_99 = arith.select %eq3A_95, %broadcast_in_dim3A_98, %select_n3A_92 : vector<256x512xi1>, vector<256x512xf32>
    %eq3A_100 = arith.constant 11 : i32
    %eq3A_101 = vector.broadcast %eq3A_100 : i32 to vector<256x512xi32>
    %eq3A_102 = arith.cmpi eq, %get3A_22, %eq3A_101 : vector<256x512xi32>
    %slice3A_103 = vector.extract_strided_slice %mul3A_15 {offsets = [0, 11], sizes = [1, 1], strides = [1, 1]} : vector<1x19xf32> to vector<1x1xf32>
    %broadcast_in_dim3A_104 = vector.shape_cast %slice3A_103 : vector<1x1xf32> to vector<1x1xf32>
    %broadcast_in_dim3A_105 = vector.broadcast %broadcast_in_dim3A_104 : vector<1x1xf32> to vector<256x512xf32>
    %select_n3A_106 = arith.select %eq3A_102, %broadcast_in_dim3A_105, %select_n3A_99 : vector<256x512xi1>, vector<256x512xf32>
    %eq3A_107 = arith.constant 12 : i32
    %eq3A_108 = vector.broadcast %eq3A_107 : i32 to vector<256x512xi32>
    %eq3A_109 = arith.cmpi eq, %get3A_22, %eq3A_108 : vector<256x512xi32>
    %slice3A_110 = vector.extract_strided_slice %mul3A_15 {offsets = [0, 12], sizes = [1, 1], strides = [1, 1]} : vector<1x19xf32> to vector<1x1xf32>
    %broadcast_in_dim3A_111 = vector.shape_cast %slice3A_110 : vector<1x1xf32> to vector<1x1xf32>
    %broadcast_in_dim3A_112 = vector.broadcast %broadcast_in_dim3A_111 : vector<1x1xf32> to vector<256x512xf32>
    %select_n3A_113 = arith.select %eq3A_109, %broadcast_in_dim3A_112, %select_n3A_106 : vector<256x512xi1>, vector<256x512xf32>
    %eq3A_114 = arith.constant 13 : i32
    %eq3A_115 = vector.broadcast %eq3A_114 : i32 to vector<256x512xi32>
    %eq3A_116 = arith.cmpi eq, %get3A_22, %eq3A_115 : vector<256x512xi32>
    %slice3A_117 = vector.extract_strided_slice %mul3A_15 {offsets = [0, 13], sizes = [1, 1], strides = [1, 1]} : vector<1x19xf32> to vector<1x1xf32>
    %broadcast_in_dim3A_118 = vector.shape_cast %slice3A_117 : vector<1x1xf32> to vector<1x1xf32>
    %broadcast_in_dim3A_119 = vector.broadcast %broadcast_in_dim3A_118 : vector<1x1xf32> to vector<256x512xf32>
    %select_n3A_120 = arith.select %eq3A_116, %broadcast_in_dim3A_119, %select_n3A_113 : vector<256x512xi1>, vector<256x512xf32>
    %eq3A_121 = arith.constant 14 : i32
    %eq3A_122 = vector.broadcast %eq3A_121 : i32 to vector<256x512xi32>
    %eq3A_123 = arith.cmpi eq, %get3A_22, %eq3A_122 : vector<256x512xi32>
    %slice3A_124 = vector.extract_strided_slice %mul3A_15 {offsets = [0, 14], sizes = [1, 1], strides = [1, 1]} : vector<1x19xf32> to vector<1x1xf32>
    %broadcast_in_dim3A_125 = vector.shape_cast %slice3A_124 : vector<1x1xf32> to vector<1x1xf32>
    %broadcast_in_dim3A_126 = vector.broadcast %broadcast_in_dim3A_125 : vector<1x1xf32> to vector<256x512xf32>
    %select_n3A_127 = arith.select %eq3A_123, %broadcast_in_dim3A_126, %select_n3A_120 : vector<256x512xi1>, vector<256x512xf32>
    %eq3A_128 = arith.constant 15 : i32
    %eq3A_129 = vector.broadcast %eq3A_128 : i32 to vector<256x512xi32>
    %eq3A_130 = arith.cmpi eq, %get3A_22, %eq3A_129 : vector<256x512xi32>
    %slice3A_131 = vector.extract_strided_slice %mul3A_15 {offsets = [0, 15], sizes = [1, 1], strides = [1, 1]} : vector<1x19xf32> to vector<1x1xf32>
    %broadcast_in_dim3A_132 = vector.shape_cast %slice3A_131 : vector<1x1xf32> to vector<1x1xf32>
    %broadcast_in_dim3A_133 = vector.broadcast %broadcast_in_dim3A_132 : vector<1x1xf32> to vector<256x512xf32>
    %select_n3A_134 = arith.select %eq3A_130, %broadcast_in_dim3A_133, %select_n3A_127 : vector<256x512xi1>, vector<256x512xf32>
    %eq3A_135 = arith.constant 16 : i32
    %eq3A_136 = vector.broadcast %eq3A_135 : i32 to vector<256x512xi32>
    %eq3A_137 = arith.cmpi eq, %get3A_22, %eq3A_136 : vector<256x512xi32>
    %slice3A_138 = vector.extract_strided_slice %mul3A_15 {offsets = [0, 16], sizes = [1, 1], strides = [1, 1]} : vector<1x19xf32> to vector<1x1xf32>
    %broadcast_in_dim3A_139 = vector.shape_cast %slice3A_138 : vector<1x1xf32> to vector<1x1xf32>
    %broadcast_in_dim3A_140 = vector.broadcast %broadcast_in_dim3A_139 : vector<1x1xf32> to vector<256x512xf32>
    %select_n3A_141 = arith.select %eq3A_137, %broadcast_in_dim3A_140, %select_n3A_134 : vector<256x512xi1>, vector<256x512xf32>
    %eq3A_142 = arith.constant 17 : i32
    %eq3A_143 = vector.broadcast %eq3A_142 : i32 to vector<256x512xi32>
    %eq3A_144 = arith.cmpi eq, %get3A_22, %eq3A_143 : vector<256x512xi32>
    %slice3A_145 = vector.extract_strided_slice %mul3A_15 {offsets = [0, 17], sizes = [1, 1], strides = [1, 1]} : vector<1x19xf32> to vector<1x1xf32>
    %broadcast_in_dim3A_146 = vector.shape_cast %slice3A_145 : vector<1x1xf32> to vector<1x1xf32>
    %broadcast_in_dim3A_147 = vector.broadcast %broadcast_in_dim3A_146 : vector<1x1xf32> to vector<256x512xf32>
    %select_n3A_148 = arith.select %eq3A_144, %broadcast_in_dim3A_147, %select_n3A_141 : vector<256x512xi1>, vector<256x512xf32>
    %eq3A_149 = arith.constant 18 : i32
    %eq3A_150 = vector.broadcast %eq3A_149 : i32 to vector<256x512xi32>
    %eq3A_151 = arith.cmpi eq, %get3A_22, %eq3A_150 : vector<256x512xi32>
    %slice3A_152 = vector.extract_strided_slice %mul3A_15 {offsets = [0, 18], sizes = [1, 1], strides = [1, 1]} : vector<1x19xf32> to vector<1x1xf32>
    %broadcast_in_dim3A_153 = vector.shape_cast %slice3A_152 : vector<1x1xf32> to vector<1x1xf32>
    %broadcast_in_dim3A_154 = vector.broadcast %broadcast_in_dim3A_153 : vector<1x1xf32> to vector<256x512xf32>
    %select_n3A_155 = arith.select %eq3A_151, %broadcast_in_dim3A_154, %select_n3A_148 : vector<256x512xi1>, vector<256x512xf32>
    %gt3A = arith.cmpf ogt, %get3A_27, %select_n3A_155 : vector<256x512xf32>
    %swap3A = arith.constant 0 : index
    %swap3A_156 = arith.constant 0 : index
    %swap3A_157 = arith.constant 0 : index
    %swap3A_158 = vector.load %arg4[%swap3A, %swap3A_156, %swap3A_157] : memref<1x256x512xi32, #tpu.memory_space<vmem>>, vector<1x256x512xi32>
    %swap3A_159 = arith.extui %gt3A : vector<256x512xi1> to vector<256x512xi32>
    %swap3A_160 = vector.shape_cast %swap3A_158 : vector<1x256x512xi32> to vector<256x512xi32>
    %swap3A_161 = vector.shape_cast %swap3A_159 : vector<256x512xi32> to vector<1x256x512xi32>
    %swap3A_162 = arith.constant dense<0> : vector<256x512xi32>
    %swap3A_163 = arith.cmpi ne, %swap3A_160, %swap3A_162 : vector<256x512xi32>
    tpu.vector_store %arg4[%swap3A, %swap3A_156, %swap3A_157], %swap3A_161 {strides = array<i32>} : memref<1x256x512xi32, #tpu.memory_space<vmem>>, vector<1x256x512xi32>,
    return
  }
  func.func @transform_0(%arg0: i32) -> (i32, i32) {
    %c0_i32 = arith.constant 0 : i32
    %c0_i32_0 = arith.constant 0 : i32
    %c0_i32_1 = arith.constant 0 : i32
    return %c0_i32, %c0_i32_0 : i32, i32
  }
  func.func @transform_1(%arg0: i32) -> (i32, i32, i32) {
    %jit3A = arith.constant 2 : i32
    %div3A = arith.divsi %arg0, %jit3A : i32
    %sign3A = arith.constant 0 : i32
    %sign3A_0 = arith.cmpi sgt, %arg0, %sign3A : i32
    %sign3A_1 = arith.extui %sign3A_0 : i1 to i32
    %sign3A_2 = arith.constant 0 : i32
    %sign3A_3 = arith.cmpi slt, %arg0, %sign3A_2 : i32
    %sign3A_4 = arith.extui %sign3A_3 : i1 to i32
    %sign3A_5 = arith.subi %sign3A_1, %sign3A_4 : i32
    %sign3A_6 = arith.constant 0 : i32
    %sign3A_7 = arith.cmpi sgt, %jit3A, %sign3A_6 : i32
    %sign3A_8 = arith.extui %sign3A_7 : i1 to i32
    %sign3A_9 = arith.constant 0 : i32
    %sign3A_10 = arith.cmpi slt, %jit3A, %sign3A_9 : i32
    %sign3A_11 = arith.extui %sign3A_10 : i1 to i32
    %sign3A_12 = arith.subi %sign3A_8, %sign3A_11 : i32
    %ne3A = arith.cmpi ne, %sign3A_5, %sign3A_12 : i32
    %rem3A = arith.remsi %arg0, %jit3A : i32
    %ne3A_13 = arith.constant 0 : i32
    %ne3A_14 = arith.cmpi ne, %rem3A, %ne3A_13 : i32
    %and3A = arith.andi %ne3A, %ne3A_14 : i1
    %sub3A = arith.constant 1 : i32
    %sub3A_15 = arith.subi %div3A, %sub3A : i32
    %select_n3A = arith.select %and3A, %sub3A_15, %div3A : i32
    %jit3A_16 = arith.constant 2 : i32
    %eq3A = arith.constant 0 : i32
    %eq3A_17 = arith.cmpi eq, %jit3A_16, %eq3A : i32
    %jit3A_18 = arith.constant 1 : i32
    %select_n3A_19 = arith.select %eq3A_17, %jit3A_18, %jit3A_16 : i32
    %rem3A_20 = arith.remsi %arg0, %select_n3A_19 : i32
    %ne3A_21 = arith.constant 0 : i32
    %ne3A_22 = arith.cmpi ne, %rem3A_20, %ne3A_21 : i32
    %lt3A = arith.constant 0 : i32
    %lt3A_23 = arith.cmpi slt, %rem3A_20, %lt3A : i32
    %lt3A_24 = arith.constant 0 : i32
    %lt3A_25 = arith.cmpi slt, %select_n3A_19, %lt3A_24 : i32
    %ne3A_26 = arith.xori %lt3A_23, %lt3A_25 : i1
    %and3A_27 = arith.andi %ne3A_26, %ne3A_22 : i1
    %add3A = arith.addi %rem3A_20, %select_n3A_19 : i32
    %select_n3A_28 = arith.select %and3A_27, %add3A, %rem3A_20 : i32
    %c0_i32 = arith.constant 0 : i32
    %c0_i32_29 = arith.constant 0 : i32
    return %select_n3A, %select_n3A_28, %c0_i32 : i32, i32, i32
  }
  func.func @transform_2(%arg0: i32) -> (i32, i32, i32) {
    %jit3A = arith.constant 2 : i32
    %div3A = arith.divsi %arg0, %jit3A : i32
    %sign3A = arith.constant 0 : i32
    %sign3A_0 = arith.cmpi sgt, %arg0, %sign3A : i32
    %sign3A_1 = arith.extui %sign3A_0 : i1 to i32
    %sign3A_2 = arith.constant 0 : i32
    %sign3A_3 = arith.cmpi slt, %arg0, %sign3A_2 : i32
    %sign3A_4 = arith.extui %sign3A_3 : i1 to i32
    %sign3A_5 = arith.subi %sign3A_1, %sign3A_4 : i32
    %sign3A_6 = arith.constant 0 : i32
    %sign3A_7 = arith.cmpi sgt, %jit3A, %sign3A_6 : i32
    %sign3A_8 = arith.extui %sign3A_7 : i1 to i32
    %sign3A_9 = arith.constant 0 : i32
    %sign3A_10 = arith.cmpi slt, %jit3A, %sign3A_9 : i32
    %sign3A_11 = arith.extui %sign3A_10 : i1 to i32
    %sign3A_12 = arith.subi %sign3A_8, %sign3A_11 : i32
    %ne3A = arith.cmpi ne, %sign3A_5, %sign3A_12 : i32
    %rem3A = arith.remsi %arg0, %jit3A : i32
    %ne3A_13 = arith.constant 0 : i32
    %ne3A_14 = arith.cmpi ne, %rem3A, %ne3A_13 : i32
    %and3A = arith.andi %ne3A, %ne3A_14 : i1
    %sub3A = arith.constant 1 : i32
    %sub3A_15 = arith.subi %div3A, %sub3A : i32
    %select_n3A = arith.select %and3A, %sub3A_15, %div3A : i32
    %jit3A_16 = arith.constant 2 : i32
    %eq3A = arith.constant 0 : i32
    %eq3A_17 = arith.cmpi eq, %jit3A_16, %eq3A : i32
    %jit3A_18 = arith.constant 1 : i32
    %select_n3A_19 = arith.select %eq3A_17, %jit3A_18, %jit3A_16 : i32
    %rem3A_20 = arith.remsi %arg0, %select_n3A_19 : i32
    %ne3A_21 = arith.constant 0 : i32
    %ne3A_22 = arith.cmpi ne, %rem3A_20, %ne3A_21 : i32
    %lt3A = arith.constant 0 : i32
    %lt3A_23 = arith.cmpi slt, %rem3A_20, %lt3A : i32
    %lt3A_24 = arith.constant 0 : i32
    %lt3A_25 = arith.cmpi slt, %select_n3A_19, %lt3A_24 : i32
    %ne3A_26 = arith.xori %lt3A_23, %lt3A_25 : i1
    %and3A_27 = arith.andi %ne3A_26, %ne3A_22 : i1
    %add3A = arith.addi %rem3A_20, %select_n3A_19 : i32
    %select_n3A_28 = arith.select %and3A_27, %add3A, %rem3A_20 : i32
    %c0_i32 = arith.constant 0 : i32
    %c0_i32_29 = arith.constant 0 : i32
    return %select_n3A, %select_n3A_28, %c0_i32 : i32, i32, i32
  }
  func.func @transform_3(%arg0: i32) -> (i32, i32, i32) {
    %jit3A = arith.constant 2 : i32
    %div3A = arith.divsi %arg0, %jit3A : i32
    %sign3A = arith.constant 0 : i32
    %sign3A_0 = arith.cmpi sgt, %arg0, %sign3A : i32
    %sign3A_1 = arith.extui %sign3A_0 : i1 to i32
    %sign3A_2 = arith.constant 0 : i32
    %sign3A_3 = arith.cmpi slt, %arg0, %sign3A_2 : i32
    %sign3A_4 = arith.extui %sign3A_3 : i1 to i32
    %sign3A_5 = arith.subi %sign3A_1, %sign3A_4 : i32
    %sign3A_6 = arith.constant 0 : i32
    %sign3A_7 = arith.cmpi sgt, %jit3A, %sign3A_6 : i32
    %sign3A_8 = arith.extui %sign3A_7 : i1 to i32
    %sign3A_9 = arith.constant 0 : i32
    %sign3A_10 = arith.cmpi slt, %jit3A, %sign3A_9 : i32
    %sign3A_11 = arith.extui %sign3A_10 : i1 to i32
    %sign3A_12 = arith.subi %sign3A_8, %sign3A_11 : i32
    %ne3A = arith.cmpi ne, %sign3A_5, %sign3A_12 : i32
    %rem3A = arith.remsi %arg0, %jit3A : i32
    %ne3A_13 = arith.constant 0 : i32
    %ne3A_14 = arith.cmpi ne, %rem3A, %ne3A_13 : i32
    %and3A = arith.andi %ne3A, %ne3A_14 : i1
    %sub3A = arith.constant 1 : i32
    %sub3A_15 = arith.subi %div3A, %sub3A : i32
    %select_n3A = arith.select %and3A, %sub3A_15, %div3A : i32
    %jit3A_16 = arith.constant 2 : i32
    %eq3A = arith.constant 0 : i32
    %eq3A_17 = arith.cmpi eq, %jit3A_16, %eq3A : i32
    %jit3A_18 = arith.constant 1 : i32
    %select_n3A_19 = arith.select %eq3A_17, %jit3A_18, %jit3A_16 : i32
    %rem3A_20 = arith.remsi %arg0, %select_n3A_19 : i32
    %ne3A_21 = arith.constant 0 : i32
    %ne3A_22 = arith.cmpi ne, %rem3A_20, %ne3A_21 : i32
    %lt3A = arith.constant 0 : i32
    %lt3A_23 = arith.cmpi slt, %rem3A_20, %lt3A : i32
    %lt3A_24 = arith.constant 0 : i32
    %lt3A_25 = arith.cmpi slt, %select_n3A_19, %lt3A_24 : i32
    %ne3A_26 = arith.xori %lt3A_23, %lt3A_25 : i1
    %and3A_27 = arith.andi %ne3A_26, %ne3A_22 : i1
    %add3A = arith.addi %rem3A_20, %select_n3A_19 : i32
    %select_n3A_28 = arith.select %and3A_27, %add3A, %rem3A_20 : i32
    %c0_i32 = arith.constant 0 : i32
    %c0_i32_29 = arith.constant 0 : i32
    return %select_n3A, %select_n3A_28, %c0_i32 : i32, i32, i32
  }
  func.func @transform_4(%arg0: i32) -> (i32, i32) {
    %c0_i32 = arith.constant 0 : i32
    %c0_i32_0 = arith.constant 0 : i32
    %c0_i32_1 = arith.constant 0 : i32
    return %c0_i32, %c0_i32_0 : i32, i32
  }
}

</mosaic_0001>

<sc_bundles>
// kernel: kernel.5.cloned.1.call-start
scs
__scs_entry_jumppad:
0x0: {  	(pc) =	sbr.rel $0x88, $3  }
0x1: {  	(tag) =	ssettag $0x0;
	lr =	simm.s32 $0x1  }
0x2: {  	[smem:$0x3FA0] =	sst lr;
	_ =	strace $0xD0000000  }
0x3: {  	_ = 	snop  }
0x4: {  	_ = 	snop  }
0x5: {  	_ = 	snop  }
0x6: {  	_ = 	snop  }
0x7: {  	_ = 	snop  }
__scs_overlays_trampoline_lowered:
0x8: {  	[smem:$0x3FAF] =	sst s0  }
0x9: {  	[smem:$0x3FB0] =	sst s1  }
0xa: {  	[smem:$0x3FB1] =	sst s2  }
0xb: {  	[smem:$0x3FB2] =	sst s3  }
0xc: {  	[smem:$0x3FB3] =	sst s4  }
0xd: {  	[smem:$0x3FB4] =	sst s5  }
0xe: {  	[smem:$0x3FB5] =	sst s6  }
0xf: {  	[smem:$0x3FB6] =	sst s7  }
0x10: {  	[smem:$0x3FB7] =	sst s8  }
0x11: {  	[smem:$0x3FB8] =	sst s9;
	s0 =	simm.s32 @!p0 $0x0  }
0x12: {  	s1 =	sld [smem:$0x3F9E];
	s0 =	simm.s32 @p0 $0x1  }
0x13: {  	[smem:$0x3FB9] =	sst s0;
	s0 =	simm.s32 @!p1 $0x0  }
0x14: {  	s2 =	sld [smem:$0x3F9D];
	s0 =	simm.s32 @p1 $0x1  }
0x15: {  	[smem:$0x3FBA] =	sst s0;
	s0 =	simm.s32 @!p2 $0x0  }
0x16: {  	s3 =	sld [smem:$0x3FDB];
	s0 =	simm.s32 @p2 $0x1  }
0x17: {  	s4 =	simm.s32 $0x1BF5;
	[smem:$0x3FBC] =	sst s0  }
0x18: {  	s0 =	sld [smem:$0x3F9F];
	_ =	swait.ge [sflag:s4], $0x0  }
0x19: {  	s7 =	sld [smem:$0x3FA0]  }
0x1a: {  	s8 =	sadd.s32 $0xFFFFE003, lr  }
0x1b: {  	s9 =	sadd.s32 $0xFFFFFEF7, lr;
	s5 =	simm.s32 $0xFFFFFFFF;
	p2 =	slt.u32 s8, $0xFFFFF086  }
0x1c: {  	p1 =	slt.u32 s9, $0xF7A;
	s5 =	simm.s32 @!p2 $0x0  }
0x1d: {  	s5 =	simm.s32 @p1 $0x1;
	p0 =	seq.s32 s7, s2  }
0x1e: {  	s7 =	smul.u32 @!p0 $0xF7A, s2;
	p2 =	seq.s32 @!p0 s5, $0x0  }
0x1f: {  	s9 =	smul.u32 $0xF7A, s1;
	s8 =	simm.s32 @!p0 $0x1BF5;
	p2 =	por !p2, p0  }
0x20: {  	[sflag:s8] =	ssyncset.s32 @!p0 $0xFFFFF086;
	s6 =	sadd.s32 @!p0 s3, s7;
	s7 =	simm.s32 @!p0 $0x108  }
0x21: {  	s3 =	sadd.s32 s3, s9;
	s6 =	sadd.s32 @!p0 $0x88, s6;
	s7 =	simm.s32 @p2 $0x1082  }
0x22: {  	[simem:s7], [sflag:s8] =	dma.local @!p0 [hbm:s6], $0xF7A  }
0x23: {  	s9 =	sor.u32 $0xD0000000, s2;
	s6 =	simm.s32 $0x108;
	_ =	swait.ge @!p0 [sflag:s8], $0x0  }
0x24: {  	s3 =	sadd.s32 $0x88, s3;
	s6 =	simm.s32 @!p1 $0x1082;
	[sflag:s4] =	ssyncset.s32 $0xFFFFF086  }
0x25: {  	[simem:s6], [sflag:s4] =	dma.local [hbm:s3], $0xF7A  }
0x26: {  	[smem:$0x3FA0] =	sst s1;
	(tag) =	ssettag s2;
	_ =	strace s9  }
0x27: {  	s1 =	sld [smem:$0x3FB0]  }
0x28: {  	s2 =	sld [smem:$0x3FB1]  }
0x29: {  	s4 =	sld [smem:$0x3FB3]  }
0x2a: {  	p0 =	seq.s32 s5, $0x0;
	s5 =	sld [smem:$0x3FB4]  }
0x2b: {  	s6 =	sld [smem:$0x3FB5]  }
0x2c: {  	s7 =	sld [smem:$0x3FB6]  }
0x2d: {  	s3 =	simm.s32 $0x108;
	s8 =	sld [smem:$0x3FB7]  }
0x2e: {  	s3 =	simm.s32 @!p0 $0x1082;
	s9 =	sld [smem:$0x3FB8]  }
0x2f: {  	lr =	sadd.s32 s0, s3;
	s0 =	sld [smem:$0x3FAF]  }
0x30: {  	s3 =	sld [smem:$0x3FB2]  }
0x31: {  	[smem:$0x3FBB] =	sst s10  }
0x32: {  	s10 =	sld [smem:$0x3FB9];
	_ =	sdelay $0x3  }
0x33: {  	p0 =	seq.s32 s10, $0x1;
	s10 =	sld [smem:$0x3FBB];
	_ =	sdelay $0x3  }
0x34: {  	[smem:$0x3FBB] =	sst s10  }
0x35: {  	s10 =	sld [smem:$0x3FBA];
	_ =	sdelay $0x3  }
0x36: {  	p1 =	seq.s32 s10, $0x1;
	s10 =	sld [smem:$0x3FBB];
	_ =	sdelay $0x3  }
0x37: {  	[smem:$0x3FBB] =	sst s10  }
0x38: {  	s10 =	sld [smem:$0x3FBC]  }
0x39: {  	_ = 	snop;
	(pc) =	sbr.ind lr, $3  }
0x3a: {  	_ = 	snop  }
0x3b: {  	_ = 	snop  }
0x3c: {  	p2 =	seq.s32 s10, $0x1;
	s10 =	sld [smem:$0x3FBB]  }
0x3d: {  	_ =	shalt  }
0x3e: {  	_ =	shalt  }
0x3f: {  	_ =	shalt  }
0x40: {  	_ =	shalt  }
0x41: {  	_ =	shalt  }
0x42: {  	_ =	shalt  }
0x43: {  	_ =	shalt  }
0x44: {  	_ =	shalt  }
0x45: {  	_ =	shalt  }
0x46: {  	_ =	shalt  }
0x47: {  	_ =	shalt  }
0x48: {  	_ =	shalt  }
0x49: {  	_ =	shalt  }
0x4a: {  	_ =	shalt  }
0x4b: {  	_ =	shalt  }
0x4c: {  	_ =	shalt  }
0x4d: {  	_ =	shalt  }
0x4e: {  	_ =	shalt  }
0x4f: {  	_ =	shalt  }
0x50: {  	_ =	shalt  }
0x51: {  	_ =	shalt  }
0x52: {  	_ =	shalt  }
0x53: {  	_ =	shalt  }
0x54: {  	_ =	shalt  }
0x55: {  	_ =	shalt  }
0x56: {  	_ =	shalt  }
0x57: {  	_ =	shalt  }
0x58: {  	_ =	shalt  }
0x59: {  	_ =	shalt  }
0x5a: {  	_ =	shalt  }
0x5b: {  	_ =	shalt  }
0x5c: {  	_ =	shalt  }
0x5d: {  	_ =	shalt  }
0x5e: {  	_ =	shalt  }
0x5f: {  	_ =	shalt  }
0x60: {  	_ =	shalt  }
0x61: {  	_ =	shalt  }
0x62: {  	_ =	shalt  }
0x63: {  	_ =	shalt  }
0x64: {  	_ =	shalt  }
0x65: {  	_ =	shalt  }
0x66: {  	_ =	shalt  }
0x67: {  	_ =	shalt  }
0x68: {  	_ =	shalt  }
0x69: {  	_ =	shalt  }
0x6a: {  	_ =	shalt  }
0x6b: {  	_ =	shalt  }
0x6c: {  	_ =	shalt  }
0x6d: {  	_ =	shalt  }
0x6e: {  	_ =	shalt  }
0x6f: {  	_ =	shalt  }
0x70: {  	_ =	shalt  }
0x71: {  	_ =	shalt  }
0x72: {  	_ =	shalt  }
0x73: {  	_ =	shalt  }
0x74: {  	_ =	shalt  }
0x75: {  	_ =	shalt  }
0x76: {  	_ =	shalt  }
0x77: {  	_ =	shalt  }
0x78: {  	_ =	shalt  }
0x79: {  	_ =	shalt  }
0x7a: {  	_ =	shalt  }
0x7b: {  	_ =	shalt  }
0x7c: {  	_ =	shalt  }
0x7d: {  	_ =	shalt  }
0x7e: {  	_ =	shalt  }
0x7f: {  	_ =	shalt  }
0x80: {  	_ =	shalt  }
0x81: {  	_ =	shalt  }
0x82: {  	_ =	shalt  }
0x83: {  	_ =	shalt  }
0x84: {  	_ =	shalt  }
0x85: {  	_ =	shalt  }
0x86: {  	_ =	shalt  }
0x87: {  	_ =	shalt  }
.Lfunc_end0:
.L_simem_size_0:
called_computation_lowered:
.L_overlay_start_0:
0x88: {  	s2 =	sld [smem:$0x3FD9]  }
0x89: {  	s3 =	sld [smem:$0x3FFE];
	_ =	sdelay $0x1  }
0x8a: {  	s1 =	srdreg.scid  }
0x8b: {  	s0 =	sand.u32 $0x1, s1  }
0x8c: {  	s14 =	sshll.u32 s0, $0xA;
	s2 =	sadd.s32 s3, s2  }
0x8d: {  	s2 =	sadd.s32 s2, s14  }
0x8e: {  	[smem:$0x3FC7] =	sst s2  }
0x8f: {  	_ = 	snop  }
0x90: {  	s2 =	sld [smem:$0x3FD0];
	_ =	sdelay $0x2  }
0x91: {  	s15 =	simm.s32 $0xA;
	s4 =	simm.s32 $0x10  }
0x92: {  	[smem:s4], [sflag:s15] =	dma.local [hbm:s2], $0x1  }
0x93: {  	_ =	swait.eq [sflag:s15], $0x1  }
0x94: {  	[sflag:s15] =	ssyncset.done $0x0  }
0x95: {  	[sflag:s15] =	ssyncadd.s32 $0xFFFFFFFF  }
0x96: {  	s16 =	sld [smem:$0x10];
	(tm) =	ssettm $0x1  }
0x97: {  	s17 =	sld [smem:$0x3FFB];
	_ =	sdelay $0x3  }
0x98: {  	_ =	strace s17  }
0x99: {  	s3 =	sld [smem:$0x3FFC];
	_ =	sdelay $0x3  }
0x9a: {  	_ =	strace s3  }
0x9b: {  	s3 =	sld [smem:$0x3FFD];
	_ =	sdelay $0x3  }
0x9c: {  	_ =	strace s3  }
0x9d: {  	_ =	strace $0x8FFFFFFF  }
0x9e: {  	s18 =	sld [smem:$0x3FDB];
	_ =	sdelay $0x1  }
0x9f: {  	s19 =	simm.s32 $_scs_section_size  }
0xa0: {  	s5 =	simm.s32 $_size__tile_overlayer_lowered;
	s6 =	simm.s32 $_tile_overlayer_lowered  }
0xa1: {  	s22 =	simm.s32 $0x1BFF;
	s21 =	sshll.u32 s6, $0x1;
	s3 =	sadd.s32 s19, s18  }
0xa2: {  	s7 =	simm.s32 $0x0;
	s20 =	sshll.u32 s5, $0x1;
	s5 =	sadd.s32 s21, s3  }
0xa3: {  	[timem:s7], [sflag:s22] =	dma.local [hbm:s5], s20  }
0xa4: {  	_ =	swait.ge [sflag:s22], s20  }
0xa5: {  	s4 =	ssub.s32 $0x0, s20;
	[sflag:s22] =	ssyncset.done $0x0  }
0xa6: {  	[sflag:s22] =	ssyncadd.s32 s4;
	_ =	sdelay $0x1  }
0xa7: {  	s23 =	simm.s32 $0x1B8B  }
0xa8: {  	_ =	swait.ge [sflag:s23], $0x1  }
0xa9: {  	[sflag:s23] =	ssyncset.done $0x0  }
0xaa: {  	s25 =	simm.s32 $0x1B8E;
	s24 =	sld [smem:$0x3FFE];
	[sflag:s23] =	ssyncadd.s32 $0xFFFFFFFF  }
0xab: {  	s26 =	simm.s32 $execute0_lowered;
	[smem:$0x3FD2] =	sst s25  }
0xac: {  	s5 =	sshll.u32 s26, $0x1;
	_ =	strace $0x80000046;
	[dreg:$0x1] =	wrdreg $0xFFFFFFFF  }
0xad: {  	s28 =	simm.s32 $_size_execute0_lowered;
	s3 =	sadd.s32 s3, s5;
	[dreg:$0x0] =	wrdreg $0x0  }
0xae: {  	s5 =	sshll.u32 s28, $0x1;
	[dreg:$0x2] =	wrdreg s3  }
0xaf: {  	[dreg:$0x3] =	wrdreg s5  }
0xb0: {  	[dreg:$0x4] =	wrdreg $0xC0  }
0xb1: {  	_ =	task [dreg:s7], $0x5FFFF  }
0xb2: {  	[dreg:$0x1] =	wrdreg $0xFFFFFFFF  }
0xb3: {  	[dreg:$0x0] =	wrdreg $0x60  }
0xb4: {  	[dreg:$0x2] =	wrdreg s16  }
0xb5: {  	[dreg:$0x3] =	wrdreg s24  }
0xb6: {  	[dreg:$0x4] =	wrdreg $0x9  }
0xb7: {  	_ =	task.clear_ibuf [dreg:s7], $0x5FFFF;
	_ =	strace $0x90000046  }
0xb8: {  	s29 =	simm.s32 $0x9;
	_ =	strace $0x80000048  }
0xb9: {  	_ =	swait.ge [sflag:s29], $0x1  }
0xba: {  	[sflag:s29] =	ssyncadd.s32 $0xFFFFFFFF  }
0xbb: {  	_ =	strace $0x90000048  }
0xbc: {  	_ =	sfence  }
0xbd: {  	s30 =	sld [smem:$0x0];
	_ =	sdelay $0x2  }
0xbe: {  	s31 =	sshll.u32 s1, $0xD;
	s1 =	sshrl.u32 s1, $0x2  }
0xbf: {  	s3 =	sand.u32 $0x4000, s31;
	s1 =	sadd.s32 s1, s30  }
0xc0: {  	s0 =	sor.u32 s3, s0;
	s1 =	sshll.u32 s1, $0x11  }
0xc1: {  	s0 =	sor.u32 s1, s0  }
0xc2: {  	s0 =	sadd.s32 $0x8F2B, s0  }
0xc3: {  	[sflag:s0] =	ssyncadd.remote.s32 $0x1  }
0xc4: {  	_ =	sfence.sel $0xFFFF  }
0xc5: {  	[dreg:$0x0] =	wrdreg $0xFFFFFFFF;
	(pc) =	sbr.abs _section_cstart, $3  }
0xc6: {  	[dreg:$0x1] =	wrdreg $0xFFFFFFFF  }
0xc7: {  	_ =	task.clear_ibuf [dreg:s7], $0x2FFFF;
	_ =	strace $0x9FFFFFFF  }
0xc8: {  	(tm) =	ssettm $0x7FFFFFFF  }
0xc9: {  	_ =	shalt  }
tec
execute0_lowered:
.L_overlay_start_1:
0x0: {  	(tag) =	ssettag $0x1  }
0x1: {  	s3 =	rddreg [dreg:$0x0]  }
0x2: {  	s4 =	rddreg [dreg:$0x1]  }
0x3: {  	s0 =	rddreg [dreg:$0x2]  }
0x4: {  	s2 =	simm.s32 $0x0;
	s5 =	srdreg.scid;
	s1 =	stileid.u32  }
0x5: {  	s13 =	simm.s32 $0x800;
	s14 =	simm.s32 $0x1;
	s15 =	simm.s32 $0x2  }
0x6: {  	s16 =	simm.s32 $0x1800;
	s17 =	simm.s32 $0x3;
	s18 =	simm.s32 $0x0  }
0x7: {  	[smem:$0x7FF] =	sst s2;
	s5 =	sand.u32 $0x1, s5;
	s6 =	sshll.u32 s1, $0x1  }
0x8: {  	_ =	strace $0x80000047;
	s6 =	sor.u32 s5, s6;
	s5 =	ssub.s32 $0x2, s5  }
0x9: {  	s7 =	sshll.u32 s6, $0x4;
	s8 =	sshrl.u32 s5, $0x1;
	s6 =	sshll.u32 s6, $0xB  }
0xa: {  	s11 =	sadd.s32 s7, s4;
	s12 =	ssub.s32 s5, s8;
	s3 =	sadd.s32 s3, s6  }
0xb: {  	s4 =	sadd.s32 $0x100, s3;
	s5 =	sadd.s32 $0x200, s3;
	s6 =	sadd.s32 $0x300, s3  }
0xc: {  	s7 =	sadd.s32 $0x400, s3;
	s8 =	sadd.s32 $0x500, s3;
	s9 =	sadd.s32 $0x600, s3  }
0xd: {  	v0 =	vimm.f32 $0.0e+00;
	v1 =	vimm.s32 $0x0;
	s10 =	sadd.s32 $0x700, s3;
	s11 =	sadd.s32 $0xA00, s11;
	s12 =	smax.u32 s12, $0x1  }
.LBB2_1:
0xe: {  	[tilespmem:$0x1000] =	vst v0  }
0xf: {  	[tilespmem:$0x1010] =	vst v0  }
0x10: {  	[tilespmem:$0x1080] =	vst v0  }
0x11: {  	[tilespmem:$0x1090] =	vst v0  }
0x12: {  	[tilespmem:$0x1100] =	vst v0  }
0x13: {  	[tilespmem:$0x1110] =	vst v0  }
0x14: {  	[tilespmem:$0x1180] =	vst v0  }
0x15: {  	[tilespmem:$0x1190] =	vst v0  }
0x16: {  	[tilespmem:$0x1200] =	vst v0  }
0x17: {  	[tilespmem:$0x1210] =	vst v0  }
0x18: {  	[tilespmem:$0x1280] =	vst v0  }
0x19: {  	[tilespmem:$0x1290] =	vst v0  }
0x1a: {  	[tilespmem:$0x1300] =	vst v0  }
0x1b: {  	[tilespmem:$0x1310] =	vst v0  }
0x1c: {  	[tilespmem:$0x1380] =	vst v0  }
0x1d: {  	[tilespmem:$0x1390] =	vst v0  }
0x1e: {  	[tilespmem:$0x1400] =	vst v0  }
0x1f: {  	[tilespmem:$0x1410] =	vst v0  }
0x20: {  	[tilespmem:$0x1480] =	vst v0  }
0x21: {  	[tilespmem:$0x1490] =	vst v0  }
0x22: {  	[tilespmem:$0x1500] =	vst v0  }
0x23: {  	[tilespmem:$0x1510] =	vst v0  }
0x24: {  	[tilespmem:$0x1580] =	vst v0  }
0x25: {  	[tilespmem:$0x1590] =	vst v0  }
0x26: {  	[tilespmem:$0x1600] =	vst v0  }
0x27: {  	[tilespmem:$0x1610] =	vst v0  }
0x28: {  	[tilespmem:$0x1680] =	vst v0  }
0x29: {  	[tilespmem:$0x1690] =	vst v0  }
0x2a: {  	[tilespmem:$0x1700] =	vst v0  }
0x2b: {  	[tilespmem:$0x1710] =	vst v0  }
0x2c: {  	[tilespmem:$0x1780] =	vst v0  }
0x2d: {  	[tilespmem:$0x1790] =	vst v0  }
0x2e: {  	[tilespmem:s2], [sflag:$0x1] =	stream.linear.gather [hbm4b:s3+s2], $0x800, $0x38;
	[tilespmem:$0x1880] =	vst v63  }
0x2f: {  	_ = 	snop  }
0x30: {  	[tilespmem:s13], [sflag:$0x2] =	stream.linear.gather [hbm4b:s4+s2], $0x800, $0x38;
	[tilespmem:$0x1880] =	vst v63  }
0x31: {  	_ =	swait.ge [sflag:s14], $0x800  }
0x32: {  	[sflag:s14] =	ssyncset.done $0x0  }
0x33: {  	s19 =	simm.s32 $0x0;
	[sflag:s14] =	ssyncadd.s32 $0xFFFFF800  }
.LBB2_2:
0x34: {  	s20 =	sshra.s32 s19, $0x2  }
0x35: {  	v6 =	vld [tilespmem:s20+$0x0]  }
0x36: {  	v7 =	vld [tilespmem:s20+$0x10];
	_ =	sdelay $0x4  }
0x37: {  	v2 =	vsub.s32 $0x13131312, v6;
	v3 =	vsub.s32 $0x13131312, v7  }
0x38: {  	v2 =	vor.u32 v6, v2;
	v3 =	vor.u32 v7, v3  }
0x39: {  	v2 =	vand.u32 v3, v2  }
0x3a: {  	v8 =	vld [tilespmem:s20+$0x20];
	v2 =	vand.u32 $0x80808080, v2  }
0x3b: {  	v9 =	vld [tilespmem:s20+$0x30];
	vm0 =	vne.s32 v2, $0x80808080  }
0x3c: {  	v2 =	vsel vm0, $0x1, v1  }
0x3d: {  	(xrf0) =	vadd.scan.msk.s32 $0xffff, v2;
	_ =	sdelay $0x2  }
0x3e: {  	v5 =	vld [tilespmem:s20+$0x40];
	v3 =	vsub.s32 $0x13131312, v9;
	v2 =	vsub.s32 $0x13131312, v8  }
0x3f: {  	v4 =	vld [tilespmem:s20+$0x50];
	v3 =	vor.u32 v9, v3;
	v2 =	vor.u32 v8, v2  }
0x40: {  	v2 =	vand.u32 v3, v2;
	v3 =	vld [tilespmem:s20+$0x60]  }
0x41: {  	v55 =	vand.u32 $0x80808080, v2;
	v2 =	vld [tilespmem:s20+$0x70];
	v10, _, _ =	vpop (xrf0)  }
0x42: {  	(v2sf) =	vpush v10, $0xF;
	_ =	sdelay $0x1  }
0x43: {  	v11 =	vsub.s32 $0x13131312, v4;
	vm13 =	vne.s32 v55, $0x80808080  }
0x44: {  	v56 =	vsub.s32 $0x13131312, v5;
	v11 =	vor.u32 v4, v11;
	v10 =	vsel vm13, $0x1, v1  }
0x45: {  	v12 =	vsub.s32 $0x13131312, v3;
	(xrf0) =	vadd.scan.msk.s32 $0xffff, v10;
	v10 =	vor.u32 v5, v56;
	v13 =	vsub.s32 $0x13131312, v2  }
0x46: {  	v57 =	vor.u32 v3, v12;
	v10 =	vand.u32 v11, v10;
	v58 =	vor.u32 v2, v13  }
0x47: {  	v10 =	vand.u32 $0x80808080, v10;
	v11 =	vand.u32 v58, v57  }
0x48: {  	vm14 =	vne.s32 v10, $0x80808080;
	v59 =	vand.u32 $0x80808080, v11  }
0x49: {  	v61 =	vsel vm14, $0x1, v1;
	vm15 =	vne.s32 v59, $0x80808080  }
0x4a: {  	(xrf0) =	vadd.scan.msk.s32 $0xffff, v61;
	v10 =	vsel vm15, $0x1, v1  }
0x4b: {  	v60, _, _ =	vpop (xrf0);
	(xrf0) =	vadd.scan.msk.s32 $0xffff, v10  }
0x4c: {  	(v2sf) =	vpush v60, $0xF;
	_ =	sdelay $0x3  }
0x4d: {  	v62, _, _ =	vpop (xrf0);
	s28 =	spop (v2sf)  }
0x4e: {  	(v2sf) =	vpush v62, $0xF;
	v63, _, _ =	vpop (xrf0);
	p1 =	slt.s32 s28, $0x1  }
0x4f: {  	(v2sf) =	vpush v63, $0xF;
	v11 =	vlaneseq.u32 @!p1  }
0x50: {  	v12 =	vand.u32 @!p1 $0xFF, v6;
	v13 =	vand.u32 @!p1 $0xFF00, v6;
	v14 =	vshrl.u32 @!p1 v6, $0x8  }
0x51: {  	v15 =	vand.u32 @!p1 $0xFF0000, v6;
	vm3 =	vlt.u32 @!p1 v6, $0x13000000;
	v16 =	vshrl.u32 @!p1 v7, $0x8  }
0x52: {  	v17 =	vand.u32 @!p1 $0xFF00, v7;
	v18 =	vand.u32 @!p1 $0xFF0000, v7;
	vm10 =	vlt.u32 @!p1 v7, $0x13000000  }
0x53: {  	v11 =	vmul.u32 @!p1 $0x80, v11;
	vm0 =	vlt.u32 @!p1 v12, $0x13;
	vm1 =	vlt.u32 @!p1 v13, $0x1300  }
0x54: {  	v13 =	vshrl.u32 @!p1 v6, $0x10;
	v14 =	vand.u32 @!p1 $0xFF, v14;
	vm4 =	vlt.u32 @!p1 v15, $0x130000  }
0x55: {  	v15 =	vshrl.u32 @!p1 v6, $0x18;
	v6 =	vand.u32 @!p1 $0xFF, v7;
	v16 =	vand.u32 @!p1 $0xFF, v16  }
0x56: {  	vm5 =	vlt.u32 @!p1 v17, $0x1300;
	v17 =	vshrl.u32 @!p1 v7, $0x10;
	vm9 =	vlt.u32 @!p1 v18, $0x130000  }
0x57: {  	v13 =	vand.u32 @!p1 $0xFF, v13;
	vm2 =	vlt.u32 @!p1 v6, $0x13;
	v17 =	vand.u32 @!p1 $0xFF, v17  }
0x58: {  	v10 =	vadd.s32 @!p1 v11, v12;
	v12 =	vimm.f32 @!p1 $1.000000000e+00;
	v14 =	vadd.s32 @!p1 v11, v14;
	s29 =	spop (v2sf)  }
0x59: {  	v13 =	vadd.s32 @!p1 v11, v13;
	v15 =	vadd.s32 @!p1 v11, v15;
	v6 =	vadd.s32 @!p1 v11, v6;
	p0 =	slt.s32 s29, $0x1  }
0x5a: {  	v16 =	vadd.s32 @!p1 v11, v16;
	v17 =	vadd.s32 @!p1 v11, v17;
	v19 =	vlaneseq.u32 @!p0  }
0x5b: {  	v20 =	vshrl.u32 @!p0 v8, $0x8;
	v21 =	vand.u32 @!p0 $0xFF00, v8;
	v22 =	vand.u32 @!p0 $0xFF0000, v8  }
0x5c: {  	vm11 =	vlt.u32 @!p0 v8, $0x13000000;
	v23 =	vshrl.u32 @!p0 v9, $0x8;
	v24 =	vand.u32 @!p0 $0xFF00, v9  }
0x5d: {  	v18 =	vmul.u32 @!p0 $0x80, v19;
	v19 =	vshrl.u32 @!p1 v7, $0x18;
	v7 =	vand.u32 @!p0 $0xFF, v8  }
0x5e: {  	vm7 =	vlt.u32 @!p0 v21, $0x1300;
	v20 =	vand.u32 @!p0 $0xFF, v20;
	v21 =	vshrl.u32 @!p0 v8, $0x10  }
0x5f: {  	vm13 =	vlt.u32 @!p0 v22, $0x130000;
	v22 =	vshrl.u32 @!p0 v8, $0x18;
	vm12 =	vlt.u32 @!p0 v24, $0x1300  }
0x60: {  	s21 =	simm.s32 @!p1 $0x1000;
	v23 =	vand.u32 @!p0 $0xFF, v23;
	v24 =	vand.u32 @!p0 $0xFF0000, v9;
	v11 =	vadd.s32 @!p1 v11, v19  }
0x61: {  	[tilespmem:v10+s21+$0x0] =	vst.idx.add.f32.msk @!p1 vm0, v12;
	vm6 =	vlt.u32 @!p0 v7, $0x13;
	v19 =	vimm.f32 @!p0 $1.000000000e+00;
	v21 =	vand.u32 @!p0 $0xFF, v21  }
0x62: {  	[tilespmem:v14+s21+$0x0] =	vst.idx.add.f32.msk @!p1 vm1, v12;
	vm0 =	vlt.u32 @!p0 v24, $0x130000;
	v7 =	vadd.s32 @!p0 v18, v7;
	v20 =	vadd.s32 @!p0 v18, v20  }
0x63: {  	[tilespmem:v13+s21+$0x0] =	vst.idx.add.f32.msk @!p1 vm4, v12;
	v21 =	vadd.s32 @!p0 v18, v21;
	v8 =	vadd.s32 @!p0 v18, v22;
	v22 =	vand.u32 @!p0 $0xFF, v9  }
0x64: {  	s30 =	spop (v2sf);
	v10 =	vadd.s32 @!p0 v18, v23;
	v23 =	vshrl.u32 @!p0 v9, $0x10;
	[tilespmem:v15+s21+$0x0] =	vst.idx.add.f32.msk @!p1 vm3, v12;
	vm3 =	vlt.u32 @!p0 v9, $0x13000000  }
0x65: {  	vm8 =	vlt.u32 @!p0 v22, $0x13;
	v22 =	vadd.s32 @!p0 v18, v22;
	p2 =	slt.s32 s30, $0x1;
	v14 =	vand.u32 @!p0 $0xFF, v23  }
0x66: {  	[tilespmem:v6+s21+$0x0] =	vst.idx.add.f32.msk @!p1 vm2, v12;
	v23 =	vlaneseq.u32 @!p2;
	v13 =	vadd.s32 @!p0 v18, v14;
	v14 =	vshrl.u32 @!p0 v9, $0x18  }
0x67: {  	[tilespmem:v16+s21+$0x0] =	vst.idx.add.f32.msk @!p1 vm5, v12;
	v15 =	vimm.f32 @!p2 $1.000000000e+00;
	v16 =	vshrl.u32 @!p2 v5, $0x8;
	v23 =	vmul.u32 @!p2 $0x80, v23  }
0x68: {  	v9 =	vadd.s32 @!p0 v18, v14;
	v14 =	vand.u32 @!p2 $0xFF, v5;
	[tilespmem:v17+s21+$0x0] =	vst.idx.add.f32.msk @!p1 vm9, v12;
	v17 =	vand.u32 @!p2 $0xFF0000, v5  }
0x69: {  	s20 =	simm.s32 @!p0 $0x1000;
	vm9 =	vlt.u32 @!p2 v4, $0x13000000;
	vm1 =	vlt.u32 @!p2 v14, $0x13;
	[tilespmem:v11+s21+$0x0] =	vst.idx.add.f32.msk @!p1 vm10, v12;
	vm4 =	vlt.u32 @!p2 v17, $0x130000  }
0x6a: {  	v6 =	vadd.s32 @!p2 v23, v14;
	v14 =	vand.u32 @!p2 $0xFF00, v5;
	[tilespmem:v7+s20+$0x0] =	vst.idx.add.f32.msk @!p0 vm6, v19;
	vm6 =	vlt.u32 @!p2 v5, $0x13000000  }
0x6b: {  	vm2 =	vlt.u32 @!p2 v14, $0x1300;
	v14 =	vand.u32 @!p2 $0xFF, v16;
	v16 =	vshrl.u32 @!p2 v5, $0x10  }
0x6c: {  	[tilespmem:v20+s20+$0x0] =	vst.idx.add.f32.msk @!p0 vm7, v19;
	v11 =	vadd.s32 @!p2 v23, v14;
	v12 =	vand.u32 @!p2 $0xFF, v16;
	v14 =	vand.u32 @!p2 $0xFF, v4  }
0x6d: {  	[tilespmem:v21+s20+$0x0] =	vst.idx.add.f32.msk @!p0 vm13, v19;
	v7 =	vadd.s32 @!p2 v23, v12;
	v12 =	vshrl.u32 @!p2 v5, $0x18;
	vm5 =	vlt.u32 @!p2 v14, $0x13  }
0x6e: {  	[tilespmem:v8+s20+$0x0] =	vst.idx.add.f32.msk @!p0 vm11, v19;
	v5 =	vadd.s32 @!p2 v23, v12;
	v12 =	vadd.s32 @!p2 v23, v14;
	v14 =	vshrl.u32 @!p2 v4, $0x8  }
0x6f: {  	s31 =	spop (v2sf);
	v16 =	vand.u32 @!p2 $0xFF00, v4;
	[tilespmem:v22+s20+$0x0] =	vst.idx.add.f32.msk @!p0 vm8, v19;
	v8 =	vand.u32 @!p2 $0xFF, v14;
	v14 =	vand.u32 @!p2 $0xFF0000, v4  }
0x70: {  	p1 =	slt.s32 s31, $0x1;
	vm7 =	vlt.u32 @!p2 v16, $0x1300;
	[tilespmem:v10+s20+$0x0] =	vst.idx.add.f32.msk @!p0 vm12, v19;
	v8 =	vadd.s32 @!p2 v23, v8;
	vm8 =	vlt.u32 @!p2 v14, $0x130000  }
0x71: {  	v14 =	vshrl.u32 @!p2 v4, $0x10;
	v4 =	vshrl.u32 @!p2 v4, $0x18;
	[tilespmem:v13+s20+$0x0] =	vst.idx.add.f32.msk @!p0 vm0, v19;
	v13 =	vand.u32 @!p1 $0xFF, v3  }
0x72: {  	v10 =	vand.u32 @!p2 $0xFF, v14;
	v4 =	vadd.s32 @!p2 v23, v4;
	vm0 =	vlt.u32 @!p1 v13, $0x13  }
0x73: {  	[tilespmem:v9+s20+$0x0] =	vst.idx.add.f32.msk @!p0 vm3, v19;
	s20 =	simm.s32 @!p2 $0x1000;
	v9 =	vlaneseq.u32 @!p1;
	v14 =	vand.u32 @!p1 $0xFF00, v3;
	vm3 =	vlt.u32 @!p1 v3, $0x13000000  }
0x74: {  	v10 =	vadd.s32 @!p2 v23, v10;
	[tilespmem:v6+s20+$0x0] =	vst.idx.add.f32.msk @!p2 vm1, v15;
	v6 =	vmul.u32 @!p1 $0x80, v9;
	v9 =	vand.u32 @!p1 $0xFF0000, v3  }
0x75: {  	vm1 =	vlt.u32 @!p1 v14, $0x1300;
	[tilespmem:v11+s20+$0x0] =	vst.idx.add.f32.msk @!p2 vm2, v15;
	v11 =	vshrl.u32 @!p1 v3, $0x8;
	vm2 =	vlt.u32 @!p1 v9, $0x130000  }
0x76: {  	v9 =	vshrl.u32 @!p1 v3, $0x10;
	[tilespmem:v7+s20+$0x0] =	vst.idx.add.f32.msk @!p2 vm4, v15;
	v7 =	vadd.s32 @!p1 v6, v13;
	v11 =	vand.u32 @!p1 $0xFF, v11  }
0x77: {  	v9 =	vand.u32 @!p1 $0xFF, v9;
	[tilespmem:v5+s20+$0x0] =	vst.idx.add.f32.msk @!p2 vm6, v15;
	v5 =	vimm.f32 @!p1 $1.000000000e+00;
	v11 =	vadd.s32 @!p1 v6, v11  }
0x78: {  	v9 =	vadd.s32 @!p1 v6, v9;
	[tilespmem:v12+s20+$0x0] =	vst.idx.add.f32.msk @!p2 vm5, v15;
	v12 =	vshrl.u32 @!p1 v3, $0x18;
	v3 =	vand.u32 @!p1 $0xFF, v2  }
0x79: {  	[tilespmem:v8+s20+$0x0] =	vst.idx.add.f32.msk @!p2 vm7, v15;
	v8 =	vadd.s32 @!p1 v6, v12;
	vm4 =	vlt.u32 @!p1 v3, $0x13;
	v12 =	vand.u32 @!p1 $0xFF00, v2  }
0x7a: {  	v3 =	vadd.s32 @!p1 v6, v3;
	[tilespmem:v10+s20+$0x0] =	vst.idx.add.f32.msk @!p2 vm8, v15;
	v10 =	vshrl.u32 @!p1 v2, $0x8;
	vm5 =	vlt.u32 @!p1 v12, $0x1300  }
0x7b: {  	v12 =	vand.u32 @!p1 $0xFF0000, v2;
	[tilespmem:v4+s20+$0x0] =	vst.idx.add.f32.msk @!p2 vm9, v15;
	s20 =	simm.s32 @!p1 $0x1000;
	v4 =	vand.u32 @!p1 $0xFF, v10;
	v10 =	vshrl.u32 @!p1 v2, $0x10  }
0x7c: {  	[tilespmem:v7+s20+$0x0] =	vst.idx.add.f32.msk @!p1 vm0, v5;
	v4 =	vadd.s32 @!p1 v6, v4;
	vm0 =	vlt.u32 @!p1 v12, $0x130000;
	v7 =	vand.u32 @!p1 $0xFF, v10  }
0x7d: {  	s19 =	sadd.s32 $0x200, s19;
	v10 =	vshrl.u32 @!p1 v2, $0x18;
	[tilespmem:v11+s20+$0x0] =	vst.idx.add.f32.msk @!p1 vm1, v5;
	v7 =	vadd.s32 @!p1 v6, v7;
	vm1 =	vlt.u32 @!p1 v2, $0x13000000  }
0x7e: {  	p0 =	sne.s32 s19, $0x2000;
	v2 =	vadd.s32 @!p1 v6, v10;
	[tilespmem:v9+s20+$0x0] =	vst.idx.add.f32.msk @!p1 vm2, v5  }
.Ltmp0:
0x7f: {  	[tilespmem:v8+s20+$0x0] =	vst.idx.add.f32.msk @!p1 vm3, v5;
	(pc) =	sbr.rel @p0 .LBB2_2-.Ltmp0, $4  }
0x80: {  	[tilespmem:v3+s20+$0x0] =	vst.idx.add.f32.msk @!p1 vm4, v5  }
0x81: {  	[tilespmem:v4+s20+$0x0] =	vst.idx.add.f32.msk @!p1 vm5, v5  }
0x82: {  	[tilespmem:v7+s20+$0x0] =	vst.idx.add.f32.msk @!p1 vm0, v5  }
0x83: {  	[tilespmem:v2+s20+$0x0] =	vst.idx.add.f32.msk @!p1 vm1, v5  }
0x84: {  	s19 =	simm.s32 $0x0  }
0x85: {  	[tilespmem:s19], [sflag:$0x1] =	stream.linear.gather [hbm4b:s5+s19], $0x800, $0x38;
	[tilespmem:$0x1880] =	vst v63  }
0x86: {  	_ =	swait.ge [sflag:s15], $0x800  }
0x87: {  	[sflag:s15] =	ssyncset.done $0x0  }
0x88: {  	[sflag:s15] =	ssyncadd.s32 $0xFFFFF800  }
.LBB2_4:
0x89: {  	s20 =	sshra.s32 s19, $0x2  }
0x8a: {  	v6 =	vld [tilespmem:s20+$0x800]  }
0x8b: {  	v7 =	vld [tilespmem:s20+$0x810];
	_ =	sdelay $0x4  }
0x8c: {  	v2 =	vsub.s32 $0x13131312, v6;
	v3 =	vsub.s32 $0x13131312, v7  }
0x8d: {  	v2 =	vor.u32 v6, v2;
	v3 =	vor.u32 v7, v3  }
0x8e: {  	v2 =	vand.u32 v3, v2  }
0x8f: {  	v8 =	vld [tilespmem:s20+$0x820];
	v2 =	vand.u32 $0x80808080, v2  }
0x90: {  	v9 =	vld [tilespmem:s20+$0x830];
	vm0 =	vne.s32 v2, $0x80808080  }
0x91: {  	v2 =	vsel vm0, $0x1, v1  }
0x92: {  	(xrf0) =	vadd.scan.msk.s32 $0xffff, v2;
	_ =	sdelay $0x2  }
0x93: {  	v5 =	vld [tilespmem:s20+$0x840];
	v3 =	vsub.s32 $0x13131312, v9;
	v2 =	vsub.s32 $0x13131312, v8  }
0x94: {  	v4 =	vld [tilespmem:s20+$0x850];
	v3 =	vor.u32 v9, v3;
	v2 =	vor.u32 v8, v2  }
0x95: {  	v2 =	vand.u32 v3, v2;
	v3 =	vld [tilespmem:s20+$0x860]  }
0x96: {  	v55 =	vand.u32 $0x80808080, v2;
	v2 =	vld [tilespmem:s20+$0x870];
	v10, _, _ =	vpop (xrf0)  }
0x97: {  	(v2sf) =	vpush v10, $0xF;
	_ =	sdelay $0x1  }
0x98: {  	v11 =	vsub.s32 $0x13131312, v4;
	vm13 =	vne.s32 v55, $0x80808080  }
0x99: {  	v56 =	vsub.s32 $0x13131312, v5;
	v11 =	vor.u32 v4, v11;
	v10 =	vsel vm13, $0x1, v1  }
0x9a: {  	v12 =	vsub.s32 $0x13131312, v3;
	(xrf0) =	vadd.scan.msk.s32 $0xffff, v10;
	v10 =	vor.u32 v5, v56;
	v13 =	vsub.s32 $0x13131312, v2  }
0x9b: {  	v57 =	vor.u32 v3, v12;
	v10 =	vand.u32 v11, v10;
	v58 =	vor.u32 v2, v13  }
0x9c: {  	v10 =	vand.u32 $0x80808080, v10;
	v11 =	vand.u32 v58, v57  }
0x9d: {  	vm14 =	vne.s32 v10, $0x80808080;
	v59 =	vand.u32 $0x80808080, v11  }
0x9e: {  	v61 =	vsel vm14, $0x1, v1;
	vm15 =	vne.s32 v59, $0x80808080  }
0x9f: {  	(xrf0) =	vadd.scan.msk.s32 $0xffff, v61;
	v10 =	vsel vm15, $0x1, v1  }
0xa0: {  	v60, _, _ =	vpop (xrf0);
	(xrf0) =	vadd.scan.msk.s32 $0xffff, v10  }
0xa1: {  	(v2sf) =	vpush v60, $0xF;
	_ =	sdelay $0x3  }
0xa2: {  	v62, _, _ =	vpop (xrf0);
	s28 =	spop (v2sf)  }
0xa3: {  	(v2sf) =	vpush v62, $0xF;
	v63, _, _ =	vpop (xrf0);
	p1 =	slt.s32 s28, $0x1  }
0xa4: {  	(v2sf) =	vpush v63, $0xF;
	v11 =	vlaneseq.u32 @!p1  }
0xa5: {  	v12 =	vand.u32 @!p1 $0xFF, v6;
	v13 =	vand.u32 @!p1 $0xFF00, v6;
	v14 =	vshrl.u32 @!p1 v6, $0x8  }
0xa6: {  	v15 =	vand.u32 @!p1 $0xFF0000, v6;
	vm3 =	vlt.u32 @!p1 v6, $0x13000000;
	v16 =	vshrl.u32 @!p1 v7, $0x8  }
0xa7: {  	v17 =	vand.u32 @!p1 $0xFF00, v7;
	v18 =	vand.u32 @!p1 $0xFF0000, v7;
	vm10 =	vlt.u32 @!p1 v7, $0x13000000  }
0xa8: {  	v11 =	vmul.u32 @!p1 $0x80, v11;
	vm0 =	vlt.u32 @!p1 v12, $0x13;
	vm1 =	vlt.u32 @!p1 v13, $0x1300  }
0xa9: {  	v13 =	vshrl.u32 @!p1 v6, $0x10;
	v14 =	vand.u32 @!p1 $0xFF, v14;
	vm4 =	vlt.u32 @!p1 v15, $0x130000  }
0xaa: {  	v15 =	vshrl.u32 @!p1 v6, $0x18;
	v6 =	vand.u32 @!p1 $0xFF, v7;
	v16 =	vand.u32 @!p1 $0xFF, v16  }
0xab: {  	vm5 =	vlt.u32 @!p1 v17, $0x1300;
	v17 =	vshrl.u32 @!p1 v7, $0x10;
	vm9 =	vlt.u32 @!p1 v18, $0x130000  }
0xac: {  	v13 =	vand.u32 @!p1 $0xFF, v13;
	vm2 =	vlt.u32 @!p1 v6, $0x13;
	v17 =	vand.u32 @!p1 $0xFF, v17  }
0xad: {  	v10 =	vadd.s32 @!p1 v11, v12;
	v12 =	vimm.f32 @!p1 $1.000000000e+00;
	v14 =	vadd.s32 @!p1 v11, v14;
	s29 =	spop (v2sf)  }
0xae: {  	v13 =	vadd.s32 @!p1 v11, v13;
	v15 =	vadd.s32 @!p1 v11, v15;
	v6 =	vadd.s32 @!p1 v11, v6;
	p0 =	slt.s32 s29, $0x1  }
0xaf: {  	v16 =	vadd.s32 @!p1 v11, v16;
	v17 =	vadd.s32 @!p1 v11, v17;
	v19 =	vlaneseq.u32 @!p0  }
0xb0: {  	v20 =	vshrl.u32 @!p0 v8, $0x8;
	v21 =	vand.u32 @!p0 $0xFF00, v8;
	v22 =	vand.u32 @!p0 $0xFF0000, v8  }
0xb1: {  	vm11 =	vlt.u32 @!p0 v8, $0x13000000;
	v23 =	vshrl.u32 @!p0 v9, $0x8;
	v24 =	vand.u32 @!p0 $0xFF00, v9  }
0xb2: {  	v18 =	vmul.u32 @!p0 $0x80, v19;
	v19 =	vshrl.u32 @!p1 v7, $0x18;
	v7 =	vand.u32 @!p0 $0xFF, v8  }
0xb3: {  	vm7 =	vlt.u32 @!p0 v21, $0x1300;
	v20 =	vand.u32 @!p0 $0xFF, v20;
	v21 =	vshrl.u32 @!p0 v8, $0x10  }
0xb4: {  	vm13 =	vlt.u32 @!p0 v22, $0x130000;
	v22 =	vshrl.u32 @!p0 v8, $0x18;
	vm12 =	vlt.u32 @!p0 v24, $0x1300  }
0xb5: {  	s21 =	simm.s32 @!p1 $0x1000;
	v23 =	vand.u32 @!p0 $0xFF, v23;
	v24 =	vand.u32 @!p0 $0xFF0000, v9;
	v11 =	vadd.s32 @!p1 v11, v19  }
0xb6: {  	[tilespmem:v10+s21+$0x0] =	vst.idx.add.f32.msk @!p1 vm0, v12;
	vm6 =	vlt.u32 @!p0 v7, $0x13;
	v19 =	vimm.f32 @!p0 $1.000000000e+00;
	v21 =	vand.u32 @!p0 $0xFF, v21  }
0xb7: {  	[tilespmem:v14+s21+$0x0] =	vst.idx.add.f32.msk @!p1 vm1, v12;
	vm0 =	vlt.u32 @!p0 v24, $0x130000;
	v7 =	vadd.s32 @!p0 v18, v7;
	v20 =	vadd.s32 @!p0 v18, v20  }
0xb8: {  	[tilespmem:v13+s21+$0x0] =	vst.idx.add.f32.msk @!p1 vm4, v12;
	v21 =	vadd.s32 @!p0 v18, v21;
	v8 =	vadd.s32 @!p0 v18, v22;
	v22 =	vand.u32 @!p0 $0xFF, v9  }
0xb9: {  	s30 =	spop (v2sf);
	v10 =	vadd.s32 @!p0 v18, v23;
	v23 =	vshrl.u32 @!p0 v9, $0x10;
	[tilespmem:v15+s21+$0x0] =	vst.idx.add.f32.msk @!p1 vm3, v12;
	vm3 =	vlt.u32 @!p0 v9, $0x13000000  }
0xba: {  	vm8 =	vlt.u32 @!p0 v22, $0x13;
	v22 =	vadd.s32 @!p0 v18, v22;
	p2 =	slt.s32 s30, $0x1;
	v14 =	vand.u32 @!p0 $0xFF, v23  }
0xbb: {  	[tilespmem:v6+s21+$0x0] =	vst.idx.add.f32.msk @!p1 vm2, v12;
	v23 =	vlaneseq.u32 @!p2;
	v13 =	vadd.s32 @!p0 v18, v14;
	v14 =	vshrl.u32 @!p0 v9, $0x18  }
0xbc: {  	[tilespmem:v16+s21+$0x0] =	vst.idx.add.f32.msk @!p1 vm5, v12;
	v15 =	vimm.f32 @!p2 $1.000000000e+00;
	v16 =	vshrl.u32 @!p2 v5, $0x8;
	v23 =	vmul.u32 @!p2 $0x80, v23  }
0xbd: {  	v9 =	vadd.s32 @!p0 v18, v14;
	v14 =	vand.u32 @!p2 $0xFF, v5;
	[tilespmem:v17+s21+$0x0] =	vst.idx.add.f32.msk @!p1 vm9, v12;
	v17 =	vand.u32 @!p2 $0xFF0000, v5  }
0xbe: {  	s20 =	simm.s32 @!p0 $0x1000;
	vm9 =	vlt.u32 @!p2 v4, $0x13000000;
	vm1 =	vlt.u32 @!p2 v14, $0x13;
	[tilespmem:v11+s21+$0x0] =	vst.idx.add.f32.msk @!p1 vm10, v12;
	vm4 =	vlt.u32 @!p2 v17, $0x130000  }
0xbf: {  	v6 =	vadd.s32 @!p2 v23, v14;
	v14 =	vand.u32 @!p2 $0xFF00, v5;
	[tilespmem:v7+s20+$0x0] =	vst.idx.add.f32.msk @!p0 vm6, v19;
	vm6 =	vlt.u32 @!p2 v5, $0x13000000  }
0xc0: {  	vm2 =	vlt.u32 @!p2 v14, $0x1300;
	v14 =	vand.u32 @!p2 $0xFF, v16;
	v16 =	vshrl.u32 @!p2 v5, $0x10  }
0xc1: {  	[tilespmem:v20+s20+$0x0] =	vst.idx.add.f32.msk @!p0 vm7, v19;
	v11 =	vadd.s32 @!p2 v23, v14;
	v12 =	vand.u32 @!p2 $0xFF, v16;
	v14 =	vand.u32 @!p2 $0xFF, v4  }
0xc2: {  	[tilespmem:v21+s20+$0x0] =	vst.idx.add.f32.msk @!p0 vm13, v19;
	v7 =	vadd.s32 @!p2 v23, v12;
	v12 =	vshrl.u32 @!p2 v5, $0x18;
	vm5 =	vlt.u32 @!p2 v14, $0x13  }
0xc3: {  	[tilespmem:v8+s20+$0x0] =	vst.idx.add.f32.msk @!p0 vm11, v19;
	v5 =	vadd.s32 @!p2 v23, v12;
	v12 =	vadd.s32 @!p2 v23, v14;
	v14 =	vshrl.u32 @!p2 v4, $0x8  }
0xc4: {  	s31 =	spop (v2sf);
	v16 =	vand.u32 @!p2 $0xFF00, v4;
	[tilespmem:v22+s20+$0x0] =	vst.idx.add.f32.msk @!p0 vm8, v19;
	v8 =	vand.u32 @!p2 $0xFF, v14;
	v14 =	vand.u32 @!p2 $0xFF0000, v4  }
0xc5: {  	p1 =	slt.s32 s31, $0x1;
	vm7 =	vlt.u32 @!p2 v16, $0x1300;
	[tilespmem:v10+s20+$0x0] =	vst.idx.add.f32.msk @!p0 vm12, v19;
	v8 =	vadd.s32 @!p2 v23, v8;
	vm8 =	vlt.u32 @!p2 v14, $0x130000  }
0xc6: {  	v14 =	vshrl.u32 @!p2 v4, $0x10;
	v4 =	vshrl.u32 @!p2 v4, $0x18;
	[tilespmem:v13+s20+$0x0] =	vst.idx.add.f32.msk @!p0 vm0, v19;
	v13 =	vand.u32 @!p1 $0xFF, v3  }
0xc7: {  	v10 =	vand.u32 @!p2 $0xFF, v14;
	v4 =	vadd.s32 @!p2 v23, v4;
	vm0 =	vlt.u32 @!p1 v13, $0x13  }
0xc8: {  	[tilespmem:v9+s20+$0x0] =	vst.idx.add.f32.msk @!p0 vm3, v19;
	s20 =	simm.s32 @!p2 $0x1000;
	v9 =	vlaneseq.u32 @!p1;
	v14 =	vand.u32 @!p1 $0xFF00, v3;
	vm3 =	vlt.u32 @!p1 v3, $0x13000000  }
0xc9: {  	v10 =	vadd.s32 @!p2 v23, v10;
	[tilespmem:v6+s20+$0x0] =	vst.idx.add.f32.msk @!p2 vm1, v15;
	v6 =	vmul.u32 @!p1 $0x80, v9;
	v9 =	vand.u32 @!p1 $0xFF0000, v3  }
0xca: {  	vm1 =	vlt.u32 @!p1 v14, $0x1300;
	[tilespmem:v11+s20+$0x0] =	vst.idx.add.f32.msk @!p2 vm2, v15;
	v11 =	vshrl.u32 @!p1 v3, $0x8;
	vm2 =	vlt.u32 @!p1 v9, $0x130000  }
0xcb: {  	v9 =	vshrl.u32 @!p1 v3, $0x10;
	[tilespmem:v7+s20+$0x0] =	vst.idx.add.f32.msk @!p2 vm4, v15;
	v7 =	vadd.s32 @!p1 v6, v13;
	v11 =	vand.u32 @!p1 $0xFF, v11  }
0xcc: {  	v9 =	vand.u32 @!p1 $0xFF, v9;
	[tilespmem:v5+s20+$0x0] =	vst.idx.add.f32.msk @!p2 vm6, v15;
	v5 =	vimm.f32 @!p1 $1.000000000e+00;
	v11 =	vadd.s32 @!p1 v6, v11  }
0xcd: {  	v9 =	vadd.s32 @!p1 v6, v9;
	[tilespmem:v12+s20+$0x0] =	vst.idx.add.f32.msk @!p2 vm5, v15;
	v12 =	vshrl.u32 @!p1 v3, $0x18;
	v3 =	vand.u32 @!p1 $0xFF, v2  }
0xce: {  	[tilespmem:v8+s20+$0x0] =	vst.idx.add.f32.msk @!p2 vm7, v15;
	v8 =	vadd.s32 @!p1 v6, v12;
	vm4 =	vlt.u32 @!p1 v3, $0x13;
	v12 =	vand.u32 @!p1 $0xFF00, v2  }
0xcf: {  	v3 =	vadd.s32 @!p1 v6, v3;
	[tilespmem:v10+s20+$0x0] =	vst.idx.add.f32.msk @!p2 vm8, v15;
	v10 =	vshrl.u32 @!p1 v2, $0x8;
	vm5 =	vlt.u32 @!p1 v12, $0x1300  }
0xd0: {  	v12 =	vand.u32 @!p1 $0xFF0000, v2;
	[tilespmem:v4+s20+$0x0] =	vst.idx.add.f32.msk @!p2 vm9, v15;
	s20 =	simm.s32 @!p1 $0x1000;
	v4 =	vand.u32 @!p1 $0xFF, v10;
	v10 =	vshrl.u32 @!p1 v2, $0x10  }
0xd1: {  	[tilespmem:v7+s20+$0x0] =	vst.idx.add.f32.msk @!p1 vm0, v5;
	v4 =	vadd.s32 @!p1 v6, v4;
	vm0 =	vlt.u32 @!p1 v12, $0x130000;
	v7 =	vand.u32 @!p1 $0xFF, v10  }
0xd2: {  	s19 =	sadd.s32 $0x200, s19;
	v10 =	vshrl.u32 @!p1 v2, $0x18;
	[tilespmem:v11+s20+$0x0] =	vst.idx.add.f32.msk @!p1 vm1, v5;
	v7 =	vadd.s32 @!p1 v6, v7;
	vm1 =	vlt.u32 @!p1 v2, $0x13000000  }
0xd3: {  	p0 =	sne.s32 s19, $0x2000;
	v2 =	vadd.s32 @!p1 v6, v10;
	[tilespmem:v9+s20+$0x0] =	vst.idx.add.f32.msk @!p1 vm2, v5  }
.Ltmp1:
0xd4: {  	[tilespmem:v8+s20+$0x0] =	vst.idx.add.f32.msk @!p1 vm3, v5;
	(pc) =	sbr.rel @p0 .LBB2_4-.Ltmp1, $4  }
0xd5: {  	[tilespmem:v3+s20+$0x0] =	vst.idx.add.f32.msk @!p1 vm4, v5  }
0xd6: {  	[tilespmem:v4+s20+$0x0] =	vst.idx.add.f32.msk @!p1 vm5, v5  }
0xd7: {  	[tilespmem:v7+s20+$0x0] =	vst.idx.add.f32.msk @!p1 vm0, v5  }
0xd8: {  	[tilespmem:v2+s20+$0x0] =	vst.idx.add.f32.msk @!p1 vm1, v5  }
0xd9: {  	s19 =	simm.s32 $0x0  }
0xda: {  	[tilespmem:s13], [sflag:$0x2] =	stream.linear.gather [hbm4b:s6+s19], $0x800, $0x38;
	[tilespmem:$0x1880] =	vst v63  }
0xdb: {  	_ =	swait.ge [sflag:s14], $0x800  }
0xdc: {  	[sflag:s14] =	ssyncset.done $0x0  }
0xdd: {  	[sflag:s14] =	ssyncadd.s32 $0xFFFFF800  }
.LBB2_6:
0xde: {  	s20 =	sshra.s32 s19, $0x2  }
0xdf: {  	v6 =	vld [tilespmem:s20+$0x0]  }
0xe0: {  	v7 =	vld [tilespmem:s20+$0x10];
	_ =	sdelay $0x4  }
0xe1: {  	v2 =	vsub.s32 $0x13131312, v6;
	v3 =	vsub.s32 $0x13131312, v7  }
0xe2: {  	v2 =	vor.u32 v6, v2;
	v3 =	vor.u32 v7, v3  }
0xe3: {  	v2 =	vand.u32 v3, v2  }
0xe4: {  	v8 =	vld [tilespmem:s20+$0x20];
	v2 =	vand.u32 $0x80808080, v2  }
0xe5: {  	v9 =	vld [tilespmem:s20+$0x30];
	vm0 =	vne.s32 v2, $0x80808080  }
0xe6: {  	v2 =	vsel vm0, $0x1, v1  }
0xe7: {  	(xrf0) =	vadd.scan.msk.s32 $0xffff, v2;
	_ =	sdelay $0x2  }
0xe8: {  	v5 =	vld [tilespmem:s20+$0x40];
	v3 =	vsub.s32 $0x13131312, v9;
	v2 =	vsub.s32 $0x13131312, v8  }
0xe9: {  	v4 =	vld [tilespmem:s20+$0x50];
	v3 =	vor.u32 v9, v3;
	v2 =	vor.u32 v8, v2  }
0xea: {  	v2 =	vand.u32 v3, v2;
	v3 =	vld [tilespmem:s20+$0x60]  }
0xeb: {  	v55 =	vand.u32 $0x80808080, v2;
	v2 =	vld [tilespmem:s20+$0x70];
	v10, _, _ =	vpop (xrf0)  }
0xec: {  	(v2sf) =	vpush v10, $0xF;
	_ =	sdelay $0x1  }
0xed: {  	v11 =	vsub.s32 $0x13131312, v4;
	vm13 =	vne.s32 v55, $0x80808080  }
0xee: {  	v56 =	vsub.s32 $0x13131312, v5;
	v11 =	vor.u32 v4, v11;
	v10 =	vsel vm13, $0x1, v1  }
0xef: {  	v12 =	vsub.s32 $0x13131312, v3;
	(xrf0) =	vadd.scan.msk.s32 $0xffff, v10;
	v10 =	vor.u32 v5, v56;
	v13 =	vsub.s32 $0x13131312, v2  }
0xf0: {  	v57 =	vor.u32 v3, v12;
	v10 =	vand.u32 v11, v10;
	v58 =	vor.u32 v2, v13  }
0xf1: {  	v10 =	vand.u32 $0x80808080, v10;
	v11 =	vand.u32 v58, v57  }
0xf2: {  	vm14 =	vne.s32 v10, $0x80808080;
	v59 =	vand.u32 $0x80808080, v11  }
0xf3: {  	v61 =	vsel vm14, $0x1, v1;
	vm15 =	vne.s32 v59, $0x80808080  }
0xf4: {  	(xrf0) =	vadd.scan.msk.s32 $0xffff, v61;
	v10 =	vsel vm15, $0x1, v1  }
0xf5: {  	v60, _, _ =	vpop (xrf0);
	(xrf0) =	vadd.scan.msk.s32 $0xffff, v10  }
0xf6: {  	(v2sf) =	vpush v60, $0xF;
	_ =	sdelay $0x3  }
0xf7: {  	v62, _, _ =	vpop (xrf0);
	s28 =	spop (v2sf)  }
0xf8: {  	(v2sf) =	vpush v62, $0xF;
	v63, _, _ =	vpop (xrf0);
	p1 =	slt.s32 s28, $0x1  }
0xf9: {  	(v2sf) =	vpush v63, $0xF;
	v11 =	vlaneseq.u32 @!p1  }
0xfa: {  	v12 =	vand.u32 @!p1 $0xFF, v6;
	v13 =	vand.u32 @!p1 $0xFF00, v6;
	v14 =	vshrl.u32 @!p1 v6, $0x8  }
0xfb: {  	v15 =	vand.u32 @!p1 $0xFF0000, v6;
	vm3 =	vlt.u32 @!p1 v6, $0x13000000;
	v16 =	vshrl.u32 @!p1 v7, $0x8  }
0xfc: {  	v17 =	vand.u32 @!p1 $0xFF00, v7;
	v18 =	vand.u32 @!p1 $0xFF0000, v7;
	vm10 =	vlt.u32 @!p1 v7, $0x13000000  }
0xfd: {  	v11 =	vmul.u32 @!p1 $0x80, v11;
	vm0 =	vlt.u32 @!p1 v12, $0x13;
	vm1 =	vlt.u32 @!p1 v13, $0x1300  }
0xfe: {  	v13 =	vshrl.u32 @!p1 v6, $0x10;
	v14 =	vand.u32 @!p1 $0xFF, v14;
	vm4 =	vlt.u32 @!p1 v15, $0x130000  }
0xff: {  	v15 =	vshrl.u32 @!p1 v6, $0x18;
	v6 =	vand.u32 @!p1 $0xFF, v7;
	v16 =	vand.u32 @!p1 $0xFF, v16  }
0x100: {  	vm5 =	vlt.u32 @!p1 v17, $0x1300;
	v17 =	vshrl.u32 @!p1 v7, $0x10;
	vm9 =	vlt.u32 @!p1 v18, $0x130000  }
0x101: {  	v13 =	vand.u32 @!p1 $0xFF, v13;
	vm2 =	vlt.u32 @!p1 v6, $0x13;
	v17 =	vand.u32 @!p1 $0xFF, v17  }
0x102: {  	v10 =	vadd.s32 @!p1 v11, v12;
	v12 =	vimm.f32 @!p1 $1.000000000e+00;
	v14 =	vadd.s32 @!p1 v11, v14;
	s29 =	spop (v2sf)  }
0x103: {  	v13 =	vadd.s32 @!p1 v11, v13;
	v15 =	vadd.s32 @!p1 v11, v15;
	v6 =	vadd.s32 @!p1 v11, v6;
	p0 =	slt.s32 s29, $0x1  }
0x104: {  	v16 =	vadd.s32 @!p1 v11, v16;
	v17 =	vadd.s32 @!p1 v11, v17;
	v19 =	vlaneseq.u32 @!p0  }
0x105: {  	v20 =	vshrl.u32 @!p0 v8, $0x8;
	v21 =	vand.u32 @!p0 $0xFF00, v8;
	v22 =	vand.u32 @!p0 $0xFF0000, v8  }
0x106: {  	vm11 =	vlt.u32 @!p0 v8, $0x13000000;
	v23 =	vshrl.u32 @!p0 v9, $0x8;
	v24 =	vand.u32 @!p0 $0xFF00, v9  }
0x107: {  	v18 =	vmul.u32 @!p0 $0x80, v19;
	v19 =	vshrl.u32 @!p1 v7, $0x18;
	v7 =	vand.u32 @!p0 $0xFF, v8  }
0x108: {  	vm7 =	vlt.u32 @!p0 v21, $0x1300;
	v20 =	vand.u32 @!p0 $0xFF, v20;
	v21 =	vshrl.u32 @!p0 v8, $0x10  }
0x109: {  	vm13 =	vlt.u32 @!p0 v22, $0x130000;
	v22 =	vshrl.u32 @!p0 v8, $0x18;
	vm12 =	vlt.u32 @!p0 v24, $0x1300  }
0x10a: {  	s21 =	simm.s32 @!p1 $0x1000;
	v23 =	vand.u32 @!p0 $0xFF, v23;
	v24 =	vand.u32 @!p0 $0xFF0000, v9;
	v11 =	vadd.s32 @!p1 v11, v19  }
0x10b: {  	[tilespmem:v10+s21+$0x0] =	vst.idx.add.f32.msk @!p1 vm0, v12;
	vm6 =	vlt.u32 @!p0 v7, $0x13;
	v19 =	vimm.f32 @!p0 $1.000000000e+00;
	v21 =	vand.u32 @!p0 $0xFF, v21  }
0x10c: {  	[tilespmem:v14+s21+$0x0] =	vst.idx.add.f32.msk @!p1 vm1, v12;
	vm0 =	vlt.u32 @!p0 v24, $0x130000;
	v7 =	vadd.s32 @!p0 v18, v7;
	v20 =	vadd.s32 @!p0 v18, v20  }
0x10d: {  	[tilespmem:v13+s21+$0x0] =	vst.idx.add.f32.msk @!p1 vm4, v12;
	v21 =	vadd.s32 @!p0 v18, v21;
	v8 =	vadd.s32 @!p0 v18, v22;
	v22 =	vand.u32 @!p0 $0xFF, v9  }
0x10e: {  	s30 =	spop (v2sf);
	v10 =	vadd.s32 @!p0 v18, v23;
	v23 =	vshrl.u32 @!p0 v9, $0x10;
	[tilespmem:v15+s21+$0x0] =	vst.idx.add.f32.msk @!p1 vm3, v12;
	vm3 =	vlt.u32 @!p0 v9, $0x13000000  }
0x10f: {  	vm8 =	vlt.u32 @!p0 v22, $0x13;
	v22 =	vadd.s32 @!p0 v18, v22;
	p2 =	slt.s32 s30, $0x1;
	v14 =	vand.u32 @!p0 $0xFF, v23  }
0x110: {  	[tilespmem:v6+s21+$0x0] =	vst.idx.add.f32.msk @!p1 vm2, v12;
	v23 =	vlaneseq.u32 @!p2;
	v13 =	vadd.s32 @!p0 v18, v14;
	v14 =	vshrl.u32 @!p0 v9, $0x18  }
0x111: {  	[tilespmem:v16+s21+$0x0] =	vst.idx.add.f32.msk @!p1 vm5, v12;
	v15 =	vimm.f32 @!p2 $1.000000000e+00;
	v16 =	vshrl.u32 @!p2 v5, $0x8;
	v23 =	vmul.u32 @!p2 $0x80, v23  }
0x112: {  	v9 =	vadd.s32 @!p0 v18, v14;
	v14 =	vand.u32 @!p2 $0xFF, v5;
	[tilespmem:v17+s21+$0x0] =	vst.idx.add.f32.msk @!p1 vm9, v12;
	v17 =	vand.u32 @!p2 $0xFF0000, v5  }
0x113: {  	s20 =	simm.s32 @!p0 $0x1000;
	vm9 =	vlt.u32 @!p2 v4, $0x13000000;
	vm1 =	vlt.u32 @!p2 v14, $0x13;
	[tilespmem:v11+s21+$0x0] =	vst.idx.add.f32.msk @!p1 vm10, v12;
	vm4 =	vlt.u32 @!p2 v17, $0x130000  }
0x114: {  	v6 =	vadd.s32 @!p2 v23, v14;
	v14 =	vand.u32 @!p2 $0xFF00, v5;
	[tilespmem:v7+s20+$0x0] =	vst.idx.add.f32.msk @!p0 vm6, v19;
	vm6 =	vlt.u32 @!p2 v5, $0x13000000  }
0x115: {  	vm2 =	vlt.u32 @!p2 v14, $0x1300;
	v14 =	vand.u32 @!p2 $0xFF, v16;
	v16 =	vshrl.u32 @!p2 v5, $0x10  }
0x116: {  	[tilespmem:v20+s20+$0x0] =	vst.idx.add.f32.msk @!p0 vm7, v19;
	v11 =	vadd.s32 @!p2 v23, v14;
	v12 =	vand.u32 @!p2 $0xFF, v16;
	v14 =	vand.u32 @!p2 $0xFF, v4  }
0x117: {  	[tilespmem:v21+s20+$0x0] =	vst.idx.add.f32.msk @!p0 vm13, v19;
	v7 =	vadd.s32 @!p2 v23, v12;
	v12 =	vshrl.u32 @!p2 v5, $0x18;
	vm5 =	vlt.u32 @!p2 v14, $0x13  }
0x118: {  	[tilespmem:v8+s20+$0x0] =	vst.idx.add.f32.msk @!p0 vm11, v19;
	v5 =	vadd.s32 @!p2 v23, v12;
	v12 =	vadd.s32 @!p2 v23, v14;
	v14 =	vshrl.u32 @!p2 v4, $0x8  }
0x119: {  	s31 =	spop (v2sf);
	v16 =	vand.u32 @!p2 $0xFF00, v4;
	[tilespmem:v22+s20+$0x0] =	vst.idx.add.f32.msk @!p0 vm8, v19;
	v8 =	vand.u32 @!p2 $0xFF, v14;
	v14 =	vand.u32 @!p2 $0xFF0000, v4  }
0x11a: {  	p1 =	slt.s32 s31, $0x1;
	vm7 =	vlt.u32 @!p2 v16, $0x1300;
	[tilespmem:v10+s20+$0x0] =	vst.idx.add.f32.msk @!p0 vm12, v19;
	v8 =	vadd.s32 @!p2 v23, v8;
	vm8 =	vlt.u32 @!p2 v14, $0x130000  }
0x11b: {  	v14 =	vshrl.u32 @!p2 v4, $0x10;
	v4 =	vshrl.u32 @!p2 v4, $0x18;
	[tilespmem:v13+s20+$0x0] =	vst.idx.add.f32.msk @!p0 vm0, v19;
	v13 =	vand.u32 @!p1 $0xFF, v3  }
0x11c: {  	v10 =	vand.u32 @!p2 $0xFF, v14;
	v4 =	vadd.s32 @!p2 v23, v4;
	vm0 =	vlt.u32 @!p1 v13, $0x13  }
0x11d: {  	[tilespmem:v9+s20+$0x0] =	vst.idx.add.f32.msk @!p0 vm3, v19;
	s20 =	simm.s32 @!p2 $0x1000;
	v9 =	vlaneseq.u32 @!p1;
	v14 =	vand.u32 @!p1 $0xFF00, v3;
	vm3 =	vlt.u32 @!p1 v3, $0x13000000  }
0x11e: {  	v10 =	vadd.s32 @!p2 v23, v10;
	[tilespmem:v6+s20+$0x0] =	vst.idx.add.f32.msk @!p2 vm1, v15;
	v6 =	vmul.u32 @!p1 $0x80, v9;
	v9 =	vand.u32 @!p1 $0xFF0000, v3  }
0x11f: {  	vm1 =	vlt.u32 @!p1 v14, $0x1300;
	[tilespmem:v11+s20+$0x0] =	vst.idx.add.f32.msk @!p2 vm2, v15;
	v11 =	vshrl.u32 @!p1 v3, $0x8;
	vm2 =	vlt.u32 @!p1 v9, $0x130000  }
0x120: {  	v9 =	vshrl.u32 @!p1 v3, $0x10;
	[tilespmem:v7+s20+$0x0] =	vst.idx.add.f32.msk @!p2 vm4, v15;
	v7 =	vadd.s32 @!p1 v6, v13;
	v11 =	vand.u32 @!p1 $0xFF, v11  }
0x121: {  	v9 =	vand.u32 @!p1 $0xFF, v9;
	[tilespmem:v5+s20+$0x0] =	vst.idx.add.f32.msk @!p2 vm6, v15;
	v5 =	vimm.f32 @!p1 $1.000000000e+00;
	v11 =	vadd.s32 @!p1 v6, v11  }
0x122: {  	v9 =	vadd.s32 @!p1 v6, v9;
	[tilespmem:v12+s20+$0x0] =	vst.idx.add.f32.msk @!p2 vm5, v15;
	v12 =	vshrl.u32 @!p1 v3, $0x18;
	v3 =	vand.u32 @!p1 $0xFF, v2  }
0x123: {  	[tilespmem:v8+s20+$0x0] =	vst.idx.add.f32.msk @!p2 vm7, v15;
	v8 =	vadd.s32 @!p1 v6, v12;
	vm4 =	vlt.u32 @!p1 v3, $0x13;
	v12 =	vand.u32 @!p1 $0xFF00, v2  }
0x124: {  	v3 =	vadd.s32 @!p1 v6, v3;
	[tilespmem:v10+s20+$0x0] =	vst.idx.add.f32.msk @!p2 vm8, v15;
	v10 =	vshrl.u32 @!p1 v2, $0x8;
	vm5 =	vlt.u32 @!p1 v12, $0x1300  }
0x125: {  	v12 =	vand.u32 @!p1 $0xFF0000, v2;
	[tilespmem:v4+s20+$0x0] =	vst.idx.add.f32.msk @!p2 vm9, v15;
	s20 =	simm.s32 @!p1 $0x1000;
	v4 =	vand.u32 @!p1 $0xFF, v10;
	v10 =	vshrl.u32 @!p1 v2, $0x10  }
0x126: {  	[tilespmem:v7+s20+$0x0] =	vst.idx.add.f32.msk @!p1 vm0, v5;
	v4 =	vadd.s32 @!p1 v6, v4;
	vm0 =	vlt.u32 @!p1 v12, $0x130000;
	v7 =	vand.u32 @!p1 $0xFF, v10  }
0x127: {  	s19 =	sadd.s32 $0x200, s19;
	v10 =	vshrl.u32 @!p1 v2, $0x18;
	[tilespmem:v11+s20+$0x0] =	vst.idx.add.f32.msk @!p1 vm1, v5;
	v7 =	vadd.s32 @!p1 v6, v7;
	vm1 =	vlt.u32 @!p1 v2, $0x13000000  }
0x128: {  	p0 =	sne.s32 s19, $0x2000;
	v2 =	vadd.s32 @!p1 v6, v10;
	[tilespmem:v9+s20+$0x0] =	vst.idx.add.f32.msk @!p1 vm2, v5  }
.Ltmp2:
0x129: {  	[tilespmem:v8+s20+$0x0] =	vst.idx.add.f32.msk @!p1 vm3, v5;
	(pc) =	sbr.rel @p0 .LBB2_6-.Ltmp2, $4  }
0x12a: {  	[tilespmem:v3+s20+$0x0] =	vst.idx.add.f32.msk @!p1 vm4, v5  }
0x12b: {  	[tilespmem:v4+s20+$0x0] =	vst.idx.add.f32.msk @!p1 vm5, v5  }
0x12c: {  	[tilespmem:v7+s20+$0x0] =	vst.idx.add.f32.msk @!p1 vm0, v5  }
0x12d: {  	[tilespmem:v2+s20+$0x0] =	vst.idx.add.f32.msk @!p1 vm1, v5  }
0x12e: {  	s19 =	simm.s32 $0x0  }
0x12f: {  	[tilespmem:s19], [sflag:$0x1] =	stream.linear.gather [hbm4b:s7+s19], $0x800, $0x38;
	[tilespmem:$0x1880] =	vst v63  }
0x130: {  	_ =	swait.ge [sflag:s15], $0x800  }
0x131: {  	[sflag:s15] =	ssyncset.done $0x0  }
0x132: {  	[sflag:s15] =	ssyncadd.s32 $0xFFFFF800  }
.LBB2_8:
0x133: {  	s20 =	sshra.s32 s19, $0x2  }
0x134: {  	v6 =	vld [tilespmem:s20+$0x800]  }
0x135: {  	v7 =	vld [tilespmem:s20+$0x810];
	_ =	sdelay $0x4  }
0x136: {  	v2 =	vsub.s32 $0x13131312, v6;
	v3 =	vsub.s32 $0x13131312, v7  }
0x137: {  	v2 =	vor.u32 v6, v2;
	v3 =	vor.u32 v7, v3  }
0x138: {  	v2 =	vand.u32 v3, v2  }
0x139: {  	v8 =	vld [tilespmem:s20+$0x820];
	v2 =	vand.u32 $0x80808080, v2  }
0x13a: {  	v9 =	vld [tilespmem:s20+$0x830];
	vm0 =	vne.s32 v2, $0x80808080  }
0x13b: {  	v2 =	vsel vm0, $0x1, v1  }
0x13c: {  	(xrf0) =	vadd.scan.msk.s32 $0xffff, v2;
	_ =	sdelay $0x2  }
0x13d: {  	v5 =	vld [tilespmem:s20+$0x840];
	v3 =	vsub.s32 $0x13131312, v9;
	v2 =	vsub.s32 $0x13131312, v8  }
0x13e: {  	v4 =	vld [tilespmem:s20+$0x850];
	v3 =	vor.u32 v9, v3;
	v2 =	vor.u32 v8, v2  }
0x13f: {  	v2 =	vand.u32 v3, v2;
	v3 =	vld [tilespmem:s20+$0x860]  }
0x140: {  	v55 =	vand.u32 $0x80808080, v2;
	v2 =	vld [tilespmem:s20+$0x870];
	v10, _, _ =	vpop (xrf0)  }
0x141: {  	(v2sf) =	vpush v10, $0xF;
	_ =	sdelay $0x1  }
0x142: {  	v11 =	vsub.s32 $0x13131312, v4;
	vm13 =	vne.s32 v55, $0x80808080  }
0x143: {  	v56 =	vsub.s32 $0x13131312, v5;
	v11 =	vor.u32 v4, v11;
	v10 =	vsel vm13, $0x1, v1  }
0x144: {  	v12 =	vsub.s32 $0x13131312, v3;
	(xrf0) =	vadd.scan.msk.s32 $0xffff, v10;
	v10 =	vor.u32 v5, v56;
	v13 =	vsub.s32 $0x13131312, v2  }
0x145: {  	v57 =	vor.u32 v3, v12;
	v10 =	vand.u32 v11, v10;
	v58 =	vor.u32 v2, v13  }
0x146: {  	v10 =	vand.u32 $0x80808080, v10;
	v11 =	vand.u32 v58, v57  }
0x147: {  	vm14 =	vne.s32 v10, $0x80808080;
	v59 =	vand.u32 $0x80808080, v11  }
0x148: {  	v61 =	vsel vm14, $0x1, v1;
	vm15 =	vne.s32 v59, $0x80808080  }
0x149: {  	(xrf0) =	vadd.scan.msk.s32 $0xffff, v61;
	v10 =	vsel vm15, $0x1, v1  }
0x14a: {  	v60, _, _ =	vpop (xrf0);
	(xrf0) =	vadd.scan.msk.s32 $0xffff, v10  }
0x14b: {  	(v2sf) =	vpush v60, $0xF;
	_ =	sdelay $0x3  }
0x14c: {  	v62, _, _ =	vpop (xrf0);
	s28 =	spop (v2sf)  }
0x14d: {  	(v2sf) =	vpush v62, $0xF;
	v63, _, _ =	vpop (xrf0);
	p1 =	slt.s32 s28, $0x1  }
0x14e: {  	(v2sf) =	vpush v63, $0xF;
	v11 =	vlaneseq.u32 @!p1  }
0x14f: {  	v12 =	vand.u32 @!p1 $0xFF, v6;
	v13 =	vand.u32 @!p1 $0xFF00, v6;
	v14 =	vshrl.u32 @!p1 v6, $0x8  }
0x150: {  	v15 =	vand.u32 @!p1 $0xFF0000, v6;
	vm3 =	vlt.u32 @!p1 v6, $0x13000000;
	v16 =	vshrl.u32 @!p1 v7, $0x8  }
0x151: {  	v17 =	vand.u32 @!p1 $0xFF00, v7;
	v18 =	vand.u32 @!p1 $0xFF0000, v7;
	vm10 =	vlt.u32 @!p1 v7, $0x13000000  }
0x152: {  	v11 =	vmul.u32 @!p1 $0x80, v11;
	vm0 =	vlt.u32 @!p1 v12, $0x13;
	vm1 =	vlt.u32 @!p1 v13, $0x1300  }
0x153: {  	v13 =	vshrl.u32 @!p1 v6, $0x10;
	v14 =	vand.u32 @!p1 $0xFF, v14;
	vm4 =	vlt.u32 @!p1 v15, $0x130000  }
0x154: {  	v15 =	vshrl.u32 @!p1 v6, $0x18;
	v6 =	vand.u32 @!p1 $0xFF, v7;
	v16 =	vand.u32 @!p1 $0xFF, v16  }
0x155: {  	vm5 =	vlt.u32 @!p1 v17, $0x1300;
	v17 =	vshrl.u32 @!p1 v7, $0x10;
	vm9 =	vlt.u32 @!p1 v18, $0x130000  }
0x156: {  	v13 =	vand.u32 @!p1 $0xFF, v13;
	vm2 =	vlt.u32 @!p1 v6, $0x13;
	v17 =	vand.u32 @!p1 $0xFF, v17  }
0x157: {  	v10 =	vadd.s32 @!p1 v11, v12;
	v12 =	vimm.f32 @!p1 $1.000000000e+00;
	v14 =	vadd.s32 @!p1 v11, v14;
	s29 =	spop (v2sf)  }
0x158: {  	v13 =	vadd.s32 @!p1 v11, v13;
	v15 =	vadd.s32 @!p1 v11, v15;
	v6 =	vadd.s32 @!p1 v11, v6;
	p0 =	slt.s32 s29, $0x1  }
0x159: {  	v16 =	vadd.s32 @!p1 v11, v16;
	v17 =	vadd.s32 @!p1 v11, v17;
	v19 =	vlaneseq.u32 @!p0  }
0x15a: {  	v20 =	vshrl.u32 @!p0 v8, $0x8;
	v21 =	vand.u32 @!p0 $0xFF00, v8;
	v22 =	vand.u32 @!p0 $0xFF0000, v8  }
0x15b: {  	vm11 =	vlt.u32 @!p0 v8, $0x13000000;
	v23 =	vshrl.u32 @!p0 v9, $0x8;
	v24 =	vand.u32 @!p0 $0xFF00, v9  }
0x15c: {  	v18 =	vmul.u32 @!p0 $0x80, v19;
	v19 =	vshrl.u32 @!p1 v7, $0x18;
	v7 =	vand.u32 @!p0 $0xFF, v8  }
0x15d: {  	vm7 =	vlt.u32 @!p0 v21, $0x1300;
	v20 =	vand.u32 @!p0 $0xFF, v20;
	v21 =	vshrl.u32 @!p0 v8, $0x10  }
0x15e: {  	vm13 =	vlt.u32 @!p0 v22, $0x130000;
	v22 =	vshrl.u32 @!p0 v8, $0x18;
	vm12 =	vlt.u32 @!p0 v24, $0x1300  }
0x15f: {  	s21 =	simm.s32 @!p1 $0x1000;
	v23 =	vand.u32 @!p0 $0xFF, v23;
	v24 =	vand.u32 @!p0 $0xFF0000, v9;
	v11 =	vadd.s32 @!p1 v11, v19  }
0x160: {  	[tilespmem:v10+s21+$0x0] =	vst.idx.add.f32.msk @!p1 vm0, v12;
	vm6 =	vlt.u32 @!p0 v7, $0x13;
	v19 =	vimm.f32 @!p0 $1.000000000e+00;
	v21 =	vand.u32 @!p0 $0xFF, v21  }
0x161: {  	[tilespmem:v14+s21+$0x0] =	vst.idx.add.f32.msk @!p1 vm1, v12;
	vm0 =	vlt.u32 @!p0 v24, $0x130000;
	v7 =	vadd.s32 @!p0 v18, v7;
	v20 =	vadd.s32 @!p0 v18, v20  }
0x162: {  	[tilespmem:v13+s21+$0x0] =	vst.idx.add.f32.msk @!p1 vm4, v12;
	v21 =	vadd.s32 @!p0 v18, v21;
	v8 =	vadd.s32 @!p0 v18, v22;
	v22 =	vand.u32 @!p0 $0xFF, v9  }
0x163: {  	s30 =	spop (v2sf);
	v10 =	vadd.s32 @!p0 v18, v23;
	v23 =	vshrl.u32 @!p0 v9, $0x10;
	[tilespmem:v15+s21+$0x0] =	vst.idx.add.f32.msk @!p1 vm3, v12;
	vm3 =	vlt.u32 @!p0 v9, $0x13000000  }
0x164: {  	vm8 =	vlt.u32 @!p0 v22, $0x13;
	v22 =	vadd.s32 @!p0 v18, v22;
	p2 =	slt.s32 s30, $0x1;
	v14 =	vand.u32 @!p0 $0xFF, v23  }
0x165: {  	[tilespmem:v6+s21+$0x0] =	vst.idx.add.f32.msk @!p1 vm2, v12;
	v23 =	vlaneseq.u32 @!p2;
	v13 =	vadd.s32 @!p0 v18, v14;
	v14 =	vshrl.u32 @!p0 v9, $0x18  }
0x166: {  	[tilespmem:v16+s21+$0x0] =	vst.idx.add.f32.msk @!p1 vm5, v12;
	v15 =	vimm.f32 @!p2 $1.000000000e+00;
	v16 =	vshrl.u32 @!p2 v5, $0x8;
	v23 =	vmul.u32 @!p2 $0x80, v23  }
0x167: {  	v9 =	vadd.s32 @!p0 v18, v14;
	v14 =	vand.u32 @!p2 $0xFF, v5;
	[tilespmem:v17+s21+$0x0] =	vst.idx.add.f32.msk @!p1 vm9, v12;
	v17 =	vand.u32 @!p2 $0xFF0000, v5  }
0x168: {  	s20 =	simm.s32 @!p0 $0x1000;
	vm9 =	vlt.u32 @!p2 v4, $0x13000000;
	vm1 =	vlt.u32 @!p2 v14, $0x13;
	[tilespmem:v11+s21+$0x0] =	vst.idx.add.f32.msk @!p1 vm10, v12;
	vm4 =	vlt.u32 @!p2 v17, $0x130000  }
0x169: {  	v6 =	vadd.s32 @!p2 v23, v14;
	v14 =	vand.u32 @!p2 $0xFF00, v5;
	[tilespmem:v7+s20+$0x0] =	vst.idx.add.f32.msk @!p0 vm6, v19;
	vm6 =	vlt.u32 @!p2 v5, $0x13000000  }
0x16a: {  	vm2 =	vlt.u32 @!p2 v14, $0x1300;
	v14 =	vand.u32 @!p2 $0xFF, v16;
	v16 =	vshrl.u32 @!p2 v5, $0x10  }
0x16b: {  	[tilespmem:v20+s20+$0x0] =	vst.idx.add.f32.msk @!p0 vm7, v19;
	v11 =	vadd.s32 @!p2 v23, v14;
	v12 =	vand.u32 @!p2 $0xFF, v16;
	v14 =	vand.u32 @!p2 $0xFF, v4  }
0x16c: {  	[tilespmem:v21+s20+$0x0] =	vst.idx.add.f32.msk @!p0 vm13, v19;
	v7 =	vadd.s32 @!p2 v23, v12;
	v12 =	vshrl.u32 @!p2 v5, $0x18;
	vm5 =	vlt.u32 @!p2 v14, $0x13  }
0x16d: {  	[tilespmem:v8+s20+$0x0] =	vst.idx.add.f32.msk @!p0 vm11, v19;
	v5 =	vadd.s32 @!p2 v23, v12;
	v12 =	vadd.s32 @!p2 v23, v14;
	v14 =	vshrl.u32 @!p2 v4, $0x8  }
0x16e: {  	s31 =	spop (v2sf);
	v16 =	vand.u32 @!p2 $0xFF00, v4;
	[tilespmem:v22+s20+$0x0] =	vst.idx.add.f32.msk @!p0 vm8, v19;
	v8 =	vand.u32 @!p2 $0xFF, v14;
	v14 =	vand.u32 @!p2 $0xFF0000, v4  }
0x16f: {  	p1 =	slt.s32 s31, $0x1;
	vm7 =	vlt.u32 @!p2 v16, $0x1300;
	[tilespmem:v10+s20+$0x0] =	vst.idx.add.f32.msk @!p0 vm12, v19;
	v8 =	vadd.s32 @!p2 v23, v8;
	vm8 =	vlt.u32 @!p2 v14, $0x130000  }
0x170: {  	v14 =	vshrl.u32 @!p2 v4, $0x10;
	v4 =	vshrl.u32 @!p2 v4, $0x18;
	[tilespmem:v13+s20+$0x0] =	vst.idx.add.f32.msk @!p0 vm0, v19;
	v13 =	vand.u32 @!p1 $0xFF, v3  }
0x171: {  	v10 =	vand.u32 @!p2 $0xFF, v14;
	v4 =	vadd.s32 @!p2 v23, v4;
	vm0 =	vlt.u32 @!p1 v13, $0x13  }
0x172: {  	[tilespmem:v9+s20+$0x0] =	vst.idx.add.f32.msk @!p0 vm3, v19;
	s20 =	simm.s32 @!p2 $0x1000;
	v9 =	vlaneseq.u32 @!p1;
	v14 =	vand.u32 @!p1 $0xFF00, v3;
	vm3 =	vlt.u32 @!p1 v3, $0x13000000  }
0x173: {  	v10 =	vadd.s32 @!p2 v23, v10;
	[tilespmem:v6+s20+$0x0] =	vst.idx.add.f32.msk @!p2 vm1, v15;
	v6 =	vmul.u32 @!p1 $0x80, v9;
	v9 =	vand.u32 @!p1 $0xFF0000, v3  }
0x174: {  	vm1 =	vlt.u32 @!p1 v14, $0x1300;
	[tilespmem:v11+s20+$0x0] =	vst.idx.add.f32.msk @!p2 vm2, v15;
	v11 =	vshrl.u32 @!p1 v3, $0x8;
	vm2 =	vlt.u32 @!p1 v9, $0x130000  }
0x175: {  	v9 =	vshrl.u32 @!p1 v3, $0x10;
	[tilespmem:v7+s20+$0x0] =	vst.idx.add.f32.msk @!p2 vm4, v15;
	v7 =	vadd.s32 @!p1 v6, v13;
	v11 =	vand.u32 @!p1 $0xFF, v11  }
0x176: {  	v9 =	vand.u32 @!p1 $0xFF, v9;
	[tilespmem:v5+s20+$0x0] =	vst.idx.add.f32.msk @!p2 vm6, v15;
	v5 =	vimm.f32 @!p1 $1.000000000e+00;
	v11 =	vadd.s32 @!p1 v6, v11  }
0x177: {  	v9 =	vadd.s32 @!p1 v6, v9;
	[tilespmem:v12+s20+$0x0] =	vst.idx.add.f32.msk @!p2 vm5, v15;
	v12 =	vshrl.u32 @!p1 v3, $0x18;
	v3 =	vand.u32 @!p1 $0xFF, v2  }
0x178: {  	[tilespmem:v8+s20+$0x0] =	vst.idx.add.f32.msk @!p2 vm7, v15;
	v8 =	vadd.s32 @!p1 v6, v12;
	vm4 =	vlt.u32 @!p1 v3, $0x13;
	v12 =	vand.u32 @!p1 $0xFF00, v2  }
0x179: {  	v3 =	vadd.s32 @!p1 v6, v3;
	[tilespmem:v10+s20+$0x0] =	vst.idx.add.f32.msk @!p2 vm8, v15;
	v10 =	vshrl.u32 @!p1 v2, $0x8;
	vm5 =	vlt.u32 @!p1 v12, $0x1300  }
0x17a: {  	v12 =	vand.u32 @!p1 $0xFF0000, v2;
	[tilespmem:v4+s20+$0x0] =	vst.idx.add.f32.msk @!p2 vm9, v15;
	s20 =	simm.s32 @!p1 $0x1000;
	v4 =	vand.u32 @!p1 $0xFF, v10;
	v10 =	vshrl.u32 @!p1 v2, $0x10  }
0x17b: {  	[tilespmem:v7+s20+$0x0] =	vst.idx.add.f32.msk @!p1 vm0, v5;
	v4 =	vadd.s32 @!p1 v6, v4;
	vm0 =	vlt.u32 @!p1 v12, $0x130000;
	v7 =	vand.u32 @!p1 $0xFF, v10  }
0x17c: {  	s19 =	sadd.s32 $0x200, s19;
	v10 =	vshrl.u32 @!p1 v2, $0x18;
	[tilespmem:v11+s20+$0x0] =	vst.idx.add.f32.msk @!p1 vm1, v5;
	v7 =	vadd.s32 @!p1 v6, v7;
	vm1 =	vlt.u32 @!p1 v2, $0x13000000  }
0x17d: {  	p0 =	sne.s32 s19, $0x2000;
	v2 =	vadd.s32 @!p1 v6, v10;
	[tilespmem:v9+s20+$0x0] =	vst.idx.add.f32.msk @!p1 vm2, v5  }
.Ltmp3:
0x17e: {  	[tilespmem:v8+s20+$0x0] =	vst.idx.add.f32.msk @!p1 vm3, v5;
	(pc) =	sbr.rel @p0 .LBB2_8-.Ltmp3, $4  }
0x17f: {  	[tilespmem:v3+s20+$0x0] =	vst.idx.add.f32.msk @!p1 vm4, v5  }
0x180: {  	[tilespmem:v4+s20+$0x0] =	vst.idx.add.f32.msk @!p1 vm5, v5  }
0x181: {  	[tilespmem:v7+s20+$0x0] =	vst.idx.add.f32.msk @!p1 vm0, v5  }
0x182: {  	[tilespmem:v2+s20+$0x0] =	vst.idx.add.f32.msk @!p1 vm1, v5  }
0x183: {  	s19 =	simm.s32 $0x0  }
0x184: {  	[tilespmem:s13], [sflag:$0x2] =	stream.linear.gather [hbm4b:s8+s19], $0x800, $0x38;
	[tilespmem:$0x1880] =	vst v63  }
0x185: {  	_ =	swait.ge [sflag:s14], $0x800  }
0x186: {  	[sflag:s14] =	ssyncset.done $0x0  }
0x187: {  	[sflag:s14] =	ssyncadd.s32 $0xFFFFF800  }
.LBB2_10:
0x188: {  	s20 =	sshra.s32 s19, $0x2  }
0x189: {  	v6 =	vld [tilespmem:s20+$0x0]  }
0x18a: {  	v7 =	vld [tilespmem:s20+$0x10];
	_ =	sdelay $0x4  }
0x18b: {  	v2 =	vsub.s32 $0x13131312, v6;
	v3 =	vsub.s32 $0x13131312, v7  }
0x18c: {  	v2 =	vor.u32 v6, v2;
	v3 =	vor.u32 v7, v3  }
0x18d: {  	v2 =	vand.u32 v3, v2  }
0x18e: {  	v8 =	vld [tilespmem:s20+$0x20];
	v2 =	vand.u32 $0x80808080, v2  }
0x18f: {  	v9 =	vld [tilespmem:s20+$0x30];
	vm0 =	vne.s32 v2, $0x80808080  }
0x190: {  	v2 =	vsel vm0, $0x1, v1  }
0x191: {  	(xrf0) =	vadd.scan.msk.s32 $0xffff, v2;
	_ =	sdelay $0x2  }
0x192: {  	v5 =	vld [tilespmem:s20+$0x40];
	v3 =	vsub.s32 $0x13131312, v9;
	v2 =	vsub.s32 $0x13131312, v8  }
0x193: {  	v4 =	vld [tilespmem:s20+$0x50];
	v3 =	vor.u32 v9, v3;
	v2 =	vor.u32 v8, v2  }
0x194: {  	v2 =	vand.u32 v3, v2;
	v3 =	vld [tilespmem:s20+$0x60]  }
0x195: {  	v55 =	vand.u32 $0x80808080, v2;
	v2 =	vld [tilespmem:s20+$0x70];
	v10, _, _ =	vpop (xrf0)  }
0x196: {  	(v2sf) =	vpush v10, $0xF;
	_ =	sdelay $0x1  }
0x197: {  	v11 =	vsub.s32 $0x13131312, v4;
	vm13 =	vne.s32 v55, $0x80808080  }
0x198: {  	v56 =	vsub.s32 $0x13131312, v5;
	v11 =	vor.u32 v4, v11;
	v10 =	vsel vm13, $0x1, v1  }
0x199: {  	v12 =	vsub.s32 $0x13131312, v3;
	(xrf0) =	vadd.scan.msk.s32 $0xffff, v10;
	v10 =	vor.u32 v5, v56;
	v13 =	vsub.s32 $0x13131312, v2  }
0x19a: {  	v57 =	vor.u32 v3, v12;
	v10 =	vand.u32 v11, v10;
	v58 =	vor.u32 v2, v13  }
0x19b: {  	v10 =	vand.u32 $0x80808080, v10;
	v11 =	vand.u32 v58, v57  }
0x19c: {  	vm14 =	vne.s32 v10, $0x80808080;
	v59 =	vand.u32 $0x80808080, v11  }
0x19d: {  	v61 =	vsel vm14, $0x1, v1;
	vm15 =	vne.s32 v59, $0x80808080  }
0x19e: {  	(xrf0) =	vadd.scan.msk.s32 $0xffff, v61;
	v10 =	vsel vm15, $0x1, v1  }
0x19f: {  	v60, _, _ =	vpop (xrf0);
	(xrf0) =	vadd.scan.msk.s32 $0xffff, v10  }
0x1a0: {  	(v2sf) =	vpush v60, $0xF;
	_ =	sdelay $0x3  }
0x1a1: {  	v62, _, _ =	vpop (xrf0);
	s28 =	spop (v2sf)  }
0x1a2: {  	(v2sf) =	vpush v62, $0xF;
	v63, _, _ =	vpop (xrf0);
	p1 =	slt.s32 s28, $0x1  }
0x1a3: {  	(v2sf) =	vpush v63, $0xF;
	v11 =	vlaneseq.u32 @!p1  }
0x1a4: {  	v12 =	vand.u32 @!p1 $0xFF, v6;
	v13 =	vand.u32 @!p1 $0xFF00, v6;
	v14 =	vshrl.u32 @!p1 v6, $0x8  }
0x1a5: {  	v15 =	vand.u32 @!p1 $0xFF0000, v6;
	vm3 =	vlt.u32 @!p1 v6, $0x13000000;
	v16 =	vshrl.u32 @!p1 v7, $0x8  }
0x1a6: {  	v17 =	vand.u32 @!p1 $0xFF00, v7;
	v18 =	vand.u32 @!p1 $0xFF0000, v7;
	vm10 =	vlt.u32 @!p1 v7, $0x13000000  }
0x1a7: {  	v11 =	vmul.u32 @!p1 $0x80, v11;
	vm0 =	vlt.u32 @!p1 v12, $0x13;
	vm1 =	vlt.u32 @!p1 v13, $0x1300  }
0x1a8: {  	v13 =	vshrl.u32 @!p1 v6, $0x10;
	v14 =	vand.u32 @!p1 $0xFF, v14;
	vm4 =	vlt.u32 @!p1 v15, $0x130000  }
0x1a9: {  	v15 =	vshrl.u32 @!p1 v6, $0x18;
	v6 =	vand.u32 @!p1 $0xFF, v7;
	v16 =	vand.u32 @!p1 $0xFF, v16  }
0x1aa: {  	vm5 =	vlt.u32 @!p1 v17, $0x1300;
	v17 =	vshrl.u32 @!p1 v7, $0x10;
	vm9 =	vlt.u32 @!p1 v18, $0x130000  }
0x1ab: {  	v13 =	vand.u32 @!p1 $0xFF, v13;
	vm2 =	vlt.u32 @!p1 v6, $0x13;
	v17 =	vand.u32 @!p1 $0xFF, v17  }
0x1ac: {  	v10 =	vadd.s32 @!p1 v11, v12;
	v12 =	vimm.f32 @!p1 $1.000000000e+00;
	v14 =	vadd.s32 @!p1 v11, v14;
	s29 =	spop (v2sf)  }
0x1ad: {  	v13 =	vadd.s32 @!p1 v11, v13;
	v15 =	vadd.s32 @!p1 v11, v15;
	v6 =	vadd.s32 @!p1 v11, v6;
	p0 =	slt.s32 s29, $0x1  }
0x1ae: {  	v16 =	vadd.s32 @!p1 v11, v16;
	v17 =	vadd.s32 @!p1 v11, v17;
	v19 =	vlaneseq.u32 @!p0  }
0x1af: {  	v20 =	vshrl.u32 @!p0 v8, $0x8;
	v21 =	vand.u32 @!p0 $0xFF00, v8;
	v22 =	vand.u32 @!p0 $0xFF0000, v8  }
0x1b0: {  	vm11 =	vlt.u32 @!p0 v8, $0x13000000;
	v23 =	vshrl.u32 @!p0 v9, $0x8;
	v24 =	vand.u32 @!p0 $0xFF00, v9  }
0x1b1: {  	v18 =	vmul.u32 @!p0 $0x80, v19;
	v19 =	vshrl.u32 @!p1 v7, $0x18;
	v7 =	vand.u32 @!p0 $0xFF, v8  }
0x1b2: {  	vm7 =	vlt.u32 @!p0 v21, $0x1300;
	v20 =	vand.u32 @!p0 $0xFF, v20;
	v21 =	vshrl.u32 @!p0 v8, $0x10  }
0x1b3: {  	vm13 =	vlt.u32 @!p0 v22, $0x130000;
	v22 =	vshrl.u32 @!p0 v8, $0x18;
	vm12 =	vlt.u32 @!p0 v24, $0x1300  }
0x1b4: {  	s21 =	simm.s32 @!p1 $0x1000;
	v23 =	vand.u32 @!p0 $0xFF, v23;
	v24 =	vand.u32 @!p0 $0xFF0000, v9;
	v11 =	vadd.s32 @!p1 v11, v19  }
0x1b5: {  	[tilespmem:v10+s21+$0x0] =	vst.idx.add.f32.msk @!p1 vm0, v12;
	vm6 =	vlt.u32 @!p0 v7, $0x13;
	v19 =	vimm.f32 @!p0 $1.000000000e+00;
	v21 =	vand.u32 @!p0 $0xFF, v21  }
0x1b6: {  	[tilespmem:v14+s21+$0x0] =	vst.idx.add.f32.msk @!p1 vm1, v12;
	vm0 =	vlt.u32 @!p0 v24, $0x130000;
	v7 =	vadd.s32 @!p0 v18, v7;
	v20 =	vadd.s32 @!p0 v18, v20  }
0x1b7: {  	[tilespmem:v13+s21+$0x0] =	vst.idx.add.f32.msk @!p1 vm4, v12;
	v21 =	vadd.s32 @!p0 v18, v21;
	v8 =	vadd.s32 @!p0 v18, v22;
	v22 =	vand.u32 @!p0 $0xFF, v9  }
0x1b8: {  	s30 =	spop (v2sf);
	v10 =	vadd.s32 @!p0 v18, v23;
	v23 =	vshrl.u32 @!p0 v9, $0x10;
	[tilespmem:v15+s21+$0x0] =	vst.idx.add.f32.msk @!p1 vm3, v12;
	vm3 =	vlt.u32 @!p0 v9, $0x13000000  }
0x1b9: {  	vm8 =	vlt.u32 @!p0 v22, $0x13;
	v22 =	vadd.s32 @!p0 v18, v22;
	p2 =	slt.s32 s30, $0x1;
	v14 =	vand.u32 @!p0 $0xFF, v23  }
0x1ba: {  	[tilespmem:v6+s21+$0x0] =	vst.idx.add.f32.msk @!p1 vm2, v12;
	v23 =	vlaneseq.u32 @!p2;
	v13 =	vadd.s32 @!p0 v18, v14;
	v14 =	vshrl.u32 @!p0 v9, $0x18  }
0x1bb: {  	[tilespmem:v16+s21+$0x0] =	vst.idx.add.f32.msk @!p1 vm5, v12;
	v15 =	vimm.f32 @!p2 $1.000000000e+00;
	v16 =	vshrl.u32 @!p2 v5, $0x8;
	v23 =	vmul.u32 @!p2 $0x80, v23  }
0x1bc: {  	v9 =	vadd.s32 @!p0 v18, v14;
	v14 =	vand.u32 @!p2 $0xFF, v5;
	[tilespmem:v17+s21+$0x0] =	vst.idx.add.f32.msk @!p1 vm9, v12;
	v17 =	vand.u32 @!p2 $0xFF0000, v5  }
0x1bd: {  	s20 =	simm.s32 @!p0 $0x1000;
	vm9 =	vlt.u32 @!p2 v4, $0x13000000;
	vm1 =	vlt.u32 @!p2 v14, $0x13;
	[tilespmem:v11+s21+$0x0] =	vst.idx.add.f32.msk @!p1 vm10, v12;
	vm4 =	vlt.u32 @!p2 v17, $0x130000  }
0x1be: {  	v6 =	vadd.s32 @!p2 v23, v14;
	v14 =	vand.u32 @!p2 $0xFF00, v5;
	[tilespmem:v7+s20+$0x0] =	vst.idx.add.f32.msk @!p0 vm6, v19;
	vm6 =	vlt.u32 @!p2 v5, $0x13000000  }
0x1bf: {  	vm2 =	vlt.u32 @!p2 v14, $0x1300;
	v14 =	vand.u32 @!p2 $0xFF, v16;
	v16 =	vshrl.u32 @!p2 v5, $0x10  }
0x1c0: {  	[tilespmem:v20+s20+$0x0] =	vst.idx.add.f32.msk @!p0 vm7, v19;
	v11 =	vadd.s32 @!p2 v23, v14;
	v12 =	vand.u32 @!p2 $0xFF, v16;
	v14 =	vand.u32 @!p2 $0xFF, v4  }
0x1c1: {  	[tilespmem:v21+s20+$0x0] =	vst.idx.add.f32.msk @!p0 vm13, v19;
	v7 =	vadd.s32 @!p2 v23, v12;
	v12 =	vshrl.u32 @!p2 v5, $0x18;
	vm5 =	vlt.u32 @!p2 v14, $0x13  }
0x1c2: {  	[tilespmem:v8+s20+$0x0] =	vst.idx.add.f32.msk @!p0 vm11, v19;
	v5 =	vadd.s32 @!p2 v23, v12;
	v12 =	vadd.s32 @!p2 v23, v14;
	v14 =	vshrl.u32 @!p2 v4, $0x8  }
0x1c3: {  	s31 =	spop (v2sf);
	v16 =	vand.u32 @!p2 $0xFF00, v4;
	[tilespmem:v22+s20+$0x0] =	vst.idx.add.f32.msk @!p0 vm8, v19;
	v8 =	vand.u32 @!p2 $0xFF, v14;
	v14 =	vand.u32 @!p2 $0xFF0000, v4  }
0x1c4: {  	p1 =	slt.s32 s31, $0x1;
	vm7 =	vlt.u32 @!p2 v16, $0x1300;
	[tilespmem:v10+s20+$0x0] =	vst.idx.add.f32.msk @!p0 vm12, v19;
	v8 =	vadd.s32 @!p2 v23, v8;
	vm8 =	vlt.u32 @!p2 v14, $0x130000  }
0x1c5: {  	v14 =	vshrl.u32 @!p2 v4, $0x10;
	v4 =	vshrl.u32 @!p2 v4, $0x18;
	[tilespmem:v13+s20+$0x0] =	vst.idx.add.f32.msk @!p0 vm0, v19;
	v13 =	vand.u32 @!p1 $0xFF, v3  }
0x1c6: {  	v10 =	vand.u32 @!p2 $0xFF, v14;
	v4 =	vadd.s32 @!p2 v23, v4;
	vm0 =	vlt.u32 @!p1 v13, $0x13  }
0x1c7: {  	[tilespmem:v9+s20+$0x0] =	vst.idx.add.f32.msk @!p0 vm3, v19;
	s20 =	simm.s32 @!p2 $0x1000;
	v9 =	vlaneseq.u32 @!p1;
	v14 =	vand.u32 @!p1 $0xFF00, v3;
	vm3 =	vlt.u32 @!p1 v3, $0x13000000  }
0x1c8: {  	v10 =	vadd.s32 @!p2 v23, v10;
	[tilespmem:v6+s20+$0x0] =	vst.idx.add.f32.msk @!p2 vm1, v15;
	v6 =	vmul.u32 @!p1 $0x80, v9;
	v9 =	vand.u32 @!p1 $0xFF0000, v3  }
0x1c9: {  	vm1 =	vlt.u32 @!p1 v14, $0x1300;
	[tilespmem:v11+s20+$0x0] =	vst.idx.add.f32.msk @!p2 vm2, v15;
	v11 =	vshrl.u32 @!p1 v3, $0x8;
	vm2 =	vlt.u32 @!p1 v9, $0x130000  }
0x1ca: {  	v9 =	vshrl.u32 @!p1 v3, $0x10;
	[tilespmem:v7+s20+$0x0] =	vst.idx.add.f32.msk @!p2 vm4, v15;
	v7 =	vadd.s32 @!p1 v6, v13;
	v11 =	vand.u32 @!p1 $0xFF, v11  }
0x1cb: {  	v9 =	vand.u32 @!p1 $0xFF, v9;
	[tilespmem:v5+s20+$0x0] =	vst.idx.add.f32.msk @!p2 vm6, v15;
	v5 =	vimm.f32 @!p1 $1.000000000e+00;
	v11 =	vadd.s32 @!p1 v6, v11  }
0x1cc: {  	v9 =	vadd.s32 @!p1 v6, v9;
	[tilespmem:v12+s20+$0x0] =	vst.idx.add.f32.msk @!p2 vm5, v15;
	v12 =	vshrl.u32 @!p1 v3, $0x18;
	v3 =	vand.u32 @!p1 $0xFF, v2  }
0x1cd: {  	[tilespmem:v8+s20+$0x0] =	vst.idx.add.f32.msk @!p2 vm7, v15;
	v8 =	vadd.s32 @!p1 v6, v12;
	vm4 =	vlt.u32 @!p1 v3, $0x13;
	v12 =	vand.u32 @!p1 $0xFF00, v2  }
0x1ce: {  	v3 =	vadd.s32 @!p1 v6, v3;
	[tilespmem:v10+s20+$0x0] =	vst.idx.add.f32.msk @!p2 vm8, v15;
	v10 =	vshrl.u32 @!p1 v2, $0x8;
	vm5 =	vlt.u32 @!p1 v12, $0x1300  }
0x1cf: {  	v12 =	vand.u32 @!p1 $0xFF0000, v2;
	[tilespmem:v4+s20+$0x0] =	vst.idx.add.f32.msk @!p2 vm9, v15;
	s20 =	simm.s32 @!p1 $0x1000;
	v4 =	vand.u32 @!p1 $0xFF, v10;
	v10 =	vshrl.u32 @!p1 v2, $0x10  }
0x1d0: {  	[tilespmem:v7+s20+$0x0] =	vst.idx.add.f32.msk @!p1 vm0, v5;
	v4 =	vadd.s32 @!p1 v6, v4;
	vm0 =	vlt.u32 @!p1 v12, $0x130000;
	v7 =	vand.u32 @!p1 $0xFF, v10  }
0x1d1: {  	s19 =	sadd.s32 $0x200, s19;
	v10 =	vshrl.u32 @!p1 v2, $0x18;
	[tilespmem:v11+s20+$0x0] =	vst.idx.add.f32.msk @!p1 vm1, v5;
	v7 =	vadd.s32 @!p1 v6, v7;
	vm1 =	vlt.u32 @!p1 v2, $0x13000000  }
0x1d2: {  	p0 =	sne.s32 s19, $0x2000;
	v2 =	vadd.s32 @!p1 v6, v10;
	[tilespmem:v9+s20+$0x0] =	vst.idx.add.f32.msk @!p1 vm2, v5  }
.Ltmp4:
0x1d3: {  	[tilespmem:v8+s20+$0x0] =	vst.idx.add.f32.msk @!p1 vm3, v5;
	(pc) =	sbr.rel @p0 .LBB2_10-.Ltmp4, $4  }
0x1d4: {  	[tilespmem:v3+s20+$0x0] =	vst.idx.add.f32.msk @!p1 vm4, v5  }
0x1d5: {  	[tilespmem:v4+s20+$0x0] =	vst.idx.add.f32.msk @!p1 vm5, v5  }
0x1d6: {  	[tilespmem:v7+s20+$0x0] =	vst.idx.add.f32.msk @!p1 vm0, v5  }
0x1d7: {  	[tilespmem:v2+s20+$0x0] =	vst.idx.add.f32.msk @!p1 vm1, v5  }
0x1d8: {  	s19 =	simm.s32 $0x0  }
0x1d9: {  	[tilespmem:s19], [sflag:$0x1] =	stream.linear.gather [hbm4b:s9+s19], $0x800, $0x38;
	[tilespmem:$0x1880] =	vst v63  }
0x1da: {  	_ =	swait.ge [sflag:s15], $0x800  }
0x1db: {  	[sflag:s15] =	ssyncset.done $0x0  }
0x1dc: {  	[sflag:s15] =	ssyncadd.s32 $0xFFFFF800  }
.LBB2_12:
0x1dd: {  	s20 =	sshra.s32 s19, $0x2  }
0x1de: {  	v6 =	vld [tilespmem:s20+$0x800]  }
0x1df: {  	v7 =	vld [tilespmem:s20+$0x810];
	_ =	sdelay $0x4  }
0x1e0: {  	v2 =	vsub.s32 $0x13131312, v6;
	v3 =	vsub.s32 $0x13131312, v7  }
0x1e1: {  	v2 =	vor.u32 v6, v2;
	v3 =	vor.u32 v7, v3  }
0x1e2: {  	v2 =	vand.u32 v3, v2  }
0x1e3: {  	v8 =	vld [tilespmem:s20+$0x820];
	v2 =	vand.u32 $0x80808080, v2  }
0x1e4: {  	v9 =	vld [tilespmem:s20+$0x830];
	vm0 =	vne.s32 v2, $0x80808080  }
0x1e5: {  	v2 =	vsel vm0, $0x1, v1  }
0x1e6: {  	(xrf0) =	vadd.scan.msk.s32 $0xffff, v2;
	_ =	sdelay $0x2  }
0x1e7: {  	v5 =	vld [tilespmem:s20+$0x840];
	v3 =	vsub.s32 $0x13131312, v9;
	v2 =	vsub.s32 $0x13131312, v8  }
0x1e8: {  	v4 =	vld [tilespmem:s20+$0x850];
	v3 =	vor.u32 v9, v3;
	v2 =	vor.u32 v8, v2  }
0x1e9: {  	v2 =	vand.u32 v3, v2;
	v3 =	vld [tilespmem:s20+$0x860]  }
0x1ea: {  	v55 =	vand.u32 $0x80808080, v2;
	v2 =	vld [tilespmem:s20+$0x870];
	v10, _, _ =	vpop (xrf0)  }
0x1eb: {  	(v2sf) =	vpush v10, $0xF;
	_ =	sdelay $0x1  }
0x1ec: {  	v11 =	vsub.s32 $0x13131312, v4;
	vm13 =	vne.s32 v55, $0x80808080  }
0x1ed: {  	v56 =	vsub.s32 $0x13131312, v5;
	v11 =	vor.u32 v4, v11;
	v10 =	vsel vm13, $0x1, v1  }
0x1ee: {  	v12 =	vsub.s32 $0x13131312, v3;
	(xrf0) =	vadd.scan.msk.s32 $0xffff, v10;
	v10 =	vor.u32 v5, v56;
	v13 =	vsub.s32 $0x13131312, v2  }
0x1ef: {  	v57 =	vor.u32 v3, v12;
	v10 =	vand.u32 v11, v10;
	v58 =	vor.u32 v2, v13  }
0x1f0: {  	v10 =	vand.u32 $0x80808080, v10;
	v11 =	vand.u32 v58, v57  }
0x1f1: {  	vm14 =	vne.s32 v10, $0x80808080;
	v59 =	vand.u32 $0x80808080, v11  }
0x1f2: {  	v61 =	vsel vm14, $0x1, v1;
	vm15 =	vne.s32 v59, $0x80808080  }
0x1f3: {  	(xrf0) =	vadd.scan.msk.s32 $0xffff, v61;
	v10 =	vsel vm15, $0x1, v1  }
0x1f4: {  	v60, _, _ =	vpop (xrf0);
	(xrf0) =	vadd.scan.msk.s32 $0xffff, v10  }
0x1f5: {  	(v2sf) =	vpush v60, $0xF;
	_ =	sdelay $0x3  }
0x1f6: {  	v62, _, _ =	vpop (xrf0);
	s28 =	spop (v2sf)  }
0x1f7: {  	(v2sf) =	vpush v62, $0xF;
	v63, _, _ =	vpop (xrf0);
	p1 =	slt.s32 s28, $0x1  }
0x1f8: {  	(v2sf) =	vpush v63, $0xF;
	v11 =	vlaneseq.u32 @!p1  }
0x1f9: {  	v12 =	vand.u32 @!p1 $0xFF, v6;
	v13 =	vand.u32 @!p1 $0xFF00, v6;
	v14 =	vshrl.u32 @!p1 v6, $0x8  }
0x1fa: {  	v15 =	vand.u32 @!p1 $0xFF0000, v6;
	vm3 =	vlt.u32 @!p1 v6, $0x13000000;
	v16 =	vshrl.u32 @!p1 v7, $0x8  }
0x1fb: {  	v17 =	vand.u32 @!p1 $0xFF00, v7;
	v18 =	vand.u32 @!p1 $0xFF0000, v7;
	vm10 =	vlt.u32 @!p1 v7, $0x13000000  }
0x1fc: {  	v11 =	vmul.u32 @!p1 $0x80, v11;
	vm0 =	vlt.u32 @!p1 v12, $0x13;
	vm1 =	vlt.u32 @!p1 v13, $0x1300  }
0x1fd: {  	v13 =	vshrl.u32 @!p1 v6, $0x10;
	v14 =	vand.u32 @!p1 $0xFF, v14;
	vm4 =	vlt.u32 @!p1 v15, $0x130000  }
0x1fe: {  	v15 =	vshrl.u32 @!p1 v6, $0x18;
	v6 =	vand.u32 @!p1 $0xFF, v7;
	v16 =	vand.u32 @!p1 $0xFF, v16  }
0x1ff: {  	vm5 =	vlt.u32 @!p1 v17, $0x1300;
	v17 =	vshrl.u32 @!p1 v7, $0x10;
	vm9 =	vlt.u32 @!p1 v18, $0x130000  }
0x200: {  	v13 =	vand.u32 @!p1 $0xFF, v13;
	vm2 =	vlt.u32 @!p1 v6, $0x13;
	v17 =	vand.u32 @!p1 $0xFF, v17  }
0x201: {  	v10 =	vadd.s32 @!p1 v11, v12;
	v12 =	vimm.f32 @!p1 $1.000000000e+00;
	v14 =	vadd.s32 @!p1 v11, v14;
	s29 =	spop (v2sf)  }
0x202: {  	v13 =	vadd.s32 @!p1 v11, v13;
	v15 =	vadd.s32 @!p1 v11, v15;
	v6 =	vadd.s32 @!p1 v11, v6;
	p0 =	slt.s32 s29, $0x1  }
0x203: {  	v16 =	vadd.s32 @!p1 v11, v16;
	v17 =	vadd.s32 @!p1 v11, v17;
	v19 =	vlaneseq.u32 @!p0  }
0x204: {  	v20 =	vshrl.u32 @!p0 v8, $0x8;
	v21 =	vand.u32 @!p0 $0xFF00, v8;
	v22 =	vand.u32 @!p0 $0xFF0000, v8  }
0x205: {  	vm11 =	vlt.u32 @!p0 v8, $0x13000000;
	v23 =	vshrl.u32 @!p0 v9, $0x8;
	v24 =	vand.u32 @!p0 $0xFF00, v9  }
0x206: {  	v18 =	vmul.u32 @!p0 $0x80, v19;
	v19 =	vshrl.u32 @!p1 v7, $0x18;
	v7 =	vand.u32 @!p0 $0xFF, v8  }
0x207: {  	vm7 =	vlt.u32 @!p0 v21, $0x1300;
	v20 =	vand.u32 @!p0 $0xFF, v20;
	v21 =	vshrl.u32 @!p0 v8, $0x10  }
0x208: {  	vm13 =	vlt.u32 @!p0 v22, $0x130000;
	v22 =	vshrl.u32 @!p0 v8, $0x18;
	vm12 =	vlt.u32 @!p0 v24, $0x1300  }
0x209: {  	s21 =	simm.s32 @!p1 $0x1000;
	v23 =	vand.u32 @!p0 $0xFF, v23;
	v24 =	vand.u32 @!p0 $0xFF0000, v9;
	v11 =	vadd.s32 @!p1 v11, v19  }
0x20a: {  	[tilespmem:v10+s21+$0x0] =	vst.idx.add.f32.msk @!p1 vm0, v12;
	vm6 =	vlt.u32 @!p0 v7, $0x13;
	v19 =	vimm.f32 @!p0 $1.000000000e+00;
	v21 =	vand.u32 @!p0 $0xFF, v21  }
0x20b: {  	[tilespmem:v14+s21+$0x0] =	vst.idx.add.f32.msk @!p1 vm1, v12;
	vm0 =	vlt.u32 @!p0 v24, $0x130000;
	v7 =	vadd.s32 @!p0 v18, v7;
	v20 =	vadd.s32 @!p0 v18, v20  }
0x20c: {  	[tilespmem:v13+s21+$0x0] =	vst.idx.add.f32.msk @!p1 vm4, v12;
	v21 =	vadd.s32 @!p0 v18, v21;
	v8 =	vadd.s32 @!p0 v18, v22;
	v22 =	vand.u32 @!p0 $0xFF, v9  }
0x20d: {  	s30 =	spop (v2sf);
	v10 =	vadd.s32 @!p0 v18, v23;
	v23 =	vshrl.u32 @!p0 v9, $0x10;
	[tilespmem:v15+s21+$0x0] =	vst.idx.add.f32.msk @!p1 vm3, v12;
	vm3 =	vlt.u32 @!p0 v9, $0x13000000  }
0x20e: {  	vm8 =	vlt.u32 @!p0 v22, $0x13;
	v22 =	vadd.s32 @!p0 v18, v22;
	p2 =	slt.s32 s30, $0x1;
	v14 =	vand.u32 @!p0 $0xFF, v23  }
0x20f: {  	[tilespmem:v6+s21+$0x0] =	vst.idx.add.f32.msk @!p1 vm2, v12;
	v23 =	vlaneseq.u32 @!p2;
	v13 =	vadd.s32 @!p0 v18, v14;
	v14 =	vshrl.u32 @!p0 v9, $0x18  }
0x210: {  	[tilespmem:v16+s21+$0x0] =	vst.idx.add.f32.msk @!p1 vm5, v12;
	v15 =	vimm.f32 @!p2 $1.000000000e+00;
	v16 =	vshrl.u32 @!p2 v5, $0x8;
	v23 =	vmul.u32 @!p2 $0x80, v23  }
0x211: {  	v9 =	vadd.s32 @!p0 v18, v14;
	v14 =	vand.u32 @!p2 $0xFF, v5;
	[tilespmem:v17+s21+$0x0] =	vst.idx.add.f32.msk @!p1 vm9, v12;
	v17 =	vand.u32 @!p2 $0xFF0000, v5  }
0x212: {  	s20 =	simm.s32 @!p0 $0x1000;
	vm9 =	vlt.u32 @!p2 v4, $0x13000000;
	vm1 =	vlt.u32 @!p2 v14, $0x13;
	[tilespmem:v11+s21+$0x0] =	vst.idx.add.f32.msk @!p1 vm10, v12;
	vm4 =	vlt.u32 @!p2 v17, $0x130000  }
0x213: {  	v6 =	vadd.s32 @!p2 v23, v14;
	v14 =	vand.u32 @!p2 $0xFF00, v5;
	[tilespmem:v7+s20+$0x0] =	vst.idx.add.f32.msk @!p0 vm6, v19;
	vm6 =	vlt.u32 @!p2 v5, $0x13000000  }
0x214: {  	vm2 =	vlt.u32 @!p2 v14, $0x1300;
	v14 =	vand.u32 @!p2 $0xFF, v16;
	v16 =	vshrl.u32 @!p2 v5, $0x10  }
0x215: {  	[tilespmem:v20+s20+$0x0] =	vst.idx.add.f32.msk @!p0 vm7, v19;
	v11 =	vadd.s32 @!p2 v23, v14;
	v12 =	vand.u32 @!p2 $0xFF, v16;
	v14 =	vand.u32 @!p2 $0xFF, v4  }
0x216: {  	[tilespmem:v21+s20+$0x0] =	vst.idx.add.f32.msk @!p0 vm13, v19;
	v7 =	vadd.s32 @!p2 v23, v12;
	v12 =	vshrl.u32 @!p2 v5, $0x18;
	vm5 =	vlt.u32 @!p2 v14, $0x13  }
0x217: {  	[tilespmem:v8+s20+$0x0] =	vst.idx.add.f32.msk @!p0 vm11, v19;
	v5 =	vadd.s32 @!p2 v23, v12;
	v12 =	vadd.s32 @!p2 v23, v14;
	v14 =	vshrl.u32 @!p2 v4, $0x8  }
0x218: {  	s31 =	spop (v2sf);
	v16 =	vand.u32 @!p2 $0xFF00, v4;
	[tilespmem:v22+s20+$0x0] =	vst.idx.add.f32.msk @!p0 vm8, v19;
	v8 =	vand.u32 @!p2 $0xFF, v14;
	v14 =	vand.u32 @!p2 $0xFF0000, v4  }
0x219: {  	p1 =	slt.s32 s31, $0x1;
	vm7 =	vlt.u32 @!p2 v16, $0x1300;
	[tilespmem:v10+s20+$0x0] =	vst.idx.add.f32.msk @!p0 vm12, v19;
	v8 =	vadd.s32 @!p2 v23, v8;
	vm8 =	vlt.u32 @!p2 v14, $0x130000  }
0x21a: {  	v14 =	vshrl.u32 @!p2 v4, $0x10;
	v4 =	vshrl.u32 @!p2 v4, $0x18;
	[tilespmem:v13+s20+$0x0] =	vst.idx.add.f32.msk @!p0 vm0, v19;
	v13 =	vand.u32 @!p1 $0xFF, v3  }
0x21b: {  	v10 =	vand.u32 @!p2 $0xFF, v14;
	v4 =	vadd.s32 @!p2 v23, v4;
	vm0 =	vlt.u32 @!p1 v13, $0x13  }
0x21c: {  	[tilespmem:v9+s20+$0x0] =	vst.idx.add.f32.msk @!p0 vm3, v19;
	s20 =	simm.s32 @!p2 $0x1000;
	v9 =	vlaneseq.u32 @!p1;
	v14 =	vand.u32 @!p1 $0xFF00, v3;
	vm3 =	vlt.u32 @!p1 v3, $0x13000000  }
0x21d: {  	v10 =	vadd.s32 @!p2 v23, v10;
	[tilespmem:v6+s20+$0x0] =	vst.idx.add.f32.msk @!p2 vm1, v15;
	v6 =	vmul.u32 @!p1 $0x80, v9;
	v9 =	vand.u32 @!p1 $0xFF0000, v3  }
0x21e: {  	vm1 =	vlt.u32 @!p1 v14, $0x1300;
	[tilespmem:v11+s20+$0x0] =	vst.idx.add.f32.msk @!p2 vm2, v15;
	v11 =	vshrl.u32 @!p1 v3, $0x8;
	vm2 =	vlt.u32 @!p1 v9, $0x130000  }
0x21f: {  	v9 =	vshrl.u32 @!p1 v3, $0x10;
	[tilespmem:v7+s20+$0x0] =	vst.idx.add.f32.msk @!p2 vm4, v15;
	v7 =	vadd.s32 @!p1 v6, v13;
	v11 =	vand.u32 @!p1 $0xFF, v11  }
0x220: {  	v9 =	vand.u32 @!p1 $0xFF, v9;
	[tilespmem:v5+s20+$0x0] =	vst.idx.add.f32.msk @!p2 vm6, v15;
	v5 =	vimm.f32 @!p1 $1.000000000e+00;
	v11 =	vadd.s32 @!p1 v6, v11  }
0x221: {  	v9 =	vadd.s32 @!p1 v6, v9;
	[tilespmem:v12+s20+$0x0] =	vst.idx.add.f32.msk @!p2 vm5, v15;
	v12 =	vshrl.u32 @!p1 v3, $0x18;
	v3 =	vand.u32 @!p1 $0xFF, v2  }
0x222: {  	[tilespmem:v8+s20+$0x0] =	vst.idx.add.f32.msk @!p2 vm7, v15;
	v8 =	vadd.s32 @!p1 v6, v12;
	vm4 =	vlt.u32 @!p1 v3, $0x13;
	v12 =	vand.u32 @!p1 $0xFF00, v2  }
0x223: {  	v3 =	vadd.s32 @!p1 v6, v3;
	[tilespmem:v10+s20+$0x0] =	vst.idx.add.f32.msk @!p2 vm8, v15;
	v10 =	vshrl.u32 @!p1 v2, $0x8;
	vm5 =	vlt.u32 @!p1 v12, $0x1300  }
0x224: {  	v12 =	vand.u32 @!p1 $0xFF0000, v2;
	[tilespmem:v4+s20+$0x0] =	vst.idx.add.f32.msk @!p2 vm9, v15;
	s20 =	simm.s32 @!p1 $0x1000;
	v4 =	vand.u32 @!p1 $0xFF, v10;
	v10 =	vshrl.u32 @!p1 v2, $0x10  }
0x225: {  	[tilespmem:v7+s20+$0x0] =	vst.idx.add.f32.msk @!p1 vm0, v5;
	v4 =	vadd.s32 @!p1 v6, v4;
	vm0 =	vlt.u32 @!p1 v12, $0x130000;
	v7 =	vand.u32 @!p1 $0xFF, v10  }
0x226: {  	s19 =	sadd.s32 $0x200, s19;
	v10 =	vshrl.u32 @!p1 v2, $0x18;
	[tilespmem:v11+s20+$0x0] =	vst.idx.add.f32.msk @!p1 vm1, v5;
	v7 =	vadd.s32 @!p1 v6, v7;
	vm1 =	vlt.u32 @!p1 v2, $0x13000000  }
0x227: {  	p0 =	sne.s32 s19, $0x2000;
	v2 =	vadd.s32 @!p1 v6, v10;
	[tilespmem:v9+s20+$0x0] =	vst.idx.add.f32.msk @!p1 vm2, v5  }
.Ltmp5:
0x228: {  	[tilespmem:v8+s20+$0x0] =	vst.idx.add.f32.msk @!p1 vm3, v5;
	(pc) =	sbr.rel @p0 .LBB2_12-.Ltmp5, $4  }
0x229: {  	[tilespmem:v3+s20+$0x0] =	vst.idx.add.f32.msk @!p1 vm4, v5  }
0x22a: {  	[tilespmem:v4+s20+$0x0] =	vst.idx.add.f32.msk @!p1 vm5, v5  }
0x22b: {  	[tilespmem:v7+s20+$0x0] =	vst.idx.add.f32.msk @!p1 vm0, v5  }
0x22c: {  	[tilespmem:v2+s20+$0x0] =	vst.idx.add.f32.msk @!p1 vm1, v5  }
0x22d: {  	s19 =	simm.s32 $0x0  }
0x22e: {  	[tilespmem:s13], [sflag:$0x2] =	stream.linear.gather [hbm4b:s10+s19], $0x800, $0x38;
	[tilespmem:$0x1880] =	vst v63  }
0x22f: {  	_ =	swait.ge [sflag:s14], $0x800  }
0x230: {  	[sflag:s14] =	ssyncset.done $0x0  }
0x231: {  	[sflag:s14] =	ssyncadd.s32 $0xFFFFF800  }
.LBB2_14:
0x232: {  	s20 =	sshra.s32 s19, $0x2  }
0x233: {  	v6 =	vld [tilespmem:s20+$0x0]  }
0x234: {  	v7 =	vld [tilespmem:s20+$0x10];
	_ =	sdelay $0x4  }
0x235: {  	v2 =	vsub.s32 $0x13131312, v6;
	v3 =	vsub.s32 $0x13131312, v7  }
0x236: {  	v2 =	vor.u32 v6, v2;
	v3 =	vor.u32 v7, v3  }
0x237: {  	v2 =	vand.u32 v3, v2  }
0x238: {  	v8 =	vld [tilespmem:s20+$0x20];
	v2 =	vand.u32 $0x80808080, v2  }
0x239: {  	v9 =	vld [tilespmem:s20+$0x30];
	vm0 =	vne.s32 v2, $0x80808080  }
0x23a: {  	v2 =	vsel vm0, $0x1, v1  }
0x23b: {  	(xrf0) =	vadd.scan.msk.s32 $0xffff, v2;
	_ =	sdelay $0x2  }
0x23c: {  	v5 =	vld [tilespmem:s20+$0x40];
	v3 =	vsub.s32 $0x13131312, v9;
	v2 =	vsub.s32 $0x13131312, v8  }
0x23d: {  	v4 =	vld [tilespmem:s20+$0x50];
	v3 =	vor.u32 v9, v3;
	v2 =	vor.u32 v8, v2  }
0x23e: {  	v2 =	vand.u32 v3, v2;
	v3 =	vld [tilespmem:s20+$0x60]  }
0x23f: {  	v55 =	vand.u32 $0x80808080, v2;
	v2 =	vld [tilespmem:s20+$0x70];
	v10, _, _ =	vpop (xrf0)  }
0x240: {  	(v2sf) =	vpush v10, $0xF;
	_ =	sdelay $0x1  }
0x241: {  	v11 =	vsub.s32 $0x13131312, v4;
	vm13 =	vne.s32 v55, $0x80808080  }
0x242: {  	v56 =	vsub.s32 $0x13131312, v5;
	v11 =	vor.u32 v4, v11;
	v10 =	vsel vm13, $0x1, v1  }
0x243: {  	v12 =	vsub.s32 $0x13131312, v3;
	(xrf0) =	vadd.scan.msk.s32 $0xffff, v10;
	v10 =	vor.u32 v5, v56;
	v13 =	vsub.s32 $0x13131312, v2  }
0x244: {  	v57 =	vor.u32 v3, v12;
	v10 =	vand.u32 v11, v10;
	v58 =	vor.u32 v2, v13  }
0x245: {  	v10 =	vand.u32 $0x80808080, v10;
	v11 =	vand.u32 v58, v57  }
0x246: {  	vm14 =	vne.s32 v10, $0x80808080;
	v59 =	vand.u32 $0x80808080, v11  }
0x247: {  	v61 =	vsel vm14, $0x1, v1;
	vm15 =	vne.s32 v59, $0x80808080  }
0x248: {  	(xrf0) =	vadd.scan.msk.s32 $0xffff, v61;
	v10 =	vsel vm15, $0x1, v1  }
0x249: {  	v60, _, _ =	vpop (xrf0);
	(xrf0) =	vadd.scan.msk.s32 $0xffff, v10  }
0x24a: {  	(v2sf) =	vpush v60, $0xF;
	_ =	sdelay $0x3  }
0x24b: {  	v62, _, _ =	vpop (xrf0);
	s28 =	spop (v2sf)  }
0x24c: {  	(v2sf) =	vpush v62, $0xF;
	v63, _, _ =	vpop (xrf0);
	p1 =	slt.s32 s28, $0x1  }
0x24d: {  	(v2sf) =	vpush v63, $0xF;
	v11 =	vlaneseq.u32 @!p1  }
0x24e: {  	v12 =	vand.u32 @!p1 $0xFF, v6;
	v13 =	vand.u32 @!p1 $0xFF00, v6;
	v14 =	vshrl.u32 @!p1 v6, $0x8  }
0x24f: {  	v15 =	vand.u32 @!p1 $0xFF0000, v6;
	vm3 =	vlt.u32 @!p1 v6, $0x13000000;
	v16 =	vshrl.u32 @!p1 v7, $0x8  }
0x250: {  	v17 =	vand.u32 @!p1 $0xFF00, v7;
	v18 =	vand.u32 @!p1 $0xFF0000, v7;
	vm10 =	vlt.u32 @!p1 v7, $0x13000000  }
0x251: {  	v11 =	vmul.u32 @!p1 $0x80, v11;
	vm0 =	vlt.u32 @!p1 v12, $0x13;
	vm1 =	vlt.u32 @!p1 v13, $0x1300  }
0x252: {  	v13 =	vshrl.u32 @!p1 v6, $0x10;
	v14 =	vand.u32 @!p1 $0xFF, v14;
	vm4 =	vlt.u32 @!p1 v15, $0x130000  }
0x253: {  	v15 =	vshrl.u32 @!p1 v6, $0x18;
	v6 =	vand.u32 @!p1 $0xFF, v7;
	v16 =	vand.u32 @!p1 $0xFF, v16  }
0x254: {  	vm5 =	vlt.u32 @!p1 v17, $0x1300;
	v17 =	vshrl.u32 @!p1 v7, $0x10;
	vm9 =	vlt.u32 @!p1 v18, $0x130000  }
0x255: {  	v13 =	vand.u32 @!p1 $0xFF, v13;
	vm2 =	vlt.u32 @!p1 v6, $0x13;
	v17 =	vand.u32 @!p1 $0xFF, v17  }
0x256: {  	v10 =	vadd.s32 @!p1 v11, v12;
	v12 =	vimm.f32 @!p1 $1.000000000e+00;
	v14 =	vadd.s32 @!p1 v11, v14;
	s29 =	spop (v2sf)  }
0x257: {  	v13 =	vadd.s32 @!p1 v11, v13;
	v15 =	vadd.s32 @!p1 v11, v15;
	v6 =	vadd.s32 @!p1 v11, v6;
	p0 =	slt.s32 s29, $0x1  }
0x258: {  	v16 =	vadd.s32 @!p1 v11, v16;
	v17 =	vadd.s32 @!p1 v11, v17;
	v19 =	vlaneseq.u32 @!p0  }
0x259: {  	v20 =	vshrl.u32 @!p0 v8, $0x8;
	v21 =	vand.u32 @!p0 $0xFF00, v8;
	v22 =	vand.u32 @!p0 $0xFF0000, v8  }
0x25a: {  	vm11 =	vlt.u32 @!p0 v8, $0x13000000;
	v23 =	vshrl.u32 @!p0 v9, $0x8;
	v24 =	vand.u32 @!p0 $0xFF00, v9  }
0x25b: {  	v18 =	vmul.u32 @!p0 $0x80, v19;
	v19 =	vshrl.u32 @!p1 v7, $0x18;
	v7 =	vand.u32 @!p0 $0xFF, v8  }
0x25c: {  	vm7 =	vlt.u32 @!p0 v21, $0x1300;
	v20 =	vand.u32 @!p0 $0xFF, v20;
	v21 =	vshrl.u32 @!p0 v8, $0x10  }
0x25d: {  	vm13 =	vlt.u32 @!p0 v22, $0x130000;
	v22 =	vshrl.u32 @!p0 v8, $0x18;
	vm12 =	vlt.u32 @!p0 v24, $0x1300  }
0x25e: {  	s21 =	simm.s32 @!p1 $0x1000;
	v23 =	vand.u32 @!p0 $0xFF, v23;
	v24 =	vand.u32 @!p0 $0xFF0000, v9;
	v11 =	vadd.s32 @!p1 v11, v19  }
0x25f: {  	[tilespmem:v10+s21+$0x0] =	vst.idx.add.f32.msk @!p1 vm0, v12;
	vm6 =	vlt.u32 @!p0 v7, $0x13;
	v19 =	vimm.f32 @!p0 $1.000000000e+00;
	v21 =	vand.u32 @!p0 $0xFF, v21  }
0x260: {  	[tilespmem:v14+s21+$0x0] =	vst.idx.add.f32.msk @!p1 vm1, v12;
	vm0 =	vlt.u32 @!p0 v24, $0x130000;
	v7 =	vadd.s32 @!p0 v18, v7;
	v20 =	vadd.s32 @!p0 v18, v20  }
0x261: {  	[tilespmem:v13+s21+$0x0] =	vst.idx.add.f32.msk @!p1 vm4, v12;
	v21 =	vadd.s32 @!p0 v18, v21;
	v8 =	vadd.s32 @!p0 v18, v22;
	v22 =	vand.u32 @!p0 $0xFF, v9  }
0x262: {  	s30 =	spop (v2sf);
	v10 =	vadd.s32 @!p0 v18, v23;
	v23 =	vshrl.u32 @!p0 v9, $0x10;
	[tilespmem:v15+s21+$0x0] =	vst.idx.add.f32.msk @!p1 vm3, v12;
	vm3 =	vlt.u32 @!p0 v9, $0x13000000  }
0x263: {  	vm8 =	vlt.u32 @!p0 v22, $0x13;
	v22 =	vadd.s32 @!p0 v18, v22;
	p2 =	slt.s32 s30, $0x1;
	v14 =	vand.u32 @!p0 $0xFF, v23  }
0x264: {  	[tilespmem:v6+s21+$0x0] =	vst.idx.add.f32.msk @!p1 vm2, v12;
	v23 =	vlaneseq.u32 @!p2;
	v13 =	vadd.s32 @!p0 v18, v14;
	v14 =	vshrl.u32 @!p0 v9, $0x18  }
0x265: {  	[tilespmem:v16+s21+$0x0] =	vst.idx.add.f32.msk @!p1 vm5, v12;
	v15 =	vimm.f32 @!p2 $1.000000000e+00;
	v16 =	vshrl.u32 @!p2 v5, $0x8;
	v23 =	vmul.u32 @!p2 $0x80, v23  }
0x266: {  	v9 =	vadd.s32 @!p0 v18, v14;
	v14 =	vand.u32 @!p2 $0xFF, v5;
	[tilespmem:v17+s21+$0x0] =	vst.idx.add.f32.msk @!p1 vm9, v12;
	v17 =	vand.u32 @!p2 $0xFF0000, v5  }
0x267: {  	s20 =	simm.s32 @!p0 $0x1000;
	vm9 =	vlt.u32 @!p2 v4, $0x13000000;
	vm1 =	vlt.u32 @!p2 v14, $0x13;
	[tilespmem:v11+s21+$0x0] =	vst.idx.add.f32.msk @!p1 vm10, v12;
	vm4 =	vlt.u32 @!p2 v17, $0x130000  }
0x268: {  	v6 =	vadd.s32 @!p2 v23, v14;
	v14 =	vand.u32 @!p2 $0xFF00, v5;
	[tilespmem:v7+s20+$0x0] =	vst.idx.add.f32.msk @!p0 vm6, v19;
	vm6 =	vlt.u32 @!p2 v5, $0x13000000  }
0x269: {  	vm2 =	vlt.u32 @!p2 v14, $0x1300;
	v14 =	vand.u32 @!p2 $0xFF, v16;
	v16 =	vshrl.u32 @!p2 v5, $0x10  }
0x26a: {  	[tilespmem:v20+s20+$0x0] =	vst.idx.add.f32.msk @!p0 vm7, v19;
	v11 =	vadd.s32 @!p2 v23, v14;
	v12 =	vand.u32 @!p2 $0xFF, v16;
	v14 =	vand.u32 @!p2 $0xFF, v4  }
0x26b: {  	[tilespmem:v21+s20+$0x0] =	vst.idx.add.f32.msk @!p0 vm13, v19;
	v7 =	vadd.s32 @!p2 v23, v12;
	v12 =	vshrl.u32 @!p2 v5, $0x18;
	vm5 =	vlt.u32 @!p2 v14, $0x13  }
0x26c: {  	[tilespmem:v8+s20+$0x0] =	vst.idx.add.f32.msk @!p0 vm11, v19;
	v5 =	vadd.s32 @!p2 v23, v12;
	v12 =	vadd.s32 @!p2 v23, v14;
	v14 =	vshrl.u32 @!p2 v4, $0x8  }
0x26d: {  	s31 =	spop (v2sf);
	v16 =	vand.u32 @!p2 $0xFF00, v4;
	[tilespmem:v22+s20+$0x0] =	vst.idx.add.f32.msk @!p0 vm8, v19;
	v8 =	vand.u32 @!p2 $0xFF, v14;
	v14 =	vand.u32 @!p2 $0xFF0000, v4  }
0x26e: {  	p1 =	slt.s32 s31, $0x1;
	vm7 =	vlt.u32 @!p2 v16, $0x1300;
	[tilespmem:v10+s20+$0x0] =	vst.idx.add.f32.msk @!p0 vm12, v19;
	v8 =	vadd.s32 @!p2 v23, v8;
	vm8 =	vlt.u32 @!p2 v14, $0x130000  }
0x26f: {  	v14 =	vshrl.u32 @!p2 v4, $0x10;
	v4 =	vshrl.u32 @!p2 v4, $0x18;
	[tilespmem:v13+s20+$0x0] =	vst.idx.add.f32.msk @!p0 vm0, v19;
	v13 =	vand.u32 @!p1 $0xFF, v3  }
0x270: {  	v10 =	vand.u32 @!p2 $0xFF, v14;
	v4 =	vadd.s32 @!p2 v23, v4;
	vm0 =	vlt.u32 @!p1 v13, $0x13  }
0x271: {  	[tilespmem:v9+s20+$0x0] =	vst.idx.add.f32.msk @!p0 vm3, v19;
	s20 =	simm.s32 @!p2 $0x1000;
	v9 =	vlaneseq.u32 @!p1;
	v14 =	vand.u32 @!p1 $0xFF00, v3;
	vm3 =	vlt.u32 @!p1 v3, $0x13000000  }
0x272: {  	v10 =	vadd.s32 @!p2 v23, v10;
	[tilespmem:v6+s20+$0x0] =	vst.idx.add.f32.msk @!p2 vm1, v15;
	v6 =	vmul.u32 @!p1 $0x80, v9;
	v9 =	vand.u32 @!p1 $0xFF0000, v3  }
0x273: {  	vm1 =	vlt.u32 @!p1 v14, $0x1300;
	[tilespmem:v11+s20+$0x0] =	vst.idx.add.f32.msk @!p2 vm2, v15;
	v11 =	vshrl.u32 @!p1 v3, $0x8;
	vm2 =	vlt.u32 @!p1 v9, $0x130000  }
0x274: {  	v9 =	vshrl.u32 @!p1 v3, $0x10;
	[tilespmem:v7+s20+$0x0] =	vst.idx.add.f32.msk @!p2 vm4, v15;
	v7 =	vadd.s32 @!p1 v6, v13;
	v11 =	vand.u32 @!p1 $0xFF, v11  }
0x275: {  	v9 =	vand.u32 @!p1 $0xFF, v9;
	[tilespmem:v5+s20+$0x0] =	vst.idx.add.f32.msk @!p2 vm6, v15;
	v5 =	vimm.f32 @!p1 $1.000000000e+00;
	v11 =	vadd.s32 @!p1 v6, v11  }
0x276: {  	v9 =	vadd.s32 @!p1 v6, v9;
	[tilespmem:v12+s20+$0x0] =	vst.idx.add.f32.msk @!p2 vm5, v15;
	v12 =	vshrl.u32 @!p1 v3, $0x18;
	v3 =	vand.u32 @!p1 $0xFF, v2  }
0x277: {  	[tilespmem:v8+s20+$0x0] =	vst.idx.add.f32.msk @!p2 vm7, v15;
	v8 =	vadd.s32 @!p1 v6, v12;
	vm4 =	vlt.u32 @!p1 v3, $0x13;
	v12 =	vand.u32 @!p1 $0xFF00, v2  }
0x278: {  	v3 =	vadd.s32 @!p1 v6, v3;
	[tilespmem:v10+s20+$0x0] =	vst.idx.add.f32.msk @!p2 vm8, v15;
	v10 =	vshrl.u32 @!p1 v2, $0x8;
	vm5 =	vlt.u32 @!p1 v12, $0x1300  }
0x279: {  	v12 =	vand.u32 @!p1 $0xFF0000, v2;
	[tilespmem:v4+s20+$0x0] =	vst.idx.add.f32.msk @!p2 vm9, v15;
	s20 =	simm.s32 @!p1 $0x1000;
	v4 =	vand.u32 @!p1 $0xFF, v10;
	v10 =	vshrl.u32 @!p1 v2, $0x10  }
0x27a: {  	[tilespmem:v7+s20+$0x0] =	vst.idx.add.f32.msk @!p1 vm0, v5;
	v4 =	vadd.s32 @!p1 v6, v4;
	vm0 =	vlt.u32 @!p1 v12, $0x130000;
	v7 =	vand.u32 @!p1 $0xFF, v10  }
0x27b: {  	s19 =	sadd.s32 $0x200, s19;
	v10 =	vshrl.u32 @!p1 v2, $0x18;
	[tilespmem:v11+s20+$0x0] =	vst.idx.add.f32.msk @!p1 vm1, v5;
	v7 =	vadd.s32 @!p1 v6, v7;
	vm1 =	vlt.u32 @!p1 v2, $0x13000000  }
0x27c: {  	p0 =	sne.s32 s19, $0x2000;
	v2 =	vadd.s32 @!p1 v6, v10;
	[tilespmem:v9+s20+$0x0] =	vst.idx.add.f32.msk @!p1 vm2, v5  }
.Ltmp6:
0x27d: {  	[tilespmem:v8+s20+$0x0] =	vst.idx.add.f32.msk @!p1 vm3, v5;
	(pc) =	sbr.rel @p0 .LBB2_14-.Ltmp6, $4  }
0x27e: {  	[tilespmem:v3+s20+$0x0] =	vst.idx.add.f32.msk @!p1 vm4, v5  }
0x27f: {  	[tilespmem:v4+s20+$0x0] =	vst.idx.add.f32.msk @!p1 vm5, v5  }
0x280: {  	[tilespmem:v7+s20+$0x0] =	vst.idx.add.f32.msk @!p1 vm0, v5  }
0x281: {  	[tilespmem:v2+s20+$0x0] =	vst.idx.add.f32.msk @!p1 vm1, v5  }
0x282: {  	_ =	swait.ge [sflag:s15], $0x800  }
0x283: {  	[sflag:s15] =	ssyncset.done $0x0  }
0x284: {  	s19 =	simm.s32 $0x0;
	[sflag:s15] =	ssyncadd.s32 $0xFFFFF800  }
.LBB2_16:
0x285: {  	s20 =	sshra.s32 s19, $0x2  }
0x286: {  	v6 =	vld [tilespmem:s20+$0x800]  }
0x287: {  	v7 =	vld [tilespmem:s20+$0x810];
	_ =	sdelay $0x4  }
0x288: {  	v2 =	vsub.s32 $0x13131312, v6;
	v3 =	vsub.s32 $0x13131312, v7  }
0x289: {  	v2 =	vor.u32 v6, v2;
	v3 =	vor.u32 v7, v3  }
0x28a: {  	v2 =	vand.u32 v3, v2  }
0x28b: {  	v8 =	vld [tilespmem:s20+$0x820];
	v2 =	vand.u32 $0x80808080, v2  }
0x28c: {  	v9 =	vld [tilespmem:s20+$0x830];
	vm0 =	vne.s32 v2, $0x80808080  }
0x28d: {  	v2 =	vsel vm0, $0x1, v1  }
0x28e: {  	(xrf0) =	vadd.scan.msk.s32 $0xffff, v2;
	_ =	sdelay $0x2  }
0x28f: {  	v5 =	vld [tilespmem:s20+$0x840];
	v3 =	vsub.s32 $0x13131312, v9;
	v2 =	vsub.s32 $0x13131312, v8  }
0x290: {  	v4 =	vld [tilespmem:s20+$0x850];
	v3 =	vor.u32 v9, v3;
	v2 =	vor.u32 v8, v2  }
0x291: {  	v2 =	vand.u32 v3, v2;
	v3 =	vld [tilespmem:s20+$0x860]  }
0x292: {  	v55 =	vand.u32 $0x80808080, v2;
	v2 =	vld [tilespmem:s20+$0x870];
	v10, _, _ =	vpop (xrf0)  }
0x293: {  	(v2sf) =	vpush v10, $0xF;
	_ =	sdelay $0x1  }
0x294: {  	v11 =	vsub.s32 $0x13131312, v4;
	vm13 =	vne.s32 v55, $0x80808080  }
0x295: {  	v56 =	vsub.s32 $0x13131312, v5;
	v11 =	vor.u32 v4, v11;
	v10 =	vsel vm13, $0x1, v1  }
0x296: {  	v12 =	vsub.s32 $0x13131312, v3;
	(xrf0) =	vadd.scan.msk.s32 $0xffff, v10;
	v10 =	vor.u32 v5, v56;
	v13 =	vsub.s32 $0x13131312, v2  }
0x297: {  	v57 =	vor.u32 v3, v12;
	v10 =	vand.u32 v11, v10;
	v58 =	vor.u32 v2, v13  }
0x298: {  	v10 =	vand.u32 $0x80808080, v10;
	v11 =	vand.u32 v58, v57  }
0x299: {  	vm14 =	vne.s32 v10, $0x80808080;
	v59 =	vand.u32 $0x80808080, v11  }
0x29a: {  	v61 =	vsel vm14, $0x1, v1;
	vm15 =	vne.s32 v59, $0x80808080  }
0x29b: {  	(xrf0) =	vadd.scan.msk.s32 $0xffff, v61;
	v10 =	vsel vm15, $0x1, v1  }
0x29c: {  	v60, _, _ =	vpop (xrf0);
	(xrf0) =	vadd.scan.msk.s32 $0xffff, v10  }
0x29d: {  	(v2sf) =	vpush v60, $0xF;
	_ =	sdelay $0x3  }
0x29e: {  	v62, _, _ =	vpop (xrf0);
	s28 =	spop (v2sf)  }
0x29f: {  	(v2sf) =	vpush v62, $0xF;
	v63, _, _ =	vpop (xrf0);
	p1 =	slt.s32 s28, $0x1  }
0x2a0: {  	(v2sf) =	vpush v63, $0xF;
	v11 =	vlaneseq.u32 @!p1  }
0x2a1: {  	v12 =	vand.u32 @!p1 $0xFF, v6;
	v13 =	vand.u32 @!p1 $0xFF00, v6;
	v14 =	vshrl.u32 @!p1 v6, $0x8  }
0x2a2: {  	v15 =	vand.u32 @!p1 $0xFF0000, v6;
	vm3 =	vlt.u32 @!p1 v6, $0x13000000;
	v16 =	vshrl.u32 @!p1 v7, $0x8  }
0x2a3: {  	v17 =	vand.u32 @!p1 $0xFF00, v7;
	v18 =	vand.u32 @!p1 $0xFF0000, v7;
	vm10 =	vlt.u32 @!p1 v7, $0x13000000  }
0x2a4: {  	v11 =	vmul.u32 @!p1 $0x80, v11;
	vm0 =	vlt.u32 @!p1 v12, $0x13;
	vm1 =	vlt.u32 @!p1 v13, $0x1300  }
0x2a5: {  	v13 =	vshrl.u32 @!p1 v6, $0x10;
	v14 =	vand.u32 @!p1 $0xFF, v14;
	vm4 =	vlt.u32 @!p1 v15, $0x130000  }
0x2a6: {  	v15 =	vshrl.u32 @!p1 v6, $0x18;
	v6 =	vand.u32 @!p1 $0xFF, v7;
	v16 =	vand.u32 @!p1 $0xFF, v16  }
0x2a7: {  	vm5 =	vlt.u32 @!p1 v17, $0x1300;
	v17 =	vshrl.u32 @!p1 v7, $0x10;
	vm9 =	vlt.u32 @!p1 v18, $0x130000  }
0x2a8: {  	v13 =	vand.u32 @!p1 $0xFF, v13;
	vm2 =	vlt.u32 @!p1 v6, $0x13;
	v17 =	vand.u32 @!p1 $0xFF, v17  }
0x2a9: {  	v10 =	vadd.s32 @!p1 v11, v12;
	v12 =	vimm.f32 @!p1 $1.000000000e+00;
	v14 =	vadd.s32 @!p1 v11, v14;
	s29 =	spop (v2sf)  }
0x2aa: {  	v13 =	vadd.s32 @!p1 v11, v13;
	v15 =	vadd.s32 @!p1 v11, v15;
	v6 =	vadd.s32 @!p1 v11, v6;
	p0 =	slt.s32 s29, $0x1  }
0x2ab: {  	v16 =	vadd.s32 @!p1 v11, v16;
	v17 =	vadd.s32 @!p1 v11, v17;
	v19 =	vlaneseq.u32 @!p0  }
0x2ac: {  	v20 =	vshrl.u32 @!p0 v8, $0x8;
	v21 =	vand.u32 @!p0 $0xFF00, v8;
	v22 =	vand.u32 @!p0 $0xFF0000, v8  }
0x2ad: {  	vm11 =	vlt.u32 @!p0 v8, $0x13000000;
	v23 =	vshrl.u32 @!p0 v9, $0x8;
	v24 =	vand.u32 @!p0 $0xFF00, v9  }
0x2ae: {  	v18 =	vmul.u32 @!p0 $0x80, v19;
	v19 =	vshrl.u32 @!p1 v7, $0x18;
	v7 =	vand.u32 @!p0 $0xFF, v8  }
0x2af: {  	vm7 =	vlt.u32 @!p0 v21, $0x1300;
	v20 =	vand.u32 @!p0 $0xFF, v20;
	v21 =	vshrl.u32 @!p0 v8, $0x10  }
0x2b0: {  	vm13 =	vlt.u32 @!p0 v22, $0x130000;
	v22 =	vshrl.u32 @!p0 v8, $0x18;
	vm12 =	vlt.u32 @!p0 v24, $0x1300  }
0x2b1: {  	s21 =	simm.s32 @!p1 $0x1000;
	v23 =	vand.u32 @!p0 $0xFF, v23;
	v24 =	vand.u32 @!p0 $0xFF0000, v9;
	v11 =	vadd.s32 @!p1 v11, v19  }
0x2b2: {  	[tilespmem:v10+s21+$0x0] =	vst.idx.add.f32.msk @!p1 vm0, v12;
	vm6 =	vlt.u32 @!p0 v7, $0x13;
	v19 =	vimm.f32 @!p0 $1.000000000e+00;
	v21 =	vand.u32 @!p0 $0xFF, v21  }
0x2b3: {  	[tilespmem:v14+s21+$0x0] =	vst.idx.add.f32.msk @!p1 vm1, v12;
	vm0 =	vlt.u32 @!p0 v24, $0x130000;
	v7 =	vadd.s32 @!p0 v18, v7;
	v20 =	vadd.s32 @!p0 v18, v20  }
0x2b4: {  	[tilespmem:v13+s21+$0x0] =	vst.idx.add.f32.msk @!p1 vm4, v12;
	v21 =	vadd.s32 @!p0 v18, v21;
	v8 =	vadd.s32 @!p0 v18, v22;
	v22 =	vand.u32 @!p0 $0xFF, v9  }
0x2b5: {  	s30 =	spop (v2sf);
	v10 =	vadd.s32 @!p0 v18, v23;
	v23 =	vshrl.u32 @!p0 v9, $0x10;
	[tilespmem:v15+s21+$0x0] =	vst.idx.add.f32.msk @!p1 vm3, v12;
	vm3 =	vlt.u32 @!p0 v9, $0x13000000  }
0x2b6: {  	vm8 =	vlt.u32 @!p0 v22, $0x13;
	v22 =	vadd.s32 @!p0 v18, v22;
	p2 =	slt.s32 s30, $0x1;
	v14 =	vand.u32 @!p0 $0xFF, v23  }
0x2b7: {  	[tilespmem:v6+s21+$0x0] =	vst.idx.add.f32.msk @!p1 vm2, v12;
	v23 =	vlaneseq.u32 @!p2;
	v13 =	vadd.s32 @!p0 v18, v14;
	v14 =	vshrl.u32 @!p0 v9, $0x18  }
0x2b8: {  	[tilespmem:v16+s21+$0x0] =	vst.idx.add.f32.msk @!p1 vm5, v12;
	v15 =	vimm.f32 @!p2 $1.000000000e+00;
	v16 =	vshrl.u32 @!p2 v5, $0x8;
	v23 =	vmul.u32 @!p2 $0x80, v23  }
0x2b9: {  	v9 =	vadd.s32 @!p0 v18, v14;
	v14 =	vand.u32 @!p2 $0xFF, v5;
	[tilespmem:v17+s21+$0x0] =	vst.idx.add.f32.msk @!p1 vm9, v12;
	v17 =	vand.u32 @!p2 $0xFF0000, v5  }
0x2ba: {  	s20 =	simm.s32 @!p0 $0x1000;
	vm9 =	vlt.u32 @!p2 v4, $0x13000000;
	vm1 =	vlt.u32 @!p2 v14, $0x13;
	[tilespmem:v11+s21+$0x0] =	vst.idx.add.f32.msk @!p1 vm10, v12;
	vm4 =	vlt.u32 @!p2 v17, $0x130000  }
0x2bb: {  	v6 =	vadd.s32 @!p2 v23, v14;
	v14 =	vand.u32 @!p2 $0xFF00, v5;
	[tilespmem:v7+s20+$0x0] =	vst.idx.add.f32.msk @!p0 vm6, v19;
	vm6 =	vlt.u32 @!p2 v5, $0x13000000  }
0x2bc: {  	vm2 =	vlt.u32 @!p2 v14, $0x1300;
	v14 =	vand.u32 @!p2 $0xFF, v16;
	v16 =	vshrl.u32 @!p2 v5, $0x10  }
0x2bd: {  	[tilespmem:v20+s20+$0x0] =	vst.idx.add.f32.msk @!p0 vm7, v19;
	v11 =	vadd.s32 @!p2 v23, v14;
	v12 =	vand.u32 @!p2 $0xFF, v16;
	v14 =	vand.u32 @!p2 $0xFF, v4  }
0x2be: {  	[tilespmem:v21+s20+$0x0] =	vst.idx.add.f32.msk @!p0 vm13, v19;
	v7 =	vadd.s32 @!p2 v23, v12;
	v12 =	vshrl.u32 @!p2 v5, $0x18;
	vm5 =	vlt.u32 @!p2 v14, $0x13  }
0x2bf: {  	[tilespmem:v8+s20+$0x0] =	vst.idx.add.f32.msk @!p0 vm11, v19;
	v5 =	vadd.s32 @!p2 v23, v12;
	v12 =	vadd.s32 @!p2 v23, v14;
	v14 =	vshrl.u32 @!p2 v4, $0x8  }
0x2c0: {  	s31 =	spop (v2sf);
	v16 =	vand.u32 @!p2 $0xFF00, v4;
	[tilespmem:v22+s20+$0x0] =	vst.idx.add.f32.msk @!p0 vm8, v19;
	v8 =	vand.u32 @!p2 $0xFF, v14;
	v14 =	vand.u32 @!p2 $0xFF0000, v4  }
0x2c1: {  	p1 =	slt.s32 s31, $0x1;
	vm7 =	vlt.u32 @!p2 v16, $0x1300;
	[tilespmem:v10+s20+$0x0] =	vst.idx.add.f32.msk @!p0 vm12, v19;
	v8 =	vadd.s32 @!p2 v23, v8;
	vm8 =	vlt.u32 @!p2 v14, $0x130000  }
0x2c2: {  	v14 =	vshrl.u32 @!p2 v4, $0x10;
	v4 =	vshrl.u32 @!p2 v4, $0x18;
	[tilespmem:v13+s20+$0x0] =	vst.idx.add.f32.msk @!p0 vm0, v19;
	v13 =	vand.u32 @!p1 $0xFF, v3  }
0x2c3: {  	v10 =	vand.u32 @!p2 $0xFF, v14;
	v4 =	vadd.s32 @!p2 v23, v4;
	vm0 =	vlt.u32 @!p1 v13, $0x13  }
0x2c4: {  	[tilespmem:v9+s20+$0x0] =	vst.idx.add.f32.msk @!p0 vm3, v19;
	s20 =	simm.s32 @!p2 $0x1000;
	v9 =	vlaneseq.u32 @!p1;
	v14 =	vand.u32 @!p1 $0xFF00, v3;
	vm3 =	vlt.u32 @!p1 v3, $0x13000000  }
0x2c5: {  	v10 =	vadd.s32 @!p2 v23, v10;
	[tilespmem:v6+s20+$0x0] =	vst.idx.add.f32.msk @!p2 vm1, v15;
	v6 =	vmul.u32 @!p1 $0x80, v9;
	v9 =	vand.u32 @!p1 $0xFF0000, v3  }
0x2c6: {  	vm1 =	vlt.u32 @!p1 v14, $0x1300;
	[tilespmem:v11+s20+$0x0] =	vst.idx.add.f32.msk @!p2 vm2, v15;
	v11 =	vshrl.u32 @!p1 v3, $0x8;
	vm2 =	vlt.u32 @!p1 v9, $0x130000  }
0x2c7: {  	v9 =	vshrl.u32 @!p1 v3, $0x10;
	[tilespmem:v7+s20+$0x0] =	vst.idx.add.f32.msk @!p2 vm4, v15;
	v7 =	vadd.s32 @!p1 v6, v13;
	v11 =	vand.u32 @!p1 $0xFF, v11  }
0x2c8: {  	v9 =	vand.u32 @!p1 $0xFF, v9;
	[tilespmem:v5+s20+$0x0] =	vst.idx.add.f32.msk @!p2 vm6, v15;
	v5 =	vimm.f32 @!p1 $1.000000000e+00;
	v11 =	vadd.s32 @!p1 v6, v11  }
0x2c9: {  	v9 =	vadd.s32 @!p1 v6, v9;
	[tilespmem:v12+s20+$0x0] =	vst.idx.add.f32.msk @!p2 vm5, v15;
	v12 =	vshrl.u32 @!p1 v3, $0x18;
	v3 =	vand.u32 @!p1 $0xFF, v2  }
0x2ca: {  	[tilespmem:v8+s20+$0x0] =	vst.idx.add.f32.msk @!p2 vm7, v15;
	v8 =	vadd.s32 @!p1 v6, v12;
	vm4 =	vlt.u32 @!p1 v3, $0x13;
	v12 =	vand.u32 @!p1 $0xFF00, v2  }
0x2cb: {  	v3 =	vadd.s32 @!p1 v6, v3;
	[tilespmem:v10+s20+$0x0] =	vst.idx.add.f32.msk @!p2 vm8, v15;
	v10 =	vshrl.u32 @!p1 v2, $0x8;
	vm5 =	vlt.u32 @!p1 v12, $0x1300  }
0x2cc: {  	v12 =	vand.u32 @!p1 $0xFF0000, v2;
	[tilespmem:v4+s20+$0x0] =	vst.idx.add.f32.msk @!p2 vm9, v15;
	s20 =	simm.s32 @!p1 $0x1000;
	v4 =	vand.u32 @!p1 $0xFF, v10;
	v10 =	vshrl.u32 @!p1 v2, $0x10  }
0x2cd: {  	[tilespmem:v7+s20+$0x0] =	vst.idx.add.f32.msk @!p1 vm0, v5;
	v4 =	vadd.s32 @!p1 v6, v4;
	vm0 =	vlt.u32 @!p1 v12, $0x130000;
	v7 =	vand.u32 @!p1 $0xFF, v10  }
0x2ce: {  	s19 =	sadd.s32 $0x200, s19;
	v10 =	vshrl.u32 @!p1 v2, $0x18;
	[tilespmem:v11+s20+$0x0] =	vst.idx.add.f32.msk @!p1 vm1, v5;
	v7 =	vadd.s32 @!p1 v6, v7;
	vm1 =	vlt.u32 @!p1 v2, $0x13000000  }
0x2cf: {  	p0 =	sne.s32 s19, $0x2000;
	v2 =	vadd.s32 @!p1 v6, v10;
	[tilespmem:v9+s20+$0x0] =	vst.idx.add.f32.msk @!p1 vm2, v5  }
.Ltmp7:
0x2d0: {  	[tilespmem:v8+s20+$0x0] =	vst.idx.add.f32.msk @!p1 vm3, v5;
	(pc) =	sbr.rel @p0 .LBB2_16-.Ltmp7, $4  }
0x2d1: {  	[tilespmem:v3+s20+$0x0] =	vst.idx.add.f32.msk @!p1 vm4, v5  }
0x2d2: {  	[tilespmem:v4+s20+$0x0] =	vst.idx.add.f32.msk @!p1 vm5, v5  }
0x2d3: {  	[tilespmem:v7+s20+$0x0] =	vst.idx.add.f32.msk @!p1 vm0, v5  }
0x2d4: {  	[tilespmem:v2+s20+$0x0] =	vst.idx.add.f32.msk @!p1 vm1, v5  }
0x2d5: {  	v2 =	vld [tilespmem:$0x1000]  }
0x2d6: {  	v3 =	vld [tilespmem:$0x1010]  }
0x2d7: {  	v4 =	vld [tilespmem:$0x1080]  }
0x2d8: {  	v5 =	vld [tilespmem:$0x1090]  }
0x2d9: {  	v6 =	vld [tilespmem:$0x1100]  }
0x2da: {  	v7 =	vld [tilespmem:$0x1110]  }
0x2db: {  	v8 =	vld [tilespmem:$0x1180]  }
0x2dc: {  	v39 =	vld [tilespmem:$0x1190];
	v2 =	vadd.f32 v4, v2  }
0x2dd: {  	v40 =	vld [tilespmem:$0x1200];
	v3 =	vadd.f32 v5, v3  }
0x2de: {  	v41 =	vld [tilespmem:$0x1210];
	v2 =	vadd.f32 v6, v2  }
0x2df: {  	v42 =	vld [tilespmem:$0x1280];
	v3 =	vadd.f32 v7, v3  }
0x2e0: {  	v43 =	vld [tilespmem:$0x1290];
	v2 =	vadd.f32 v8, v2  }
0x2e1: {  	v44 =	vld [tilespmem:$0x1300];
	v3 =	vadd.f32 v39, v3  }
0x2e2: {  	v45 =	vld [tilespmem:$0x1310];
	v2 =	vadd.f32 v40, v2  }
0x2e3: {  	v46 =	vld [tilespmem:$0x1380];
	v3 =	vadd.f32 v41, v3  }
0x2e4: {  	v47 =	vld [tilespmem:$0x1390];
	v2 =	vadd.f32 v42, v2  }
0x2e5: {  	v48 =	vld [tilespmem:$0x1400];
	v3 =	vadd.f32 v43, v3  }
0x2e6: {  	v49 =	vld [tilespmem:$0x1410];
	v2 =	vadd.f32 v44, v2  }
0x2e7: {  	v50 =	vld [tilespmem:$0x1480];
	v3 =	vadd.f32 v45, v3  }
0x2e8: {  	v51 =	vld [tilespmem:$0x1490];
	v2 =	vadd.f32 v46, v2  }
0x2e9: {  	v52 =	vld [tilespmem:$0x1500];
	v3 =	vadd.f32 v47, v3  }
0x2ea: {  	v53 =	vld [tilespmem:$0x1510];
	v2 =	vadd.f32 v48, v2  }
0x2eb: {  	v54 =	vld [tilespmem:$0x1580];
	v3 =	vadd.f32 v49, v3  }
0x2ec: {  	v55 =	vld [tilespmem:$0x1590];
	v2 =	vadd.f32 v50, v2  }
0x2ed: {  	v56 =	vld [tilespmem:$0x1600];
	v3 =	vadd.f32 v51, v3  }
0x2ee: {  	v57 =	vld [tilespmem:$0x1610];
	v2 =	vadd.f32 v52, v2  }
0x2ef: {  	v58 =	vld [tilespmem:$0x1680];
	v3 =	vadd.f32 v53, v3  }
0x2f0: {  	v59 =	vld [tilespmem:$0x1690];
	v2 =	vadd.f32 v54, v2  }
0x2f1: {  	v60 =	vld [tilespmem:$0x1700];
	v3 =	vadd.f32 v55, v3  }
0x2f2: {  	v61 =	vld [tilespmem:$0x1710];
	v2 =	vadd.f32 v56, v2  }
0x2f3: {  	v62 =	vld [tilespmem:$0x1780];
	v3 =	vadd.f32 v57, v3  }
0x2f4: {  	v63 =	vld [tilespmem:$0x1790];
	v2 =	vadd.f32 v58, v2  }
0x2f5: {  	v3 =	vadd.f32 v59, v3  }
0x2f6: {  	v2 =	vadd.f32 v60, v2  }
0x2f7: {  	v3 =	vadd.f32 v61, v3  }
0x2f8: {  	v2 =	vadd.f32 v62, v2  }
0x2f9: {  	s18 =	sadd.s32 $0x1, s18;
	v3 =	vadd.f32 v63, v3  }
0x2fa: {  	p0 =	sne.s32 s18, s12;
	[tilespmem:$0x1800] =	vst v2  }
.Ltmp8:
0x2fb: {  	[tilespmem:$0x1810] =	vst v3;
	(pc) =	sbr.rel @p0 .LBB2_1-.Ltmp8, $4  }
0x2fc: {  	[hbm4b:s11+s2] =	stream.linear.scatter [tilespmem:s16], [sflag:$0x3], $0x80, $0x38;
	[tilespmem:$0x1880] =	vst v63  }
0x2fd: {  	_ =	swait.ge [sflag:s17], $0x80  }
0x2fe: {  	[sflag:s17] =	ssyncset.done $0x0  }
0x2ff: {  	[sflag:s17] =	ssyncadd.s32 $0xFFFFFF80  }
0x300: {  	_ =	sfence.sel $0x180000  }
0x301: {  	[bflag:$0x0] =	sbarrier.arrive $0xFFFF  }
0x302: {  	p0 =	sne.s32 s1, $0x0;
	_ =	strace $0x90000047  }
0x303: {  	s0 =	sadd.s32 @!p0 $0x100000, s0;
	[bflag:$0x2] =	sbarrier.arrive $0xFFFF  }
0x304: {  	[sflag:s0] =	ssyncadd.tile.s32 @!p0 $0x1;
	_ =	shalt  }
.Lfunc_end2:
_tile_overlayer_lowered:
.L_overlay_start_2:
0x305: {  	(tag) =	ssettag $0x2  }
0x306: {  	s0 =	rddreg [dreg:$0x0];
	s2 =	stileid.u32  }
0x307: {  	s1 =	rddreg [dreg:$0x1];
	p0 =	sne.s32 s2, $0x0  }
0x308: {  	s3 =	rddreg [dreg:$0x2];
	[bflag:$0x3] =	sbarrier.arrive $0xFFFF;
	s2 =	simm.s32 @!p0 $0x1C03  }
0x309: {  	[timem:s3], [sflag:s2] =	dma.local @!p0 [hbm:s0], s1  }
0x30a: {  	s0 =	simm.s32 @!p0 $0x3  }
0x30b: {  	_ =	swait.ge @!p0 [sflag:s0], s1  }
0x30c: {  	s1 =	ssub.s32 @!p0 $0x0, s1;
	[sflag:s0] =	ssyncset.done @!p0 $0x0  }
0x30d: {  	[sflag:s0] =	ssyncadd.s32 @!p0 s1  }
0x30e: {  	[bflag:$0x3] =	sbarrier.arrive $0xFFFF  }
0x30f: {  	_ =	shalt  }

</sc_bundles>
